<compile_context>
chip_gen: v7x
topology: tpu7x:2x2x1
jax: 0.10.2.dev20260603
libtpu: 0.0.44.dev20260713+nightly
codegen_flags: <defaults>
</compile_context>

<pallas_src>
import jax
import jax.numpy as jnp
from jax.experimental import pallas as pl
from jax.experimental.pallas import tpu as pltpu
from jax.experimental.pallas import tpu_sc as plsc

_N = 32
_K = 12
_W = 2 ** _K
_B = 512
_NW = 32
_RPW = 1
_B_SC = _NW * _RPW
_B_TC = _B - _B_SC


def _splat_lane(v, lane):
    idx = jnp.full((16, 1), lane, dtype=jnp.int32)
    return jax.lax.gather(
        v, idx,
        jax.lax.GatherDimensionNumbers(
            offset_dims=(), collapsed_slice_dims=(0,), start_index_map=(0,)),
        (1,), mode=jax.lax.GatherScatterMode.PROMISE_IN_BOUNDS)


def _sc_body(x_hbm, g_hbm, out_hbm, x_v, g_v, sgn_v, idx_v, f_v, ob_v):
    wid = jax.lax.axis_index("s") * 2 + jax.lax.axis_index("c")
    base = wid * (_RPW * _N)

    pltpu.sync_copy(x_hbm.at[pl.ds(base, _RPW * _N)], x_v)
    pltpu.sync_copy(g_hbm, g_v)

    lanes = jax.lax.iota(jnp.int32, 16)
    for h in range(2):
        m = jnp.zeros((16,), jnp.int32)
        for j in range(_K):
            m = m + (g_v[pl.ds(j * _N + h * 16, 16)] << j)
        for k in range(16):
            n = h * 16 + k
            msk = _splat_lane(m, k)
            v = lanes & msk & 15
            v = v ^ (v >> 2)
            v = v ^ (v >> 1)
            sgn = (1 - 2 * (v & 1)).astype(jnp.float32)
            tgt = ((msk >> 4) << 4) + lanes
            sgn_v[pl.ds(n * 16, 16)] = sgn
            idx_v[pl.ds(n * 16, 16)] = tgt

    def row_body(r, _):
        def zero_body(i, _c):
            for k in range(8):
                f_v[pl.ds((i * 8 + k) * 16, 16)] = jnp.zeros((16,), jnp.float32)
            return _c
        jax.lax.fori_loop(0, _W // 128, zero_body, 0)

        for half in range(2):
            xh = x_v[pl.ds(r * _N + half * 16, 16)]
            for k in range(16):
                n = half * 16 + k
                val = _splat_lane(xh, k) * sgn_v[pl.ds(n * 16, 16)]
                plsc.addupdate_scatter(f_v, [idx_v[pl.ds(n * 16, 16)]], val)

        for s in range(8):
            span = 1 << s

            def fwht_body(t8, _c, s=s, span=span):
                for k in range(8):
                    t = t8 * 8 + k
                    p = (((t >> s) << (s + 1)) | (t & (span - 1))) * 16
                    q = p + span * 16
                    a = f_v[pl.ds(p, 16)]
                    b = f_v[pl.ds(q, 16)]
                    f_v[pl.ds(p, 16)] = a + b
                    f_v[pl.ds(q, 16)] = a - b
                return _c
            jax.lax.fori_loop(0, 16, fwht_body, 0)

        def amax_body(i8, carry):
            bv, bb = carry
            for k in range(8):
                i = i8 * 8 + k
                v = f_v[pl.ds(i * 16, 16)]
                m = v > bv
                bv = jnp.where(m, v, bv)
                bb = jnp.where(m, jnp.full((16,), 1, jnp.int32) * i, bb)
            return bv, bb
        bv0 = jnp.full((16,), -3.0e38, jnp.float32)
        bb0 = jnp.zeros((16,), jnp.int32)
        bv, bb = jax.lax.fori_loop(0, _W // 128, amax_body, (bv0, bb0))

        maxv = jnp.max(bv)
        wcand = bb * 16 + lanes
        wsel = jnp.where(bv == maxv, wcand, jnp.full((16,), _W, jnp.int32))
        winner = jnp.min(wsel)

        ob = ob_v[...]
        ob_v[...] = jnp.where(lanes == r, jnp.full((16,), 1, jnp.int32) * winner, ob)
        return 0

    ob_v[...] = jnp.zeros((16,), jnp.int32)
    jax.lax.fori_loop(0, _RPW, row_body, 0)

    pltpu.sync_copy(ob_v, out_hbm.at[pl.ds(wid * 16, 16)])


def _tc_body(x_ref, g_ref, idx_ref):
    gf = g_ref[...].astype(jnp.float32)
    w_ids = jax.lax.broadcasted_iota(jnp.int32, (_K, _W), 1)
    j_ids = jax.lax.broadcasted_iota(jnp.int32, (_K, _W), 0)
    bits_t = ((w_ids >> j_ids) & 1).astype(jnp.float32)
    c_t = jax.lax.dot_general(
        gf, bits_t, (((0,), (0,)), ((), ())),
        preferred_element_type=jnp.float32)
    c_t = c_t - 2.0 * jnp.floor(c_t * 0.5)
    s_bf = (1.0 - 2.0 * c_t).astype(jnp.bfloat16)
    sc = jnp.concatenate([s_bf, s_bf, s_bf], axis=0)

    x = x_ref[...]
    x1 = x.astype(jnp.bfloat16)
    r1 = x - x1.astype(jnp.float32)
    x2 = r1.astype(jnp.bfloat16)
    x3 = (r1 - x2.astype(jnp.float32)).astype(jnp.bfloat16)
    xc = jnp.concatenate([x1, x2, x3], axis=1)
    scores = jnp.dot(xc, sc, preferred_element_type=jnp.float32)

    idx_ref[...] = jnp.argmax(scores, axis=1).astype(jnp.int32)[:, None]


def kernel(noisy_symbols, G, sigma2):
    x = noisy_symbols.astype(jnp.float32) * (-4.0 / sigma2[0])
    x_sc = x[_B_TC:].reshape(-1)
    gflat = G.astype(jnp.int32).reshape(-1)

    mesh = plsc.VectorSubcoreMesh(core_axis_name="c", subcore_axis_name="s")
    idx_sc_raw = pl.kernel(
        _sc_body,
        mesh=mesh,
        compiler_params=pltpu.CompilerParams(needs_layout_passes=False),
        out_type=jax.ShapeDtypeStruct((_NW * 16,), jnp.int32),
        scratch_types=[
            pltpu.VMEM((_RPW * _N,), jnp.float32),
            pltpu.VMEM((_K * _N,), jnp.int32),
            pltpu.VMEM((_N * 16,), jnp.float32),
            pltpu.VMEM((_N * 16,), jnp.int32),
            pltpu.VMEM((_W,), jnp.float32),
            pltpu.VMEM((16,), jnp.int32),
        ],
    )(x_sc, gflat)

    idx_tc = pl.pallas_call(
        _tc_body,
        out_shape=jax.ShapeDtypeStruct((_B_TC, 1), jnp.int32),
    )(x[:_B_TC], G)

    idx_sc = idx_sc_raw.reshape(_NW, 16)[:, :_RPW].reshape(-1)
    idx = jnp.concatenate([idx_tc[:, 0], idx_sc])

    jbit = jnp.arange(_K, dtype=jnp.int32)[None, :]
    return ((idx[:, None] >> jbit) & 1).astype(jnp.float32)

# --- scband reference (transcript-rebuilt; emitter-appended) ---
"""Pipeline reference for scband-min-distance-decoder-20813411516868 (READ-ONLY COPY).

The authoritative reference and input builder live on the scoring server;
editing this copy changes nothing except your own understanding.
"""

import jax, jax.numpy as jnp
import numpy as np

N = 32
K = 12
NUM_WORDS = 2 ** K


def _build_codebook(Gf):
    coefs = jnp.round(jnp.power(2.0 * jnp.ones(K, dtype=jnp.float32), jnp.linspace(1.0, float(K), K)))
    lin = jnp.floor(jnp.linspace(jnp.zeros(K, dtype=jnp.float32), float(NUM_WORDS) - 1.0, NUM_WORDS, axis=0)) % coefs
    sub = jnp.concatenate([jnp.zeros((NUM_WORDS, 1), dtype=jnp.float32), lin[:, :-1]], axis=-1)
    possible_words = ((lin - sub) / (coefs / 2.0)).astype(jnp.float32)
    possible_codewords = jnp.matmul(possible_words, Gf) % 2.0
    codewords_llrs = -1.0 * (possible_codewords * 2.0 - 1.0)
    return possible_words, possible_codewords, codewords_llrs


def setup_inputs(seed: int = 0) -> dict:
    key = jax.random.key(seed)
    k1, k2 = jax.random.split(key)
    noisy_symbols = jax.random.normal(k1, (512, N), dtype=jnp.float32)
    G = jax.random.randint(k2, (K, N), 0, 2, dtype=jnp.int32)
    sigma2 = jnp.ones((1,), dtype=jnp.float32)
    return {"noisy_symbols": noisy_symbols, "G": G, "sigma2": sigma2}


def reference(noisy_symbols, G, sigma2):
    noisy = noisy_symbols.astype(jnp.float32)
    Gf = G.astype(jnp.float32)
    possible_words, possible_codewords, codewords_llrs = _build_codebook(Gf)
    llrs = -1.0 * 4.0 * noisy / sigma2
    x = jnp.expand_dims(llrs, axis=-2)
    x = jnp.broadcast_to(x, (noisy.shape[0], NUM_WORDS, N))
    max_abs_x = jnp.max(jnp.abs(x))
    d = jnp.mean(jnp.abs(x - max_abs_x * codewords_llrs), axis=-1)
    idx = jnp.argmin(d, axis=-1)
    output = jnp.take(possible_words, idx, axis=0)
    return output

if __name__ == "__main__":
    import jax
    _d = setup_inputs()
    print(jax.jit(kernel)(*tuple(_d.values())))

</pallas_src>

<mosaic_0001>
#map = affine_map<(d0, d1) -> (0)>
module attributes {stable_mosaic.version = 14 : i64} {
  func.func @_sc_body(%arg0: i32, %arg1: i32, %arg2: memref<1024xf32, #tpu.memory_space<hbm>>, %arg3: memref<384xi32, #tpu.memory_space<hbm>>, %arg4: memref<512xi32, #tpu.memory_space<hbm>>, %arg5: memref<32xf32, #tpu.memory_space<vmem>>, %arg6: memref<384xi32, #tpu.memory_space<vmem>>, %arg7: memref<512xf32, #tpu.memory_space<vmem>>, %arg8: memref<512xi32, #tpu.memory_space<vmem>>, %arg9: memref<4096xf32, #tpu.memory_space<vmem>>, %arg10: memref<16xi32, #tpu.memory_space<vmem>>) attributes {dimension_semantics = [#tpu.dimension_semantics<core_parallel>, #tpu.dimension_semantics<subcore_parallel>], iteration_bounds = array<i64: 2, 16>, scalar_prefetch = 0 : i64, scratch_operands = 6 : i64, tpu.core_type = #tpu.core_type<sc_vector_subcore>, window_params = [{transform_indices = #map}, {transform_indices = #map}, {transform_indices = #map}]} {
    %mul3A = arith.constant 2 : i32
    %mul3A_0 = arith.muli %arg1, %mul3A : i32
    %add3A = arith.addi %mul3A_0, %arg0 : i32
    %mul3A_1 = arith.constant 32 : i32
    %mul3A_2 = arith.muli %add3A, %mul3A_1 : i32
    "tpu.region"() ({
      %run_scoped3A = tpu.sem_alloc : memref<!tpu.dma_semaphore, #tpu.memory_space<semaphore_mem>>
      %dma_start3A = tpu.memref_slice %arg2[%mul3A_2] : memref<1024xf32, #tpu.memory_space<hbm>> -> memref<32xf32, #tpu.memory_space<hbm>>
      %dma_start3A_1726 = tpu.memref_slice %arg2[%mul3A_2] : memref<1024xf32, #tpu.memory_space<hbm>> -> memref<32xf32, #tpu.memory_space<hbm>>
      tpu.enqueue_dma source(%dma_start3A_1726 : memref<32xf32, #tpu.memory_space<hbm>>) target(%arg5 : memref<32xf32, #tpu.memory_space<vmem>>) target_semaphore(%run_scoped3A : memref<!tpu.dma_semaphore, #tpu.memory_space<semaphore_mem>>)
      %dma_wait3A = tpu.memref_slice %arg2[%mul3A_2] : memref<1024xf32, #tpu.memory_space<hbm>> -> memref<32xf32, #tpu.memory_space<hbm>>
      %dma_wait3A_1727 = tpu.memref_slice %arg2[%mul3A_2] : memref<1024xf32, #tpu.memory_space<hbm>> -> memref<32xf32, #tpu.memory_space<hbm>>
      tpu.wait_dma2 semaphore(%run_scoped3A : memref<!tpu.dma_semaphore, #tpu.memory_space<semaphore_mem>>) src(%dma_wait3A_1727 : memref<32xf32, #tpu.memory_space<hbm>>) dst(%arg5 : memref<32xf32, #tpu.memory_space<vmem>>)
      tpu.yield
    }) : () -> ()
    "tpu.region"() ({
      %run_scoped3A = tpu.sem_alloc : memref<!tpu.dma_semaphore, #tpu.memory_space<semaphore_mem>>
      tpu.enqueue_dma source(%arg3 : memref<384xi32, #tpu.memory_space<hbm>>) target(%arg6 : memref<384xi32, #tpu.memory_space<vmem>>) target_semaphore(%run_scoped3A : memref<!tpu.dma_semaphore, #tpu.memory_space<semaphore_mem>>)
      tpu.wait_dma2 semaphore(%run_scoped3A : memref<!tpu.dma_semaphore, #tpu.memory_space<semaphore_mem>>) src(%arg3 : memref<384xi32, #tpu.memory_space<hbm>>) dst(%arg6 : memref<384xi32, #tpu.memory_space<vmem>>)
      tpu.yield
    }) : () -> ()
    %iota3A = tpu.iota {dimensions = array<i32: 0>} : vector<16xi32>
    %broadcast_in_dim3A = arith.constant 0 : i32
    %broadcast_in_dim3A_3 = vector.broadcast %broadcast_in_dim3A : i32 to vector<16xi32>
    %get3A = arith.constant 0 : index
    %get3A_4 = tpu.vector_load %arg6[%get3A] {strides = array<i32>} : memref<384xi32, #tpu.memory_space<vmem>>, vector<16xi32>,
    %shift_left3A = arith.constant 0 : i32
    %shift_left3A_5 = vector.broadcast %shift_left3A : i32 to vector<16xi32>
    %shift_left3A_6 = arith.shli %get3A_4, %shift_left3A_5 : vector<16xi32>
    %add3A_7 = arith.addi %broadcast_in_dim3A_3, %shift_left3A_6 : vector<16xi32>
    %get3A_8 = arith.constant 32 : index
    %get3A_9 = tpu.vector_load %arg6[%get3A_8] {strides = array<i32>} : memref<384xi32, #tpu.memory_space<vmem>>, vector<16xi32>,
    %shift_left3A_10 = arith.constant 1 : i32
    %shift_left3A_11 = vector.broadcast %shift_left3A_10 : i32 to vector<16xi32>
    %shift_left3A_12 = arith.shli %get3A_9, %shift_left3A_11 : vector<16xi32>
    %add3A_13 = arith.addi %add3A_7, %shift_left3A_12 : vector<16xi32>
    %get3A_14 = arith.constant 64 : index
    %get3A_15 = tpu.vector_load %arg6[%get3A_14] {strides = array<i32>} : memref<384xi32, #tpu.memory_space<vmem>>, vector<16xi32>,
    %shift_left3A_16 = arith.constant 2 : i32
    %shift_left3A_17 = vector.broadcast %shift_left3A_16 : i32 to vector<16xi32>
    %shift_left3A_18 = arith.shli %get3A_15, %shift_left3A_17 : vector<16xi32>
    %add3A_19 = arith.addi %add3A_13, %shift_left3A_18 : vector<16xi32>
    %get3A_20 = arith.constant 96 : index
    %get3A_21 = tpu.vector_load %arg6[%get3A_20] {strides = array<i32>} : memref<384xi32, #tpu.memory_space<vmem>>, vector<16xi32>,
    %shift_left3A_22 = arith.constant 3 : i32
    %shift_left3A_23 = vector.broadcast %shift_left3A_22 : i32 to vector<16xi32>
    %shift_left3A_24 = arith.shli %get3A_21, %shift_left3A_23 : vector<16xi32>
    %add3A_25 = arith.addi %add3A_19, %shift_left3A_24 : vector<16xi32>
    %get3A_26 = arith.constant 128 : index
    %get3A_27 = tpu.vector_load %arg6[%get3A_26] {strides = array<i32>} : memref<384xi32, #tpu.memory_space<vmem>>, vector<16xi32>,
    %shift_left3A_28 = arith.constant 4 : i32
    %shift_left3A_29 = vector.broadcast %shift_left3A_28 : i32 to vector<16xi32>
    %shift_left3A_30 = arith.shli %get3A_27, %shift_left3A_29 : vector<16xi32>
    %add3A_31 = arith.addi %add3A_25, %shift_left3A_30 : vector<16xi32>
    %get3A_32 = arith.constant 160 : index
    %get3A_33 = tpu.vector_load %arg6[%get3A_32] {strides = array<i32>} : memref<384xi32, #tpu.memory_space<vmem>>, vector<16xi32>,
    %shift_left3A_34 = arith.constant 5 : i32
    %shift_left3A_35 = vector.broadcast %shift_left3A_34 : i32 to vector<16xi32>
    %shift_left3A_36 = arith.shli %get3A_33, %shift_left3A_35 : vector<16xi32>
    %add3A_37 = arith.addi %add3A_31, %shift_left3A_36 : vector<16xi32>
    %get3A_38 = arith.constant 192 : index
    %get3A_39 = tpu.vector_load %arg6[%get3A_38] {strides = array<i32>} : memref<384xi32, #tpu.memory_space<vmem>>, vector<16xi32>,
    %shift_left3A_40 = arith.constant 6 : i32
    %shift_left3A_41 = vector.broadcast %shift_left3A_40 : i32 to vector<16xi32>
    %shift_left3A_42 = arith.shli %get3A_39, %shift_left3A_41 : vector<16xi32>
    %add3A_43 = arith.addi %add3A_37, %shift_left3A_42 : vector<16xi32>
    %get3A_44 = arith.constant 224 : index
    %get3A_45 = tpu.vector_load %arg6[%get3A_44] {strides = array<i32>} : memref<384xi32, #tpu.memory_space<vmem>>, vector<16xi32>,
    %shift_left3A_46 = arith.constant 7 : i32
    %shift_left3A_47 = vector.broadcast %shift_left3A_46 : i32 to vector<16xi32>
    %shift_left3A_48 = arith.shli %get3A_45, %shift_left3A_47 : vector<16xi32>
    %add3A_49 = arith.addi %add3A_43, %shift_left3A_48 : vector<16xi32>
    %get3A_50 = arith.constant 256 : index
    %get3A_51 = tpu.vector_load %arg6[%get3A_50] {strides = array<i32>} : memref<384xi32, #tpu.memory_space<vmem>>, vector<16xi32>,
    %shift_left3A_52 = arith.constant 8 : i32
    %shift_left3A_53 = vector.broadcast %shift_left3A_52 : i32 to vector<16xi32>
    %shift_left3A_54 = arith.shli %get3A_51, %shift_left3A_53 : vector<16xi32>
    %add3A_55 = arith.addi %add3A_49, %shift_left3A_54 : vector<16xi32>
    %get3A_56 = arith.constant 288 : index
    %get3A_57 = tpu.vector_load %arg6[%get3A_56] {strides = array<i32>} : memref<384xi32, #tpu.memory_space<vmem>>, vector<16xi32>,
    %shift_left3A_58 = arith.constant 9 : i32
    %shift_left3A_59 = vector.broadcast %shift_left3A_58 : i32 to vector<16xi32>
    %shift_left3A_60 = arith.shli %get3A_57, %shift_left3A_59 : vector<16xi32>
    %add3A_61 = arith.addi %add3A_55, %shift_left3A_60 : vector<16xi32>
    %get3A_62 = arith.constant 320 : index
    %get3A_63 = tpu.vector_load %arg6[%get3A_62] {strides = array<i32>} : memref<384xi32, #tpu.memory_space<vmem>>, vector<16xi32>,
    %shift_left3A_64 = arith.constant 10 : i32
    %shift_left3A_65 = vector.broadcast %shift_left3A_64 : i32 to vector<16xi32>
    %shift_left3A_66 = arith.shli %get3A_63, %shift_left3A_65 : vector<16xi32>
    %add3A_67 = arith.addi %add3A_61, %shift_left3A_66 : vector<16xi32>
    %get3A_68 = arith.constant 352 : index
    %get3A_69 = tpu.vector_load %arg6[%get3A_68] {strides = array<i32>} : memref<384xi32, #tpu.memory_space<vmem>>, vector<16xi32>,
    %shift_left3A_70 = arith.constant 11 : i32
    %shift_left3A_71 = vector.broadcast %shift_left3A_70 : i32 to vector<16xi32>
    %shift_left3A_72 = arith.shli %get3A_69, %shift_left3A_71 : vector<16xi32>
    %add3A_73 = arith.addi %add3A_67, %shift_left3A_72 : vector<16xi32>
    %broadcast_in_dim3A_74 = arith.constant 0 : i32
    %broadcast_in_dim3A_75 = vector.broadcast %broadcast_in_dim3A_74 : i32 to vector<16x1xi32>
    %gather3A = vector.shape_cast %broadcast_in_dim3A_75 : vector<16x1xi32> to vector<16xi32>
    %gather3A_76 = tpu.dynamic_gather %add3A_73[%gather3A] in [0] : vector<16xi32>, vector<16xi32> -> vector<16xi32>
    %and3A = arith.andi %iota3A, %gather3A_76 : vector<16xi32>
    %and3A_77 = arith.constant 15 : i32
    %and3A_78 = vector.broadcast %and3A_77 : i32 to vector<16xi32>
    %and3A_79 = arith.andi %and3A, %and3A_78 : vector<16xi32>
    %shift_right_arithmetic3A = arith.constant 2 : i32
    %shift_right_arithmetic3A_80 = vector.broadcast %shift_right_arithmetic3A : i32 to vector<16xi32>
    %shift_right_arithmetic3A_81 = arith.shrsi %and3A_79, %shift_right_arithmetic3A_80 : vector<16xi32>
    %xor3A = arith.xori %and3A_79, %shift_right_arithmetic3A_81 : vector<16xi32>
    %shift_right_arithmetic3A_82 = arith.constant 1 : i32
    %shift_right_arithmetic3A_83 = vector.broadcast %shift_right_arithmetic3A_82 : i32 to vector<16xi32>
    %shift_right_arithmetic3A_84 = arith.shrsi %xor3A, %shift_right_arithmetic3A_83 : vector<16xi32>
    %xor3A_85 = arith.xori %xor3A, %shift_right_arithmetic3A_84 : vector<16xi32>
    %and3A_86 = arith.constant 1 : i32
    %and3A_87 = vector.broadcast %and3A_86 : i32 to vector<16xi32>
    %and3A_88 = arith.andi %xor3A_85, %and3A_87 : vector<16xi32>
    %mul3A_89 = arith.constant 2 : i32
    %mul3A_90 = vector.broadcast %mul3A_89 : i32 to vector<16xi32>
    %mul3A_91 = arith.muli %mul3A_90, %and3A_88 : vector<16xi32>
    %sub3A = arith.constant 1 : i32
    %sub3A_92 = vector.broadcast %sub3A : i32 to vector<16xi32>
    %sub3A_93 = arith.subi %sub3A_92, %mul3A_91 : vector<16xi32>
    %convert_element_type3A = arith.sitofp %sub3A_93 : vector<16xi32> to vector<16xf32>
    %shift_right_arithmetic3A_94 = arith.constant 4 : i32
    %shift_right_arithmetic3A_95 = vector.broadcast %shift_right_arithmetic3A_94 : i32 to vector<16xi32>
    %shift_right_arithmetic3A_96 = arith.shrsi %gather3A_76, %shift_right_arithmetic3A_95 : vector<16xi32>
    %shift_left3A_97 = arith.constant 4 : i32
    %shift_left3A_98 = vector.broadcast %shift_left3A_97 : i32 to vector<16xi32>
    %shift_left3A_99 = arith.shli %shift_right_arithmetic3A_96, %shift_left3A_98 : vector<16xi32>
    %add3A_100 = arith.addi %shift_left3A_99, %iota3A : vector<16xi32>
    %swap3A = arith.constant 0 : index
    %swap3A_101 = tpu.vector_load %arg7[%swap3A] {strides = array<i32>} : memref<512xf32, #tpu.memory_space<vmem>>, vector<16xf32>,
    tpu.vector_store %arg7[%swap3A], %convert_element_type3A {strides = array<i32>} : memref<512xf32, #tpu.memory_space<vmem>>, vector<16xf32>,
    %swap3A_102 = arith.constant 0 : index
    %swap3A_103 = tpu.vector_load %arg8[%swap3A_102] {strides = array<i32>} : memref<512xi32, #tpu.memory_space<vmem>>, vector<16xi32>,
    tpu.vector_store %arg8[%swap3A_102], %add3A_100 {strides = array<i32>} : memref<512xi32, #tpu.memory_space<vmem>>, vector<16xi32>,
    %broadcast_in_dim3A_104 = arith.constant 1 : i32
    %broadcast_in_dim3A_105 = vector.broadcast %broadcast_in_dim3A_104 : i32 to vector<16x1xi32>
    %gather3A_106 = vector.shape_cast %broadcast_in_dim3A_105 : vector<16x1xi32> to vector<16xi32>
    %gather3A_107 = tpu.dynamic_gather %add3A_73[%gather3A_106] in [0] : vector<16xi32>, vector<16xi32> -> vector<16xi32>
    %and3A_108 = arith.andi %iota3A, %gather3A_107 : vector<16xi32>
    %and3A_109 = arith.constant 15 : i32
    %and3A_110 = vector.broadcast %and3A_109 : i32 to vector<16xi32>
    %and3A_111 = arith.andi %and3A_108, %and3A_110 : vector<16xi32>
    %shift_right_arithmetic3A_112 = arith.constant 2 : i32
    %shift_right_arithmetic3A_113 = vector.broadcast %shift_right_arithmetic3A_112 : i32 to vector<16xi32>
    %shift_right_arithmetic3A_114 = arith.shrsi %and3A_111, %shift_right_arithmetic3A_113 : vector<16xi32>
    %xor3A_115 = arith.xori %and3A_111, %shift_right_arithmetic3A_114 : vector<16xi32>
    %shift_right_arithmetic3A_116 = arith.constant 1 : i32
    %shift_right_arithmetic3A_117 = vector.broadcast %shift_right_arithmetic3A_116 : i32 to vector<16xi32>
    %shift_right_arithmetic3A_118 = arith.shrsi %xor3A_115, %shift_right_arithmetic3A_117 : vector<16xi32>
    %xor3A_119 = arith.xori %xor3A_115, %shift_right_arithmetic3A_118 : vector<16xi32>
    %and3A_120 = arith.constant 1 : i32
    %and3A_121 = vector.broadcast %and3A_120 : i32 to vector<16xi32>
    %and3A_122 = arith.andi %xor3A_119, %and3A_121 : vector<16xi32>
    %mul3A_123 = arith.constant 2 : i32
    %mul3A_124 = vector.broadcast %mul3A_123 : i32 to vector<16xi32>
    %mul3A_125 = arith.muli %mul3A_124, %and3A_122 : vector<16xi32>
    %sub3A_126 = arith.constant 1 : i32
    %sub3A_127 = vector.broadcast %sub3A_126 : i32 to vector<16xi32>
    %sub3A_128 = arith.subi %sub3A_127, %mul3A_125 : vector<16xi32>
    %convert_element_type3A_129 = arith.sitofp %sub3A_128 : vector<16xi32> to vector<16xf32>
    %shift_right_arithmetic3A_130 = arith.constant 4 : i32
    %shift_right_arithmetic3A_131 = vector.broadcast %shift_right_arithmetic3A_130 : i32 to vector<16xi32>
    %shift_right_arithmetic3A_132 = arith.shrsi %gather3A_107, %shift_right_arithmetic3A_131 : vector<16xi32>
    %shift_left3A_133 = arith.constant 4 : i32
    %shift_left3A_134 = vector.broadcast %shift_left3A_133 : i32 to vector<16xi32>
    %shift_left3A_135 = arith.shli %shift_right_arithmetic3A_132, %shift_left3A_134 : vector<16xi32>
    %add3A_136 = arith.addi %shift_left3A_135, %iota3A : vector<16xi32>
    %swap3A_137 = arith.constant 16 : index
    %swap3A_138 = tpu.vector_load %arg7[%swap3A_137] {strides = array<i32>} : memref<512xf32, #tpu.memory_space<vmem>>, vector<16xf32>,
    tpu.vector_store %arg7[%swap3A_137], %convert_element_type3A_129 {strides = array<i32>} : memref<512xf32, #tpu.memory_space<vmem>>, vector<16xf32>,
    %swap3A_139 = arith.constant 16 : index
    %swap3A_140 = tpu.vector_load %arg8[%swap3A_139] {strides = array<i32>} : memref<512xi32, #tpu.memory_space<vmem>>, vector<16xi32>,
    tpu.vector_store %arg8[%swap3A_139], %add3A_136 {strides = array<i32>} : memref<512xi32, #tpu.memory_space<vmem>>, vector<16xi32>,
    %broadcast_in_dim3A_141 = arith.constant 2 : i32
    %broadcast_in_dim3A_142 = vector.broadcast %broadcast_in_dim3A_141 : i32 to vector<16x1xi32>
    %gather3A_143 = vector.shape_cast %broadcast_in_dim3A_142 : vector<16x1xi32> to vector<16xi32>
    %gather3A_144 = tpu.dynamic_gather %add3A_73[%gather3A_143] in [0] : vector<16xi32>, vector<16xi32> -> vector<16xi32>
    %and3A_145 = arith.andi %iota3A, %gather3A_144 : vector<16xi32>
    %and3A_146 = arith.constant 15 : i32
    %and3A_147 = vector.broadcast %and3A_146 : i32 to vector<16xi32>
    %and3A_148 = arith.andi %and3A_145, %and3A_147 : vector<16xi32>
    %shift_right_arithmetic3A_149 = arith.constant 2 : i32
    %shift_right_arithmetic3A_150 = vector.broadcast %shift_right_arithmetic3A_149 : i32 to vector<16xi32>
    %shift_right_arithmetic3A_151 = arith.shrsi %and3A_148, %shift_right_arithmetic3A_150 : vector<16xi32>
    %xor3A_152 = arith.xori %and3A_148, %shift_right_arithmetic3A_151 : vector<16xi32>
    %shift_right_arithmetic3A_153 = arith.constant 1 : i32
    %shift_right_arithmetic3A_154 = vector.broadcast %shift_right_arithmetic3A_153 : i32 to vector<16xi32>
    %shift_right_arithmetic3A_155 = arith.shrsi %xor3A_152, %shift_right_arithmetic3A_154 : vector<16xi32>
    %xor3A_156 = arith.xori %xor3A_152, %shift_right_arithmetic3A_155 : vector<16xi32>
    %and3A_157 = arith.constant 1 : i32
    %and3A_158 = vector.broadcast %and3A_157 : i32 to vector<16xi32>
    %and3A_159 = arith.andi %xor3A_156, %and3A_158 : vector<16xi32>
    %mul3A_160 = arith.constant 2 : i32
    %mul3A_161 = vector.broadcast %mul3A_160 : i32 to vector<16xi32>
    %mul3A_162 = arith.muli %mul3A_161, %and3A_159 : vector<16xi32>
    %sub3A_163 = arith.constant 1 : i32
    %sub3A_164 = vector.broadcast %sub3A_163 : i32 to vector<16xi32>
    %sub3A_165 = arith.subi %sub3A_164, %mul3A_162 : vector<16xi32>
    %convert_element_type3A_166 = arith.sitofp %sub3A_165 : vector<16xi32> to vector<16xf32>
    %shift_right_arithmetic3A_167 = arith.constant 4 : i32
    %shift_right_arithmetic3A_168 = vector.broadcast %shift_right_arithmetic3A_167 : i32 to vector<16xi32>
    %shift_right_arithmetic3A_169 = arith.shrsi %gather3A_144, %shift_right_arithmetic3A_168 : vector<16xi32>
    %shift_left3A_170 = arith.constant 4 : i32
    %shift_left3A_171 = vector.broadcast %shift_left3A_170 : i32 to vector<16xi32>
    %shift_left3A_172 = arith.shli %shift_right_arithmetic3A_169, %shift_left3A_171 : vector<16xi32>
    %add3A_173 = arith.addi %shift_left3A_172, %iota3A : vector<16xi32>
    %swap3A_174 = arith.constant 32 : index
    %swap3A_175 = tpu.vector_load %arg7[%swap3A_174] {strides = array<i32>} : memref<512xf32, #tpu.memory_space<vmem>>, vector<16xf32>,
    tpu.vector_store %arg7[%swap3A_174], %convert_element_type3A_166 {strides = array<i32>} : memref<512xf32, #tpu.memory_space<vmem>>, vector<16xf32>,
    %swap3A_176 = arith.constant 32 : index
    %swap3A_177 = tpu.vector_load %arg8[%swap3A_176] {strides = array<i32>} : memref<512xi32, #tpu.memory_space<vmem>>, vector<16xi32>,
    tpu.vector_store %arg8[%swap3A_176], %add3A_173 {strides = array<i32>} : memref<512xi32, #tpu.memory_space<vmem>>, vector<16xi32>,
    %broadcast_in_dim3A_178 = arith.constant 3 : i32
    %broadcast_in_dim3A_179 = vector.broadcast %broadcast_in_dim3A_178 : i32 to vector<16x1xi32>
    %gather3A_180 = vector.shape_cast %broadcast_in_dim3A_179 : vector<16x1xi32> to vector<16xi32>
    %gather3A_181 = tpu.dynamic_gather %add3A_73[%gather3A_180] in [0] : vector<16xi32>, vector<16xi32> -> vector<16xi32>
    %and3A_182 = arith.andi %iota3A, %gather3A_181 : vector<16xi32>
    %and3A_183 = arith.constant 15 : i32
    %and3A_184 = vector.broadcast %and3A_183 : i32 to vector<16xi32>
    %and3A_185 = arith.andi %and3A_182, %and3A_184 : vector<16xi32>
    %shift_right_arithmetic3A_186 = arith.constant 2 : i32
    %shift_right_arithmetic3A_187 = vector.broadcast %shift_right_arithmetic3A_186 : i32 to vector<16xi32>
    %shift_right_arithmetic3A_188 = arith.shrsi %and3A_185, %shift_right_arithmetic3A_187 : vector<16xi32>
    %xor3A_189 = arith.xori %and3A_185, %shift_right_arithmetic3A_188 : vector<16xi32>
    %shift_right_arithmetic3A_190 = arith.constant 1 : i32
    %shift_right_arithmetic3A_191 = vector.broadcast %shift_right_arithmetic3A_190 : i32 to vector<16xi32>
    %shift_right_arithmetic3A_192 = arith.shrsi %xor3A_189, %shift_right_arithmetic3A_191 : vector<16xi32>
    %xor3A_193 = arith.xori %xor3A_189, %shift_right_arithmetic3A_192 : vector<16xi32>
    %and3A_194 = arith.constant 1 : i32
    %and3A_195 = vector.broadcast %and3A_194 : i32 to vector<16xi32>
    %and3A_196 = arith.andi %xor3A_193, %and3A_195 : vector<16xi32>
    %mul3A_197 = arith.constant 2 : i32
    %mul3A_198 = vector.broadcast %mul3A_197 : i32 to vector<16xi32>
    %mul3A_199 = arith.muli %mul3A_198, %and3A_196 : vector<16xi32>
    %sub3A_200 = arith.constant 1 : i32
    %sub3A_201 = vector.broadcast %sub3A_200 : i32 to vector<16xi32>
    %sub3A_202 = arith.subi %sub3A_201, %mul3A_199 : vector<16xi32>
    %convert_element_type3A_203 = arith.sitofp %sub3A_202 : vector<16xi32> to vector<16xf32>
    %shift_right_arithmetic3A_204 = arith.constant 4 : i32
    %shift_right_arithmetic3A_205 = vector.broadcast %shift_right_arithmetic3A_204 : i32 to vector<16xi32>
    %shift_right_arithmetic3A_206 = arith.shrsi %gather3A_181, %shift_right_arithmetic3A_205 : vector<16xi32>
    %shift_left3A_207 = arith.constant 4 : i32
    %shift_left3A_208 = vector.broadcast %shift_left3A_207 : i32 to vector<16xi32>
    %shift_left3A_209 = arith.shli %shift_right_arithmetic3A_206, %shift_left3A_208 : vector<16xi32>
    %add3A_210 = arith.addi %shift_left3A_209, %iota3A : vector<16xi32>
    %swap3A_211 = arith.constant 48 : index
    %swap3A_212 = tpu.vector_load %arg7[%swap3A_211] {strides = array<i32>} : memref<512xf32, #tpu.memory_space<vmem>>, vector<16xf32>,
    tpu.vector_store %arg7[%swap3A_211], %convert_element_type3A_203 {strides = array<i32>} : memref<512xf32, #tpu.memory_space<vmem>>, vector<16xf32>,
    %swap3A_213 = arith.constant 48 : index
    %swap3A_214 = tpu.vector_load %arg8[%swap3A_213] {strides = array<i32>} : memref<512xi32, #tpu.memory_space<vmem>>, vector<16xi32>,
    tpu.vector_store %arg8[%swap3A_213], %add3A_210 {strides = array<i32>} : memref<512xi32, #tpu.memory_space<vmem>>, vector<16xi32>,
    %broadcast_in_dim3A_215 = arith.constant 4 : i32
    %broadcast_in_dim3A_216 = vector.broadcast %broadcast_in_dim3A_215 : i32 to vector<16x1xi32>
    %gather3A_217 = vector.shape_cast %broadcast_in_dim3A_216 : vector<16x1xi32> to vector<16xi32>
    %gather3A_218 = tpu.dynamic_gather %add3A_73[%gather3A_217] in [0] : vector<16xi32>, vector<16xi32> -> vector<16xi32>
    %and3A_219 = arith.andi %iota3A, %gather3A_218 : vector<16xi32>
    %and3A_220 = arith.constant 15 : i32
    %and3A_221 = vector.broadcast %and3A_220 : i32 to vector<16xi32>
    %and3A_222 = arith.andi %and3A_219, %and3A_221 : vector<16xi32>
    %shift_right_arithmetic3A_223 = arith.constant 2 : i32
    %shift_right_arithmetic3A_224 = vector.broadcast %shift_right_arithmetic3A_223 : i32 to vector<16xi32>
    %shift_right_arithmetic3A_225 = arith.shrsi %and3A_222, %shift_right_arithmetic3A_224 : vector<16xi32>
    %xor3A_226 = arith.xori %and3A_222, %shift_right_arithmetic3A_225 : vector<16xi32>
    %shift_right_arithmetic3A_227 = arith.constant 1 : i32
    %shift_right_arithmetic3A_228 = vector.broadcast %shift_right_arithmetic3A_227 : i32 to vector<16xi32>
    %shift_right_arithmetic3A_229 = arith.shrsi %xor3A_226, %shift_right_arithmetic3A_228 : vector<16xi32>
    %xor3A_230 = arith.xori %xor3A_226, %shift_right_arithmetic3A_229 : vector<16xi32>
    %and3A_231 = arith.constant 1 : i32
    %and3A_232 = vector.broadcast %and3A_231 : i32 to vector<16xi32>
    %and3A_233 = arith.andi %xor3A_230, %and3A_232 : vector<16xi32>
    %mul3A_234 = arith.constant 2 : i32
    %mul3A_235 = vector.broadcast %mul3A_234 : i32 to vector<16xi32>
    %mul3A_236 = arith.muli %mul3A_235, %and3A_233 : vector<16xi32>
    %sub3A_237 = arith.constant 1 : i32
    %sub3A_238 = vector.broadcast %sub3A_237 : i32 to vector<16xi32>
    %sub3A_239 = arith.subi %sub3A_238, %mul3A_236 : vector<16xi32>
    %convert_element_type3A_240 = arith.sitofp %sub3A_239 : vector<16xi32> to vector<16xf32>
    %shift_right_arithmetic3A_241 = arith.constant 4 : i32
    %shift_right_arithmetic3A_242 = vector.broadcast %shift_right_arithmetic3A_241 : i32 to vector<16xi32>
    %shift_right_arithmetic3A_243 = arith.shrsi %gather3A_218, %shift_right_arithmetic3A_242 : vector<16xi32>
    %shift_left3A_244 = arith.constant 4 : i32
    %shift_left3A_245 = vector.broadcast %shift_left3A_244 : i32 to vector<16xi32>
    %shift_left3A_246 = arith.shli %shift_right_arithmetic3A_243, %shift_left3A_245 : vector<16xi32>
    %add3A_247 = arith.addi %shift_left3A_246, %iota3A : vector<16xi32>
    %swap3A_248 = arith.constant 64 : index
    %swap3A_249 = tpu.vector_load %arg7[%swap3A_248] {strides = array<i32>} : memref<512xf32, #tpu.memory_space<vmem>>, vector<16xf32>,
    tpu.vector_store %arg7[%swap3A_248], %convert_element_type3A_240 {strides = array<i32>} : memref<512xf32, #tpu.memory_space<vmem>>, vector<16xf32>,
    %swap3A_250 = arith.constant 64 : index
    %swap3A_251 = tpu.vector_load %arg8[%swap3A_250] {strides = array<i32>} : memref<512xi32, #tpu.memory_space<vmem>>, vector<16xi32>,
    tpu.vector_store %arg8[%swap3A_250], %add3A_247 {strides = array<i32>} : memref<512xi32, #tpu.memory_space<vmem>>, vector<16xi32>,
    %broadcast_in_dim3A_252 = arith.constant 5 : i32
    %broadcast_in_dim3A_253 = vector.broadcast %broadcast_in_dim3A_252 : i32 to vector<16x1xi32>
    %gather3A_254 = vector.shape_cast %broadcast_in_dim3A_253 : vector<16x1xi32> to vector<16xi32>
    %gather3A_255 = tpu.dynamic_gather %add3A_73[%gather3A_254] in [0] : vector<16xi32>, vector<16xi32> -> vector<16xi32>
    %and3A_256 = arith.andi %iota3A, %gather3A_255 : vector<16xi32>
    %and3A_257 = arith.constant 15 : i32
    %and3A_258 = vector.broadcast %and3A_257 : i32 to vector<16xi32>
    %and3A_259 = arith.andi %and3A_256, %and3A_258 : vector<16xi32>
    %shift_right_arithmetic3A_260 = arith.constant 2 : i32
    %shift_right_arithmetic3A_261 = vector.broadcast %shift_right_arithmetic3A_260 : i32 to vector<16xi32>
    %shift_right_arithmetic3A_262 = arith.shrsi %and3A_259, %shift_right_arithmetic3A_261 : vector<16xi32>
    %xor3A_263 = arith.xori %and3A_259, %shift_right_arithmetic3A_262 : vector<16xi32>
    %shift_right_arithmetic3A_264 = arith.constant 1 : i32
    %shift_right_arithmetic3A_265 = vector.broadcast %shift_right_arithmetic3A_264 : i32 to vector<16xi32>
    %shift_right_arithmetic3A_266 = arith.shrsi %xor3A_263, %shift_right_arithmetic3A_265 : vector<16xi32>
    %xor3A_267 = arith.xori %xor3A_263, %shift_right_arithmetic3A_266 : vector<16xi32>
    %and3A_268 = arith.constant 1 : i32
    %and3A_269 = vector.broadcast %and3A_268 : i32 to vector<16xi32>
    %and3A_270 = arith.andi %xor3A_267, %and3A_269 : vector<16xi32>
    %mul3A_271 = arith.constant 2 : i32
    %mul3A_272 = vector.broadcast %mul3A_271 : i32 to vector<16xi32>
    %mul3A_273 = arith.muli %mul3A_272, %and3A_270 : vector<16xi32>
    %sub3A_274 = arith.constant 1 : i32
    %sub3A_275 = vector.broadcast %sub3A_274 : i32 to vector<16xi32>
    %sub3A_276 = arith.subi %sub3A_275, %mul3A_273 : vector<16xi32>
    %convert_element_type3A_277 = arith.sitofp %sub3A_276 : vector<16xi32> to vector<16xf32>
    %shift_right_arithmetic3A_278 = arith.constant 4 : i32
    %shift_right_arithmetic3A_279 = vector.broadcast %shift_right_arithmetic3A_278 : i32 to vector<16xi32>
    %shift_right_arithmetic3A_280 = arith.shrsi %gather3A_255, %shift_right_arithmetic3A_279 : vector<16xi32>
    %shift_left3A_281 = arith.constant 4 : i32
    %shift_left3A_282 = vector.broadcast %shift_left3A_281 : i32 to vector<16xi32>
    %shift_left3A_283 = arith.shli %shift_right_arithmetic3A_280, %shift_left3A_282 : vector<16xi32>
    %add3A_284 = arith.addi %shift_left3A_283, %iota3A : vector<16xi32>
    %swap3A_285 = arith.constant 80 : index
    %swap3A_286 = tpu.vector_load %arg7[%swap3A_285] {strides = array<i32>} : memref<512xf32, #tpu.memory_space<vmem>>, vector<16xf32>,
    tpu.vector_store %arg7[%swap3A_285], %convert_element_type3A_277 {strides = array<i32>} : memref<512xf32, #tpu.memory_space<vmem>>, vector<16xf32>,
    %swap3A_287 = arith.constant 80 : index
    %swap3A_288 = tpu.vector_load %arg8[%swap3A_287] {strides = array<i32>} : memref<512xi32, #tpu.memory_space<vmem>>, vector<16xi32>,
    tpu.vector_store %arg8[%swap3A_287], %add3A_284 {strides = array<i32>} : memref<512xi32, #tpu.memory_space<vmem>>, vector<16xi32>,
    %broadcast_in_dim3A_289 = arith.constant 6 : i32
    %broadcast_in_dim3A_290 = vector.broadcast %broadcast_in_dim3A_289 : i32 to vector<16x1xi32>
    %gather3A_291 = vector.shape_cast %broadcast_in_dim3A_290 : vector<16x1xi32> to vector<16xi32>
    %gather3A_292 = tpu.dynamic_gather %add3A_73[%gather3A_291] in [0] : vector<16xi32>, vector<16xi32> -> vector<16xi32>
    %and3A_293 = arith.andi %iota3A, %gather3A_292 : vector<16xi32>
    %and3A_294 = arith.constant 15 : i32
    %and3A_295 = vector.broadcast %and3A_294 : i32 to vector<16xi32>
    %and3A_296 = arith.andi %and3A_293, %and3A_295 : vector<16xi32>
    %shift_right_arithmetic3A_297 = arith.constant 2 : i32
    %shift_right_arithmetic3A_298 = vector.broadcast %shift_right_arithmetic3A_297 : i32 to vector<16xi32>
    %shift_right_arithmetic3A_299 = arith.shrsi %and3A_296, %shift_right_arithmetic3A_298 : vector<16xi32>
    %xor3A_300 = arith.xori %and3A_296, %shift_right_arithmetic3A_299 : vector<16xi32>
    %shift_right_arithmetic3A_301 = arith.constant 1 : i32
    %shift_right_arithmetic3A_302 = vector.broadcast %shift_right_arithmetic3A_301 : i32 to vector<16xi32>
    %shift_right_arithmetic3A_303 = arith.shrsi %xor3A_300, %shift_right_arithmetic3A_302 : vector<16xi32>
    %xor3A_304 = arith.xori %xor3A_300, %shift_right_arithmetic3A_303 : vector<16xi32>
    %and3A_305 = arith.constant 1 : i32
    %and3A_306 = vector.broadcast %and3A_305 : i32 to vector<16xi32>
    %and3A_307 = arith.andi %xor3A_304, %and3A_306 : vector<16xi32>
    %mul3A_308 = arith.constant 2 : i32
    %mul3A_309 = vector.broadcast %mul3A_308 : i32 to vector<16xi32>
    %mul3A_310 = arith.muli %mul3A_309, %and3A_307 : vector<16xi32>
    %sub3A_311 = arith.constant 1 : i32
    %sub3A_312 = vector.broadcast %sub3A_311 : i32 to vector<16xi32>
    %sub3A_313 = arith.subi %sub3A_312, %mul3A_310 : vector<16xi32>
    %convert_element_type3A_314 = arith.sitofp %sub3A_313 : vector<16xi32> to vector<16xf32>
    %shift_right_arithmetic3A_315 = arith.constant 4 : i32
    %shift_right_arithmetic3A_316 = vector.broadcast %shift_right_arithmetic3A_315 : i32 to vector<16xi32>
    %shift_right_arithmetic3A_317 = arith.shrsi %gather3A_292, %shift_right_arithmetic3A_316 : vector<16xi32>
    %shift_left3A_318 = arith.constant 4 : i32
    %shift_left3A_319 = vector.broadcast %shift_left3A_318 : i32 to vector<16xi32>
    %shift_left3A_320 = arith.shli %shift_right_arithmetic3A_317, %shift_left3A_319 : vector<16xi32>
    %add3A_321 = arith.addi %shift_left3A_320, %iota3A : vector<16xi32>
    %swap3A_322 = arith.constant 96 : index
    %swap3A_323 = tpu.vector_load %arg7[%swap3A_322] {strides = array<i32>} : memref<512xf32, #tpu.memory_space<vmem>>, vector<16xf32>,
    tpu.vector_store %arg7[%swap3A_322], %convert_element_type3A_314 {strides = array<i32>} : memref<512xf32, #tpu.memory_space<vmem>>, vector<16xf32>,
    %swap3A_324 = arith.constant 96 : index
    %swap3A_325 = tpu.vector_load %arg8[%swap3A_324] {strides = array<i32>} : memref<512xi32, #tpu.memory_space<vmem>>, vector<16xi32>,
    tpu.vector_store %arg8[%swap3A_324], %add3A_321 {strides = array<i32>} : memref<512xi32, #tpu.memory_space<vmem>>, vector<16xi32>,
    %broadcast_in_dim3A_326 = arith.constant 7 : i32
    %broadcast_in_dim3A_327 = vector.broadcast %broadcast_in_dim3A_326 : i32 to vector<16x1xi32>
    %gather3A_328 = vector.shape_cast %broadcast_in_dim3A_327 : vector<16x1xi32> to vector<16xi32>
    %gather3A_329 = tpu.dynamic_gather %add3A_73[%gather3A_328] in [0] : vector<16xi32>, vector<16xi32> -> vector<16xi32>
    %and3A_330 = arith.andi %iota3A, %gather3A_329 : vector<16xi32>
    %and3A_331 = arith.constant 15 : i32
    %and3A_332 = vector.broadcast %and3A_331 : i32 to vector<16xi32>
    %and3A_333 = arith.andi %and3A_330, %and3A_332 : vector<16xi32>
    %shift_right_arithmetic3A_334 = arith.constant 2 : i32
    %shift_right_arithmetic3A_335 = vector.broadcast %shift_right_arithmetic3A_334 : i32 to vector<16xi32>
    %shift_right_arithmetic3A_336 = arith.shrsi %and3A_333, %shift_right_arithmetic3A_335 : vector<16xi32>
    %xor3A_337 = arith.xori %and3A_333, %shift_right_arithmetic3A_336 : vector<16xi32>
    %shift_right_arithmetic3A_338 = arith.constant 1 : i32
    %shift_right_arithmetic3A_339 = vector.broadcast %shift_right_arithmetic3A_338 : i32 to vector<16xi32>
    %shift_right_arithmetic3A_340 = arith.shrsi %xor3A_337, %shift_right_arithmetic3A_339 : vector<16xi32>
    %xor3A_341 = arith.xori %xor3A_337, %shift_right_arithmetic3A_340 : vector<16xi32>
    %and3A_342 = arith.constant 1 : i32
    %and3A_343 = vector.broadcast %and3A_342 : i32 to vector<16xi32>
    %and3A_344 = arith.andi %xor3A_341, %and3A_343 : vector<16xi32>
    %mul3A_345 = arith.constant 2 : i32
    %mul3A_346 = vector.broadcast %mul3A_345 : i32 to vector<16xi32>
    %mul3A_347 = arith.muli %mul3A_346, %and3A_344 : vector<16xi32>
    %sub3A_348 = arith.constant 1 : i32
    %sub3A_349 = vector.broadcast %sub3A_348 : i32 to vector<16xi32>
    %sub3A_350 = arith.subi %sub3A_349, %mul3A_347 : vector<16xi32>
    %convert_element_type3A_351 = arith.sitofp %sub3A_350 : vector<16xi32> to vector<16xf32>
    %shift_right_arithmetic3A_352 = arith.constant 4 : i32
    %shift_right_arithmetic3A_353 = vector.broadcast %shift_right_arithmetic3A_352 : i32 to vector<16xi32>
    %shift_right_arithmetic3A_354 = arith.shrsi %gather3A_329, %shift_right_arithmetic3A_353 : vector<16xi32>
    %shift_left3A_355 = arith.constant 4 : i32
    %shift_left3A_356 = vector.broadcast %shift_left3A_355 : i32 to vector<16xi32>
    %shift_left3A_357 = arith.shli %shift_right_arithmetic3A_354, %shift_left3A_356 : vector<16xi32>
    %add3A_358 = arith.addi %shift_left3A_357, %iota3A : vector<16xi32>
    %swap3A_359 = arith.constant 112 : index
    %swap3A_360 = tpu.vector_load %arg7[%swap3A_359] {strides = array<i32>} : memref<512xf32, #tpu.memory_space<vmem>>, vector<16xf32>,
    tpu.vector_store %arg7[%swap3A_359], %convert_element_type3A_351 {strides = array<i32>} : memref<512xf32, #tpu.memory_space<vmem>>, vector<16xf32>,
    %swap3A_361 = arith.constant 112 : index
    %swap3A_362 = tpu.vector_load %arg8[%swap3A_361] {strides = array<i32>} : memref<512xi32, #tpu.memory_space<vmem>>, vector<16xi32>,
    tpu.vector_store %arg8[%swap3A_361], %add3A_358 {strides = array<i32>} : memref<512xi32, #tpu.memory_space<vmem>>, vector<16xi32>,
    %broadcast_in_dim3A_363 = arith.constant 8 : i32
    %broadcast_in_dim3A_364 = vector.broadcast %broadcast_in_dim3A_363 : i32 to vector<16x1xi32>
    %gather3A_365 = vector.shape_cast %broadcast_in_dim3A_364 : vector<16x1xi32> to vector<16xi32>
    %gather3A_366 = tpu.dynamic_gather %add3A_73[%gather3A_365] in [0] : vector<16xi32>, vector<16xi32> -> vector<16xi32>
    %and3A_367 = arith.andi %iota3A, %gather3A_366 : vector<16xi32>
    %and3A_368 = arith.constant 15 : i32
    %and3A_369 = vector.broadcast %and3A_368 : i32 to vector<16xi32>
    %and3A_370 = arith.andi %and3A_367, %and3A_369 : vector<16xi32>
    %shift_right_arithmetic3A_371 = arith.constant 2 : i32
    %shift_right_arithmetic3A_372 = vector.broadcast %shift_right_arithmetic3A_371 : i32 to vector<16xi32>
    %shift_right_arithmetic3A_373 = arith.shrsi %and3A_370, %shift_right_arithmetic3A_372 : vector<16xi32>
    %xor3A_374 = arith.xori %and3A_370, %shift_right_arithmetic3A_373 : vector<16xi32>
    %shift_right_arithmetic3A_375 = arith.constant 1 : i32
    %shift_right_arithmetic3A_376 = vector.broadcast %shift_right_arithmetic3A_375 : i32 to vector<16xi32>
    %shift_right_arithmetic3A_377 = arith.shrsi %xor3A_374, %shift_right_arithmetic3A_376 : vector<16xi32>
    %xor3A_378 = arith.xori %xor3A_374, %shift_right_arithmetic3A_377 : vector<16xi32>
    %and3A_379 = arith.constant 1 : i32
    %and3A_380 = vector.broadcast %and3A_379 : i32 to vector<16xi32>
    %and3A_381 = arith.andi %xor3A_378, %and3A_380 : vector<16xi32>
    %mul3A_382 = arith.constant 2 : i32
    %mul3A_383 = vector.broadcast %mul3A_382 : i32 to vector<16xi32>
    %mul3A_384 = arith.muli %mul3A_383, %and3A_381 : vector<16xi32>
    %sub3A_385 = arith.constant 1 : i32
    %sub3A_386 = vector.broadcast %sub3A_385 : i32 to vector<16xi32>
    %sub3A_387 = arith.subi %sub3A_386, %mul3A_384 : vector<16xi32>
    %convert_element_type3A_388 = arith.sitofp %sub3A_387 : vector<16xi32> to vector<16xf32>
    %shift_right_arithmetic3A_389 = arith.constant 4 : i32
    %shift_right_arithmetic3A_390 = vector.broadcast %shift_right_arithmetic3A_389 : i32 to vector<16xi32>
    %shift_right_arithmetic3A_391 = arith.shrsi %gather3A_366, %shift_right_arithmetic3A_390 : vector<16xi32>
    %shift_left3A_392 = arith.constant 4 : i32
    %shift_left3A_393 = vector.broadcast %shift_left3A_392 : i32 to vector<16xi32>
    %shift_left3A_394 = arith.shli %shift_right_arithmetic3A_391, %shift_left3A_393 : vector<16xi32>
    %add3A_395 = arith.addi %shift_left3A_394, %iota3A : vector<16xi32>
    %swap3A_396 = arith.constant 128 : index
    %swap3A_397 = tpu.vector_load %arg7[%swap3A_396] {strides = array<i32>} : memref<512xf32, #tpu.memory_space<vmem>>, vector<16xf32>,
    tpu.vector_store %arg7[%swap3A_396], %convert_element_type3A_388 {strides = array<i32>} : memref<512xf32, #tpu.memory_space<vmem>>, vector<16xf32>,
    %swap3A_398 = arith.constant 128 : index
    %swap3A_399 = tpu.vector_load %arg8[%swap3A_398] {strides = array<i32>} : memref<512xi32, #tpu.memory_space<vmem>>, vector<16xi32>,
    tpu.vector_store %arg8[%swap3A_398], %add3A_395 {strides = array<i32>} : memref<512xi32, #tpu.memory_space<vmem>>, vector<16xi32>,
    %broadcast_in_dim3A_400 = arith.constant 9 : i32
    %broadcast_in_dim3A_401 = vector.broadcast %broadcast_in_dim3A_400 : i32 to vector<16x1xi32>
    %gather3A_402 = vector.shape_cast %broadcast_in_dim3A_401 : vector<16x1xi32> to vector<16xi32>
    %gather3A_403 = tpu.dynamic_gather %add3A_73[%gather3A_402] in [0] : vector<16xi32>, vector<16xi32> -> vector<16xi32>
    %and3A_404 = arith.andi %iota3A, %gather3A_403 : vector<16xi32>
    %and3A_405 = arith.constant 15 : i32
    %and3A_406 = vector.broadcast %and3A_405 : i32 to vector<16xi32>
    %and3A_407 = arith.andi %and3A_404, %and3A_406 : vector<16xi32>
    %shift_right_arithmetic3A_408 = arith.constant 2 : i32
    %shift_right_arithmetic3A_409 = vector.broadcast %shift_right_arithmetic3A_408 : i32 to vector<16xi32>
    %shift_right_arithmetic3A_410 = arith.shrsi %and3A_407, %shift_right_arithmetic3A_409 : vector<16xi32>
    %xor3A_411 = arith.xori %and3A_407, %shift_right_arithmetic3A_410 : vector<16xi32>
    %shift_right_arithmetic3A_412 = arith.constant 1 : i32
    %shift_right_arithmetic3A_413 = vector.broadcast %shift_right_arithmetic3A_412 : i32 to vector<16xi32>
    %shift_right_arithmetic3A_414 = arith.shrsi %xor3A_411, %shift_right_arithmetic3A_413 : vector<16xi32>
    %xor3A_415 = arith.xori %xor3A_411, %shift_right_arithmetic3A_414 : vector<16xi32>
    %and3A_416 = arith.constant 1 : i32
    %and3A_417 = vector.broadcast %and3A_416 : i32 to vector<16xi32>
    %and3A_418 = arith.andi %xor3A_415, %and3A_417 : vector<16xi32>
    %mul3A_419 = arith.constant 2 : i32
    %mul3A_420 = vector.broadcast %mul3A_419 : i32 to vector<16xi32>
    %mul3A_421 = arith.muli %mul3A_420, %and3A_418 : vector<16xi32>
    %sub3A_422 = arith.constant 1 : i32
    %sub3A_423 = vector.broadcast %sub3A_422 : i32 to vector<16xi32>
    %sub3A_424 = arith.subi %sub3A_423, %mul3A_421 : vector<16xi32>
    %convert_element_type3A_425 = arith.sitofp %sub3A_424 : vector<16xi32> to vector<16xf32>
    %shift_right_arithmetic3A_426 = arith.constant 4 : i32
    %shift_right_arithmetic3A_427 = vector.broadcast %shift_right_arithmetic3A_426 : i32 to vector<16xi32>
    %shift_right_arithmetic3A_428 = arith.shrsi %gather3A_403, %shift_right_arithmetic3A_427 : vector<16xi32>
    %shift_left3A_429 = arith.constant 4 : i32
    %shift_left3A_430 = vector.broadcast %shift_left3A_429 : i32 to vector<16xi32>
    %shift_left3A_431 = arith.shli %shift_right_arithmetic3A_428, %shift_left3A_430 : vector<16xi32>
    %add3A_432 = arith.addi %shift_left3A_431, %iota3A : vector<16xi32>
    %swap3A_433 = arith.constant 144 : index
    %swap3A_434 = tpu.vector_load %arg7[%swap3A_433] {strides = array<i32>} : memref<512xf32, #tpu.memory_space<vmem>>, vector<16xf32>,
    tpu.vector_store %arg7[%swap3A_433], %convert_element_type3A_425 {strides = array<i32>} : memref<512xf32, #tpu.memory_space<vmem>>, vector<16xf32>,
    %swap3A_435 = arith.constant 144 : index
    %swap3A_436 = tpu.vector_load %arg8[%swap3A_435] {strides = array<i32>} : memref<512xi32, #tpu.memory_space<vmem>>, vector<16xi32>,
    tpu.vector_store %arg8[%swap3A_435], %add3A_432 {strides = array<i32>} : memref<512xi32, #tpu.memory_space<vmem>>, vector<16xi32>,
    %broadcast_in_dim3A_437 = arith.constant 10 : i32
    %broadcast_in_dim3A_438 = vector.broadcast %broadcast_in_dim3A_437 : i32 to vector<16x1xi32>
    %gather3A_439 = vector.shape_cast %broadcast_in_dim3A_438 : vector<16x1xi32> to vector<16xi32>
    %gather3A_440 = tpu.dynamic_gather %add3A_73[%gather3A_439] in [0] : vector<16xi32>, vector<16xi32> -> vector<16xi32>
    %and3A_441 = arith.andi %iota3A, %gather3A_440 : vector<16xi32>
    %and3A_442 = arith.constant 15 : i32
    %and3A_443 = vector.broadcast %and3A_442 : i32 to vector<16xi32>
    %and3A_444 = arith.andi %and3A_441, %and3A_443 : vector<16xi32>
    %shift_right_arithmetic3A_445 = arith.constant 2 : i32
    %shift_right_arithmetic3A_446 = vector.broadcast %shift_right_arithmetic3A_445 : i32 to vector<16xi32>
    %shift_right_arithmetic3A_447 = arith.shrsi %and3A_444, %shift_right_arithmetic3A_446 : vector<16xi32>
    %xor3A_448 = arith.xori %and3A_444, %shift_right_arithmetic3A_447 : vector<16xi32>
    %shift_right_arithmetic3A_449 = arith.constant 1 : i32
    %shift_right_arithmetic3A_450 = vector.broadcast %shift_right_arithmetic3A_449 : i32 to vector<16xi32>
    %shift_right_arithmetic3A_451 = arith.shrsi %xor3A_448, %shift_right_arithmetic3A_450 : vector<16xi32>
    %xor3A_452 = arith.xori %xor3A_448, %shift_right_arithmetic3A_451 : vector<16xi32>
    %and3A_453 = arith.constant 1 : i32
    %and3A_454 = vector.broadcast %and3A_453 : i32 to vector<16xi32>
    %and3A_455 = arith.andi %xor3A_452, %and3A_454 : vector<16xi32>
    %mul3A_456 = arith.constant 2 : i32
    %mul3A_457 = vector.broadcast %mul3A_456 : i32 to vector<16xi32>
    %mul3A_458 = arith.muli %mul3A_457, %and3A_455 : vector<16xi32>
    %sub3A_459 = arith.constant 1 : i32
    %sub3A_460 = vector.broadcast %sub3A_459 : i32 to vector<16xi32>
    %sub3A_461 = arith.subi %sub3A_460, %mul3A_458 : vector<16xi32>
    %convert_element_type3A_462 = arith.sitofp %sub3A_461 : vector<16xi32> to vector<16xf32>
    %shift_right_arithmetic3A_463 = arith.constant 4 : i32
    %shift_right_arithmetic3A_464 = vector.broadcast %shift_right_arithmetic3A_463 : i32 to vector<16xi32>
    %shift_right_arithmetic3A_465 = arith.shrsi %gather3A_440, %shift_right_arithmetic3A_464 : vector<16xi32>
    %shift_left3A_466 = arith.constant 4 : i32
    %shift_left3A_467 = vector.broadcast %shift_left3A_466 : i32 to vector<16xi32>
    %shift_left3A_468 = arith.shli %shift_right_arithmetic3A_465, %shift_left3A_467 : vector<16xi32>
    %add3A_469 = arith.addi %shift_left3A_468, %iota3A : vector<16xi32>
    %swap3A_470 = arith.constant 160 : index
    %swap3A_471 = tpu.vector_load %arg7[%swap3A_470] {strides = array<i32>} : memref<512xf32, #tpu.memory_space<vmem>>, vector<16xf32>,
    tpu.vector_store %arg7[%swap3A_470], %convert_element_type3A_462 {strides = array<i32>} : memref<512xf32, #tpu.memory_space<vmem>>, vector<16xf32>,
    %swap3A_472 = arith.constant 160 : index
    %swap3A_473 = tpu.vector_load %arg8[%swap3A_472] {strides = array<i32>} : memref<512xi32, #tpu.memory_space<vmem>>, vector<16xi32>,
    tpu.vector_store %arg8[%swap3A_472], %add3A_469 {strides = array<i32>} : memref<512xi32, #tpu.memory_space<vmem>>, vector<16xi32>,
    %broadcast_in_dim3A_474 = arith.constant 11 : i32
    %broadcast_in_dim3A_475 = vector.broadcast %broadcast_in_dim3A_474 : i32 to vector<16x1xi32>
    %gather3A_476 = vector.shape_cast %broadcast_in_dim3A_475 : vector<16x1xi32> to vector<16xi32>
    %gather3A_477 = tpu.dynamic_gather %add3A_73[%gather3A_476] in [0] : vector<16xi32>, vector<16xi32> -> vector<16xi32>
    %and3A_478 = arith.andi %iota3A, %gather3A_477 : vector<16xi32>
    %and3A_479 = arith.constant 15 : i32
    %and3A_480 = vector.broadcast %and3A_479 : i32 to vector<16xi32>
    %and3A_481 = arith.andi %and3A_478, %and3A_480 : vector<16xi32>
    %shift_right_arithmetic3A_482 = arith.constant 2 : i32
    %shift_right_arithmetic3A_483 = vector.broadcast %shift_right_arithmetic3A_482 : i32 to vector<16xi32>
    %shift_right_arithmetic3A_484 = arith.shrsi %and3A_481, %shift_right_arithmetic3A_483 : vector<16xi32>
    %xor3A_485 = arith.xori %and3A_481, %shift_right_arithmetic3A_484 : vector<16xi32>
    %shift_right_arithmetic3A_486 = arith.constant 1 : i32
    %shift_right_arithmetic3A_487 = vector.broadcast %shift_right_arithmetic3A_486 : i32 to vector<16xi32>
    %shift_right_arithmetic3A_488 = arith.shrsi %xor3A_485, %shift_right_arithmetic3A_487 : vector<16xi32>
    %xor3A_489 = arith.xori %xor3A_485, %shift_right_arithmetic3A_488 : vector<16xi32>
    %and3A_490 = arith.constant 1 : i32
    %and3A_491 = vector.broadcast %and3A_490 : i32 to vector<16xi32>
    %and3A_492 = arith.andi %xor3A_489, %and3A_491 : vector<16xi32>
    %mul3A_493 = arith.constant 2 : i32
    %mul3A_494 = vector.broadcast %mul3A_493 : i32 to vector<16xi32>
    %mul3A_495 = arith.muli %mul3A_494, %and3A_492 : vector<16xi32>
    %sub3A_496 = arith.constant 1 : i32
    %sub3A_497 = vector.broadcast %sub3A_496 : i32 to vector<16xi32>
    %sub3A_498 = arith.subi %sub3A_497, %mul3A_495 : vector<16xi32>
    %convert_element_type3A_499 = arith.sitofp %sub3A_498 : vector<16xi32> to vector<16xf32>
    %shift_right_arithmetic3A_500 = arith.constant 4 : i32
    %shift_right_arithmetic3A_501 = vector.broadcast %shift_right_arithmetic3A_500 : i32 to vector<16xi32>
    %shift_right_arithmetic3A_502 = arith.shrsi %gather3A_477, %shift_right_arithmetic3A_501 : vector<16xi32>
    %shift_left3A_503 = arith.constant 4 : i32
    %shift_left3A_504 = vector.broadcast %shift_left3A_503 : i32 to vector<16xi32>
    %shift_left3A_505 = arith.shli %shift_right_arithmetic3A_502, %shift_left3A_504 : vector<16xi32>
    %add3A_506 = arith.addi %shift_left3A_505, %iota3A : vector<16xi32>
    %swap3A_507 = arith.constant 176 : index
    %swap3A_508 = tpu.vector_load %arg7[%swap3A_507] {strides = array<i32>} : memref<512xf32, #tpu.memory_space<vmem>>, vector<16xf32>,
    tpu.vector_store %arg7[%swap3A_507], %convert_element_type3A_499 {strides = array<i32>} : memref<512xf32, #tpu.memory_space<vmem>>, vector<16xf32>,
    %swap3A_509 = arith.constant 176 : index
    %swap3A_510 = tpu.vector_load %arg8[%swap3A_509] {strides = array<i32>} : memref<512xi32, #tpu.memory_space<vmem>>, vector<16xi32>,
    tpu.vector_store %arg8[%swap3A_509], %add3A_506 {strides = array<i32>} : memref<512xi32, #tpu.memory_space<vmem>>, vector<16xi32>,
    %broadcast_in_dim3A_511 = arith.constant 12 : i32
    %broadcast_in_dim3A_512 = vector.broadcast %broadcast_in_dim3A_511 : i32 to vector<16x1xi32>
    %gather3A_513 = vector.shape_cast %broadcast_in_dim3A_512 : vector<16x1xi32> to vector<16xi32>
    %gather3A_514 = tpu.dynamic_gather %add3A_73[%gather3A_513] in [0] : vector<16xi32>, vector<16xi32> -> vector<16xi32>
    %and3A_515 = arith.andi %iota3A, %gather3A_514 : vector<16xi32>
    %and3A_516 = arith.constant 15 : i32
    %and3A_517 = vector.broadcast %and3A_516 : i32 to vector<16xi32>
    %and3A_518 = arith.andi %and3A_515, %and3A_517 : vector<16xi32>
    %shift_right_arithmetic3A_519 = arith.constant 2 : i32
    %shift_right_arithmetic3A_520 = vector.broadcast %shift_right_arithmetic3A_519 : i32 to vector<16xi32>
    %shift_right_arithmetic3A_521 = arith.shrsi %and3A_518, %shift_right_arithmetic3A_520 : vector<16xi32>
    %xor3A_522 = arith.xori %and3A_518, %shift_right_arithmetic3A_521 : vector<16xi32>
    %shift_right_arithmetic3A_523 = arith.constant 1 : i32
    %shift_right_arithmetic3A_524 = vector.broadcast %shift_right_arithmetic3A_523 : i32 to vector<16xi32>
    %shift_right_arithmetic3A_525 = arith.shrsi %xor3A_522, %shift_right_arithmetic3A_524 : vector<16xi32>
    %xor3A_526 = arith.xori %xor3A_522, %shift_right_arithmetic3A_525 : vector<16xi32>
    %and3A_527 = arith.constant 1 : i32
    %and3A_528 = vector.broadcast %and3A_527 : i32 to vector<16xi32>
    %and3A_529 = arith.andi %xor3A_526, %and3A_528 : vector<16xi32>
    %mul3A_530 = arith.constant 2 : i32
    %mul3A_531 = vector.broadcast %mul3A_530 : i32 to vector<16xi32>
    %mul3A_532 = arith.muli %mul3A_531, %and3A_529 : vector<16xi32>
    %sub3A_533 = arith.constant 1 : i32
    %sub3A_534 = vector.broadcast %sub3A_533 : i32 to vector<16xi32>
    %sub3A_535 = arith.subi %sub3A_534, %mul3A_532 : vector<16xi32>
    %convert_element_type3A_536 = arith.sitofp %sub3A_535 : vector<16xi32> to vector<16xf32>
    %shift_right_arithmetic3A_537 = arith.constant 4 : i32
    %shift_right_arithmetic3A_538 = vector.broadcast %shift_right_arithmetic3A_537 : i32 to vector<16xi32>
    %shift_right_arithmetic3A_539 = arith.shrsi %gather3A_514, %shift_right_arithmetic3A_538 : vector<16xi32>
    %shift_left3A_540 = arith.constant 4 : i32
    %shift_left3A_541 = vector.broadcast %shift_left3A_540 : i32 to vector<16xi32>
    %shift_left3A_542 = arith.shli %shift_right_arithmetic3A_539, %shift_left3A_541 : vector<16xi32>
    %add3A_543 = arith.addi %shift_left3A_542, %iota3A : vector<16xi32>
    %swap3A_544 = arith.constant 192 : index
    %swap3A_545 = tpu.vector_load %arg7[%swap3A_544] {strides = array<i32>} : memref<512xf32, #tpu.memory_space<vmem>>, vector<16xf32>,
    tpu.vector_store %arg7[%swap3A_544], %convert_element_type3A_536 {strides = array<i32>} : memref<512xf32, #tpu.memory_space<vmem>>, vector<16xf32>,
    %swap3A_546 = arith.constant 192 : index
    %swap3A_547 = tpu.vector_load %arg8[%swap3A_546] {strides = array<i32>} : memref<512xi32, #tpu.memory_space<vmem>>, vector<16xi32>,
    tpu.vector_store %arg8[%swap3A_546], %add3A_543 {strides = array<i32>} : memref<512xi32, #tpu.memory_space<vmem>>, vector<16xi32>,
    %broadcast_in_dim3A_548 = arith.constant 13 : i32
    %broadcast_in_dim3A_549 = vector.broadcast %broadcast_in_dim3A_548 : i32 to vector<16x1xi32>
    %gather3A_550 = vector.shape_cast %broadcast_in_dim3A_549 : vector<16x1xi32> to vector<16xi32>
    %gather3A_551 = tpu.dynamic_gather %add3A_73[%gather3A_550] in [0] : vector<16xi32>, vector<16xi32> -> vector<16xi32>
    %and3A_552 = arith.andi %iota3A, %gather3A_551 : vector<16xi32>
    %and3A_553 = arith.constant 15 : i32
    %and3A_554 = vector.broadcast %and3A_553 : i32 to vector<16xi32>
    %and3A_555 = arith.andi %and3A_552, %and3A_554 : vector<16xi32>
    %shift_right_arithmetic3A_556 = arith.constant 2 : i32
    %shift_right_arithmetic3A_557 = vector.broadcast %shift_right_arithmetic3A_556 : i32 to vector<16xi32>
    %shift_right_arithmetic3A_558 = arith.shrsi %and3A_555, %shift_right_arithmetic3A_557 : vector<16xi32>
    %xor3A_559 = arith.xori %and3A_555, %shift_right_arithmetic3A_558 : vector<16xi32>
    %shift_right_arithmetic3A_560 = arith.constant 1 : i32
    %shift_right_arithmetic3A_561 = vector.broadcast %shift_right_arithmetic3A_560 : i32 to vector<16xi32>
    %shift_right_arithmetic3A_562 = arith.shrsi %xor3A_559, %shift_right_arithmetic3A_561 : vector<16xi32>
    %xor3A_563 = arith.xori %xor3A_559, %shift_right_arithmetic3A_562 : vector<16xi32>
    %and3A_564 = arith.constant 1 : i32
    %and3A_565 = vector.broadcast %and3A_564 : i32 to vector<16xi32>
    %and3A_566 = arith.andi %xor3A_563, %and3A_565 : vector<16xi32>
    %mul3A_567 = arith.constant 2 : i32
    %mul3A_568 = vector.broadcast %mul3A_567 : i32 to vector<16xi32>
    %mul3A_569 = arith.muli %mul3A_568, %and3A_566 : vector<16xi32>
    %sub3A_570 = arith.constant 1 : i32
    %sub3A_571 = vector.broadcast %sub3A_570 : i32 to vector<16xi32>
    %sub3A_572 = arith.subi %sub3A_571, %mul3A_569 : vector<16xi32>
    %convert_element_type3A_573 = arith.sitofp %sub3A_572 : vector<16xi32> to vector<16xf32>
    %shift_right_arithmetic3A_574 = arith.constant 4 : i32
    %shift_right_arithmetic3A_575 = vector.broadcast %shift_right_arithmetic3A_574 : i32 to vector<16xi32>
    %shift_right_arithmetic3A_576 = arith.shrsi %gather3A_551, %shift_right_arithmetic3A_575 : vector<16xi32>
    %shift_left3A_577 = arith.constant 4 : i32
    %shift_left3A_578 = vector.broadcast %shift_left3A_577 : i32 to vector<16xi32>
    %shift_left3A_579 = arith.shli %shift_right_arithmetic3A_576, %shift_left3A_578 : vector<16xi32>
    %add3A_580 = arith.addi %shift_left3A_579, %iota3A : vector<16xi32>
    %swap3A_581 = arith.constant 208 : index
    %swap3A_582 = tpu.vector_load %arg7[%swap3A_581] {strides = array<i32>} : memref<512xf32, #tpu.memory_space<vmem>>, vector<16xf32>,
    tpu.vector_store %arg7[%swap3A_581], %convert_element_type3A_573 {strides = array<i32>} : memref<512xf32, #tpu.memory_space<vmem>>, vector<16xf32>,
    %swap3A_583 = arith.constant 208 : index
    %swap3A_584 = tpu.vector_load %arg8[%swap3A_583] {strides = array<i32>} : memref<512xi32, #tpu.memory_space<vmem>>, vector<16xi32>,
    tpu.vector_store %arg8[%swap3A_583], %add3A_580 {strides = array<i32>} : memref<512xi32, #tpu.memory_space<vmem>>, vector<16xi32>,
    %broadcast_in_dim3A_585 = arith.constant 14 : i32
    %broadcast_in_dim3A_586 = vector.broadcast %broadcast_in_dim3A_585 : i32 to vector<16x1xi32>
    %gather3A_587 = vector.shape_cast %broadcast_in_dim3A_586 : vector<16x1xi32> to vector<16xi32>
    %gather3A_588 = tpu.dynamic_gather %add3A_73[%gather3A_587] in [0] : vector<16xi32>, vector<16xi32> -> vector<16xi32>
    %and3A_589 = arith.andi %iota3A, %gather3A_588 : vector<16xi32>
    %and3A_590 = arith.constant 15 : i32
    %and3A_591 = vector.broadcast %and3A_590 : i32 to vector<16xi32>
    %and3A_592 = arith.andi %and3A_589, %and3A_591 : vector<16xi32>
    %shift_right_arithmetic3A_593 = arith.constant 2 : i32
    %shift_right_arithmetic3A_594 = vector.broadcast %shift_right_arithmetic3A_593 : i32 to vector<16xi32>
    %shift_right_arithmetic3A_595 = arith.shrsi %and3A_592, %shift_right_arithmetic3A_594 : vector<16xi32>
    %xor3A_596 = arith.xori %and3A_592, %shift_right_arithmetic3A_595 : vector<16xi32>
    %shift_right_arithmetic3A_597 = arith.constant 1 : i32
    %shift_right_arithmetic3A_598 = vector.broadcast %shift_right_arithmetic3A_597 : i32 to vector<16xi32>
    %shift_right_arithmetic3A_599 = arith.shrsi %xor3A_596, %shift_right_arithmetic3A_598 : vector<16xi32>
    %xor3A_600 = arith.xori %xor3A_596, %shift_right_arithmetic3A_599 : vector<16xi32>
    %and3A_601 = arith.constant 1 : i32
    %and3A_602 = vector.broadcast %and3A_601 : i32 to vector<16xi32>
    %and3A_603 = arith.andi %xor3A_600, %and3A_602 : vector<16xi32>
    %mul3A_604 = arith.constant 2 : i32
    %mul3A_605 = vector.broadcast %mul3A_604 : i32 to vector<16xi32>
    %mul3A_606 = arith.muli %mul3A_605, %and3A_603 : vector<16xi32>
    %sub3A_607 = arith.constant 1 : i32
    %sub3A_608 = vector.broadcast %sub3A_607 : i32 to vector<16xi32>
    %sub3A_609 = arith.subi %sub3A_608, %mul3A_606 : vector<16xi32>
    %convert_element_type3A_610 = arith.sitofp %sub3A_609 : vector<16xi32> to vector<16xf32>
    %shift_right_arithmetic3A_611 = arith.constant 4 : i32
    %shift_right_arithmetic3A_612 = vector.broadcast %shift_right_arithmetic3A_611 : i32 to vector<16xi32>
    %shift_right_arithmetic3A_613 = arith.shrsi %gather3A_588, %shift_right_arithmetic3A_612 : vector<16xi32>
    %shift_left3A_614 = arith.constant 4 : i32
    %shift_left3A_615 = vector.broadcast %shift_left3A_614 : i32 to vector<16xi32>
    %shift_left3A_616 = arith.shli %shift_right_arithmetic3A_613, %shift_left3A_615 : vector<16xi32>
    %add3A_617 = arith.addi %shift_left3A_616, %iota3A : vector<16xi32>
    %swap3A_618 = arith.constant 224 : index
    %swap3A_619 = tpu.vector_load %arg7[%swap3A_618] {strides = array<i32>} : memref<512xf32, #tpu.memory_space<vmem>>, vector<16xf32>,
    tpu.vector_store %arg7[%swap3A_618], %convert_element_type3A_610 {strides = array<i32>} : memref<512xf32, #tpu.memory_space<vmem>>, vector<16xf32>,
    %swap3A_620 = arith.constant 224 : index
    %swap3A_621 = tpu.vector_load %arg8[%swap3A_620] {strides = array<i32>} : memref<512xi32, #tpu.memory_space<vmem>>, vector<16xi32>,
    tpu.vector_store %arg8[%swap3A_620], %add3A_617 {strides = array<i32>} : memref<512xi32, #tpu.memory_space<vmem>>, vector<16xi32>,
    %broadcast_in_dim3A_622 = arith.constant 15 : i32
    %broadcast_in_dim3A_623 = vector.broadcast %broadcast_in_dim3A_622 : i32 to vector<16x1xi32>
    %gather3A_624 = vector.shape_cast %broadcast_in_dim3A_623 : vector<16x1xi32> to vector<16xi32>
    %gather3A_625 = tpu.dynamic_gather %add3A_73[%gather3A_624] in [0] : vector<16xi32>, vector<16xi32> -> vector<16xi32>
    %and3A_626 = arith.andi %iota3A, %gather3A_625 : vector<16xi32>
    %and3A_627 = arith.constant 15 : i32
    %and3A_628 = vector.broadcast %and3A_627 : i32 to vector<16xi32>
    %and3A_629 = arith.andi %and3A_626, %and3A_628 : vector<16xi32>
    %shift_right_arithmetic3A_630 = arith.constant 2 : i32
    %shift_right_arithmetic3A_631 = vector.broadcast %shift_right_arithmetic3A_630 : i32 to vector<16xi32>
    %shift_right_arithmetic3A_632 = arith.shrsi %and3A_629, %shift_right_arithmetic3A_631 : vector<16xi32>
    %xor3A_633 = arith.xori %and3A_629, %shift_right_arithmetic3A_632 : vector<16xi32>
    %shift_right_arithmetic3A_634 = arith.constant 1 : i32
    %shift_right_arithmetic3A_635 = vector.broadcast %shift_right_arithmetic3A_634 : i32 to vector<16xi32>
    %shift_right_arithmetic3A_636 = arith.shrsi %xor3A_633, %shift_right_arithmetic3A_635 : vector<16xi32>
    %xor3A_637 = arith.xori %xor3A_633, %shift_right_arithmetic3A_636 : vector<16xi32>
    %and3A_638 = arith.constant 1 : i32
    %and3A_639 = vector.broadcast %and3A_638 : i32 to vector<16xi32>
    %and3A_640 = arith.andi %xor3A_637, %and3A_639 : vector<16xi32>
    %mul3A_641 = arith.constant 2 : i32
    %mul3A_642 = vector.broadcast %mul3A_641 : i32 to vector<16xi32>
    %mul3A_643 = arith.muli %mul3A_642, %and3A_640 : vector<16xi32>
    %sub3A_644 = arith.constant 1 : i32
    %sub3A_645 = vector.broadcast %sub3A_644 : i32 to vector<16xi32>
    %sub3A_646 = arith.subi %sub3A_645, %mul3A_643 : vector<16xi32>
    %convert_element_type3A_647 = arith.sitofp %sub3A_646 : vector<16xi32> to vector<16xf32>
    %shift_right_arithmetic3A_648 = arith.constant 4 : i32
    %shift_right_arithmetic3A_649 = vector.broadcast %shift_right_arithmetic3A_648 : i32 to vector<16xi32>
    %shift_right_arithmetic3A_650 = arith.shrsi %gather3A_625, %shift_right_arithmetic3A_649 : vector<16xi32>
    %shift_left3A_651 = arith.constant 4 : i32
    %shift_left3A_652 = vector.broadcast %shift_left3A_651 : i32 to vector<16xi32>
    %shift_left3A_653 = arith.shli %shift_right_arithmetic3A_650, %shift_left3A_652 : vector<16xi32>
    %add3A_654 = arith.addi %shift_left3A_653, %iota3A : vector<16xi32>
    %swap3A_655 = arith.constant 240 : index
    %swap3A_656 = tpu.vector_load %arg7[%swap3A_655] {strides = array<i32>} : memref<512xf32, #tpu.memory_space<vmem>>, vector<16xf32>,
    tpu.vector_store %arg7[%swap3A_655], %convert_element_type3A_647 {strides = array<i32>} : memref<512xf32, #tpu.memory_space<vmem>>, vector<16xf32>,
    %swap3A_657 = arith.constant 240 : index
    %swap3A_658 = tpu.vector_load %arg8[%swap3A_657] {strides = array<i32>} : memref<512xi32, #tpu.memory_space<vmem>>, vector<16xi32>,
    tpu.vector_store %arg8[%swap3A_657], %add3A_654 {strides = array<i32>} : memref<512xi32, #tpu.memory_space<vmem>>, vector<16xi32>,
    %broadcast_in_dim3A_659 = arith.constant 0 : i32
    %broadcast_in_dim3A_660 = vector.broadcast %broadcast_in_dim3A_659 : i32 to vector<16xi32>
    %get3A_661 = arith.constant 16 : index
    %get3A_662 = tpu.vector_load %arg6[%get3A_661] {strides = array<i32>} : memref<384xi32, #tpu.memory_space<vmem>>, vector<16xi32>,
    %shift_left3A_663 = arith.constant 0 : i32
    %shift_left3A_664 = vector.broadcast %shift_left3A_663 : i32 to vector<16xi32>
    %shift_left3A_665 = arith.shli %get3A_662, %shift_left3A_664 : vector<16xi32>
    %add3A_666 = arith.addi %broadcast_in_dim3A_660, %shift_left3A_665 : vector<16xi32>
    %get3A_667 = arith.constant 48 : index
    %get3A_668 = tpu.vector_load %arg6[%get3A_667] {strides = array<i32>} : memref<384xi32, #tpu.memory_space<vmem>>, vector<16xi32>,
    %shift_left3A_669 = arith.constant 1 : i32
    %shift_left3A_670 = vector.broadcast %shift_left3A_669 : i32 to vector<16xi32>
    %shift_left3A_671 = arith.shli %get3A_668, %shift_left3A_670 : vector<16xi32>
    %add3A_672 = arith.addi %add3A_666, %shift_left3A_671 : vector<16xi32>
    %get3A_673 = arith.constant 80 : index
    %get3A_674 = tpu.vector_load %arg6[%get3A_673] {strides = array<i32>} : memref<384xi32, #tpu.memory_space<vmem>>, vector<16xi32>,
    %shift_left3A_675 = arith.constant 2 : i32
    %shift_left3A_676 = vector.broadcast %shift_left3A_675 : i32 to vector<16xi32>
    %shift_left3A_677 = arith.shli %get3A_674, %shift_left3A_676 : vector<16xi32>
    %add3A_678 = arith.addi %add3A_672, %shift_left3A_677 : vector<16xi32>
    %get3A_679 = arith.constant 112 : index
    %get3A_680 = tpu.vector_load %arg6[%get3A_679] {strides = array<i32>} : memref<384xi32, #tpu.memory_space<vmem>>, vector<16xi32>,
    %shift_left3A_681 = arith.constant 3 : i32
    %shift_left3A_682 = vector.broadcast %shift_left3A_681 : i32 to vector<16xi32>
    %shift_left3A_683 = arith.shli %get3A_680, %shift_left3A_682 : vector<16xi32>
    %add3A_684 = arith.addi %add3A_678, %shift_left3A_683 : vector<16xi32>
    %get3A_685 = arith.constant 144 : index
    %get3A_686 = tpu.vector_load %arg6[%get3A_685] {strides = array<i32>} : memref<384xi32, #tpu.memory_space<vmem>>, vector<16xi32>,
    %shift_left3A_687 = arith.constant 4 : i32
    %shift_left3A_688 = vector.broadcast %shift_left3A_687 : i32 to vector<16xi32>
    %shift_left3A_689 = arith.shli %get3A_686, %shift_left3A_688 : vector<16xi32>
    %add3A_690 = arith.addi %add3A_684, %shift_left3A_689 : vector<16xi32>
    %get3A_691 = arith.constant 176 : index
    %get3A_692 = tpu.vector_load %arg6[%get3A_691] {strides = array<i32>} : memref<384xi32, #tpu.memory_space<vmem>>, vector<16xi32>,
    %shift_left3A_693 = arith.constant 5 : i32
    %shift_left3A_694 = vector.broadcast %shift_left3A_693 : i32 to vector<16xi32>
    %shift_left3A_695 = arith.shli %get3A_692, %shift_left3A_694 : vector<16xi32>
    %add3A_696 = arith.addi %add3A_690, %shift_left3A_695 : vector<16xi32>
    %get3A_697 = arith.constant 208 : index
    %get3A_698 = tpu.vector_load %arg6[%get3A_697] {strides = array<i32>} : memref<384xi32, #tpu.memory_space<vmem>>, vector<16xi32>,
    %shift_left3A_699 = arith.constant 6 : i32
    %shift_left3A_700 = vector.broadcast %shift_left3A_699 : i32 to vector<16xi32>
    %shift_left3A_701 = arith.shli %get3A_698, %shift_left3A_700 : vector<16xi32>
    %add3A_702 = arith.addi %add3A_696, %shift_left3A_701 : vector<16xi32>
    %get3A_703 = arith.constant 240 : index
    %get3A_704 = tpu.vector_load %arg6[%get3A_703] {strides = array<i32>} : memref<384xi32, #tpu.memory_space<vmem>>, vector<16xi32>,
    %shift_left3A_705 = arith.constant 7 : i32
    %shift_left3A_706 = vector.broadcast %shift_left3A_705 : i32 to vector<16xi32>
    %shift_left3A_707 = arith.shli %get3A_704, %shift_left3A_706 : vector<16xi32>
    %add3A_708 = arith.addi %add3A_702, %shift_left3A_707 : vector<16xi32>
    %get3A_709 = arith.constant 272 : index
    %get3A_710 = tpu.vector_load %arg6[%get3A_709] {strides = array<i32>} : memref<384xi32, #tpu.memory_space<vmem>>, vector<16xi32>,
    %shift_left3A_711 = arith.constant 8 : i32
    %shift_left3A_712 = vector.broadcast %shift_left3A_711 : i32 to vector<16xi32>
    %shift_left3A_713 = arith.shli %get3A_710, %shift_left3A_712 : vector<16xi32>
    %add3A_714 = arith.addi %add3A_708, %shift_left3A_713 : vector<16xi32>
    %get3A_715 = arith.constant 304 : index
    %get3A_716 = tpu.vector_load %arg6[%get3A_715] {strides = array<i32>} : memref<384xi32, #tpu.memory_space<vmem>>, vector<16xi32>,
    %shift_left3A_717 = arith.constant 9 : i32
    %shift_left3A_718 = vector.broadcast %shift_left3A_717 : i32 to vector<16xi32>
    %shift_left3A_719 = arith.shli %get3A_716, %shift_left3A_718 : vector<16xi32>
    %add3A_720 = arith.addi %add3A_714, %shift_left3A_719 : vector<16xi32>
    %get3A_721 = arith.constant 336 : index
    %get3A_722 = tpu.vector_load %arg6[%get3A_721] {strides = array<i32>} : memref<384xi32, #tpu.memory_space<vmem>>, vector<16xi32>,
    %shift_left3A_723 = arith.constant 10 : i32
    %shift_left3A_724 = vector.broadcast %shift_left3A_723 : i32 to vector<16xi32>
    %shift_left3A_725 = arith.shli %get3A_722, %shift_left3A_724 : vector<16xi32>
    %add3A_726 = arith.addi %add3A_720, %shift_left3A_725 : vector<16xi32>
    %get3A_727 = arith.constant 368 : index
    %get3A_728 = tpu.vector_load %arg6[%get3A_727] {strides = array<i32>} : memref<384xi32, #tpu.memory_space<vmem>>, vector<16xi32>,
    %shift_left3A_729 = arith.constant 11 : i32
    %shift_left3A_730 = vector.broadcast %shift_left3A_729 : i32 to vector<16xi32>
    %shift_left3A_731 = arith.shli %get3A_728, %shift_left3A_730 : vector<16xi32>
    %add3A_732 = arith.addi %add3A_726, %shift_left3A_731 : vector<16xi32>
    %broadcast_in_dim3A_733 = arith.constant 0 : i32
    %broadcast_in_dim3A_734 = vector.broadcast %broadcast_in_dim3A_733 : i32 to vector<16x1xi32>
    %gather3A_735 = vector.shape_cast %broadcast_in_dim3A_734 : vector<16x1xi32> to vector<16xi32>
    %gather3A_736 = tpu.dynamic_gather %add3A_732[%gather3A_735] in [0] : vector<16xi32>, vector<16xi32> -> vector<16xi32>
    %and3A_737 = arith.andi %iota3A, %gather3A_736 : vector<16xi32>
    %and3A_738 = arith.constant 15 : i32
    %and3A_739 = vector.broadcast %and3A_738 : i32 to vector<16xi32>
    %and3A_740 = arith.andi %and3A_737, %and3A_739 : vector<16xi32>
    %shift_right_arithmetic3A_741 = arith.constant 2 : i32
    %shift_right_arithmetic3A_742 = vector.broadcast %shift_right_arithmetic3A_741 : i32 to vector<16xi32>
    %shift_right_arithmetic3A_743 = arith.shrsi %and3A_740, %shift_right_arithmetic3A_742 : vector<16xi32>
    %xor3A_744 = arith.xori %and3A_740, %shift_right_arithmetic3A_743 : vector<16xi32>
    %shift_right_arithmetic3A_745 = arith.constant 1 : i32
    %shift_right_arithmetic3A_746 = vector.broadcast %shift_right_arithmetic3A_745 : i32 to vector<16xi32>
    %shift_right_arithmetic3A_747 = arith.shrsi %xor3A_744, %shift_right_arithmetic3A_746 : vector<16xi32>
    %xor3A_748 = arith.xori %xor3A_744, %shift_right_arithmetic3A_747 : vector<16xi32>
    %and3A_749 = arith.constant 1 : i32
    %and3A_750 = vector.broadcast %and3A_749 : i32 to vector<16xi32>
    %and3A_751 = arith.andi %xor3A_748, %and3A_750 : vector<16xi32>
    %mul3A_752 = arith.constant 2 : i32
    %mul3A_753 = vector.broadcast %mul3A_752 : i32 to vector<16xi32>
    %mul3A_754 = arith.muli %mul3A_753, %and3A_751 : vector<16xi32>
    %sub3A_755 = arith.constant 1 : i32
    %sub3A_756 = vector.broadcast %sub3A_755 : i32 to vector<16xi32>
    %sub3A_757 = arith.subi %sub3A_756, %mul3A_754 : vector<16xi32>
    %convert_element_type3A_758 = arith.sitofp %sub3A_757 : vector<16xi32> to vector<16xf32>
    %shift_right_arithmetic3A_759 = arith.constant 4 : i32
    %shift_right_arithmetic3A_760 = vector.broadcast %shift_right_arithmetic3A_759 : i32 to vector<16xi32>
    %shift_right_arithmetic3A_761 = arith.shrsi %gather3A_736, %shift_right_arithmetic3A_760 : vector<16xi32>
    %shift_left3A_762 = arith.constant 4 : i32
    %shift_left3A_763 = vector.broadcast %shift_left3A_762 : i32 to vector<16xi32>
    %shift_left3A_764 = arith.shli %shift_right_arithmetic3A_761, %shift_left3A_763 : vector<16xi32>
    %add3A_765 = arith.addi %shift_left3A_764, %iota3A : vector<16xi32>
    %swap3A_766 = arith.constant 256 : index
    %swap3A_767 = tpu.vector_load %arg7[%swap3A_766] {strides = array<i32>} : memref<512xf32, #tpu.memory_space<vmem>>, vector<16xf32>,
    tpu.vector_store %arg7[%swap3A_766], %convert_element_type3A_758 {strides = array<i32>} : memref<512xf32, #tpu.memory_space<vmem>>, vector<16xf32>,
    %swap3A_768 = arith.constant 256 : index
    %swap3A_769 = tpu.vector_load %arg8[%swap3A_768] {strides = array<i32>} : memref<512xi32, #tpu.memory_space<vmem>>, vector<16xi32>,
    tpu.vector_store %arg8[%swap3A_768], %add3A_765 {strides = array<i32>} : memref<512xi32, #tpu.memory_space<vmem>>, vector<16xi32>,
    %broadcast_in_dim3A_770 = arith.constant 1 : i32
    %broadcast_in_dim3A_771 = vector.broadcast %broadcast_in_dim3A_770 : i32 to vector<16x1xi32>
    %gather3A_772 = vector.shape_cast %broadcast_in_dim3A_771 : vector<16x1xi32> to vector<16xi32>
    %gather3A_773 = tpu.dynamic_gather %add3A_732[%gather3A_772] in [0] : vector<16xi32>, vector<16xi32> -> vector<16xi32>
    %and3A_774 = arith.andi %iota3A, %gather3A_773 : vector<16xi32>
    %and3A_775 = arith.constant 15 : i32
    %and3A_776 = vector.broadcast %and3A_775 : i32 to vector<16xi32>
    %and3A_777 = arith.andi %and3A_774, %and3A_776 : vector<16xi32>
    %shift_right_arithmetic3A_778 = arith.constant 2 : i32
    %shift_right_arithmetic3A_779 = vector.broadcast %shift_right_arithmetic3A_778 : i32 to vector<16xi32>
    %shift_right_arithmetic3A_780 = arith.shrsi %and3A_777, %shift_right_arithmetic3A_779 : vector<16xi32>
    %xor3A_781 = arith.xori %and3A_777, %shift_right_arithmetic3A_780 : vector<16xi32>
    %shift_right_arithmetic3A_782 = arith.constant 1 : i32
    %shift_right_arithmetic3A_783 = vector.broadcast %shift_right_arithmetic3A_782 : i32 to vector<16xi32>
    %shift_right_arithmetic3A_784 = arith.shrsi %xor3A_781, %shift_right_arithmetic3A_783 : vector<16xi32>
    %xor3A_785 = arith.xori %xor3A_781, %shift_right_arithmetic3A_784 : vector<16xi32>
    %and3A_786 = arith.constant 1 : i32
    %and3A_787 = vector.broadcast %and3A_786 : i32 to vector<16xi32>
    %and3A_788 = arith.andi %xor3A_785, %and3A_787 : vector<16xi32>
    %mul3A_789 = arith.constant 2 : i32
    %mul3A_790 = vector.broadcast %mul3A_789 : i32 to vector<16xi32>
    %mul3A_791 = arith.muli %mul3A_790, %and3A_788 : vector<16xi32>
    %sub3A_792 = arith.constant 1 : i32
    %sub3A_793 = vector.broadcast %sub3A_792 : i32 to vector<16xi32>
    %sub3A_794 = arith.subi %sub3A_793, %mul3A_791 : vector<16xi32>
    %convert_element_type3A_795 = arith.sitofp %sub3A_794 : vector<16xi32> to vector<16xf32>
    %shift_right_arithmetic3A_796 = arith.constant 4 : i32
    %shift_right_arithmetic3A_797 = vector.broadcast %shift_right_arithmetic3A_796 : i32 to vector<16xi32>
    %shift_right_arithmetic3A_798 = arith.shrsi %gather3A_773, %shift_right_arithmetic3A_797 : vector<16xi32>
    %shift_left3A_799 = arith.constant 4 : i32
    %shift_left3A_800 = vector.broadcast %shift_left3A_799 : i32 to vector<16xi32>
    %shift_left3A_801 = arith.shli %shift_right_arithmetic3A_798, %shift_left3A_800 : vector<16xi32>
    %add3A_802 = arith.addi %shift_left3A_801, %iota3A : vector<16xi32>
    %swap3A_803 = arith.constant 272 : index
    %swap3A_804 = tpu.vector_load %arg7[%swap3A_803] {strides = array<i32>} : memref<512xf32, #tpu.memory_space<vmem>>, vector<16xf32>,
    tpu.vector_store %arg7[%swap3A_803], %convert_element_type3A_795 {strides = array<i32>} : memref<512xf32, #tpu.memory_space<vmem>>, vector<16xf32>,
    %swap3A_805 = arith.constant 272 : index
    %swap3A_806 = tpu.vector_load %arg8[%swap3A_805] {strides = array<i32>} : memref<512xi32, #tpu.memory_space<vmem>>, vector<16xi32>,
    tpu.vector_store %arg8[%swap3A_805], %add3A_802 {strides = array<i32>} : memref<512xi32, #tpu.memory_space<vmem>>, vector<16xi32>,
    %broadcast_in_dim3A_807 = arith.constant 2 : i32
    %broadcast_in_dim3A_808 = vector.broadcast %broadcast_in_dim3A_807 : i32 to vector<16x1xi32>
    %gather3A_809 = vector.shape_cast %broadcast_in_dim3A_808 : vector<16x1xi32> to vector<16xi32>
    %gather3A_810 = tpu.dynamic_gather %add3A_732[%gather3A_809] in [0] : vector<16xi32>, vector<16xi32> -> vector<16xi32>
    %and3A_811 = arith.andi %iota3A, %gather3A_810 : vector<16xi32>
    %and3A_812 = arith.constant 15 : i32
    %and3A_813 = vector.broadcast %and3A_812 : i32 to vector<16xi32>
    %and3A_814 = arith.andi %and3A_811, %and3A_813 : vector<16xi32>
    %shift_right_arithmetic3A_815 = arith.constant 2 : i32
    %shift_right_arithmetic3A_816 = vector.broadcast %shift_right_arithmetic3A_815 : i32 to vector<16xi32>
    %shift_right_arithmetic3A_817 = arith.shrsi %and3A_814, %shift_right_arithmetic3A_816 : vector<16xi32>
    %xor3A_818 = arith.xori %and3A_814, %shift_right_arithmetic3A_817 : vector<16xi32>
    %shift_right_arithmetic3A_819 = arith.constant 1 : i32
    %shift_right_arithmetic3A_820 = vector.broadcast %shift_right_arithmetic3A_819 : i32 to vector<16xi32>
    %shift_right_arithmetic3A_821 = arith.shrsi %xor3A_818, %shift_right_arithmetic3A_820 : vector<16xi32>
    %xor3A_822 = arith.xori %xor3A_818, %shift_right_arithmetic3A_821 : vector<16xi32>
    %and3A_823 = arith.constant 1 : i32
    %and3A_824 = vector.broadcast %and3A_823 : i32 to vector<16xi32>
    %and3A_825 = arith.andi %xor3A_822, %and3A_824 : vector<16xi32>
    %mul3A_826 = arith.constant 2 : i32
    %mul3A_827 = vector.broadcast %mul3A_826 : i32 to vector<16xi32>
    %mul3A_828 = arith.muli %mul3A_827, %and3A_825 : vector<16xi32>
    %sub3A_829 = arith.constant 1 : i32
    %sub3A_830 = vector.broadcast %sub3A_829 : i32 to vector<16xi32>
    %sub3A_831 = arith.subi %sub3A_830, %mul3A_828 : vector<16xi32>
    %convert_element_type3A_832 = arith.sitofp %sub3A_831 : vector<16xi32> to vector<16xf32>
    %shift_right_arithmetic3A_833 = arith.constant 4 : i32
    %shift_right_arithmetic3A_834 = vector.broadcast %shift_right_arithmetic3A_833 : i32 to vector<16xi32>
    %shift_right_arithmetic3A_835 = arith.shrsi %gather3A_810, %shift_right_arithmetic3A_834 : vector<16xi32>
    %shift_left3A_836 = arith.constant 4 : i32
    %shift_left3A_837 = vector.broadcast %shift_left3A_836 : i32 to vector<16xi32>
    %shift_left3A_838 = arith.shli %shift_right_arithmetic3A_835, %shift_left3A_837 : vector<16xi32>
    %add3A_839 = arith.addi %shift_left3A_838, %iota3A : vector<16xi32>
    %swap3A_840 = arith.constant 288 : index
    %swap3A_841 = tpu.vector_load %arg7[%swap3A_840] {strides = array<i32>} : memref<512xf32, #tpu.memory_space<vmem>>, vector<16xf32>,
    tpu.vector_store %arg7[%swap3A_840], %convert_element_type3A_832 {strides = array<i32>} : memref<512xf32, #tpu.memory_space<vmem>>, vector<16xf32>,
    %swap3A_842 = arith.constant 288 : index
    %swap3A_843 = tpu.vector_load %arg8[%swap3A_842] {strides = array<i32>} : memref<512xi32, #tpu.memory_space<vmem>>, vector<16xi32>,
    tpu.vector_store %arg8[%swap3A_842], %add3A_839 {strides = array<i32>} : memref<512xi32, #tpu.memory_space<vmem>>, vector<16xi32>,
    %broadcast_in_dim3A_844 = arith.constant 3 : i32
    %broadcast_in_dim3A_845 = vector.broadcast %broadcast_in_dim3A_844 : i32 to vector<16x1xi32>
    %gather3A_846 = vector.shape_cast %broadcast_in_dim3A_845 : vector<16x1xi32> to vector<16xi32>
    %gather3A_847 = tpu.dynamic_gather %add3A_732[%gather3A_846] in [0] : vector<16xi32>, vector<16xi32> -> vector<16xi32>
    %and3A_848 = arith.andi %iota3A, %gather3A_847 : vector<16xi32>
    %and3A_849 = arith.constant 15 : i32
    %and3A_850 = vector.broadcast %and3A_849 : i32 to vector<16xi32>
    %and3A_851 = arith.andi %and3A_848, %and3A_850 : vector<16xi32>
    %shift_right_arithmetic3A_852 = arith.constant 2 : i32
    %shift_right_arithmetic3A_853 = vector.broadcast %shift_right_arithmetic3A_852 : i32 to vector<16xi32>
    %shift_right_arithmetic3A_854 = arith.shrsi %and3A_851, %shift_right_arithmetic3A_853 : vector<16xi32>
    %xor3A_855 = arith.xori %and3A_851, %shift_right_arithmetic3A_854 : vector<16xi32>
    %shift_right_arithmetic3A_856 = arith.constant 1 : i32
    %shift_right_arithmetic3A_857 = vector.broadcast %shift_right_arithmetic3A_856 : i32 to vector<16xi32>
    %shift_right_arithmetic3A_858 = arith.shrsi %xor3A_855, %shift_right_arithmetic3A_857 : vector<16xi32>
    %xor3A_859 = arith.xori %xor3A_855, %shift_right_arithmetic3A_858 : vector<16xi32>
    %and3A_860 = arith.constant 1 : i32
    %and3A_861 = vector.broadcast %and3A_860 : i32 to vector<16xi32>
    %and3A_862 = arith.andi %xor3A_859, %and3A_861 : vector<16xi32>
    %mul3A_863 = arith.constant 2 : i32
    %mul3A_864 = vector.broadcast %mul3A_863 : i32 to vector<16xi32>
    %mul3A_865 = arith.muli %mul3A_864, %and3A_862 : vector<16xi32>
    %sub3A_866 = arith.constant 1 : i32
    %sub3A_867 = vector.broadcast %sub3A_866 : i32 to vector<16xi32>
    %sub3A_868 = arith.subi %sub3A_867, %mul3A_865 : vector<16xi32>
    %convert_element_type3A_869 = arith.sitofp %sub3A_868 : vector<16xi32> to vector<16xf32>
    %shift_right_arithmetic3A_870 = arith.constant 4 : i32
    %shift_right_arithmetic3A_871 = vector.broadcast %shift_right_arithmetic3A_870 : i32 to vector<16xi32>
    %shift_right_arithmetic3A_872 = arith.shrsi %gather3A_847, %shift_right_arithmetic3A_871 : vector<16xi32>
    %shift_left3A_873 = arith.constant 4 : i32
    %shift_left3A_874 = vector.broadcast %shift_left3A_873 : i32 to vector<16xi32>
    %shift_left3A_875 = arith.shli %shift_right_arithmetic3A_872, %shift_left3A_874 : vector<16xi32>
    %add3A_876 = arith.addi %shift_left3A_875, %iota3A : vector<16xi32>
    %swap3A_877 = arith.constant 304 : index
    %swap3A_878 = tpu.vector_load %arg7[%swap3A_877] {strides = array<i32>} : memref<512xf32, #tpu.memory_space<vmem>>, vector<16xf32>,
    tpu.vector_store %arg7[%swap3A_877], %convert_element_type3A_869 {strides = array<i32>} : memref<512xf32, #tpu.memory_space<vmem>>, vector<16xf32>,
    %swap3A_879 = arith.constant 304 : index
    %swap3A_880 = tpu.vector_load %arg8[%swap3A_879] {strides = array<i32>} : memref<512xi32, #tpu.memory_space<vmem>>, vector<16xi32>,
    tpu.vector_store %arg8[%swap3A_879], %add3A_876 {strides = array<i32>} : memref<512xi32, #tpu.memory_space<vmem>>, vector<16xi32>,
    %broadcast_in_dim3A_881 = arith.constant 4 : i32
    %broadcast_in_dim3A_882 = vector.broadcast %broadcast_in_dim3A_881 : i32 to vector<16x1xi32>
    %gather3A_883 = vector.shape_cast %broadcast_in_dim3A_882 : vector<16x1xi32> to vector<16xi32>
    %gather3A_884 = tpu.dynamic_gather %add3A_732[%gather3A_883] in [0] : vector<16xi32>, vector<16xi32> -> vector<16xi32>
    %and3A_885 = arith.andi %iota3A, %gather3A_884 : vector<16xi32>
    %and3A_886 = arith.constant 15 : i32
    %and3A_887 = vector.broadcast %and3A_886 : i32 to vector<16xi32>
    %and3A_888 = arith.andi %and3A_885, %and3A_887 : vector<16xi32>
    %shift_right_arithmetic3A_889 = arith.constant 2 : i32
    %shift_right_arithmetic3A_890 = vector.broadcast %shift_right_arithmetic3A_889 : i32 to vector<16xi32>
    %shift_right_arithmetic3A_891 = arith.shrsi %and3A_888, %shift_right_arithmetic3A_890 : vector<16xi32>
    %xor3A_892 = arith.xori %and3A_888, %shift_right_arithmetic3A_891 : vector<16xi32>
    %shift_right_arithmetic3A_893 = arith.constant 1 : i32
    %shift_right_arithmetic3A_894 = vector.broadcast %shift_right_arithmetic3A_893 : i32 to vector<16xi32>
    %shift_right_arithmetic3A_895 = arith.shrsi %xor3A_892, %shift_right_arithmetic3A_894 : vector<16xi32>
    %xor3A_896 = arith.xori %xor3A_892, %shift_right_arithmetic3A_895 : vector<16xi32>
    %and3A_897 = arith.constant 1 : i32
    %and3A_898 = vector.broadcast %and3A_897 : i32 to vector<16xi32>
    %and3A_899 = arith.andi %xor3A_896, %and3A_898 : vector<16xi32>
    %mul3A_900 = arith.constant 2 : i32
    %mul3A_901 = vector.broadcast %mul3A_900 : i32 to vector<16xi32>
    %mul3A_902 = arith.muli %mul3A_901, %and3A_899 : vector<16xi32>
    %sub3A_903 = arith.constant 1 : i32
    %sub3A_904 = vector.broadcast %sub3A_903 : i32 to vector<16xi32>
    %sub3A_905 = arith.subi %sub3A_904, %mul3A_902 : vector<16xi32>
    %convert_element_type3A_906 = arith.sitofp %sub3A_905 : vector<16xi32> to vector<16xf32>
    %shift_right_arithmetic3A_907 = arith.constant 4 : i32
    %shift_right_arithmetic3A_908 = vector.broadcast %shift_right_arithmetic3A_907 : i32 to vector<16xi32>
    %shift_right_arithmetic3A_909 = arith.shrsi %gather3A_884, %shift_right_arithmetic3A_908 : vector<16xi32>
    %shift_left3A_910 = arith.constant 4 : i32
    %shift_left3A_911 = vector.broadcast %shift_left3A_910 : i32 to vector<16xi32>
    %shift_left3A_912 = arith.shli %shift_right_arithmetic3A_909, %shift_left3A_911 : vector<16xi32>
    %add3A_913 = arith.addi %shift_left3A_912, %iota3A : vector<16xi32>
    %swap3A_914 = arith.constant 320 : index
    %swap3A_915 = tpu.vector_load %arg7[%swap3A_914] {strides = array<i32>} : memref<512xf32, #tpu.memory_space<vmem>>, vector<16xf32>,
    tpu.vector_store %arg7[%swap3A_914], %convert_element_type3A_906 {strides = array<i32>} : memref<512xf32, #tpu.memory_space<vmem>>, vector<16xf32>,
    %swap3A_916 = arith.constant 320 : index
    %swap3A_917 = tpu.vector_load %arg8[%swap3A_916] {strides = array<i32>} : memref<512xi32, #tpu.memory_space<vmem>>, vector<16xi32>,
    tpu.vector_store %arg8[%swap3A_916], %add3A_913 {strides = array<i32>} : memref<512xi32, #tpu.memory_space<vmem>>, vector<16xi32>,
    %broadcast_in_dim3A_918 = arith.constant 5 : i32
    %broadcast_in_dim3A_919 = vector.broadcast %broadcast_in_dim3A_918 : i32 to vector<16x1xi32>
    %gather3A_920 = vector.shape_cast %broadcast_in_dim3A_919 : vector<16x1xi32> to vector<16xi32>
    %gather3A_921 = tpu.dynamic_gather %add3A_732[%gather3A_920] in [0] : vector<16xi32>, vector<16xi32> -> vector<16xi32>
    %and3A_922 = arith.andi %iota3A, %gather3A_921 : vector<16xi32>
    %and3A_923 = arith.constant 15 : i32
    %and3A_924 = vector.broadcast %and3A_923 : i32 to vector<16xi32>
    %and3A_925 = arith.andi %and3A_922, %and3A_924 : vector<16xi32>
    %shift_right_arithmetic3A_926 = arith.constant 2 : i32
    %shift_right_arithmetic3A_927 = vector.broadcast %shift_right_arithmetic3A_926 : i32 to vector<16xi32>
    %shift_right_arithmetic3A_928 = arith.shrsi %and3A_925, %shift_right_arithmetic3A_927 : vector<16xi32>
    %xor3A_929 = arith.xori %and3A_925, %shift_right_arithmetic3A_928 : vector<16xi32>
    %shift_right_arithmetic3A_930 = arith.constant 1 : i32
    %shift_right_arithmetic3A_931 = vector.broadcast %shift_right_arithmetic3A_930 : i32 to vector<16xi32>
    %shift_right_arithmetic3A_932 = arith.shrsi %xor3A_929, %shift_right_arithmetic3A_931 : vector<16xi32>
    %xor3A_933 = arith.xori %xor3A_929, %shift_right_arithmetic3A_932 : vector<16xi32>
    %and3A_934 = arith.constant 1 : i32
    %and3A_935 = vector.broadcast %and3A_934 : i32 to vector<16xi32>
    %and3A_936 = arith.andi %xor3A_933, %and3A_935 : vector<16xi32>
    %mul3A_937 = arith.constant 2 : i32
    %mul3A_938 = vector.broadcast %mul3A_937 : i32 to vector<16xi32>
    %mul3A_939 = arith.muli %mul3A_938, %and3A_936 : vector<16xi32>
    %sub3A_940 = arith.constant 1 : i32
    %sub3A_941 = vector.broadcast %sub3A_940 : i32 to vector<16xi32>
    %sub3A_942 = arith.subi %sub3A_941, %mul3A_939 : vector<16xi32>
    %convert_element_type3A_943 = arith.sitofp %sub3A_942 : vector<16xi32> to vector<16xf32>
    %shift_right_arithmetic3A_944 = arith.constant 4 : i32
    %shift_right_arithmetic3A_945 = vector.broadcast %shift_right_arithmetic3A_944 : i32 to vector<16xi32>
    %shift_right_arithmetic3A_946 = arith.shrsi %gather3A_921, %shift_right_arithmetic3A_945 : vector<16xi32>
    %shift_left3A_947 = arith.constant 4 : i32
    %shift_left3A_948 = vector.broadcast %shift_left3A_947 : i32 to vector<16xi32>
    %shift_left3A_949 = arith.shli %shift_right_arithmetic3A_946, %shift_left3A_948 : vector<16xi32>
    %add3A_950 = arith.addi %shift_left3A_949, %iota3A : vector<16xi32>
    %swap3A_951 = arith.constant 336 : index
    %swap3A_952 = tpu.vector_load %arg7[%swap3A_951] {strides = array<i32>} : memref<512xf32, #tpu.memory_space<vmem>>, vector<16xf32>,
    tpu.vector_store %arg7[%swap3A_951], %convert_element_type3A_943 {strides = array<i32>} : memref<512xf32, #tpu.memory_space<vmem>>, vector<16xf32>,
    %swap3A_953 = arith.constant 336 : index
    %swap3A_954 = tpu.vector_load %arg8[%swap3A_953] {strides = array<i32>} : memref<512xi32, #tpu.memory_space<vmem>>, vector<16xi32>,
    tpu.vector_store %arg8[%swap3A_953], %add3A_950 {strides = array<i32>} : memref<512xi32, #tpu.memory_space<vmem>>, vector<16xi32>,
    %broadcast_in_dim3A_955 = arith.constant 6 : i32
    %broadcast_in_dim3A_956 = vector.broadcast %broadcast_in_dim3A_955 : i32 to vector<16x1xi32>
    %gather3A_957 = vector.shape_cast %broadcast_in_dim3A_956 : vector<16x1xi32> to vector<16xi32>
    %gather3A_958 = tpu.dynamic_gather %add3A_732[%gather3A_957] in [0] : vector<16xi32>, vector<16xi32> -> vector<16xi32>
    %and3A_959 = arith.andi %iota3A, %gather3A_958 : vector<16xi32>
    %and3A_960 = arith.constant 15 : i32
    %and3A_961 = vector.broadcast %and3A_960 : i32 to vector<16xi32>
    %and3A_962 = arith.andi %and3A_959, %and3A_961 : vector<16xi32>
    %shift_right_arithmetic3A_963 = arith.constant 2 : i32
    %shift_right_arithmetic3A_964 = vector.broadcast %shift_right_arithmetic3A_963 : i32 to vector<16xi32>
    %shift_right_arithmetic3A_965 = arith.shrsi %and3A_962, %shift_right_arithmetic3A_964 : vector<16xi32>
    %xor3A_966 = arith.xori %and3A_962, %shift_right_arithmetic3A_965 : vector<16xi32>
    %shift_right_arithmetic3A_967 = arith.constant 1 : i32
    %shift_right_arithmetic3A_968 = vector.broadcast %shift_right_arithmetic3A_967 : i32 to vector<16xi32>
    %shift_right_arithmetic3A_969 = arith.shrsi %xor3A_966, %shift_right_arithmetic3A_968 : vector<16xi32>
    %xor3A_970 = arith.xori %xor3A_966, %shift_right_arithmetic3A_969 : vector<16xi32>
    %and3A_971 = arith.constant 1 : i32
    %and3A_972 = vector.broadcast %and3A_971 : i32 to vector<16xi32>
    %and3A_973 = arith.andi %xor3A_970, %and3A_972 : vector<16xi32>
    %mul3A_974 = arith.constant 2 : i32
    %mul3A_975 = vector.broadcast %mul3A_974 : i32 to vector<16xi32>
    %mul3A_976 = arith.muli %mul3A_975, %and3A_973 : vector<16xi32>
    %sub3A_977 = arith.constant 1 : i32
    %sub3A_978 = vector.broadcast %sub3A_977 : i32 to vector<16xi32>
    %sub3A_979 = arith.subi %sub3A_978, %mul3A_976 : vector<16xi32>
    %convert_element_type3A_980 = arith.sitofp %sub3A_979 : vector<16xi32> to vector<16xf32>
    %shift_right_arithmetic3A_981 = arith.constant 4 : i32
    %shift_right_arithmetic3A_982 = vector.broadcast %shift_right_arithmetic3A_981 : i32 to vector<16xi32>
    %shift_right_arithmetic3A_983 = arith.shrsi %gather3A_958, %shift_right_arithmetic3A_982 : vector<16xi32>
    %shift_left3A_984 = arith.constant 4 : i32
    %shift_left3A_985 = vector.broadcast %shift_left3A_984 : i32 to vector<16xi32>
    %shift_left3A_986 = arith.shli %shift_right_arithmetic3A_983, %shift_left3A_985 : vector<16xi32>
    %add3A_987 = arith.addi %shift_left3A_986, %iota3A : vector<16xi32>
    %swap3A_988 = arith.constant 352 : index
    %swap3A_989 = tpu.vector_load %arg7[%swap3A_988] {strides = array<i32>} : memref<512xf32, #tpu.memory_space<vmem>>, vector<16xf32>,
    tpu.vector_store %arg7[%swap3A_988], %convert_element_type3A_980 {strides = array<i32>} : memref<512xf32, #tpu.memory_space<vmem>>, vector<16xf32>,
    %swap3A_990 = arith.constant 352 : index
    %swap3A_991 = tpu.vector_load %arg8[%swap3A_990] {strides = array<i32>} : memref<512xi32, #tpu.memory_space<vmem>>, vector<16xi32>,
    tpu.vector_store %arg8[%swap3A_990], %add3A_987 {strides = array<i32>} : memref<512xi32, #tpu.memory_space<vmem>>, vector<16xi32>,
    %broadcast_in_dim3A_992 = arith.constant 7 : i32
    %broadcast_in_dim3A_993 = vector.broadcast %broadcast_in_dim3A_992 : i32 to vector<16x1xi32>
    %gather3A_994 = vector.shape_cast %broadcast_in_dim3A_993 : vector<16x1xi32> to vector<16xi32>
    %gather3A_995 = tpu.dynamic_gather %add3A_732[%gather3A_994] in [0] : vector<16xi32>, vector<16xi32> -> vector<16xi32>
    %and3A_996 = arith.andi %iota3A, %gather3A_995 : vector<16xi32>
    %and3A_997 = arith.constant 15 : i32
    %and3A_998 = vector.broadcast %and3A_997 : i32 to vector<16xi32>
    %and3A_999 = arith.andi %and3A_996, %and3A_998 : vector<16xi32>
    %shift_right_arithmetic3A_1000 = arith.constant 2 : i32
    %shift_right_arithmetic3A_1001 = vector.broadcast %shift_right_arithmetic3A_1000 : i32 to vector<16xi32>
    %shift_right_arithmetic3A_1002 = arith.shrsi %and3A_999, %shift_right_arithmetic3A_1001 : vector<16xi32>
    %xor3A_1003 = arith.xori %and3A_999, %shift_right_arithmetic3A_1002 : vector<16xi32>
    %shift_right_arithmetic3A_1004 = arith.constant 1 : i32
    %shift_right_arithmetic3A_1005 = vector.broadcast %shift_right_arithmetic3A_1004 : i32 to vector<16xi32>
    %shift_right_arithmetic3A_1006 = arith.shrsi %xor3A_1003, %shift_right_arithmetic3A_1005 : vector<16xi32>
    %xor3A_1007 = arith.xori %xor3A_1003, %shift_right_arithmetic3A_1006 : vector<16xi32>
    %and3A_1008 = arith.constant 1 : i32
    %and3A_1009 = vector.broadcast %and3A_1008 : i32 to vector<16xi32>
    %and3A_1010 = arith.andi %xor3A_1007, %and3A_1009 : vector<16xi32>
    %mul3A_1011 = arith.constant 2 : i32
    %mul3A_1012 = vector.broadcast %mul3A_1011 : i32 to vector<16xi32>
    %mul3A_1013 = arith.muli %mul3A_1012, %and3A_1010 : vector<16xi32>
    %sub3A_1014 = arith.constant 1 : i32
    %sub3A_1015 = vector.broadcast %sub3A_1014 : i32 to vector<16xi32>
    %sub3A_1016 = arith.subi %sub3A_1015, %mul3A_1013 : vector<16xi32>
    %convert_element_type3A_1017 = arith.sitofp %sub3A_1016 : vector<16xi32> to vector<16xf32>
    %shift_right_arithmetic3A_1018 = arith.constant 4 : i32
    %shift_right_arithmetic3A_1019 = vector.broadcast %shift_right_arithmetic3A_1018 : i32 to vector<16xi32>
    %shift_right_arithmetic3A_1020 = arith.shrsi %gather3A_995, %shift_right_arithmetic3A_1019 : vector<16xi32>
    %shift_left3A_1021 = arith.constant 4 : i32
    %shift_left3A_1022 = vector.broadcast %shift_left3A_1021 : i32 to vector<16xi32>
    %shift_left3A_1023 = arith.shli %shift_right_arithmetic3A_1020, %shift_left3A_1022 : vector<16xi32>
    %add3A_1024 = arith.addi %shift_left3A_1023, %iota3A : vector<16xi32>
    %swap3A_1025 = arith.constant 368 : index
    %swap3A_1026 = tpu.vector_load %arg7[%swap3A_1025] {strides = array<i32>} : memref<512xf32, #tpu.memory_space<vmem>>, vector<16xf32>,
    tpu.vector_store %arg7[%swap3A_1025], %convert_element_type3A_1017 {strides = array<i32>} : memref<512xf32, #tpu.memory_space<vmem>>, vector<16xf32>,
    %swap3A_1027 = arith.constant 368 : index
    %swap3A_1028 = tpu.vector_load %arg8[%swap3A_1027] {strides = array<i32>} : memref<512xi32, #tpu.memory_space<vmem>>, vector<16xi32>,
    tpu.vector_store %arg8[%swap3A_1027], %add3A_1024 {strides = array<i32>} : memref<512xi32, #tpu.memory_space<vmem>>, vector<16xi32>,
    %broadcast_in_dim3A_1029 = arith.constant 8 : i32
    %broadcast_in_dim3A_1030 = vector.broadcast %broadcast_in_dim3A_1029 : i32 to vector<16x1xi32>
    %gather3A_1031 = vector.shape_cast %broadcast_in_dim3A_1030 : vector<16x1xi32> to vector<16xi32>
    %gather3A_1032 = tpu.dynamic_gather %add3A_732[%gather3A_1031] in [0] : vector<16xi32>, vector<16xi32> -> vector<16xi32>
    %and3A_1033 = arith.andi %iota3A, %gather3A_1032 : vector<16xi32>
    %and3A_1034 = arith.constant 15 : i32
    %and3A_1035 = vector.broadcast %and3A_1034 : i32 to vector<16xi32>
    %and3A_1036 = arith.andi %and3A_1033, %and3A_1035 : vector<16xi32>
    %shift_right_arithmetic3A_1037 = arith.constant 2 : i32
    %shift_right_arithmetic3A_1038 = vector.broadcast %shift_right_arithmetic3A_1037 : i32 to vector<16xi32>
    %shift_right_arithmetic3A_1039 = arith.shrsi %and3A_1036, %shift_right_arithmetic3A_1038 : vector<16xi32>
    %xor3A_1040 = arith.xori %and3A_1036, %shift_right_arithmetic3A_1039 : vector<16xi32>
    %shift_right_arithmetic3A_1041 = arith.constant 1 : i32
    %shift_right_arithmetic3A_1042 = vector.broadcast %shift_right_arithmetic3A_1041 : i32 to vector<16xi32>
    %shift_right_arithmetic3A_1043 = arith.shrsi %xor3A_1040, %shift_right_arithmetic3A_1042 : vector<16xi32>
    %xor3A_1044 = arith.xori %xor3A_1040, %shift_right_arithmetic3A_1043 : vector<16xi32>
    %and3A_1045 = arith.constant 1 : i32
    %and3A_1046 = vector.broadcast %and3A_1045 : i32 to vector<16xi32>
    %and3A_1047 = arith.andi %xor3A_1044, %and3A_1046 : vector<16xi32>
    %mul3A_1048 = arith.constant 2 : i32
    %mul3A_1049 = vector.broadcast %mul3A_1048 : i32 to vector<16xi32>
    %mul3A_1050 = arith.muli %mul3A_1049, %and3A_1047 : vector<16xi32>
    %sub3A_1051 = arith.constant 1 : i32
    %sub3A_1052 = vector.broadcast %sub3A_1051 : i32 to vector<16xi32>
    %sub3A_1053 = arith.subi %sub3A_1052, %mul3A_1050 : vector<16xi32>
    %convert_element_type3A_1054 = arith.sitofp %sub3A_1053 : vector<16xi32> to vector<16xf32>
    %shift_right_arithmetic3A_1055 = arith.constant 4 : i32
    %shift_right_arithmetic3A_1056 = vector.broadcast %shift_right_arithmetic3A_1055 : i32 to vector<16xi32>
    %shift_right_arithmetic3A_1057 = arith.shrsi %gather3A_1032, %shift_right_arithmetic3A_1056 : vector<16xi32>
    %shift_left3A_1058 = arith.constant 4 : i32
    %shift_left3A_1059 = vector.broadcast %shift_left3A_1058 : i32 to vector<16xi32>
    %shift_left3A_1060 = arith.shli %shift_right_arithmetic3A_1057, %shift_left3A_1059 : vector<16xi32>
    %add3A_1061 = arith.addi %shift_left3A_1060, %iota3A : vector<16xi32>
    %swap3A_1062 = arith.constant 384 : index
    %swap3A_1063 = tpu.vector_load %arg7[%swap3A_1062] {strides = array<i32>} : memref<512xf32, #tpu.memory_space<vmem>>, vector<16xf32>,
    tpu.vector_store %arg7[%swap3A_1062], %convert_element_type3A_1054 {strides = array<i32>} : memref<512xf32, #tpu.memory_space<vmem>>, vector<16xf32>,
    %swap3A_1064 = arith.constant 384 : index
    %swap3A_1065 = tpu.vector_load %arg8[%swap3A_1064] {strides = array<i32>} : memref<512xi32, #tpu.memory_space<vmem>>, vector<16xi32>,
    tpu.vector_store %arg8[%swap3A_1064], %add3A_1061 {strides = array<i32>} : memref<512xi32, #tpu.memory_space<vmem>>, vector<16xi32>,
    %broadcast_in_dim3A_1066 = arith.constant 9 : i32
    %broadcast_in_dim3A_1067 = vector.broadcast %broadcast_in_dim3A_1066 : i32 to vector<16x1xi32>
    %gather3A_1068 = vector.shape_cast %broadcast_in_dim3A_1067 : vector<16x1xi32> to vector<16xi32>
    %gather3A_1069 = tpu.dynamic_gather %add3A_732[%gather3A_1068] in [0] : vector<16xi32>, vector<16xi32> -> vector<16xi32>
    %and3A_1070 = arith.andi %iota3A, %gather3A_1069 : vector<16xi32>
    %and3A_1071 = arith.constant 15 : i32
    %and3A_1072 = vector.broadcast %and3A_1071 : i32 to vector<16xi32>
    %and3A_1073 = arith.andi %and3A_1070, %and3A_1072 : vector<16xi32>
    %shift_right_arithmetic3A_1074 = arith.constant 2 : i32
    %shift_right_arithmetic3A_1075 = vector.broadcast %shift_right_arithmetic3A_1074 : i32 to vector<16xi32>
    %shift_right_arithmetic3A_1076 = arith.shrsi %and3A_1073, %shift_right_arithmetic3A_1075 : vector<16xi32>
    %xor3A_1077 = arith.xori %and3A_1073, %shift_right_arithmetic3A_1076 : vector<16xi32>
    %shift_right_arithmetic3A_1078 = arith.constant 1 : i32
    %shift_right_arithmetic3A_1079 = vector.broadcast %shift_right_arithmetic3A_1078 : i32 to vector<16xi32>
    %shift_right_arithmetic3A_1080 = arith.shrsi %xor3A_1077, %shift_right_arithmetic3A_1079 : vector<16xi32>
    %xor3A_1081 = arith.xori %xor3A_1077, %shift_right_arithmetic3A_1080 : vector<16xi32>
    %and3A_1082 = arith.constant 1 : i32
    %and3A_1083 = vector.broadcast %and3A_1082 : i32 to vector<16xi32>
    %and3A_1084 = arith.andi %xor3A_1081, %and3A_1083 : vector<16xi32>
    %mul3A_1085 = arith.constant 2 : i32
    %mul3A_1086 = vector.broadcast %mul3A_1085 : i32 to vector<16xi32>
    %mul3A_1087 = arith.muli %mul3A_1086, %and3A_1084 : vector<16xi32>
    %sub3A_1088 = arith.constant 1 : i32
    %sub3A_1089 = vector.broadcast %sub3A_1088 : i32 to vector<16xi32>
    %sub3A_1090 = arith.subi %sub3A_1089, %mul3A_1087 : vector<16xi32>
    %convert_element_type3A_1091 = arith.sitofp %sub3A_1090 : vector<16xi32> to vector<16xf32>
    %shift_right_arithmetic3A_1092 = arith.constant 4 : i32
    %shift_right_arithmetic3A_1093 = vector.broadcast %shift_right_arithmetic3A_1092 : i32 to vector<16xi32>
    %shift_right_arithmetic3A_1094 = arith.shrsi %gather3A_1069, %shift_right_arithmetic3A_1093 : vector<16xi32>
    %shift_left3A_1095 = arith.constant 4 : i32
    %shift_left3A_1096 = vector.broadcast %shift_left3A_1095 : i32 to vector<16xi32>
    %shift_left3A_1097 = arith.shli %shift_right_arithmetic3A_1094, %shift_left3A_1096 : vector<16xi32>
    %add3A_1098 = arith.addi %shift_left3A_1097, %iota3A : vector<16xi32>
    %swap3A_1099 = arith.constant 400 : index
    %swap3A_1100 = tpu.vector_load %arg7[%swap3A_1099] {strides = array<i32>} : memref<512xf32, #tpu.memory_space<vmem>>, vector<16xf32>,
    tpu.vector_store %arg7[%swap3A_1099], %convert_element_type3A_1091 {strides = array<i32>} : memref<512xf32, #tpu.memory_space<vmem>>, vector<16xf32>,
    %swap3A_1101 = arith.constant 400 : index
    %swap3A_1102 = tpu.vector_load %arg8[%swap3A_1101] {strides = array<i32>} : memref<512xi32, #tpu.memory_space<vmem>>, vector<16xi32>,
    tpu.vector_store %arg8[%swap3A_1101], %add3A_1098 {strides = array<i32>} : memref<512xi32, #tpu.memory_space<vmem>>, vector<16xi32>,
    %broadcast_in_dim3A_1103 = arith.constant 10 : i32
    %broadcast_in_dim3A_1104 = vector.broadcast %broadcast_in_dim3A_1103 : i32 to vector<16x1xi32>
    %gather3A_1105 = vector.shape_cast %broadcast_in_dim3A_1104 : vector<16x1xi32> to vector<16xi32>
    %gather3A_1106 = tpu.dynamic_gather %add3A_732[%gather3A_1105] in [0] : vector<16xi32>, vector<16xi32> -> vector<16xi32>
    %and3A_1107 = arith.andi %iota3A, %gather3A_1106 : vector<16xi32>
    %and3A_1108 = arith.constant 15 : i32
    %and3A_1109 = vector.broadcast %and3A_1108 : i32 to vector<16xi32>
    %and3A_1110 = arith.andi %and3A_1107, %and3A_1109 : vector<16xi32>
    %shift_right_arithmetic3A_1111 = arith.constant 2 : i32
    %shift_right_arithmetic3A_1112 = vector.broadcast %shift_right_arithmetic3A_1111 : i32 to vector<16xi32>
    %shift_right_arithmetic3A_1113 = arith.shrsi %and3A_1110, %shift_right_arithmetic3A_1112 : vector<16xi32>
    %xor3A_1114 = arith.xori %and3A_1110, %shift_right_arithmetic3A_1113 : vector<16xi32>
    %shift_right_arithmetic3A_1115 = arith.constant 1 : i32
    %shift_right_arithmetic3A_1116 = vector.broadcast %shift_right_arithmetic3A_1115 : i32 to vector<16xi32>
    %shift_right_arithmetic3A_1117 = arith.shrsi %xor3A_1114, %shift_right_arithmetic3A_1116 : vector<16xi32>
    %xor3A_1118 = arith.xori %xor3A_1114, %shift_right_arithmetic3A_1117 : vector<16xi32>
    %and3A_1119 = arith.constant 1 : i32
    %and3A_1120 = vector.broadcast %and3A_1119 : i32 to vector<16xi32>
    %and3A_1121 = arith.andi %xor3A_1118, %and3A_1120 : vector<16xi32>
    %mul3A_1122 = arith.constant 2 : i32
    %mul3A_1123 = vector.broadcast %mul3A_1122 : i32 to vector<16xi32>
    %mul3A_1124 = arith.muli %mul3A_1123, %and3A_1121 : vector<16xi32>
    %sub3A_1125 = arith.constant 1 : i32
    %sub3A_1126 = vector.broadcast %sub3A_1125 : i32 to vector<16xi32>
    %sub3A_1127 = arith.subi %sub3A_1126, %mul3A_1124 : vector<16xi32>
    %convert_element_type3A_1128 = arith.sitofp %sub3A_1127 : vector<16xi32> to vector<16xf32>
    %shift_right_arithmetic3A_1129 = arith.constant 4 : i32
    %shift_right_arithmetic3A_1130 = vector.broadcast %shift_right_arithmetic3A_1129 : i32 to vector<16xi32>
    %shift_right_arithmetic3A_1131 = arith.shrsi %gather3A_1106, %shift_right_arithmetic3A_1130 : vector<16xi32>
    %shift_left3A_1132 = arith.constant 4 : i32
    %shift_left3A_1133 = vector.broadcast %shift_left3A_1132 : i32 to vector<16xi32>
    %shift_left3A_1134 = arith.shli %shift_right_arithmetic3A_1131, %shift_left3A_1133 : vector<16xi32>
    %add3A_1135 = arith.addi %shift_left3A_1134, %iota3A : vector<16xi32>
    %swap3A_1136 = arith.constant 416 : index
    %swap3A_1137 = tpu.vector_load %arg7[%swap3A_1136] {strides = array<i32>} : memref<512xf32, #tpu.memory_space<vmem>>, vector<16xf32>,
    tpu.vector_store %arg7[%swap3A_1136], %convert_element_type3A_1128 {strides = array<i32>} : memref<512xf32, #tpu.memory_space<vmem>>, vector<16xf32>,
    %swap3A_1138 = arith.constant 416 : index
    %swap3A_1139 = tpu.vector_load %arg8[%swap3A_1138] {strides = array<i32>} : memref<512xi32, #tpu.memory_space<vmem>>, vector<16xi32>,
    tpu.vector_store %arg8[%swap3A_1138], %add3A_1135 {strides = array<i32>} : memref<512xi32, #tpu.memory_space<vmem>>, vector<16xi32>,
    %broadcast_in_dim3A_1140 = arith.constant 11 : i32
    %broadcast_in_dim3A_1141 = vector.broadcast %broadcast_in_dim3A_1140 : i32 to vector<16x1xi32>
    %gather3A_1142 = vector.shape_cast %broadcast_in_dim3A_1141 : vector<16x1xi32> to vector<16xi32>
    %gather3A_1143 = tpu.dynamic_gather %add3A_732[%gather3A_1142] in [0] : vector<16xi32>, vector<16xi32> -> vector<16xi32>
    %and3A_1144 = arith.andi %iota3A, %gather3A_1143 : vector<16xi32>
    %and3A_1145 = arith.constant 15 : i32
    %and3A_1146 = vector.broadcast %and3A_1145 : i32 to vector<16xi32>
    %and3A_1147 = arith.andi %and3A_1144, %and3A_1146 : vector<16xi32>
    %shift_right_arithmetic3A_1148 = arith.constant 2 : i32
    %shift_right_arithmetic3A_1149 = vector.broadcast %shift_right_arithmetic3A_1148 : i32 to vector<16xi32>
    %shift_right_arithmetic3A_1150 = arith.shrsi %and3A_1147, %shift_right_arithmetic3A_1149 : vector<16xi32>
    %xor3A_1151 = arith.xori %and3A_1147, %shift_right_arithmetic3A_1150 : vector<16xi32>
    %shift_right_arithmetic3A_1152 = arith.constant 1 : i32
    %shift_right_arithmetic3A_1153 = vector.broadcast %shift_right_arithmetic3A_1152 : i32 to vector<16xi32>
    %shift_right_arithmetic3A_1154 = arith.shrsi %xor3A_1151, %shift_right_arithmetic3A_1153 : vector<16xi32>
    %xor3A_1155 = arith.xori %xor3A_1151, %shift_right_arithmetic3A_1154 : vector<16xi32>
    %and3A_1156 = arith.constant 1 : i32
    %and3A_1157 = vector.broadcast %and3A_1156 : i32 to vector<16xi32>
    %and3A_1158 = arith.andi %xor3A_1155, %and3A_1157 : vector<16xi32>
    %mul3A_1159 = arith.constant 2 : i32
    %mul3A_1160 = vector.broadcast %mul3A_1159 : i32 to vector<16xi32>
    %mul3A_1161 = arith.muli %mul3A_1160, %and3A_1158 : vector<16xi32>
    %sub3A_1162 = arith.constant 1 : i32
    %sub3A_1163 = vector.broadcast %sub3A_1162 : i32 to vector<16xi32>
    %sub3A_1164 = arith.subi %sub3A_1163, %mul3A_1161 : vector<16xi32>
    %convert_element_type3A_1165 = arith.sitofp %sub3A_1164 : vector<16xi32> to vector<16xf32>
    %shift_right_arithmetic3A_1166 = arith.constant 4 : i32
    %shift_right_arithmetic3A_1167 = vector.broadcast %shift_right_arithmetic3A_1166 : i32 to vector<16xi32>
    %shift_right_arithmetic3A_1168 = arith.shrsi %gather3A_1143, %shift_right_arithmetic3A_1167 : vector<16xi32>
    %shift_left3A_1169 = arith.constant 4 : i32
    %shift_left3A_1170 = vector.broadcast %shift_left3A_1169 : i32 to vector<16xi32>
    %shift_left3A_1171 = arith.shli %shift_right_arithmetic3A_1168, %shift_left3A_1170 : vector<16xi32>
    %add3A_1172 = arith.addi %shift_left3A_1171, %iota3A : vector<16xi32>
    %swap3A_1173 = arith.constant 432 : index
    %swap3A_1174 = tpu.vector_load %arg7[%swap3A_1173] {strides = array<i32>} : memref<512xf32, #tpu.memory_space<vmem>>, vector<16xf32>,
    tpu.vector_store %arg7[%swap3A_1173], %convert_element_type3A_1165 {strides = array<i32>} : memref<512xf32, #tpu.memory_space<vmem>>, vector<16xf32>,
    %swap3A_1175 = arith.constant 432 : index
    %swap3A_1176 = tpu.vector_load %arg8[%swap3A_1175] {strides = array<i32>} : memref<512xi32, #tpu.memory_space<vmem>>, vector<16xi32>,
    tpu.vector_store %arg8[%swap3A_1175], %add3A_1172 {strides = array<i32>} : memref<512xi32, #tpu.memory_space<vmem>>, vector<16xi32>,
    %broadcast_in_dim3A_1177 = arith.constant 12 : i32
    %broadcast_in_dim3A_1178 = vector.broadcast %broadcast_in_dim3A_1177 : i32 to vector<16x1xi32>
    %gather3A_1179 = vector.shape_cast %broadcast_in_dim3A_1178 : vector<16x1xi32> to vector<16xi32>
    %gather3A_1180 = tpu.dynamic_gather %add3A_732[%gather3A_1179] in [0] : vector<16xi32>, vector<16xi32> -> vector<16xi32>
    %and3A_1181 = arith.andi %iota3A, %gather3A_1180 : vector<16xi32>
    %and3A_1182 = arith.constant 15 : i32
    %and3A_1183 = vector.broadcast %and3A_1182 : i32 to vector<16xi32>
    %and3A_1184 = arith.andi %and3A_1181, %and3A_1183 : vector<16xi32>
    %shift_right_arithmetic3A_1185 = arith.constant 2 : i32
    %shift_right_arithmetic3A_1186 = vector.broadcast %shift_right_arithmetic3A_1185 : i32 to vector<16xi32>
    %shift_right_arithmetic3A_1187 = arith.shrsi %and3A_1184, %shift_right_arithmetic3A_1186 : vector<16xi32>
    %xor3A_1188 = arith.xori %and3A_1184, %shift_right_arithmetic3A_1187 : vector<16xi32>
    %shift_right_arithmetic3A_1189 = arith.constant 1 : i32
    %shift_right_arithmetic3A_1190 = vector.broadcast %shift_right_arithmetic3A_1189 : i32 to vector<16xi32>
    %shift_right_arithmetic3A_1191 = arith.shrsi %xor3A_1188, %shift_right_arithmetic3A_1190 : vector<16xi32>
    %xor3A_1192 = arith.xori %xor3A_1188, %shift_right_arithmetic3A_1191 : vector<16xi32>
    %and3A_1193 = arith.constant 1 : i32
    %and3A_1194 = vector.broadcast %and3A_1193 : i32 to vector<16xi32>
    %and3A_1195 = arith.andi %xor3A_1192, %and3A_1194 : vector<16xi32>
    %mul3A_1196 = arith.constant 2 : i32
    %mul3A_1197 = vector.broadcast %mul3A_1196 : i32 to vector<16xi32>
    %mul3A_1198 = arith.muli %mul3A_1197, %and3A_1195 : vector<16xi32>
    %sub3A_1199 = arith.constant 1 : i32
    %sub3A_1200 = vector.broadcast %sub3A_1199 : i32 to vector<16xi32>
    %sub3A_1201 = arith.subi %sub3A_1200, %mul3A_1198 : vector<16xi32>
    %convert_element_type3A_1202 = arith.sitofp %sub3A_1201 : vector<16xi32> to vector<16xf32>
    %shift_right_arithmetic3A_1203 = arith.constant 4 : i32
    %shift_right_arithmetic3A_1204 = vector.broadcast %shift_right_arithmetic3A_1203 : i32 to vector<16xi32>
    %shift_right_arithmetic3A_1205 = arith.shrsi %gather3A_1180, %shift_right_arithmetic3A_1204 : vector<16xi32>
    %shift_left3A_1206 = arith.constant 4 : i32
    %shift_left3A_1207 = vector.broadcast %shift_left3A_1206 : i32 to vector<16xi32>
    %shift_left3A_1208 = arith.shli %shift_right_arithmetic3A_1205, %shift_left3A_1207 : vector<16xi32>
    %add3A_1209 = arith.addi %shift_left3A_1208, %iota3A : vector<16xi32>
    %swap3A_1210 = arith.constant 448 : index
    %swap3A_1211 = tpu.vector_load %arg7[%swap3A_1210] {strides = array<i32>} : memref<512xf32, #tpu.memory_space<vmem>>, vector<16xf32>,
    tpu.vector_store %arg7[%swap3A_1210], %convert_element_type3A_1202 {strides = array<i32>} : memref<512xf32, #tpu.memory_space<vmem>>, vector<16xf32>,
    %swap3A_1212 = arith.constant 448 : index
    %swap3A_1213 = tpu.vector_load %arg8[%swap3A_1212] {strides = array<i32>} : memref<512xi32, #tpu.memory_space<vmem>>, vector<16xi32>,
    tpu.vector_store %arg8[%swap3A_1212], %add3A_1209 {strides = array<i32>} : memref<512xi32, #tpu.memory_space<vmem>>, vector<16xi32>,
    %broadcast_in_dim3A_1214 = arith.constant 13 : i32
    %broadcast_in_dim3A_1215 = vector.broadcast %broadcast_in_dim3A_1214 : i32 to vector<16x1xi32>
    %gather3A_1216 = vector.shape_cast %broadcast_in_dim3A_1215 : vector<16x1xi32> to vector<16xi32>
    %gather3A_1217 = tpu.dynamic_gather %add3A_732[%gather3A_1216] in [0] : vector<16xi32>, vector<16xi32> -> vector<16xi32>
    %and3A_1218 = arith.andi %iota3A, %gather3A_1217 : vector<16xi32>
    %and3A_1219 = arith.constant 15 : i32
    %and3A_1220 = vector.broadcast %and3A_1219 : i32 to vector<16xi32>
    %and3A_1221 = arith.andi %and3A_1218, %and3A_1220 : vector<16xi32>
    %shift_right_arithmetic3A_1222 = arith.constant 2 : i32
    %shift_right_arithmetic3A_1223 = vector.broadcast %shift_right_arithmetic3A_1222 : i32 to vector<16xi32>
    %shift_right_arithmetic3A_1224 = arith.shrsi %and3A_1221, %shift_right_arithmetic3A_1223 : vector<16xi32>
    %xor3A_1225 = arith.xori %and3A_1221, %shift_right_arithmetic3A_1224 : vector<16xi32>
    %shift_right_arithmetic3A_1226 = arith.constant 1 : i32
    %shift_right_arithmetic3A_1227 = vector.broadcast %shift_right_arithmetic3A_1226 : i32 to vector<16xi32>
    %shift_right_arithmetic3A_1228 = arith.shrsi %xor3A_1225, %shift_right_arithmetic3A_1227 : vector<16xi32>
    %xor3A_1229 = arith.xori %xor3A_1225, %shift_right_arithmetic3A_1228 : vector<16xi32>
    %and3A_1230 = arith.constant 1 : i32
    %and3A_1231 = vector.broadcast %and3A_1230 : i32 to vector<16xi32>
    %and3A_1232 = arith.andi %xor3A_1229, %and3A_1231 : vector<16xi32>
    %mul3A_1233 = arith.constant 2 : i32
    %mul3A_1234 = vector.broadcast %mul3A_1233 : i32 to vector<16xi32>
    %mul3A_1235 = arith.muli %mul3A_1234, %and3A_1232 : vector<16xi32>
    %sub3A_1236 = arith.constant 1 : i32
    %sub3A_1237 = vector.broadcast %sub3A_1236 : i32 to vector<16xi32>
    %sub3A_1238 = arith.subi %sub3A_1237, %mul3A_1235 : vector<16xi32>
    %convert_element_type3A_1239 = arith.sitofp %sub3A_1238 : vector<16xi32> to vector<16xf32>
    %shift_right_arithmetic3A_1240 = arith.constant 4 : i32
    %shift_right_arithmetic3A_1241 = vector.broadcast %shift_right_arithmetic3A_1240 : i32 to vector<16xi32>
    %shift_right_arithmetic3A_1242 = arith.shrsi %gather3A_1217, %shift_right_arithmetic3A_1241 : vector<16xi32>
    %shift_left3A_1243 = arith.constant 4 : i32
    %shift_left3A_1244 = vector.broadcast %shift_left3A_1243 : i32 to vector<16xi32>
    %shift_left3A_1245 = arith.shli %shift_right_arithmetic3A_1242, %shift_left3A_1244 : vector<16xi32>
    %add3A_1246 = arith.addi %shift_left3A_1245, %iota3A : vector<16xi32>
    %swap3A_1247 = arith.constant 464 : index
    %swap3A_1248 = tpu.vector_load %arg7[%swap3A_1247] {strides = array<i32>} : memref<512xf32, #tpu.memory_space<vmem>>, vector<16xf32>,
    tpu.vector_store %arg7[%swap3A_1247], %convert_element_type3A_1239 {strides = array<i32>} : memref<512xf32, #tpu.memory_space<vmem>>, vector<16xf32>,
    %swap3A_1249 = arith.constant 464 : index
    %swap3A_1250 = tpu.vector_load %arg8[%swap3A_1249] {strides = array<i32>} : memref<512xi32, #tpu.memory_space<vmem>>, vector<16xi32>,
    tpu.vector_store %arg8[%swap3A_1249], %add3A_1246 {strides = array<i32>} : memref<512xi32, #tpu.memory_space<vmem>>, vector<16xi32>,
    %broadcast_in_dim3A_1251 = arith.constant 14 : i32
    %broadcast_in_dim3A_1252 = vector.broadcast %broadcast_in_dim3A_1251 : i32 to vector<16x1xi32>
    %gather3A_1253 = vector.shape_cast %broadcast_in_dim3A_1252 : vector<16x1xi32> to vector<16xi32>
    %gather3A_1254 = tpu.dynamic_gather %add3A_732[%gather3A_1253] in [0] : vector<16xi32>, vector<16xi32> -> vector<16xi32>
    %and3A_1255 = arith.andi %iota3A, %gather3A_1254 : vector<16xi32>
    %and3A_1256 = arith.constant 15 : i32
    %and3A_1257 = vector.broadcast %and3A_1256 : i32 to vector<16xi32>
    %and3A_1258 = arith.andi %and3A_1255, %and3A_1257 : vector<16xi32>
    %shift_right_arithmetic3A_1259 = arith.constant 2 : i32
    %shift_right_arithmetic3A_1260 = vector.broadcast %shift_right_arithmetic3A_1259 : i32 to vector<16xi32>
    %shift_right_arithmetic3A_1261 = arith.shrsi %and3A_1258, %shift_right_arithmetic3A_1260 : vector<16xi32>
    %xor3A_1262 = arith.xori %and3A_1258, %shift_right_arithmetic3A_1261 : vector<16xi32>
    %shift_right_arithmetic3A_1263 = arith.constant 1 : i32
    %shift_right_arithmetic3A_1264 = vector.broadcast %shift_right_arithmetic3A_1263 : i32 to vector<16xi32>
    %shift_right_arithmetic3A_1265 = arith.shrsi %xor3A_1262, %shift_right_arithmetic3A_1264 : vector<16xi32>
    %xor3A_1266 = arith.xori %xor3A_1262, %shift_right_arithmetic3A_1265 : vector<16xi32>
    %and3A_1267 = arith.constant 1 : i32
    %and3A_1268 = vector.broadcast %and3A_1267 : i32 to vector<16xi32>
    %and3A_1269 = arith.andi %xor3A_1266, %and3A_1268 : vector<16xi32>
    %mul3A_1270 = arith.constant 2 : i32
    %mul3A_1271 = vector.broadcast %mul3A_1270 : i32 to vector<16xi32>
    %mul3A_1272 = arith.muli %mul3A_1271, %and3A_1269 : vector<16xi32>
    %sub3A_1273 = arith.constant 1 : i32
    %sub3A_1274 = vector.broadcast %sub3A_1273 : i32 to vector<16xi32>
    %sub3A_1275 = arith.subi %sub3A_1274, %mul3A_1272 : vector<16xi32>
    %convert_element_type3A_1276 = arith.sitofp %sub3A_1275 : vector<16xi32> to vector<16xf32>
    %shift_right_arithmetic3A_1277 = arith.constant 4 : i32
    %shift_right_arithmetic3A_1278 = vector.broadcast %shift_right_arithmetic3A_1277 : i32 to vector<16xi32>
    %shift_right_arithmetic3A_1279 = arith.shrsi %gather3A_1254, %shift_right_arithmetic3A_1278 : vector<16xi32>
    %shift_left3A_1280 = arith.constant 4 : i32
    %shift_left3A_1281 = vector.broadcast %shift_left3A_1280 : i32 to vector<16xi32>
    %shift_left3A_1282 = arith.shli %shift_right_arithmetic3A_1279, %shift_left3A_1281 : vector<16xi32>
    %add3A_1283 = arith.addi %shift_left3A_1282, %iota3A : vector<16xi32>
    %swap3A_1284 = arith.constant 480 : index
    %swap3A_1285 = tpu.vector_load %arg7[%swap3A_1284] {strides = array<i32>} : memref<512xf32, #tpu.memory_space<vmem>>, vector<16xf32>,
    tpu.vector_store %arg7[%swap3A_1284], %convert_element_type3A_1276 {strides = array<i32>} : memref<512xf32, #tpu.memory_space<vmem>>, vector<16xf32>,
    %swap3A_1286 = arith.constant 480 : index
    %swap3A_1287 = tpu.vector_load %arg8[%swap3A_1286] {strides = array<i32>} : memref<512xi32, #tpu.memory_space<vmem>>, vector<16xi32>,
    tpu.vector_store %arg8[%swap3A_1286], %add3A_1283 {strides = array<i32>} : memref<512xi32, #tpu.memory_space<vmem>>, vector<16xi32>,
    %broadcast_in_dim3A_1288 = arith.constant 15 : i32
    %broadcast_in_dim3A_1289 = vector.broadcast %broadcast_in_dim3A_1288 : i32 to vector<16x1xi32>
    %gather3A_1290 = vector.shape_cast %broadcast_in_dim3A_1289 : vector<16x1xi32> to vector<16xi32>
    %gather3A_1291 = tpu.dynamic_gather %add3A_732[%gather3A_1290] in [0] : vector<16xi32>, vector<16xi32> -> vector<16xi32>
    %and3A_1292 = arith.andi %iota3A, %gather3A_1291 : vector<16xi32>
    %and3A_1293 = arith.constant 15 : i32
    %and3A_1294 = vector.broadcast %and3A_1293 : i32 to vector<16xi32>
    %and3A_1295 = arith.andi %and3A_1292, %and3A_1294 : vector<16xi32>
    %shift_right_arithmetic3A_1296 = arith.constant 2 : i32
    %shift_right_arithmetic3A_1297 = vector.broadcast %shift_right_arithmetic3A_1296 : i32 to vector<16xi32>
    %shift_right_arithmetic3A_1298 = arith.shrsi %and3A_1295, %shift_right_arithmetic3A_1297 : vector<16xi32>
    %xor3A_1299 = arith.xori %and3A_1295, %shift_right_arithmetic3A_1298 : vector<16xi32>
    %shift_right_arithmetic3A_1300 = arith.constant 1 : i32
    %shift_right_arithmetic3A_1301 = vector.broadcast %shift_right_arithmetic3A_1300 : i32 to vector<16xi32>
    %shift_right_arithmetic3A_1302 = arith.shrsi %xor3A_1299, %shift_right_arithmetic3A_1301 : vector<16xi32>
    %xor3A_1303 = arith.xori %xor3A_1299, %shift_right_arithmetic3A_1302 : vector<16xi32>
    %and3A_1304 = arith.constant 1 : i32
    %and3A_1305 = vector.broadcast %and3A_1304 : i32 to vector<16xi32>
    %and3A_1306 = arith.andi %xor3A_1303, %and3A_1305 : vector<16xi32>
    %mul3A_1307 = arith.constant 2 : i32
    %mul3A_1308 = vector.broadcast %mul3A_1307 : i32 to vector<16xi32>
    %mul3A_1309 = arith.muli %mul3A_1308, %and3A_1306 : vector<16xi32>
    %sub3A_1310 = arith.constant 1 : i32
    %sub3A_1311 = vector.broadcast %sub3A_1310 : i32 to vector<16xi32>
    %sub3A_1312 = arith.subi %sub3A_1311, %mul3A_1309 : vector<16xi32>
    %convert_element_type3A_1313 = arith.sitofp %sub3A_1312 : vector<16xi32> to vector<16xf32>
    %shift_right_arithmetic3A_1314 = arith.constant 4 : i32
    %shift_right_arithmetic3A_1315 = vector.broadcast %shift_right_arithmetic3A_1314 : i32 to vector<16xi32>
    %shift_right_arithmetic3A_1316 = arith.shrsi %gather3A_1291, %shift_right_arithmetic3A_1315 : vector<16xi32>
    %shift_left3A_1317 = arith.constant 4 : i32
    %shift_left3A_1318 = vector.broadcast %shift_left3A_1317 : i32 to vector<16xi32>
    %shift_left3A_1319 = arith.shli %shift_right_arithmetic3A_1316, %shift_left3A_1318 : vector<16xi32>
    %add3A_1320 = arith.addi %shift_left3A_1319, %iota3A : vector<16xi32>
    %swap3A_1321 = arith.constant 496 : index
    %swap3A_1322 = tpu.vector_load %arg7[%swap3A_1321] {strides = array<i32>} : memref<512xf32, #tpu.memory_space<vmem>>, vector<16xf32>,
    tpu.vector_store %arg7[%swap3A_1321], %convert_element_type3A_1313 {strides = array<i32>} : memref<512xf32, #tpu.memory_space<vmem>>, vector<16xf32>,
    %swap3A_1323 = arith.constant 496 : index
    %swap3A_1324 = tpu.vector_load %arg8[%swap3A_1323] {strides = array<i32>} : memref<512xi32, #tpu.memory_space<vmem>>, vector<16xi32>,
    tpu.vector_store %arg8[%swap3A_1323], %add3A_1320 {strides = array<i32>} : memref<512xi32, #tpu.memory_space<vmem>>, vector<16xi32>,
    %broadcast_in_dim3A_1325 = arith.constant 0 : i32
    %broadcast_in_dim3A_1326 = vector.broadcast %broadcast_in_dim3A_1325 : i32 to vector<16xi32>
    %swap3A_1327 = arith.constant 0 : index
    %swap3A_1328 = tpu.vector_load %arg10[%swap3A_1327] {strides = array<i32>} : memref<16xi32, #tpu.memory_space<vmem>>, vector<16xi32>,
    tpu.vector_store %arg10[%swap3A_1327], %broadcast_in_dim3A_1326 {strides = array<i32>} : memref<16xi32, #tpu.memory_space<vmem>>, vector<16xi32>,
    %scan3A = arith.constant 0 : i32
    %scan3A_1329 = arith.constant 0 : i32
    %scan3A_1330 = arith.constant 0 : i32
    %scan3A_1331 = arith.constant 0 : i32
    %scan3A_1332 = arith.constant 32 : i32
    %scan3A_1333 = arith.addi %scan3A_1331, %scan3A_1332 : i32
    %scan3A_1334 = arith.constant 1 : i32
    scf.for %scan3A_1726 = %scan3A_1331 to %scan3A_1333 step %scan3A_1334  : i32 {
      %broadcast_in_dim3A_1727 = arith.constant 0.000000e+00 : f32
      %broadcast_in_dim3A_1728 = vector.broadcast %broadcast_in_dim3A_1727 : f32 to vector<16xf32>
      %mul3A_1729 = arith.constant 8 : i32
      %mul3A_1730 = arith.muli %scan3A_1726, %mul3A_1729 : i32
      %add3A_1731 = arith.constant 0 : i32
      %add3A_1732 = arith.addi %mul3A_1730, %add3A_1731 : i32
      %mul3A_1733 = arith.constant 16 : i32
      %mul3A_1734 = arith.muli %add3A_1732, %mul3A_1733 : i32
      %swap3A_1735 = arith.index_cast %mul3A_1734 : i32 to index
      %swap3A_1736 = tpu.vector_load %arg9[%swap3A_1735] {strides = array<i32>} : memref<4096xf32, #tpu.memory_space<vmem>>, vector<16xf32>,
      tpu.vector_store %arg9[%swap3A_1735], %broadcast_in_dim3A_1728 {strides = array<i32>} : memref<4096xf32, #tpu.memory_space<vmem>>, vector<16xf32>,
      %broadcast_in_dim3A_1737 = arith.constant 0.000000e+00 : f32
      %broadcast_in_dim3A_1738 = vector.broadcast %broadcast_in_dim3A_1737 : f32 to vector<16xf32>
      %mul3A_1739 = arith.constant 8 : i32
      %mul3A_1740 = arith.muli %scan3A_1726, %mul3A_1739 : i32
      %add3A_1741 = arith.constant 1 : i32
      %add3A_1742 = arith.addi %mul3A_1740, %add3A_1741 : i32
      %mul3A_1743 = arith.constant 16 : i32
      %mul3A_1744 = arith.muli %add3A_1742, %mul3A_1743 : i32
      %swap3A_1745 = arith.index_cast %mul3A_1744 : i32 to index
      %swap3A_1746 = tpu.vector_load %arg9[%swap3A_1745] {strides = array<i32>} : memref<4096xf32, #tpu.memory_space<vmem>>, vector<16xf32>,
      tpu.vector_store %arg9[%swap3A_1745], %broadcast_in_dim3A_1738 {strides = array<i32>} : memref<4096xf32, #tpu.memory_space<vmem>>, vector<16xf32>,
      %broadcast_in_dim3A_1747 = arith.constant 0.000000e+00 : f32
      %broadcast_in_dim3A_1748 = vector.broadcast %broadcast_in_dim3A_1747 : f32 to vector<16xf32>
      %mul3A_1749 = arith.constant 8 : i32
      %mul3A_1750 = arith.muli %scan3A_1726, %mul3A_1749 : i32
      %add3A_1751 = arith.constant 2 : i32
      %add3A_1752 = arith.addi %mul3A_1750, %add3A_1751 : i32
      %mul3A_1753 = arith.constant 16 : i32
      %mul3A_1754 = arith.muli %add3A_1752, %mul3A_1753 : i32
      %swap3A_1755 = arith.index_cast %mul3A_1754 : i32 to index
      %swap3A_1756 = tpu.vector_load %arg9[%swap3A_1755] {strides = array<i32>} : memref<4096xf32, #tpu.memory_space<vmem>>, vector<16xf32>,
      tpu.vector_store %arg9[%swap3A_1755], %broadcast_in_dim3A_1748 {strides = array<i32>} : memref<4096xf32, #tpu.memory_space<vmem>>, vector<16xf32>,
      %broadcast_in_dim3A_1757 = arith.constant 0.000000e+00 : f32
      %broadcast_in_dim3A_1758 = vector.broadcast %broadcast_in_dim3A_1757 : f32 to vector<16xf32>
      %mul3A_1759 = arith.constant 8 : i32
      %mul3A_1760 = arith.muli %scan3A_1726, %mul3A_1759 : i32
      %add3A_1761 = arith.constant 3 : i32
      %add3A_1762 = arith.addi %mul3A_1760, %add3A_1761 : i32
      %mul3A_1763 = arith.constant 16 : i32
      %mul3A_1764 = arith.muli %add3A_1762, %mul3A_1763 : i32
      %swap3A_1765 = arith.index_cast %mul3A_1764 : i32 to index
      %swap3A_1766 = tpu.vector_load %arg9[%swap3A_1765] {strides = array<i32>} : memref<4096xf32, #tpu.memory_space<vmem>>, vector<16xf32>,
      tpu.vector_store %arg9[%swap3A_1765], %broadcast_in_dim3A_1758 {strides = array<i32>} : memref<4096xf32, #tpu.memory_space<vmem>>, vector<16xf32>,
      %broadcast_in_dim3A_1767 = arith.constant 0.000000e+00 : f32
      %broadcast_in_dim3A_1768 = vector.broadcast %broadcast_in_dim3A_1767 : f32 to vector<16xf32>
      %mul3A_1769 = arith.constant 8 : i32
      %mul3A_1770 = arith.muli %scan3A_1726, %mul3A_1769 : i32
      %add3A_1771 = arith.constant 4 : i32
      %add3A_1772 = arith.addi %mul3A_1770, %add3A_1771 : i32
      %mul3A_1773 = arith.constant 16 : i32
      %mul3A_1774 = arith.muli %add3A_1772, %mul3A_1773 : i32
      %swap3A_1775 = arith.index_cast %mul3A_1774 : i32 to index
      %swap3A_1776 = tpu.vector_load %arg9[%swap3A_1775] {strides = array<i32>} : memref<4096xf32, #tpu.memory_space<vmem>>, vector<16xf32>,
      tpu.vector_store %arg9[%swap3A_1775], %broadcast_in_dim3A_1768 {strides = array<i32>} : memref<4096xf32, #tpu.memory_space<vmem>>, vector<16xf32>,
      %broadcast_in_dim3A_1777 = arith.constant 0.000000e+00 : f32
      %broadcast_in_dim3A_1778 = vector.broadcast %broadcast_in_dim3A_1777 : f32 to vector<16xf32>
      %mul3A_1779 = arith.constant 8 : i32
      %mul3A_1780 = arith.muli %scan3A_1726, %mul3A_1779 : i32
      %add3A_1781 = arith.constant 5 : i32
      %add3A_1782 = arith.addi %mul3A_1780, %add3A_1781 : i32
      %mul3A_1783 = arith.constant 16 : i32
      %mul3A_1784 = arith.muli %add3A_1782, %mul3A_1783 : i32
      %swap3A_1785 = arith.index_cast %mul3A_1784 : i32 to index
      %swap3A_1786 = tpu.vector_load %arg9[%swap3A_1785] {strides = array<i32>} : memref<4096xf32, #tpu.memory_space<vmem>>, vector<16xf32>,
      tpu.vector_store %arg9[%swap3A_1785], %broadcast_in_dim3A_1778 {strides = array<i32>} : memref<4096xf32, #tpu.memory_space<vmem>>, vector<16xf32>,
      %broadcast_in_dim3A_1787 = arith.constant 0.000000e+00 : f32
      %broadcast_in_dim3A_1788 = vector.broadcast %broadcast_in_dim3A_1787 : f32 to vector<16xf32>
      %mul3A_1789 = arith.constant 8 : i32
      %mul3A_1790 = arith.muli %scan3A_1726, %mul3A_1789 : i32
      %add3A_1791 = arith.constant 6 : i32
      %add3A_1792 = arith.addi %mul3A_1790, %add3A_1791 : i32
      %mul3A_1793 = arith.constant 16 : i32
      %mul3A_1794 = arith.muli %add3A_1792, %mul3A_1793 : i32
      %swap3A_1795 = arith.index_cast %mul3A_1794 : i32 to index
      %swap3A_1796 = tpu.vector_load %arg9[%swap3A_1795] {strides = array<i32>} : memref<4096xf32, #tpu.memory_space<vmem>>, vector<16xf32>,
      tpu.vector_store %arg9[%swap3A_1795], %broadcast_in_dim3A_1788 {strides = array<i32>} : memref<4096xf32, #tpu.memory_space<vmem>>, vector<16xf32>,
      %broadcast_in_dim3A_1797 = arith.constant 0.000000e+00 : f32
      %broadcast_in_dim3A_1798 = vector.broadcast %broadcast_in_dim3A_1797 : f32 to vector<16xf32>
      %mul3A_1799 = arith.constant 8 : i32
      %mul3A_1800 = arith.muli %scan3A_1726, %mul3A_1799 : i32
      %add3A_1801 = arith.constant 7 : i32
      %add3A_1802 = arith.addi %mul3A_1800, %add3A_1801 : i32
      %mul3A_1803 = arith.constant 16 : i32
      %mul3A_1804 = arith.muli %add3A_1802, %mul3A_1803 : i32
      %swap3A_1805 = arith.index_cast %mul3A_1804 : i32 to index
      %swap3A_1806 = tpu.vector_load %arg9[%swap3A_1805] {strides = array<i32>} : memref<4096xf32, #tpu.memory_space<vmem>>, vector<16xf32>,
      tpu.vector_store %arg9[%swap3A_1805], %broadcast_in_dim3A_1798 {strides = array<i32>} : memref<4096xf32, #tpu.memory_space<vmem>>, vector<16xf32>,
    }
    %scan3A_1335 = arith.constant 32 : i32
    %mul3A_1336 = arith.constant 32 : i32
    %mul3A_1337 = arith.muli %scan3A_1329, %mul3A_1336 : i32
    %add3A_1338 = arith.constant 0 : i32
    %add3A_1339 = arith.addi %mul3A_1337, %add3A_1338 : i32
    %get3A_1340 = arith.index_cast %add3A_1339 : i32 to index
    %get3A_1341 = tpu.vector_load %arg5[%get3A_1340] {strides = array<i32>} : memref<32xf32, #tpu.memory_space<vmem>>, vector<16xf32>,
    %broadcast_in_dim3A_1342 = arith.constant 0 : i32
    %broadcast_in_dim3A_1343 = vector.broadcast %broadcast_in_dim3A_1342 : i32 to vector<16x1xi32>
    %gather3A_1344 = vector.shape_cast %broadcast_in_dim3A_1343 : vector<16x1xi32> to vector<16xi32>
    %gather3A_1345 = tpu.dynamic_gather %get3A_1341[%gather3A_1344] in [0] : vector<16xf32>, vector<16xi32> -> vector<16xf32>
    %get3A_1346 = arith.constant 0 : index
    %get3A_1347 = tpu.vector_load %arg7[%get3A_1346] {strides = array<i32>} : memref<512xf32, #tpu.memory_space<vmem>>, vector<16xf32>,
    %mul3A_1348 = arith.mulf %gather3A_1345, %get3A_1347 : vector<16xf32>
    %get3A_1349 = arith.constant 0 : index
    %get3A_1350 = tpu.vector_load %arg8[%get3A_1349] {strides = array<i32>} : memref<512xi32, #tpu.memory_space<vmem>>, vector<16xi32>,
    tpu.vector_store_idx %arg9[%get3A_1350], %mul3A_1348 {add = true} : memref<4096xf32, #tpu.memory_space<vmem>>[vector<16xi32>], vector<16xf32>,
    %broadcast_in_dim3A_1351 = arith.constant 1 : i32
    %broadcast_in_dim3A_1352 = vector.broadcast %broadcast_in_dim3A_1351 : i32 to vector<16x1xi32>
    %gather3A_1353 = vector.shape_cast %broadcast_in_dim3A_1352 : vector<16x1xi32> to vector<16xi32>
    %gather3A_1354 = tpu.dynamic_gather %get3A_1341[%gather3A_1353] in [0] : vector<16xf32>, vector<16xi32> -> vector<16xf32>
    %get3A_1355 = arith.constant 16 : index
    %get3A_1356 = tpu.vector_load %arg7[%get3A_1355] {strides = array<i32>} : memref<512xf32, #tpu.memory_space<vmem>>, vector<16xf32>,
    %mul3A_1357 = arith.mulf %gather3A_1354, %get3A_1356 : vector<16xf32>
    %get3A_1358 = arith.constant 16 : index
    %get3A_1359 = tpu.vector_load %arg8[%get3A_1358] {strides = array<i32>} : memref<512xi32, #tpu.memory_space<vmem>>, vector<16xi32>,
    tpu.vector_store_idx %arg9[%get3A_1359], %mul3A_1357 {add = true} : memref<4096xf32, #tpu.memory_space<vmem>>[vector<16xi32>], vector<16xf32>,
    %broadcast_in_dim3A_1360 = arith.constant 2 : i32
    %broadcast_in_dim3A_1361 = vector.broadcast %broadcast_in_dim3A_1360 : i32 to vector<16x1xi32>
    %gather3A_1362 = vector.shape_cast %broadcast_in_dim3A_1361 : vector<16x1xi32> to vector<16xi32>
    %gather3A_1363 = tpu.dynamic_gather %get3A_1341[%gather3A_1362] in [0] : vector<16xf32>, vector<16xi32> -> vector<16xf32>
    %get3A_1364 = arith.constant 32 : index
    %get3A_1365 = tpu.vector_load %arg7[%get3A_1364] {strides = array<i32>} : memref<512xf32, #tpu.memory_space<vmem>>, vector<16xf32>,
    %mul3A_1366 = arith.mulf %gather3A_1363, %get3A_1365 : vector<16xf32>
    %get3A_1367 = arith.constant 32 : index
    %get3A_1368 = tpu.vector_load %arg8[%get3A_1367] {strides = array<i32>} : memref<512xi32, #tpu.memory_space<vmem>>, vector<16xi32>,
    tpu.vector_store_idx %arg9[%get3A_1368], %mul3A_1366 {add = true} : memref<4096xf32, #tpu.memory_space<vmem>>[vector<16xi32>], vector<16xf32>,
    %broadcast_in_dim3A_1369 = arith.constant 3 : i32
    %broadcast_in_dim3A_1370 = vector.broadcast %broadcast_in_dim3A_1369 : i32 to vector<16x1xi32>
    %gather3A_1371 = vector.shape_cast %broadcast_in_dim3A_1370 : vector<16x1xi32> to vector<16xi32>
    %gather3A_1372 = tpu.dynamic_gather %get3A_1341[%gather3A_1371] in [0] : vector<16xf32>, vector<16xi32> -> vector<16xf32>
    %get3A_1373 = arith.constant 48 : index
    %get3A_1374 = tpu.vector_load %arg7[%get3A_1373] {strides = array<i32>} : memref<512xf32, #tpu.memory_space<vmem>>, vector<16xf32>,
    %mul3A_1375 = arith.mulf %gather3A_1372, %get3A_1374 : vector<16xf32>
    %get3A_1376 = arith.constant 48 : index
    %get3A_1377 = tpu.vector_load %arg8[%get3A_1376] {strides = array<i32>} : memref<512xi32, #tpu.memory_space<vmem>>, vector<16xi32>,
    tpu.vector_store_idx %arg9[%get3A_1377], %mul3A_1375 {add = true} : memref<4096xf32, #tpu.memory_space<vmem>>[vector<16xi32>], vector<16xf32>,
    %broadcast_in_dim3A_1378 = arith.constant 4 : i32
    %broadcast_in_dim3A_1379 = vector.broadcast %broadcast_in_dim3A_1378 : i32 to vector<16x1xi32>
    %gather3A_1380 = vector.shape_cast %broadcast_in_dim3A_1379 : vector<16x1xi32> to vector<16xi32>
    %gather3A_1381 = tpu.dynamic_gather %get3A_1341[%gather3A_1380] in [0] : vector<16xf32>, vector<16xi32> -> vector<16xf32>
    %get3A_1382 = arith.constant 64 : index
    %get3A_1383 = tpu.vector_load %arg7[%get3A_1382] {strides = array<i32>} : memref<512xf32, #tpu.memory_space<vmem>>, vector<16xf32>,
    %mul3A_1384 = arith.mulf %gather3A_1381, %get3A_1383 : vector<16xf32>
    %get3A_1385 = arith.constant 64 : index
    %get3A_1386 = tpu.vector_load %arg8[%get3A_1385] {strides = array<i32>} : memref<512xi32, #tpu.memory_space<vmem>>, vector<16xi32>,
    tpu.vector_store_idx %arg9[%get3A_1386], %mul3A_1384 {add = true} : memref<4096xf32, #tpu.memory_space<vmem>>[vector<16xi32>], vector<16xf32>,
    %broadcast_in_dim3A_1387 = arith.constant 5 : i32
    %broadcast_in_dim3A_1388 = vector.broadcast %broadcast_in_dim3A_1387 : i32 to vector<16x1xi32>
    %gather3A_1389 = vector.shape_cast %broadcast_in_dim3A_1388 : vector<16x1xi32> to vector<16xi32>
    %gather3A_1390 = tpu.dynamic_gather %get3A_1341[%gather3A_1389] in [0] : vector<16xf32>, vector<16xi32> -> vector<16xf32>
    %get3A_1391 = arith.constant 80 : index
    %get3A_1392 = tpu.vector_load %arg7[%get3A_1391] {strides = array<i32>} : memref<512xf32, #tpu.memory_space<vmem>>, vector<16xf32>,
    %mul3A_1393 = arith.mulf %gather3A_1390, %get3A_1392 : vector<16xf32>
    %get3A_1394 = arith.constant 80 : index
    %get3A_1395 = tpu.vector_load %arg8[%get3A_1394] {strides = array<i32>} : memref<512xi32, #tpu.memory_space<vmem>>, vector<16xi32>,
    tpu.vector_store_idx %arg9[%get3A_1395], %mul3A_1393 {add = true} : memref<4096xf32, #tpu.memory_space<vmem>>[vector<16xi32>], vector<16xf32>,
    %broadcast_in_dim3A_1396 = arith.constant 6 : i32
    %broadcast_in_dim3A_1397 = vector.broadcast %broadcast_in_dim3A_1396 : i32 to vector<16x1xi32>
    %gather3A_1398 = vector.shape_cast %broadcast_in_dim3A_1397 : vector<16x1xi32> to vector<16xi32>
    %gather3A_1399 = tpu.dynamic_gather %get3A_1341[%gather3A_1398] in [0] : vector<16xf32>, vector<16xi32> -> vector<16xf32>
    %get3A_1400 = arith.constant 96 : index
    %get3A_1401 = tpu.vector_load %arg7[%get3A_1400] {strides = array<i32>} : memref<512xf32, #tpu.memory_space<vmem>>, vector<16xf32>,
    %mul3A_1402 = arith.mulf %gather3A_1399, %get3A_1401 : vector<16xf32>
    %get3A_1403 = arith.constant 96 : index
    %get3A_1404 = tpu.vector_load %arg8[%get3A_1403] {strides = array<i32>} : memref<512xi32, #tpu.memory_space<vmem>>, vector<16xi32>,
    tpu.vector_store_idx %arg9[%get3A_1404], %mul3A_1402 {add = true} : memref<4096xf32, #tpu.memory_space<vmem>>[vector<16xi32>], vector<16xf32>,
    %broadcast_in_dim3A_1405 = arith.constant 7 : i32
    %broadcast_in_dim3A_1406 = vector.broadcast %broadcast_in_dim3A_1405 : i32 to vector<16x1xi32>
    %gather3A_1407 = vector.shape_cast %broadcast_in_dim3A_1406 : vector<16x1xi32> to vector<16xi32>
    %gather3A_1408 = tpu.dynamic_gather %get3A_1341[%gather3A_1407] in [0] : vector<16xf32>, vector<16xi32> -> vector<16xf32>
    %get3A_1409 = arith.constant 112 : index
    %get3A_1410 = tpu.vector_load %arg7[%get3A_1409] {strides = array<i32>} : memref<512xf32, #tpu.memory_space<vmem>>, vector<16xf32>,
    %mul3A_1411 = arith.mulf %gather3A_1408, %get3A_1410 : vector<16xf32>
    %get3A_1412 = arith.constant 112 : index
    %get3A_1413 = tpu.vector_load %arg8[%get3A_1412] {strides = array<i32>} : memref<512xi32, #tpu.memory_space<vmem>>, vector<16xi32>,
    tpu.vector_store_idx %arg9[%get3A_1413], %mul3A_1411 {add = true} : memref<4096xf32, #tpu.memory_space<vmem>>[vector<16xi32>], vector<16xf32>,
    %broadcast_in_dim3A_1414 = arith.constant 8 : i32
    %broadcast_in_dim3A_1415 = vector.broadcast %broadcast_in_dim3A_1414 : i32 to vector<16x1xi32>
    %gather3A_1416 = vector.shape_cast %broadcast_in_dim3A_1415 : vector<16x1xi32> to vector<16xi32>
    %gather3A_1417 = tpu.dynamic_gather %get3A_1341[%gather3A_1416] in [0] : vector<16xf32>, vector<16xi32> -> vector<16xf32>
    %get3A_1418 = arith.constant 128 : index
    %get3A_1419 = tpu.vector_load %arg7[%get3A_1418] {strides = array<i32>} : memref<512xf32, #tpu.memory_space<vmem>>, vector<16xf32>,
    %mul3A_1420 = arith.mulf %gather3A_1417, %get3A_1419 : vector<16xf32>
    %get3A_1421 = arith.constant 128 : index
    %get3A_1422 = tpu.vector_load %arg8[%get3A_1421] {strides = array<i32>} : memref<512xi32, #tpu.memory_space<vmem>>, vector<16xi32>,
    tpu.vector_store_idx %arg9[%get3A_1422], %mul3A_1420 {add = true} : memref<4096xf32, #tpu.memory_space<vmem>>[vector<16xi32>], vector<16xf32>,
    %broadcast_in_dim3A_1423 = arith.constant 9 : i32
    %broadcast_in_dim3A_1424 = vector.broadcast %broadcast_in_dim3A_1423 : i32 to vector<16x1xi32>
    %gather3A_1425 = vector.shape_cast %broadcast_in_dim3A_1424 : vector<16x1xi32> to vector<16xi32>
    %gather3A_1426 = tpu.dynamic_gather %get3A_1341[%gather3A_1425] in [0] : vector<16xf32>, vector<16xi32> -> vector<16xf32>
    %get3A_1427 = arith.constant 144 : index
    %get3A_1428 = tpu.vector_load %arg7[%get3A_1427] {strides = array<i32>} : memref<512xf32, #tpu.memory_space<vmem>>, vector<16xf32>,
    %mul3A_1429 = arith.mulf %gather3A_1426, %get3A_1428 : vector<16xf32>
    %get3A_1430 = arith.constant 144 : index
    %get3A_1431 = tpu.vector_load %arg8[%get3A_1430] {strides = array<i32>} : memref<512xi32, #tpu.memory_space<vmem>>, vector<16xi32>,
    tpu.vector_store_idx %arg9[%get3A_1431], %mul3A_1429 {add = true} : memref<4096xf32, #tpu.memory_space<vmem>>[vector<16xi32>], vector<16xf32>,
    %broadcast_in_dim3A_1432 = arith.constant 10 : i32
    %broadcast_in_dim3A_1433 = vector.broadcast %broadcast_in_dim3A_1432 : i32 to vector<16x1xi32>
    %gather3A_1434 = vector.shape_cast %broadcast_in_dim3A_1433 : vector<16x1xi32> to vector<16xi32>
    %gather3A_1435 = tpu.dynamic_gather %get3A_1341[%gather3A_1434] in [0] : vector<16xf32>, vector<16xi32> -> vector<16xf32>
    %get3A_1436 = arith.constant 160 : index
    %get3A_1437 = tpu.vector_load %arg7[%get3A_1436] {strides = array<i32>} : memref<512xf32, #tpu.memory_space<vmem>>, vector<16xf32>,
    %mul3A_1438 = arith.mulf %gather3A_1435, %get3A_1437 : vector<16xf32>
    %get3A_1439 = arith.constant 160 : index
    %get3A_1440 = tpu.vector_load %arg8[%get3A_1439] {strides = array<i32>} : memref<512xi32, #tpu.memory_space<vmem>>, vector<16xi32>,
    tpu.vector_store_idx %arg9[%get3A_1440], %mul3A_1438 {add = true} : memref<4096xf32, #tpu.memory_space<vmem>>[vector<16xi32>], vector<16xf32>,
    %broadcast_in_dim3A_1441 = arith.constant 11 : i32
    %broadcast_in_dim3A_1442 = vector.broadcast %broadcast_in_dim3A_1441 : i32 to vector<16x1xi32>
    %gather3A_1443 = vector.shape_cast %broadcast_in_dim3A_1442 : vector<16x1xi32> to vector<16xi32>
    %gather3A_1444 = tpu.dynamic_gather %get3A_1341[%gather3A_1443] in [0] : vector<16xf32>, vector<16xi32> -> vector<16xf32>
    %get3A_1445 = arith.constant 176 : index
    %get3A_1446 = tpu.vector_load %arg7[%get3A_1445] {strides = array<i32>} : memref<512xf32, #tpu.memory_space<vmem>>, vector<16xf32>,
    %mul3A_1447 = arith.mulf %gather3A_1444, %get3A_1446 : vector<16xf32>
    %get3A_1448 = arith.constant 176 : index
    %get3A_1449 = tpu.vector_load %arg8[%get3A_1448] {strides = array<i32>} : memref<512xi32, #tpu.memory_space<vmem>>, vector<16xi32>,
    tpu.vector_store_idx %arg9[%get3A_1449], %mul3A_1447 {add = true} : memref<4096xf32, #tpu.memory_space<vmem>>[vector<16xi32>], vector<16xf32>,
    %broadcast_in_dim3A_1450 = arith.constant 12 : i32
    %broadcast_in_dim3A_1451 = vector.broadcast %broadcast_in_dim3A_1450 : i32 to vector<16x1xi32>
    %gather3A_1452 = vector.shape_cast %broadcast_in_dim3A_1451 : vector<16x1xi32> to vector<16xi32>
    %gather3A_1453 = tpu.dynamic_gather %get3A_1341[%gather3A_1452] in [0] : vector<16xf32>, vector<16xi32> -> vector<16xf32>
    %get3A_1454 = arith.constant 192 : index
    %get3A_1455 = tpu.vector_load %arg7[%get3A_1454] {strides = array<i32>} : memref<512xf32, #tpu.memory_space<vmem>>, vector<16xf32>,
    %mul3A_1456 = arith.mulf %gather3A_1453, %get3A_1455 : vector<16xf32>
    %get3A_1457 = arith.constant 192 : index
    %get3A_1458 = tpu.vector_load %arg8[%get3A_1457] {strides = array<i32>} : memref<512xi32, #tpu.memory_space<vmem>>, vector<16xi32>,
    tpu.vector_store_idx %arg9[%get3A_1458], %mul3A_1456 {add = true} : memref<4096xf32, #tpu.memory_space<vmem>>[vector<16xi32>], vector<16xf32>,
    %broadcast_in_dim3A_1459 = arith.constant 13 : i32
    %broadcast_in_dim3A_1460 = vector.broadcast %broadcast_in_dim3A_1459 : i32 to vector<16x1xi32>
    %gather3A_1461 = vector.shape_cast %broadcast_in_dim3A_1460 : vector<16x1xi32> to vector<16xi32>
    %gather3A_1462 = tpu.dynamic_gather %get3A_1341[%gather3A_1461] in [0] : vector<16xf32>, vector<16xi32> -> vector<16xf32>
    %get3A_1463 = arith.constant 208 : index
    %get3A_1464 = tpu.vector_load %arg7[%get3A_1463] {strides = array<i32>} : memref<512xf32, #tpu.memory_space<vmem>>, vector<16xf32>,
    %mul3A_1465 = arith.mulf %gather3A_1462, %get3A_1464 : vector<16xf32>
    %get3A_1466 = arith.constant 208 : index
    %get3A_1467 = tpu.vector_load %arg8[%get3A_1466] {strides = array<i32>} : memref<512xi32, #tpu.memory_space<vmem>>, vector<16xi32>,
    tpu.vector_store_idx %arg9[%get3A_1467], %mul3A_1465 {add = true} : memref<4096xf32, #tpu.memory_space<vmem>>[vector<16xi32>], vector<16xf32>,
    %broadcast_in_dim3A_1468 = arith.constant 14 : i32
    %broadcast_in_dim3A_1469 = vector.broadcast %broadcast_in_dim3A_1468 : i32 to vector<16x1xi32>
    %gather3A_1470 = vector.shape_cast %broadcast_in_dim3A_1469 : vector<16x1xi32> to vector<16xi32>
    %gather3A_1471 = tpu.dynamic_gather %get3A_1341[%gather3A_1470] in [0] : vector<16xf32>, vector<16xi32> -> vector<16xf32>
    %get3A_1472 = arith.constant 224 : index
    %get3A_1473 = tpu.vector_load %arg7[%get3A_1472] {strides = array<i32>} : memref<512xf32, #tpu.memory_space<vmem>>, vector<16xf32>,
    %mul3A_1474 = arith.mulf %gather3A_1471, %get3A_1473 : vector<16xf32>
    %get3A_1475 = arith.constant 224 : index
    %get3A_1476 = tpu.vector_load %arg8[%get3A_1475] {strides = array<i32>} : memref<512xi32, #tpu.memory_space<vmem>>, vector<16xi32>,
    tpu.vector_store_idx %arg9[%get3A_1476], %mul3A_1474 {add = true} : memref<4096xf32, #tpu.memory_space<vmem>>[vector<16xi32>], vector<16xf32>,
    %broadcast_in_dim3A_1477 = arith.constant 15 : i32
    %broadcast_in_dim3A_1478 = vector.broadcast %broadcast_in_dim3A_1477 : i32 to vector<16x1xi32>
    %gather3A_1479 = vector.shape_cast %broadcast_in_dim3A_1478 : vector<16x1xi32> to vector<16xi32>
    %gather3A_1480 = tpu.dynamic_gather %get3A_1341[%gather3A_1479] in [0] : vector<16xf32>, vector<16xi32> -> vector<16xf32>
    %get3A_1481 = arith.constant 240 : index
    %get3A_1482 = tpu.vector_load %arg7[%get3A_1481] {strides = array<i32>} : memref<512xf32, #tpu.memory_space<vmem>>, vector<16xf32>,
    %mul3A_1483 = arith.mulf %gather3A_1480, %get3A_1482 : vector<16xf32>
    %get3A_1484 = arith.constant 240 : index
    %get3A_1485 = tpu.vector_load %arg8[%get3A_1484] {strides = array<i32>} : memref<512xi32, #tpu.memory_space<vmem>>, vector<16xi32>,
    tpu.vector_store_idx %arg9[%get3A_1485], %mul3A_1483 {add = true} : memref<4096xf32, #tpu.memory_space<vmem>>[vector<16xi32>], vector<16xf32>,
    %mul3A_1486 = arith.constant 32 : i32
    %mul3A_1487 = arith.muli %scan3A_1329, %mul3A_1486 : i32
    %add3A_1488 = arith.constant 16 : i32
    %add3A_1489 = arith.addi %mul3A_1487, %add3A_1488 : i32
    %get3A_1490 = arith.index_cast %add3A_1489 : i32 to index
    %get3A_1491 = tpu.vector_load %arg5[%get3A_1490] {strides = array<i32>} : memref<32xf32, #tpu.memory_space<vmem>>, vector<16xf32>,
    %broadcast_in_dim3A_1492 = arith.constant 0 : i32
    %broadcast_in_dim3A_1493 = vector.broadcast %broadcast_in_dim3A_1492 : i32 to vector<16x1xi32>
    %gather3A_1494 = vector.shape_cast %broadcast_in_dim3A_1493 : vector<16x1xi32> to vector<16xi32>
    %gather3A_1495 = tpu.dynamic_gather %get3A_1491[%gather3A_1494] in [0] : vector<16xf32>, vector<16xi32> -> vector<16xf32>
    %get3A_1496 = arith.constant 256 : index
    %get3A_1497 = tpu.vector_load %arg7[%get3A_1496] {strides = array<i32>} : memref<512xf32, #tpu.memory_space<vmem>>, vector<16xf32>,
    %mul3A_1498 = arith.mulf %gather3A_1495, %get3A_1497 : vector<16xf32>
    %get3A_1499 = arith.constant 256 : index
    %get3A_1500 = tpu.vector_load %arg8[%get3A_1499] {strides = array<i32>} : memref<512xi32, #tpu.memory_space<vmem>>, vector<16xi32>,
    tpu.vector_store_idx %arg9[%get3A_1500], %mul3A_1498 {add = true} : memref<4096xf32, #tpu.memory_space<vmem>>[vector<16xi32>], vector<16xf32>,
    %broadcast_in_dim3A_1501 = arith.constant 1 : i32
    %broadcast_in_dim3A_1502 = vector.broadcast %broadcast_in_dim3A_1501 : i32 to vector<16x1xi32>
    %gather3A_1503 = vector.shape_cast %broadcast_in_dim3A_1502 : vector<16x1xi32> to vector<16xi32>
    %gather3A_1504 = tpu.dynamic_gather %get3A_1491[%gather3A_1503] in [0] : vector<16xf32>, vector<16xi32> -> vector<16xf32>
    %get3A_1505 = arith.constant 272 : index
    %get3A_1506 = tpu.vector_load %arg7[%get3A_1505] {strides = array<i32>} : memref<512xf32, #tpu.memory_space<vmem>>, vector<16xf32>,
    %mul3A_1507 = arith.mulf %gather3A_1504, %get3A_1506 : vector<16xf32>
    %get3A_1508 = arith.constant 272 : index
    %get3A_1509 = tpu.vector_load %arg8[%get3A_1508] {strides = array<i32>} : memref<512xi32, #tpu.memory_space<vmem>>, vector<16xi32>,
    tpu.vector_store_idx %arg9[%get3A_1509], %mul3A_1507 {add = true} : memref<4096xf32, #tpu.memory_space<vmem>>[vector<16xi32>], vector<16xf32>,
    %broadcast_in_dim3A_1510 = arith.constant 2 : i32
    %broadcast_in_dim3A_1511 = vector.broadcast %broadcast_in_dim3A_1510 : i32 to vector<16x1xi32>
    %gather3A_1512 = vector.shape_cast %broadcast_in_dim3A_1511 : vector<16x1xi32> to vector<16xi32>
    %gather3A_1513 = tpu.dynamic_gather %get3A_1491[%gather3A_1512] in [0] : vector<16xf32>, vector<16xi32> -> vector<16xf32>
    %get3A_1514 = arith.constant 288 : index
    %get3A_1515 = tpu.vector_load %arg7[%get3A_1514] {strides = array<i32>} : memref<512xf32, #tpu.memory_space<vmem>>, vector<16xf32>,
    %mul3A_1516 = arith.mulf %gather3A_1513, %get3A_1515 : vector<16xf32>
    %get3A_1517 = arith.constant 288 : index
    %get3A_1518 = tpu.vector_load %arg8[%get3A_1517] {strides = array<i32>} : memref<512xi32, #tpu.memory_space<vmem>>, vector<16xi32>,
    tpu.vector_store_idx %arg9[%get3A_1518], %mul3A_1516 {add = true} : memref<4096xf32, #tpu.memory_space<vmem>>[vector<16xi32>], vector<16xf32>,
    %broadcast_in_dim3A_1519 = arith.constant 3 : i32
    %broadcast_in_dim3A_1520 = vector.broadcast %broadcast_in_dim3A_1519 : i32 to vector<16x1xi32>
    %gather3A_1521 = vector.shape_cast %broadcast_in_dim3A_1520 : vector<16x1xi32> to vector<16xi32>
    %gather3A_1522 = tpu.dynamic_gather %get3A_1491[%gather3A_1521] in [0] : vector<16xf32>, vector<16xi32> -> vector<16xf32>
    %get3A_1523 = arith.constant 304 : index
    %get3A_1524 = tpu.vector_load %arg7[%get3A_1523] {strides = array<i32>} : memref<512xf32, #tpu.memory_space<vmem>>, vector<16xf32>,
    %mul3A_1525 = arith.mulf %gather3A_1522, %get3A_1524 : vector<16xf32>
    %get3A_1526 = arith.constant 304 : index
    %get3A_1527 = tpu.vector_load %arg8[%get3A_1526] {strides = array<i32>} : memref<512xi32, #tpu.memory_space<vmem>>, vector<16xi32>,
    tpu.vector_store_idx %arg9[%get3A_1527], %mul3A_1525 {add = true} : memref<4096xf32, #tpu.memory_space<vmem>>[vector<16xi32>], vector<16xf32>,
    %broadcast_in_dim3A_1528 = arith.constant 4 : i32
    %broadcast_in_dim3A_1529 = vector.broadcast %broadcast_in_dim3A_1528 : i32 to vector<16x1xi32>
    %gather3A_1530 = vector.shape_cast %broadcast_in_dim3A_1529 : vector<16x1xi32> to vector<16xi32>
    %gather3A_1531 = tpu.dynamic_gather %get3A_1491[%gather3A_1530] in [0] : vector<16xf32>, vector<16xi32> -> vector<16xf32>
    %get3A_1532 = arith.constant 320 : index
    %get3A_1533 = tpu.vector_load %arg7[%get3A_1532] {strides = array<i32>} : memref<512xf32, #tpu.memory_space<vmem>>, vector<16xf32>,
    %mul3A_1534 = arith.mulf %gather3A_1531, %get3A_1533 : vector<16xf32>
    %get3A_1535 = arith.constant 320 : index
    %get3A_1536 = tpu.vector_load %arg8[%get3A_1535] {strides = array<i32>} : memref<512xi32, #tpu.memory_space<vmem>>, vector<16xi32>,
    tpu.vector_store_idx %arg9[%get3A_1536], %mul3A_1534 {add = true} : memref<4096xf32, #tpu.memory_space<vmem>>[vector<16xi32>], vector<16xf32>,
    %broadcast_in_dim3A_1537 = arith.constant 5 : i32
    %broadcast_in_dim3A_1538 = vector.broadcast %broadcast_in_dim3A_1537 : i32 to vector<16x1xi32>
    %gather3A_1539 = vector.shape_cast %broadcast_in_dim3A_1538 : vector<16x1xi32> to vector<16xi32>
    %gather3A_1540 = tpu.dynamic_gather %get3A_1491[%gather3A_1539] in [0] : vector<16xf32>, vector<16xi32> -> vector<16xf32>
    %get3A_1541 = arith.constant 336 : index
    %get3A_1542 = tpu.vector_load %arg7[%get3A_1541] {strides = array<i32>} : memref<512xf32, #tpu.memory_space<vmem>>, vector<16xf32>,
    %mul3A_1543 = arith.mulf %gather3A_1540, %get3A_1542 : vector<16xf32>
    %get3A_1544 = arith.constant 336 : index
    %get3A_1545 = tpu.vector_load %arg8[%get3A_1544] {strides = array<i32>} : memref<512xi32, #tpu.memory_space<vmem>>, vector<16xi32>,
    tpu.vector_store_idx %arg9[%get3A_1545], %mul3A_1543 {add = true} : memref<4096xf32, #tpu.memory_space<vmem>>[vector<16xi32>], vector<16xf32>,
    %broadcast_in_dim3A_1546 = arith.constant 6 : i32
    %broadcast_in_dim3A_1547 = vector.broadcast %broadcast_in_dim3A_1546 : i32 to vector<16x1xi32>
    %gather3A_1548 = vector.shape_cast %broadcast_in_dim3A_1547 : vector<16x1xi32> to vector<16xi32>
    %gather3A_1549 = tpu.dynamic_gather %get3A_1491[%gather3A_1548] in [0] : vector<16xf32>, vector<16xi32> -> vector<16xf32>
    %get3A_1550 = arith.constant 352 : index
    %get3A_1551 = tpu.vector_load %arg7[%get3A_1550] {strides = array<i32>} : memref<512xf32, #tpu.memory_space<vmem>>, vector<16xf32>,
    %mul3A_1552 = arith.mulf %gather3A_1549, %get3A_1551 : vector<16xf32>
    %get3A_1553 = arith.constant 352 : index
    %get3A_1554 = tpu.vector_load %arg8[%get3A_1553] {strides = array<i32>} : memref<512xi32, #tpu.memory_space<vmem>>, vector<16xi32>,
    tpu.vector_store_idx %arg9[%get3A_1554], %mul3A_1552 {add = true} : memref<4096xf32, #tpu.memory_space<vmem>>[vector<16xi32>], vector<16xf32>,
    %broadcast_in_dim3A_1555 = arith.constant 7 : i32
    %broadcast_in_dim3A_1556 = vector.broadcast %broadcast_in_dim3A_1555 : i32 to vector<16x1xi32>
    %gather3A_1557 = vector.shape_cast %broadcast_in_dim3A_1556 : vector<16x1xi32> to vector<16xi32>
    %gather3A_1558 = tpu.dynamic_gather %get3A_1491[%gather3A_1557] in [0] : vector<16xf32>, vector<16xi32> -> vector<16xf32>
    %get3A_1559 = arith.constant 368 : index
    %get3A_1560 = tpu.vector_load %arg7[%get3A_1559] {strides = array<i32>} : memref<512xf32, #tpu.memory_space<vmem>>, vector<16xf32>,
    %mul3A_1561 = arith.mulf %gather3A_1558, %get3A_1560 : vector<16xf32>
    %get3A_1562 = arith.constant 368 : index
    %get3A_1563 = tpu.vector_load %arg8[%get3A_1562] {strides = array<i32>} : memref<512xi32, #tpu.memory_space<vmem>>, vector<16xi32>,
    tpu.vector_store_idx %arg9[%get3A_1563], %mul3A_1561 {add = true} : memref<4096xf32, #tpu.memory_space<vmem>>[vector<16xi32>], vector<16xf32>,
    %broadcast_in_dim3A_1564 = arith.constant 8 : i32
    %broadcast_in_dim3A_1565 = vector.broadcast %broadcast_in_dim3A_1564 : i32 to vector<16x1xi32>
    %gather3A_1566 = vector.shape_cast %broadcast_in_dim3A_1565 : vector<16x1xi32> to vector<16xi32>
    %gather3A_1567 = tpu.dynamic_gather %get3A_1491[%gather3A_1566] in [0] : vector<16xf32>, vector<16xi32> -> vector<16xf32>
    %get3A_1568 = arith.constant 384 : index
    %get3A_1569 = tpu.vector_load %arg7[%get3A_1568] {strides = array<i32>} : memref<512xf32, #tpu.memory_space<vmem>>, vector<16xf32>,
    %mul3A_1570 = arith.mulf %gather3A_1567, %get3A_1569 : vector<16xf32>
    %get3A_1571 = arith.constant 384 : index
    %get3A_1572 = tpu.vector_load %arg8[%get3A_1571] {strides = array<i32>} : memref<512xi32, #tpu.memory_space<vmem>>, vector<16xi32>,
    tpu.vector_store_idx %arg9[%get3A_1572], %mul3A_1570 {add = true} : memref<4096xf32, #tpu.memory_space<vmem>>[vector<16xi32>], vector<16xf32>,
    %broadcast_in_dim3A_1573 = arith.constant 9 : i32
    %broadcast_in_dim3A_1574 = vector.broadcast %broadcast_in_dim3A_1573 : i32 to vector<16x1xi32>
    %gather3A_1575 = vector.shape_cast %broadcast_in_dim3A_1574 : vector<16x1xi32> to vector<16xi32>
    %gather3A_1576 = tpu.dynamic_gather %get3A_1491[%gather3A_1575] in [0] : vector<16xf32>, vector<16xi32> -> vector<16xf32>
    %get3A_1577 = arith.constant 400 : index
    %get3A_1578 = tpu.vector_load %arg7[%get3A_1577] {strides = array<i32>} : memref<512xf32, #tpu.memory_space<vmem>>, vector<16xf32>,
    %mul3A_1579 = arith.mulf %gather3A_1576, %get3A_1578 : vector<16xf32>
    %get3A_1580 = arith.constant 400 : index
    %get3A_1581 = tpu.vector_load %arg8[%get3A_1580] {strides = array<i32>} : memref<512xi32, #tpu.memory_space<vmem>>, vector<16xi32>,
    tpu.vector_store_idx %arg9[%get3A_1581], %mul3A_1579 {add = true} : memref<4096xf32, #tpu.memory_space<vmem>>[vector<16xi32>], vector<16xf32>,
    %broadcast_in_dim3A_1582 = arith.constant 10 : i32
    %broadcast_in_dim3A_1583 = vector.broadcast %broadcast_in_dim3A_1582 : i32 to vector<16x1xi32>
    %gather3A_1584 = vector.shape_cast %broadcast_in_dim3A_1583 : vector<16x1xi32> to vector<16xi32>
    %gather3A_1585 = tpu.dynamic_gather %get3A_1491[%gather3A_1584] in [0] : vector<16xf32>, vector<16xi32> -> vector<16xf32>
    %get3A_1586 = arith.constant 416 : index
    %get3A_1587 = tpu.vector_load %arg7[%get3A_1586] {strides = array<i32>} : memref<512xf32, #tpu.memory_space<vmem>>, vector<16xf32>,
    %mul3A_1588 = arith.mulf %gather3A_1585, %get3A_1587 : vector<16xf32>
    %get3A_1589 = arith.constant 416 : index
    %get3A_1590 = tpu.vector_load %arg8[%get3A_1589] {strides = array<i32>} : memref<512xi32, #tpu.memory_space<vmem>>, vector<16xi32>,
    tpu.vector_store_idx %arg9[%get3A_1590], %mul3A_1588 {add = true} : memref<4096xf32, #tpu.memory_space<vmem>>[vector<16xi32>], vector<16xf32>,
    %broadcast_in_dim3A_1591 = arith.constant 11 : i32
    %broadcast_in_dim3A_1592 = vector.broadcast %broadcast_in_dim3A_1591 : i32 to vector<16x1xi32>
    %gather3A_1593 = vector.shape_cast %broadcast_in_dim3A_1592 : vector<16x1xi32> to vector<16xi32>
    %gather3A_1594 = tpu.dynamic_gather %get3A_1491[%gather3A_1593] in [0] : vector<16xf32>, vector<16xi32> -> vector<16xf32>
    %get3A_1595 = arith.constant 432 : index
    %get3A_1596 = tpu.vector_load %arg7[%get3A_1595] {strides = array<i32>} : memref<512xf32, #tpu.memory_space<vmem>>, vector<16xf32>,
    %mul3A_1597 = arith.mulf %gather3A_1594, %get3A_1596 : vector<16xf32>
    %get3A_1598 = arith.constant 432 : index
    %get3A_1599 = tpu.vector_load %arg8[%get3A_1598] {strides = array<i32>} : memref<512xi32, #tpu.memory_space<vmem>>, vector<16xi32>,
    tpu.vector_store_idx %arg9[%get3A_1599], %mul3A_1597 {add = true} : memref<4096xf32, #tpu.memory_space<vmem>>[vector<16xi32>], vector<16xf32>,
    %broadcast_in_dim3A_1600 = arith.constant 12 : i32
    %broadcast_in_dim3A_1601 = vector.broadcast %broadcast_in_dim3A_1600 : i32 to vector<16x1xi32>
    %gather3A_1602 = vector.shape_cast %broadcast_in_dim3A_1601 : vector<16x1xi32> to vector<16xi32>
    %gather3A_1603 = tpu.dynamic_gather %get3A_1491[%gather3A_1602] in [0] : vector<16xf32>, vector<16xi32> -> vector<16xf32>
    %get3A_1604 = arith.constant 448 : index
    %get3A_1605 = tpu.vector_load %arg7[%get3A_1604] {strides = array<i32>} : memref<512xf32, #tpu.memory_space<vmem>>, vector<16xf32>,
    %mul3A_1606 = arith.mulf %gather3A_1603, %get3A_1605 : vector<16xf32>
    %get3A_1607 = arith.constant 448 : index
    %get3A_1608 = tpu.vector_load %arg8[%get3A_1607] {strides = array<i32>} : memref<512xi32, #tpu.memory_space<vmem>>, vector<16xi32>,
    tpu.vector_store_idx %arg9[%get3A_1608], %mul3A_1606 {add = true} : memref<4096xf32, #tpu.memory_space<vmem>>[vector<16xi32>], vector<16xf32>,
    %broadcast_in_dim3A_1609 = arith.constant 13 : i32
    %broadcast_in_dim3A_1610 = vector.broadcast %broadcast_in_dim3A_1609 : i32 to vector<16x1xi32>
    %gather3A_1611 = vector.shape_cast %broadcast_in_dim3A_1610 : vector<16x1xi32> to vector<16xi32>
    %gather3A_1612 = tpu.dynamic_gather %get3A_1491[%gather3A_1611] in [0] : vector<16xf32>, vector<16xi32> -> vector<16xf32>
    %get3A_1613 = arith.constant 464 : index
    %get3A_1614 = tpu.vector_load %arg7[%get3A_1613] {strides = array<i32>} : memref<512xf32, #tpu.memory_space<vmem>>, vector<16xf32>,
    %mul3A_1615 = arith.mulf %gather3A_1612, %get3A_1614 : vector<16xf32>
    %get3A_1616 = arith.constant 464 : index
    %get3A_1617 = tpu.vector_load %arg8[%get3A_1616] {strides = array<i32>} : memref<512xi32, #tpu.memory_space<vmem>>, vector<16xi32>,
    tpu.vector_store_idx %arg9[%get3A_1617], %mul3A_1615 {add = true} : memref<4096xf32, #tpu.memory_space<vmem>>[vector<16xi32>], vector<16xf32>,
    %broadcast_in_dim3A_1618 = arith.constant 14 : i32
    %broadcast_in_dim3A_1619 = vector.broadcast %broadcast_in_dim3A_1618 : i32 to vector<16x1xi32>
    %gather3A_1620 = vector.shape_cast %broadcast_in_dim3A_1619 : vector<16x1xi32> to vector<16xi32>
    %gather3A_1621 = tpu.dynamic_gather %get3A_1491[%gather3A_1620] in [0] : vector<16xf32>, vector<16xi32> -> vector<16xf32>
    %get3A_1622 = arith.constant 480 : index
    %get3A_1623 = tpu.vector_load %arg7[%get3A_1622] {strides = array<i32>} : memref<512xf32, #tpu.memory_space<vmem>>, vector<16xf32>,
    %mul3A_1624 = arith.mulf %gather3A_1621, %get3A_1623 : vector<16xf32>
    %get3A_1625 = arith.constant 480 : index
    %get3A_1626 = tpu.vector_load %arg8[%get3A_1625] {strides = array<i32>} : memref<512xi32, #tpu.memory_space<vmem>>, vector<16xi32>,
    tpu.vector_store_idx %arg9[%get3A_1626], %mul3A_1624 {add = true} : memref<4096xf32, #tpu.memory_space<vmem>>[vector<16xi32>], vector<16xf32>,
    %broadcast_in_dim3A_1627 = arith.constant 15 : i32
    %broadcast_in_dim3A_1628 = vector.broadcast %broadcast_in_dim3A_1627 : i32 to vector<16x1xi32>
    %gather3A_1629 = vector.shape_cast %broadcast_in_dim3A_1628 : vector<16x1xi32> to vector<16xi32>
    %gather3A_1630 = tpu.dynamic_gather %get3A_1491[%gather3A_1629] in [0] : vector<16xf32>, vector<16xi32> -> vector<16xf32>
    %get3A_1631 = arith.constant 496 : index
    %get3A_1632 = tpu.vector_load %arg7[%get3A_1631] {strides = array<i32>} : memref<512xf32, #tpu.memory_space<vmem>>, vector<16xf32>,
    %mul3A_1633 = arith.mulf %gather3A_1630, %get3A_1632 : vector<16xf32>
    %get3A_1634 = arith.constant 496 : index
    %get3A_1635 = tpu.vector_load %arg8[%get3A_1634] {strides = array<i32>} : memref<512xi32, #tpu.memory_space<vmem>>, vector<16xi32>,
    tpu.vector_store_idx %arg9[%get3A_1635], %mul3A_1633 {add = true} : memref<4096xf32, #tpu.memory_space<vmem>>[vector<16xi32>], vector<16xf32>,
    %scan3A_1636 = arith.constant 0 : i32
    %scan3A_1637 = arith.constant 0 : i32
    %scan3A_1638 = arith.constant 16 : i32
    %scan3A_1639 = arith.addi %scan3A_1637, %scan3A_1638 : i32
    %scan3A_1640 = arith.constant 1 : i32
    scf.for %scan3A_1726 = %scan3A_1637 to %scan3A_1639 step %scan3A_1640  : i32 {
      %mul3A_1727 = arith.constant 8 : i32
      %mul3A_1728 = arith.muli %scan3A_1726, %mul3A_1727 : i32
      %add3A_1729 = arith.constant 0 : i32
      %add3A_1730 = arith.addi %mul3A_1728, %add3A_1729 : i32
      %shift_right_arithmetic3A_1731 = arith.constant 0 : i32
      %shift_right_arithmetic3A_1732 = arith.shrsi %add3A_1730, %shift_right_arithmetic3A_1731 : i32
      %shift_left3A_1733 = arith.constant 1 : i32
      %shift_left3A_1734 = arith.shli %shift_right_arithmetic3A_1732, %shift_left3A_1733 : i32
      %and3A_1735 = arith.constant 0 : i32
      %and3A_1736 = arith.andi %add3A_1730, %and3A_1735 : i32
      %or3A = arith.ori %shift_left3A_1734, %and3A_1736 : i32
      %mul3A_1737 = arith.constant 16 : i32
      %mul3A_1738 = arith.muli %or3A, %mul3A_1737 : i32
      %add3A_1739 = arith.constant 16 : i32
      %add3A_1740 = arith.addi %mul3A_1738, %add3A_1739 : i32
      %get3A_1741 = arith.index_cast %mul3A_1738 : i32 to index
      %get3A_1742 = tpu.vector_load %arg9[%get3A_1741] {strides = array<i32>} : memref<4096xf32, #tpu.memory_space<vmem>>, vector<16xf32>,
      %get3A_1743 = arith.index_cast %add3A_1740 : i32 to index
      %get3A_1744 = tpu.vector_load %arg9[%get3A_1743] {strides = array<i32>} : memref<4096xf32, #tpu.memory_space<vmem>>, vector<16xf32>,
      %add3A_1745 = arith.addf %get3A_1742, %get3A_1744 : vector<16xf32>
      %swap3A_1746 = arith.index_cast %mul3A_1738 : i32 to index
      %swap3A_1747 = tpu.vector_load %arg9[%swap3A_1746] {strides = array<i32>} : memref<4096xf32, #tpu.memory_space<vmem>>, vector<16xf32>,
      tpu.vector_store %arg9[%swap3A_1746], %add3A_1745 {strides = array<i32>} : memref<4096xf32, #tpu.memory_space<vmem>>, vector<16xf32>,
      %sub3A_1748 = arith.subf %get3A_1742, %get3A_1744 : vector<16xf32>
      %swap3A_1749 = arith.index_cast %add3A_1740 : i32 to index
      %swap3A_1750 = tpu.vector_load %arg9[%swap3A_1749] {strides = array<i32>} : memref<4096xf32, #tpu.memory_space<vmem>>, vector<16xf32>,
      tpu.vector_store %arg9[%swap3A_1749], %sub3A_1748 {strides = array<i32>} : memref<4096xf32, #tpu.memory_space<vmem>>, vector<16xf32>,
      %mul3A_1751 = arith.constant 8 : i32
      %mul3A_1752 = arith.muli %scan3A_1726, %mul3A_1751 : i32
      %add3A_1753 = arith.constant 1 : i32
      %add3A_1754 = arith.addi %mul3A_1752, %add3A_1753 : i32
      %shift_right_arithmetic3A_1755 = arith.constant 0 : i32
      %shift_right_arithmetic3A_1756 = arith.shrsi %add3A_1754, %shift_right_arithmetic3A_1755 : i32
      %shift_left3A_1757 = arith.constant 1 : i32
      %shift_left3A_1758 = arith.shli %shift_right_arithmetic3A_1756, %shift_left3A_1757 : i32
      %and3A_1759 = arith.constant 0 : i32
      %and3A_1760 = arith.andi %add3A_1754, %and3A_1759 : i32
      %or3A_1761 = arith.ori %shift_left3A_1758, %and3A_1760 : i32
      %mul3A_1762 = arith.constant 16 : i32
      %mul3A_1763 = arith.muli %or3A_1761, %mul3A_1762 : i32
      %add3A_1764 = arith.constant 16 : i32
      %add3A_1765 = arith.addi %mul3A_1763, %add3A_1764 : i32
      %get3A_1766 = arith.index_cast %mul3A_1763 : i32 to index
      %get3A_1767 = tpu.vector_load %arg9[%get3A_1766] {strides = array<i32>} : memref<4096xf32, #tpu.memory_space<vmem>>, vector<16xf32>,
      %get3A_1768 = arith.index_cast %add3A_1765 : i32 to index
      %get3A_1769 = tpu.vector_load %arg9[%get3A_1768] {strides = array<i32>} : memref<4096xf32, #tpu.memory_space<vmem>>, vector<16xf32>,
      %add3A_1770 = arith.addf %get3A_1767, %get3A_1769 : vector<16xf32>
      %swap3A_1771 = arith.index_cast %mul3A_1763 : i32 to index
      %swap3A_1772 = tpu.vector_load %arg9[%swap3A_1771] {strides = array<i32>} : memref<4096xf32, #tpu.memory_space<vmem>>, vector<16xf32>,
      tpu.vector_store %arg9[%swap3A_1771], %add3A_1770 {strides = array<i32>} : memref<4096xf32, #tpu.memory_space<vmem>>, vector<16xf32>,
      %sub3A_1773 = arith.subf %get3A_1767, %get3A_1769 : vector<16xf32>
      %swap3A_1774 = arith.index_cast %add3A_1765 : i32 to index
      %swap3A_1775 = tpu.vector_load %arg9[%swap3A_1774] {strides = array<i32>} : memref<4096xf32, #tpu.memory_space<vmem>>, vector<16xf32>,
      tpu.vector_store %arg9[%swap3A_1774], %sub3A_1773 {strides = array<i32>} : memref<4096xf32, #tpu.memory_space<vmem>>, vector<16xf32>,
      %mul3A_1776 = arith.constant 8 : i32
      %mul3A_1777 = arith.muli %scan3A_1726, %mul3A_1776 : i32
      %add3A_1778 = arith.constant 2 : i32
      %add3A_1779 = arith.addi %mul3A_1777, %add3A_1778 : i32
      %shift_right_arithmetic3A_1780 = arith.constant 0 : i32
      %shift_right_arithmetic3A_1781 = arith.shrsi %add3A_1779, %shift_right_arithmetic3A_1780 : i32
      %shift_left3A_1782 = arith.constant 1 : i32
      %shift_left3A_1783 = arith.shli %shift_right_arithmetic3A_1781, %shift_left3A_1782 : i32
      %and3A_1784 = arith.constant 0 : i32
      %and3A_1785 = arith.andi %add3A_1779, %and3A_1784 : i32
      %or3A_1786 = arith.ori %shift_left3A_1783, %and3A_1785 : i32
      %mul3A_1787 = arith.constant 16 : i32
      %mul3A_1788 = arith.muli %or3A_1786, %mul3A_1787 : i32
      %add3A_1789 = arith.constant 16 : i32
      %add3A_1790 = arith.addi %mul3A_1788, %add3A_1789 : i32
      %get3A_1791 = arith.index_cast %mul3A_1788 : i32 to index
      %get3A_1792 = tpu.vector_load %arg9[%get3A_1791] {strides = array<i32>} : memref<4096xf32, #tpu.memory_space<vmem>>, vector<16xf32>,
      %get3A_1793 = arith.index_cast %add3A_1790 : i32 to index
      %get3A_1794 = tpu.vector_load %arg9[%get3A_1793] {strides = array<i32>} : memref<4096xf32, #tpu.memory_space<vmem>>, vector<16xf32>,
      %add3A_1795 = arith.addf %get3A_1792, %get3A_1794 : vector<16xf32>
      %swap3A_1796 = arith.index_cast %mul3A_1788 : i32 to index
      %swap3A_1797 = tpu.vector_load %arg9[%swap3A_1796] {strides = array<i32>} : memref<4096xf32, #tpu.memory_space<vmem>>, vector<16xf32>,
      tpu.vector_store %arg9[%swap3A_1796], %add3A_1795 {strides = array<i32>} : memref<4096xf32, #tpu.memory_space<vmem>>, vector<16xf32>,
      %sub3A_1798 = arith.subf %get3A_1792, %get3A_1794 : vector<16xf32>
      %swap3A_1799 = arith.index_cast %add3A_1790 : i32 to index
      %swap3A_1800 = tpu.vector_load %arg9[%swap3A_1799] {strides = array<i32>} : memref<4096xf32, #tpu.memory_space<vmem>>, vector<16xf32>,
      tpu.vector_store %arg9[%swap3A_1799], %sub3A_1798 {strides = array<i32>} : memref<4096xf32, #tpu.memory_space<vmem>>, vector<16xf32>,
      %mul3A_1801 = arith.constant 8 : i32
      %mul3A_1802 = arith.muli %scan3A_1726, %mul3A_1801 : i32
      %add3A_1803 = arith.constant 3 : i32
      %add3A_1804 = arith.addi %mul3A_1802, %add3A_1803 : i32
      %shift_right_arithmetic3A_1805 = arith.constant 0 : i32
      %shift_right_arithmetic3A_1806 = arith.shrsi %add3A_1804, %shift_right_arithmetic3A_1805 : i32
      %shift_left3A_1807 = arith.constant 1 : i32
      %shift_left3A_1808 = arith.shli %shift_right_arithmetic3A_1806, %shift_left3A_1807 : i32
      %and3A_1809 = arith.constant 0 : i32
      %and3A_1810 = arith.andi %add3A_1804, %and3A_1809 : i32
      %or3A_1811 = arith.ori %shift_left3A_1808, %and3A_1810 : i32
      %mul3A_1812 = arith.constant 16 : i32
      %mul3A_1813 = arith.muli %or3A_1811, %mul3A_1812 : i32
      %add3A_1814 = arith.constant 16 : i32
      %add3A_1815 = arith.addi %mul3A_1813, %add3A_1814 : i32
      %get3A_1816 = arith.index_cast %mul3A_1813 : i32 to index
      %get3A_1817 = tpu.vector_load %arg9[%get3A_1816] {strides = array<i32>} : memref<4096xf32, #tpu.memory_space<vmem>>, vector<16xf32>,
      %get3A_1818 = arith.index_cast %add3A_1815 : i32 to index
      %get3A_1819 = tpu.vector_load %arg9[%get3A_1818] {strides = array<i32>} : memref<4096xf32, #tpu.memory_space<vmem>>, vector<16xf32>,
      %add3A_1820 = arith.addf %get3A_1817, %get3A_1819 : vector<16xf32>
      %swap3A_1821 = arith.index_cast %mul3A_1813 : i32 to index
      %swap3A_1822 = tpu.vector_load %arg9[%swap3A_1821] {strides = array<i32>} : memref<4096xf32, #tpu.memory_space<vmem>>, vector<16xf32>,
      tpu.vector_store %arg9[%swap3A_1821], %add3A_1820 {strides = array<i32>} : memref<4096xf32, #tpu.memory_space<vmem>>, vector<16xf32>,
      %sub3A_1823 = arith.subf %get3A_1817, %get3A_1819 : vector<16xf32>
      %swap3A_1824 = arith.index_cast %add3A_1815 : i32 to index
      %swap3A_1825 = tpu.vector_load %arg9[%swap3A_1824] {strides = array<i32>} : memref<4096xf32, #tpu.memory_space<vmem>>, vector<16xf32>,
      tpu.vector_store %arg9[%swap3A_1824], %sub3A_1823 {strides = array<i32>} : memref<4096xf32, #tpu.memory_space<vmem>>, vector<16xf32>,
      %mul3A_1826 = arith.constant 8 : i32
      %mul3A_1827 = arith.muli %scan3A_1726, %mul3A_1826 : i32
      %add3A_1828 = arith.constant 4 : i32
      %add3A_1829 = arith.addi %mul3A_1827, %add3A_1828 : i32
      %shift_right_arithmetic3A_1830 = arith.constant 0 : i32
      %shift_right_arithmetic3A_1831 = arith.shrsi %add3A_1829, %shift_right_arithmetic3A_1830 : i32
      %shift_left3A_1832 = arith.constant 1 : i32
      %shift_left3A_1833 = arith.shli %shift_right_arithmetic3A_1831, %shift_left3A_1832 : i32
      %and3A_1834 = arith.constant 0 : i32
      %and3A_1835 = arith.andi %add3A_1829, %and3A_1834 : i32
      %or3A_1836 = arith.ori %shift_left3A_1833, %and3A_1835 : i32
      %mul3A_1837 = arith.constant 16 : i32
      %mul3A_1838 = arith.muli %or3A_1836, %mul3A_1837 : i32
      %add3A_1839 = arith.constant 16 : i32
      %add3A_1840 = arith.addi %mul3A_1838, %add3A_1839 : i32
      %get3A_1841 = arith.index_cast %mul3A_1838 : i32 to index
      %get3A_1842 = tpu.vector_load %arg9[%get3A_1841] {strides = array<i32>} : memref<4096xf32, #tpu.memory_space<vmem>>, vector<16xf32>,
      %get3A_1843 = arith.index_cast %add3A_1840 : i32 to index
      %get3A_1844 = tpu.vector_load %arg9[%get3A_1843] {strides = array<i32>} : memref<4096xf32, #tpu.memory_space<vmem>>, vector<16xf32>,
      %add3A_1845 = arith.addf %get3A_1842, %get3A_1844 : vector<16xf32>
      %swap3A_1846 = arith.index_cast %mul3A_1838 : i32 to index
      %swap3A_1847 = tpu.vector_load %arg9[%swap3A_1846] {strides = array<i32>} : memref<4096xf32, #tpu.memory_space<vmem>>, vector<16xf32>,
      tpu.vector_store %arg9[%swap3A_1846], %add3A_1845 {strides = array<i32>} : memref<4096xf32, #tpu.memory_space<vmem>>, vector<16xf32>,
      %sub3A_1848 = arith.subf %get3A_1842, %get3A_1844 : vector<16xf32>
      %swap3A_1849 = arith.index_cast %add3A_1840 : i32 to index
      %swap3A_1850 = tpu.vector_load %arg9[%swap3A_1849] {strides = array<i32>} : memref<4096xf32, #tpu.memory_space<vmem>>, vector<16xf32>,
      tpu.vector_store %arg9[%swap3A_1849], %sub3A_1848 {strides = array<i32>} : memref<4096xf32, #tpu.memory_space<vmem>>, vector<16xf32>,
      %mul3A_1851 = arith.constant 8 : i32
      %mul3A_1852 = arith.muli %scan3A_1726, %mul3A_1851 : i32
      %add3A_1853 = arith.constant 5 : i32
      %add3A_1854 = arith.addi %mul3A_1852, %add3A_1853 : i32
      %shift_right_arithmetic3A_1855 = arith.constant 0 : i32
      %shift_right_arithmetic3A_1856 = arith.shrsi %add3A_1854, %shift_right_arithmetic3A_1855 : i32
      %shift_left3A_1857 = arith.constant 1 : i32
      %shift_left3A_1858 = arith.shli %shift_right_arithmetic3A_1856, %shift_left3A_1857 : i32
      %and3A_1859 = arith.constant 0 : i32
      %and3A_1860 = arith.andi %add3A_1854, %and3A_1859 : i32
      %or3A_1861 = arith.ori %shift_left3A_1858, %and3A_1860 : i32
      %mul3A_1862 = arith.constant 16 : i32
      %mul3A_1863 = arith.muli %or3A_1861, %mul3A_1862 : i32
      %add3A_1864 = arith.constant 16 : i32
      %add3A_1865 = arith.addi %mul3A_1863, %add3A_1864 : i32
      %get3A_1866 = arith.index_cast %mul3A_1863 : i32 to index
      %get3A_1867 = tpu.vector_load %arg9[%get3A_1866] {strides = array<i32>} : memref<4096xf32, #tpu.memory_space<vmem>>, vector<16xf32>,
      %get3A_1868 = arith.index_cast %add3A_1865 : i32 to index
      %get3A_1869 = tpu.vector_load %arg9[%get3A_1868] {strides = array<i32>} : memref<4096xf32, #tpu.memory_space<vmem>>, vector<16xf32>,
      %add3A_1870 = arith.addf %get3A_1867, %get3A_1869 : vector<16xf32>
      %swap3A_1871 = arith.index_cast %mul3A_1863 : i32 to index
      %swap3A_1872 = tpu.vector_load %arg9[%swap3A_1871] {strides = array<i32>} : memref<4096xf32, #tpu.memory_space<vmem>>, vector<16xf32>,
      tpu.vector_store %arg9[%swap3A_1871], %add3A_1870 {strides = array<i32>} : memref<4096xf32, #tpu.memory_space<vmem>>, vector<16xf32>,
      %sub3A_1873 = arith.subf %get3A_1867, %get3A_1869 : vector<16xf32>
      %swap3A_1874 = arith.index_cast %add3A_1865 : i32 to index
      %swap3A_1875 = tpu.vector_load %arg9[%swap3A_1874] {strides = array<i32>} : memref<4096xf32, #tpu.memory_space<vmem>>, vector<16xf32>,
      tpu.vector_store %arg9[%swap3A_1874], %sub3A_1873 {strides = array<i32>} : memref<4096xf32, #tpu.memory_space<vmem>>, vector<16xf32>,
      %mul3A_1876 = arith.constant 8 : i32
      %mul3A_1877 = arith.muli %scan3A_1726, %mul3A_1876 : i32
      %add3A_1878 = arith.constant 6 : i32
      %add3A_1879 = arith.addi %mul3A_1877, %add3A_1878 : i32
      %shift_right_arithmetic3A_1880 = arith.constant 0 : i32
      %shift_right_arithmetic3A_1881 = arith.shrsi %add3A_1879, %shift_right_arithmetic3A_1880 : i32
      %shift_left3A_1882 = arith.constant 1 : i32
      %shift_left3A_1883 = arith.shli %shift_right_arithmetic3A_1881, %shift_left3A_1882 : i32
      %and3A_1884 = arith.constant 0 : i32
      %and3A_1885 = arith.andi %add3A_1879, %and3A_1884 : i32
      %or3A_1886 = arith.ori %shift_left3A_1883, %and3A_1885 : i32
      %mul3A_1887 = arith.constant 16 : i32
      %mul3A_1888 = arith.muli %or3A_1886, %mul3A_1887 : i32
      %add3A_1889 = arith.constant 16 : i32
      %add3A_1890 = arith.addi %mul3A_1888, %add3A_1889 : i32
      %get3A_1891 = arith.index_cast %mul3A_1888 : i32 to index
      %get3A_1892 = tpu.vector_load %arg9[%get3A_1891] {strides = array<i32>} : memref<4096xf32, #tpu.memory_space<vmem>>, vector<16xf32>,
      %get3A_1893 = arith.index_cast %add3A_1890 : i32 to index
      %get3A_1894 = tpu.vector_load %arg9[%get3A_1893] {strides = array<i32>} : memref<4096xf32, #tpu.memory_space<vmem>>, vector<16xf32>,
      %add3A_1895 = arith.addf %get3A_1892, %get3A_1894 : vector<16xf32>
      %swap3A_1896 = arith.index_cast %mul3A_1888 : i32 to index
      %swap3A_1897 = tpu.vector_load %arg9[%swap3A_1896] {strides = array<i32>} : memref<4096xf32, #tpu.memory_space<vmem>>, vector<16xf32>,
      tpu.vector_store %arg9[%swap3A_1896], %add3A_1895 {strides = array<i32>} : memref<4096xf32, #tpu.memory_space<vmem>>, vector<16xf32>,
      %sub3A_1898 = arith.subf %get3A_1892, %get3A_1894 : vector<16xf32>
      %swap3A_1899 = arith.index_cast %add3A_1890 : i32 to index
      %swap3A_1900 = tpu.vector_load %arg9[%swap3A_1899] {strides = array<i32>} : memref<4096xf32, #tpu.memory_space<vmem>>, vector<16xf32>,
      tpu.vector_store %arg9[%swap3A_1899], %sub3A_1898 {strides = array<i32>} : memref<4096xf32, #tpu.memory_space<vmem>>, vector<16xf32>,
      %mul3A_1901 = arith.constant 8 : i32
      %mul3A_1902 = arith.muli %scan3A_1726, %mul3A_1901 : i32
      %add3A_1903 = arith.constant 7 : i32
      %add3A_1904 = arith.addi %mul3A_1902, %add3A_1903 : i32
      %shift_right_arithmetic3A_1905 = arith.constant 0 : i32
      %shift_right_arithmetic3A_1906 = arith.shrsi %add3A_1904, %shift_right_arithmetic3A_1905 : i32
      %shift_left3A_1907 = arith.constant 1 : i32
      %shift_left3A_1908 = arith.shli %shift_right_arithmetic3A_1906, %shift_left3A_1907 : i32
      %and3A_1909 = arith.constant 0 : i32
      %and3A_1910 = arith.andi %add3A_1904, %and3A_1909 : i32
      %or3A_1911 = arith.ori %shift_left3A_1908, %and3A_1910 : i32
      %mul3A_1912 = arith.constant 16 : i32
      %mul3A_1913 = arith.muli %or3A_1911, %mul3A_1912 : i32
      %add3A_1914 = arith.constant 16 : i32
      %add3A_1915 = arith.addi %mul3A_1913, %add3A_1914 : i32
      %get3A_1916 = arith.index_cast %mul3A_1913 : i32 to index
      %get3A_1917 = tpu.vector_load %arg9[%get3A_1916] {strides = array<i32>} : memref<4096xf32, #tpu.memory_space<vmem>>, vector<16xf32>,
      %get3A_1918 = arith.index_cast %add3A_1915 : i32 to index
      %get3A_1919 = tpu.vector_load %arg9[%get3A_1918] {strides = array<i32>} : memref<4096xf32, #tpu.memory_space<vmem>>, vector<16xf32>,
      %add3A_1920 = arith.addf %get3A_1917, %get3A_1919 : vector<16xf32>
      %swap3A_1921 = arith.index_cast %mul3A_1913 : i32 to index
      %swap3A_1922 = tpu.vector_load %arg9[%swap3A_1921] {strides = array<i32>} : memref<4096xf32, #tpu.memory_space<vmem>>, vector<16xf32>,
      tpu.vector_store %arg9[%swap3A_1921], %add3A_1920 {strides = array<i32>} : memref<4096xf32, #tpu.memory_space<vmem>>, vector<16xf32>,
      %sub3A_1923 = arith.subf %get3A_1917, %get3A_1919 : vector<16xf32>
      %swap3A_1924 = arith.index_cast %add3A_1915 : i32 to index
      %swap3A_1925 = tpu.vector_load %arg9[%swap3A_1924] {strides = array<i32>} : memref<4096xf32, #tpu.memory_space<vmem>>, vector<16xf32>,
      tpu.vector_store %arg9[%swap3A_1924], %sub3A_1923 {strides = array<i32>} : memref<4096xf32, #tpu.memory_space<vmem>>, vector<16xf32>,
    }
    %scan3A_1641 = arith.constant 16 : i32
    %scan3A_1642 = arith.constant 0 : i32
    %scan3A_1643 = arith.constant 0 : i32
    %scan3A_1644 = arith.constant 16 : i32
    %scan3A_1645 = arith.addi %scan3A_1643, %scan3A_1644 : i32
    %scan3A_1646 = arith.constant 1 : i32
    scf.for %scan3A_1726 = %scan3A_1643 to %scan3A_1645 step %scan3A_1646  : i32 {
      %mul3A_1727 = arith.constant 8 : i32
      %mul3A_1728 = arith.muli %scan3A_1726, %mul3A_1727 : i32
      %add3A_1729 = arith.constant 0 : i32
      %add3A_1730 = arith.addi %mul3A_1728, %add3A_1729 : i32
      %shift_right_arithmetic3A_1731 = arith.constant 1 : i32
      %shift_right_arithmetic3A_1732 = arith.shrsi %add3A_1730, %shift_right_arithmetic3A_1731 : i32
      %shift_left3A_1733 = arith.constant 2 : i32
      %shift_left3A_1734 = arith.shli %shift_right_arithmetic3A_1732, %shift_left3A_1733 : i32
      %and3A_1735 = arith.constant 1 : i32
      %and3A_1736 = arith.andi %add3A_1730, %and3A_1735 : i32
      %or3A = arith.ori %shift_left3A_1734, %and3A_1736 : i32
      %mul3A_1737 = arith.constant 16 : i32
      %mul3A_1738 = arith.muli %or3A, %mul3A_1737 : i32
      %add3A_1739 = arith.constant 32 : i32
      %add3A_1740 = arith.addi %mul3A_1738, %add3A_1739 : i32
      %get3A_1741 = arith.index_cast %mul3A_1738 : i32 to index
      %get3A_1742 = tpu.vector_load %arg9[%get3A_1741] {strides = array<i32>} : memref<4096xf32, #tpu.memory_space<vmem>>, vector<16xf32>,
      %get3A_1743 = arith.index_cast %add3A_1740 : i32 to index
      %get3A_1744 = tpu.vector_load %arg9[%get3A_1743] {strides = array<i32>} : memref<4096xf32, #tpu.memory_space<vmem>>, vector<16xf32>,
      %add3A_1745 = arith.addf %get3A_1742, %get3A_1744 : vector<16xf32>
      %swap3A_1746 = arith.index_cast %mul3A_1738 : i32 to index
      %swap3A_1747 = tpu.vector_load %arg9[%swap3A_1746] {strides = array<i32>} : memref<4096xf32, #tpu.memory_space<vmem>>, vector<16xf32>,
      tpu.vector_store %arg9[%swap3A_1746], %add3A_1745 {strides = array<i32>} : memref<4096xf32, #tpu.memory_space<vmem>>, vector<16xf32>,
      %sub3A_1748 = arith.subf %get3A_1742, %get3A_1744 : vector<16xf32>
      %swap3A_1749 = arith.index_cast %add3A_1740 : i32 to index
      %swap3A_1750 = tpu.vector_load %arg9[%swap3A_1749] {strides = array<i32>} : memref<4096xf32, #tpu.memory_space<vmem>>, vector<16xf32>,
      tpu.vector_store %arg9[%swap3A_1749], %sub3A_1748 {strides = array<i32>} : memref<4096xf32, #tpu.memory_space<vmem>>, vector<16xf32>,
      %mul3A_1751 = arith.constant 8 : i32
      %mul3A_1752 = arith.muli %scan3A_1726, %mul3A_1751 : i32
      %add3A_1753 = arith.constant 1 : i32
      %add3A_1754 = arith.addi %mul3A_1752, %add3A_1753 : i32
      %shift_right_arithmetic3A_1755 = arith.constant 1 : i32
      %shift_right_arithmetic3A_1756 = arith.shrsi %add3A_1754, %shift_right_arithmetic3A_1755 : i32
      %shift_left3A_1757 = arith.constant 2 : i32
      %shift_left3A_1758 = arith.shli %shift_right_arithmetic3A_1756, %shift_left3A_1757 : i32
      %and3A_1759 = arith.constant 1 : i32
      %and3A_1760 = arith.andi %add3A_1754, %and3A_1759 : i32
      %or3A_1761 = arith.ori %shift_left3A_1758, %and3A_1760 : i32
      %mul3A_1762 = arith.constant 16 : i32
      %mul3A_1763 = arith.muli %or3A_1761, %mul3A_1762 : i32
      %add3A_1764 = arith.constant 32 : i32
      %add3A_1765 = arith.addi %mul3A_1763, %add3A_1764 : i32
      %get3A_1766 = arith.index_cast %mul3A_1763 : i32 to index
      %get3A_1767 = tpu.vector_load %arg9[%get3A_1766] {strides = array<i32>} : memref<4096xf32, #tpu.memory_space<vmem>>, vector<16xf32>,
      %get3A_1768 = arith.index_cast %add3A_1765 : i32 to index
      %get3A_1769 = tpu.vector_load %arg9[%get3A_1768] {strides = array<i32>} : memref<4096xf32, #tpu.memory_space<vmem>>, vector<16xf32>,
      %add3A_1770 = arith.addf %get3A_1767, %get3A_1769 : vector<16xf32>
      %swap3A_1771 = arith.index_cast %mul3A_1763 : i32 to index
      %swap3A_1772 = tpu.vector_load %arg9[%swap3A_1771] {strides = array<i32>} : memref<4096xf32, #tpu.memory_space<vmem>>, vector<16xf32>,
      tpu.vector_store %arg9[%swap3A_1771], %add3A_1770 {strides = array<i32>} : memref<4096xf32, #tpu.memory_space<vmem>>, vector<16xf32>,
      %sub3A_1773 = arith.subf %get3A_1767, %get3A_1769 : vector<16xf32>
      %swap3A_1774 = arith.index_cast %add3A_1765 : i32 to index
      %swap3A_1775 = tpu.vector_load %arg9[%swap3A_1774] {strides = array<i32>} : memref<4096xf32, #tpu.memory_space<vmem>>, vector<16xf32>,
      tpu.vector_store %arg9[%swap3A_1774], %sub3A_1773 {strides = array<i32>} : memref<4096xf32, #tpu.memory_space<vmem>>, vector<16xf32>,
      %mul3A_1776 = arith.constant 8 : i32
      %mul3A_1777 = arith.muli %scan3A_1726, %mul3A_1776 : i32
      %add3A_1778 = arith.constant 2 : i32
      %add3A_1779 = arith.addi %mul3A_1777, %add3A_1778 : i32
      %shift_right_arithmetic3A_1780 = arith.constant 1 : i32
      %shift_right_arithmetic3A_1781 = arith.shrsi %add3A_1779, %shift_right_arithmetic3A_1780 : i32
      %shift_left3A_1782 = arith.constant 2 : i32
      %shift_left3A_1783 = arith.shli %shift_right_arithmetic3A_1781, %shift_left3A_1782 : i32
      %and3A_1784 = arith.constant 1 : i32
      %and3A_1785 = arith.andi %add3A_1779, %and3A_1784 : i32
      %or3A_1786 = arith.ori %shift_left3A_1783, %and3A_1785 : i32
      %mul3A_1787 = arith.constant 16 : i32
      %mul3A_1788 = arith.muli %or3A_1786, %mul3A_1787 : i32
      %add3A_1789 = arith.constant 32 : i32
      %add3A_1790 = arith.addi %mul3A_1788, %add3A_1789 : i32
      %get3A_1791 = arith.index_cast %mul3A_1788 : i32 to index
      %get3A_1792 = tpu.vector_load %arg9[%get3A_1791] {strides = array<i32>} : memref<4096xf32, #tpu.memory_space<vmem>>, vector<16xf32>,
      %get3A_1793 = arith.index_cast %add3A_1790 : i32 to index
      %get3A_1794 = tpu.vector_load %arg9[%get3A_1793] {strides = array<i32>} : memref<4096xf32, #tpu.memory_space<vmem>>, vector<16xf32>,
      %add3A_1795 = arith.addf %get3A_1792, %get3A_1794 : vector<16xf32>
      %swap3A_1796 = arith.index_cast %mul3A_1788 : i32 to index
      %swap3A_1797 = tpu.vector_load %arg9[%swap3A_1796] {strides = array<i32>} : memref<4096xf32, #tpu.memory_space<vmem>>, vector<16xf32>,
      tpu.vector_store %arg9[%swap3A_1796], %add3A_1795 {strides = array<i32>} : memref<4096xf32, #tpu.memory_space<vmem>>, vector<16xf32>,
      %sub3A_1798 = arith.subf %get3A_1792, %get3A_1794 : vector<16xf32>
      %swap3A_1799 = arith.index_cast %add3A_1790 : i32 to index
      %swap3A_1800 = tpu.vector_load %arg9[%swap3A_1799] {strides = array<i32>} : memref<4096xf32, #tpu.memory_space<vmem>>, vector<16xf32>,
      tpu.vector_store %arg9[%swap3A_1799], %sub3A_1798 {strides = array<i32>} : memref<4096xf32, #tpu.memory_space<vmem>>, vector<16xf32>,
      %mul3A_1801 = arith.constant 8 : i32
      %mul3A_1802 = arith.muli %scan3A_1726, %mul3A_1801 : i32
      %add3A_1803 = arith.constant 3 : i32
      %add3A_1804 = arith.addi %mul3A_1802, %add3A_1803 : i32
      %shift_right_arithmetic3A_1805 = arith.constant 1 : i32
      %shift_right_arithmetic3A_1806 = arith.shrsi %add3A_1804, %shift_right_arithmetic3A_1805 : i32
      %shift_left3A_1807 = arith.constant 2 : i32
      %shift_left3A_1808 = arith.shli %shift_right_arithmetic3A_1806, %shift_left3A_1807 : i32
      %and3A_1809 = arith.constant 1 : i32
      %and3A_1810 = arith.andi %add3A_1804, %and3A_1809 : i32
      %or3A_1811 = arith.ori %shift_left3A_1808, %and3A_1810 : i32
      %mul3A_1812 = arith.constant 16 : i32
      %mul3A_1813 = arith.muli %or3A_1811, %mul3A_1812 : i32
      %add3A_1814 = arith.constant 32 : i32
      %add3A_1815 = arith.addi %mul3A_1813, %add3A_1814 : i32
      %get3A_1816 = arith.index_cast %mul3A_1813 : i32 to index
      %get3A_1817 = tpu.vector_load %arg9[%get3A_1816] {strides = array<i32>} : memref<4096xf32, #tpu.memory_space<vmem>>, vector<16xf32>,
      %get3A_1818 = arith.index_cast %add3A_1815 : i32 to index
      %get3A_1819 = tpu.vector_load %arg9[%get3A_1818] {strides = array<i32>} : memref<4096xf32, #tpu.memory_space<vmem>>, vector<16xf32>,
      %add3A_1820 = arith.addf %get3A_1817, %get3A_1819 : vector<16xf32>
      %swap3A_1821 = arith.index_cast %mul3A_1813 : i32 to index
      %swap3A_1822 = tpu.vector_load %arg9[%swap3A_1821] {strides = array<i32>} : memref<4096xf32, #tpu.memory_space<vmem>>, vector<16xf32>,
      tpu.vector_store %arg9[%swap3A_1821], %add3A_1820 {strides = array<i32>} : memref<4096xf32, #tpu.memory_space<vmem>>, vector<16xf32>,
      %sub3A_1823 = arith.subf %get3A_1817, %get3A_1819 : vector<16xf32>
      %swap3A_1824 = arith.index_cast %add3A_1815 : i32 to index
      %swap3A_1825 = tpu.vector_load %arg9[%swap3A_1824] {strides = array<i32>} : memref<4096xf32, #tpu.memory_space<vmem>>, vector<16xf32>,
      tpu.vector_store %arg9[%swap3A_1824], %sub3A_1823 {strides = array<i32>} : memref<4096xf32, #tpu.memory_space<vmem>>, vector<16xf32>,
      %mul3A_1826 = arith.constant 8 : i32
      %mul3A_1827 = arith.muli %scan3A_1726, %mul3A_1826 : i32
      %add3A_1828 = arith.constant 4 : i32
      %add3A_1829 = arith.addi %mul3A_1827, %add3A_1828 : i32
      %shift_right_arithmetic3A_1830 = arith.constant 1 : i32
      %shift_right_arithmetic3A_1831 = arith.shrsi %add3A_1829, %shift_right_arithmetic3A_1830 : i32
      %shift_left3A_1832 = arith.constant 2 : i32
      %shift_left3A_1833 = arith.shli %shift_right_arithmetic3A_1831, %shift_left3A_1832 : i32
      %and3A_1834 = arith.constant 1 : i32
      %and3A_1835 = arith.andi %add3A_1829, %and3A_1834 : i32
      %or3A_1836 = arith.ori %shift_left3A_1833, %and3A_1835 : i32
      %mul3A_1837 = arith.constant 16 : i32
      %mul3A_1838 = arith.muli %or3A_1836, %mul3A_1837 : i32
      %add3A_1839 = arith.constant 32 : i32
      %add3A_1840 = arith.addi %mul3A_1838, %add3A_1839 : i32
      %get3A_1841 = arith.index_cast %mul3A_1838 : i32 to index
      %get3A_1842 = tpu.vector_load %arg9[%get3A_1841] {strides = array<i32>} : memref<4096xf32, #tpu.memory_space<vmem>>, vector<16xf32>,
      %get3A_1843 = arith.index_cast %add3A_1840 : i32 to index
      %get3A_1844 = tpu.vector_load %arg9[%get3A_1843] {strides = array<i32>} : memref<4096xf32, #tpu.memory_space<vmem>>, vector<16xf32>,
      %add3A_1845 = arith.addf %get3A_1842, %get3A_1844 : vector<16xf32>
      %swap3A_1846 = arith.index_cast %mul3A_1838 : i32 to index
      %swap3A_1847 = tpu.vector_load %arg9[%swap3A_1846] {strides = array<i32>} : memref<4096xf32, #tpu.memory_space<vmem>>, vector<16xf32>,
      tpu.vector_store %arg9[%swap3A_1846], %add3A_1845 {strides = array<i32>} : memref<4096xf32, #tpu.memory_space<vmem>>, vector<16xf32>,
      %sub3A_1848 = arith.subf %get3A_1842, %get3A_1844 : vector<16xf32>
      %swap3A_1849 = arith.index_cast %add3A_1840 : i32 to index
      %swap3A_1850 = tpu.vector_load %arg9[%swap3A_1849] {strides = array<i32>} : memref<4096xf32, #tpu.memory_space<vmem>>, vector<16xf32>,
      tpu.vector_store %arg9[%swap3A_1849], %sub3A_1848 {strides = array<i32>} : memref<4096xf32, #tpu.memory_space<vmem>>, vector<16xf32>,
      %mul3A_1851 = arith.constant 8 : i32
      %mul3A_1852 = arith.muli %scan3A_1726, %mul3A_1851 : i32
      %add3A_1853 = arith.constant 5 : i32
      %add3A_1854 = arith.addi %mul3A_1852, %add3A_1853 : i32
      %shift_right_arithmetic3A_1855 = arith.constant 1 : i32
      %shift_right_arithmetic3A_1856 = arith.shrsi %add3A_1854, %shift_right_arithmetic3A_1855 : i32
      %shift_left3A_1857 = arith.constant 2 : i32
      %shift_left3A_1858 = arith.shli %shift_right_arithmetic3A_1856, %shift_left3A_1857 : i32
      %and3A_1859 = arith.constant 1 : i32
      %and3A_1860 = arith.andi %add3A_1854, %and3A_1859 : i32
      %or3A_1861 = arith.ori %shift_left3A_1858, %and3A_1860 : i32
      %mul3A_1862 = arith.constant 16 : i32
      %mul3A_1863 = arith.muli %or3A_1861, %mul3A_1862 : i32
      %add3A_1864 = arith.constant 32 : i32
      %add3A_1865 = arith.addi %mul3A_1863, %add3A_1864 : i32
      %get3A_1866 = arith.index_cast %mul3A_1863 : i32 to index
      %get3A_1867 = tpu.vector_load %arg9[%get3A_1866] {strides = array<i32>} : memref<4096xf32, #tpu.memory_space<vmem>>, vector<16xf32>,
      %get3A_1868 = arith.index_cast %add3A_1865 : i32 to index
      %get3A_1869 = tpu.vector_load %arg9[%get3A_1868] {strides = array<i32>} : memref<4096xf32, #tpu.memory_space<vmem>>, vector<16xf32>,
      %add3A_1870 = arith.addf %get3A_1867, %get3A_1869 : vector<16xf32>
      %swap3A_1871 = arith.index_cast %mul3A_1863 : i32 to index
      %swap3A_1872 = tpu.vector_load %arg9[%swap3A_1871] {strides = array<i32>} : memref<4096xf32, #tpu.memory_space<vmem>>, vector<16xf32>,
      tpu.vector_store %arg9[%swap3A_1871], %add3A_1870 {strides = array<i32>} : memref<4096xf32, #tpu.memory_space<vmem>>, vector<16xf32>,
      %sub3A_1873 = arith.subf %get3A_1867, %get3A_1869 : vector<16xf32>
      %swap3A_1874 = arith.index_cast %add3A_1865 : i32 to index
      %swap3A_1875 = tpu.vector_load %arg9[%swap3A_1874] {strides = array<i32>} : memref<4096xf32, #tpu.memory_space<vmem>>, vector<16xf32>,
      tpu.vector_store %arg9[%swap3A_1874], %sub3A_1873 {strides = array<i32>} : memref<4096xf32, #tpu.memory_space<vmem>>, vector<16xf32>,
      %mul3A_1876 = arith.constant 8 : i32
      %mul3A_1877 = arith.muli %scan3A_1726, %mul3A_1876 : i32
      %add3A_1878 = arith.constant 6 : i32
      %add3A_1879 = arith.addi %mul3A_1877, %add3A_1878 : i32
      %shift_right_arithmetic3A_1880 = arith.constant 1 : i32
      %shift_right_arithmetic3A_1881 = arith.shrsi %add3A_1879, %shift_right_arithmetic3A_1880 : i32
      %shift_left3A_1882 = arith.constant 2 : i32
      %shift_left3A_1883 = arith.shli %shift_right_arithmetic3A_1881, %shift_left3A_1882 : i32
      %and3A_1884 = arith.constant 1 : i32
      %and3A_1885 = arith.andi %add3A_1879, %and3A_1884 : i32
      %or3A_1886 = arith.ori %shift_left3A_1883, %and3A_1885 : i32
      %mul3A_1887 = arith.constant 16 : i32
      %mul3A_1888 = arith.muli %or3A_1886, %mul3A_1887 : i32
      %add3A_1889 = arith.constant 32 : i32
      %add3A_1890 = arith.addi %mul3A_1888, %add3A_1889 : i32
      %get3A_1891 = arith.index_cast %mul3A_1888 : i32 to index
      %get3A_1892 = tpu.vector_load %arg9[%get3A_1891] {strides = array<i32>} : memref<4096xf32, #tpu.memory_space<vmem>>, vector<16xf32>,
      %get3A_1893 = arith.index_cast %add3A_1890 : i32 to index
      %get3A_1894 = tpu.vector_load %arg9[%get3A_1893] {strides = array<i32>} : memref<4096xf32, #tpu.memory_space<vmem>>, vector<16xf32>,
      %add3A_1895 = arith.addf %get3A_1892, %get3A_1894 : vector<16xf32>
      %swap3A_1896 = arith.index_cast %mul3A_1888 : i32 to index
      %swap3A_1897 = tpu.vector_load %arg9[%swap3A_1896] {strides = array<i32>} : memref<4096xf32, #tpu.memory_space<vmem>>, vector<16xf32>,
      tpu.vector_store %arg9[%swap3A_1896], %add3A_1895 {strides = array<i32>} : memref<4096xf32, #tpu.memory_space<vmem>>, vector<16xf32>,
      %sub3A_1898 = arith.subf %get3A_1892, %get3A_1894 : vector<16xf32>
      %swap3A_1899 = arith.index_cast %add3A_1890 : i32 to index
      %swap3A_1900 = tpu.vector_load %arg9[%swap3A_1899] {strides = array<i32>} : memref<4096xf32, #tpu.memory_space<vmem>>, vector<16xf32>,
      tpu.vector_store %arg9[%swap3A_1899], %sub3A_1898 {strides = array<i32>} : memref<4096xf32, #tpu.memory_space<vmem>>, vector<16xf32>,
      %mul3A_1901 = arith.constant 8 : i32
      %mul3A_1902 = arith.muli %scan3A_1726, %mul3A_1901 : i32
      %add3A_1903 = arith.constant 7 : i32
      %add3A_1904 = arith.addi %mul3A_1902, %add3A_1903 : i32
      %shift_right_arithmetic3A_1905 = arith.constant 1 : i32
      %shift_right_arithmetic3A_1906 = arith.shrsi %add3A_1904, %shift_right_arithmetic3A_1905 : i32
      %shift_left3A_1907 = arith.constant 2 : i32
      %shift_left3A_1908 = arith.shli %shift_right_arithmetic3A_1906, %shift_left3A_1907 : i32
      %and3A_1909 = arith.constant 1 : i32
      %and3A_1910 = arith.andi %add3A_1904, %and3A_1909 : i32
      %or3A_1911 = arith.ori %shift_left3A_1908, %and3A_1910 : i32
      %mul3A_1912 = arith.constant 16 : i32
      %mul3A_1913 = arith.muli %or3A_1911, %mul3A_1912 : i32
      %add3A_1914 = arith.constant 32 : i32
      %add3A_1915 = arith.addi %mul3A_1913, %add3A_1914 : i32
      %get3A_1916 = arith.index_cast %mul3A_1913 : i32 to index
      %get3A_1917 = tpu.vector_load %arg9[%get3A_1916] {strides = array<i32>} : memref<4096xf32, #tpu.memory_space<vmem>>, vector<16xf32>,
      %get3A_1918 = arith.index_cast %add3A_1915 : i32 to index
      %get3A_1919 = tpu.vector_load %arg9[%get3A_1918] {strides = array<i32>} : memref<4096xf32, #tpu.memory_space<vmem>>, vector<16xf32>,
      %add3A_1920 = arith.addf %get3A_1917, %get3A_1919 : vector<16xf32>
      %swap3A_1921 = arith.index_cast %mul3A_1913 : i32 to index
      %swap3A_1922 = tpu.vector_load %arg9[%swap3A_1921] {strides = array<i32>} : memref<4096xf32, #tpu.memory_space<vmem>>, vector<16xf32>,
      tpu.vector_store %arg9[%swap3A_1921], %add3A_1920 {strides = array<i32>} : memref<4096xf32, #tpu.memory_space<vmem>>, vector<16xf32>,
      %sub3A_1923 = arith.subf %get3A_1917, %get3A_1919 : vector<16xf32>
      %swap3A_1924 = arith.index_cast %add3A_1915 : i32 to index
      %swap3A_1925 = tpu.vector_load %arg9[%swap3A_1924] {strides = array<i32>} : memref<4096xf32, #tpu.memory_space<vmem>>, vector<16xf32>,
      tpu.vector_store %arg9[%swap3A_1924], %sub3A_1923 {strides = array<i32>} : memref<4096xf32, #tpu.memory_space<vmem>>, vector<16xf32>,
    }
    %scan3A_1647 = arith.constant 16 : i32
    %scan3A_1648 = arith.constant 0 : i32
    %scan3A_1649 = arith.constant 0 : i32
    %scan3A_1650 = arith.constant 16 : i32
    %scan3A_1651 = arith.addi %scan3A_1649, %scan3A_1650 : i32
    %scan3A_1652 = arith.constant 1 : i32
    scf.for %scan3A_1726 = %scan3A_1649 to %scan3A_1651 step %scan3A_1652  : i32 {
      %mul3A_1727 = arith.constant 8 : i32
      %mul3A_1728 = arith.muli %scan3A_1726, %mul3A_1727 : i32
      %add3A_1729 = arith.constant 0 : i32
      %add3A_1730 = arith.addi %mul3A_1728, %add3A_1729 : i32
      %shift_right_arithmetic3A_1731 = arith.constant 2 : i32
      %shift_right_arithmetic3A_1732 = arith.shrsi %add3A_1730, %shift_right_arithmetic3A_1731 : i32
      %shift_left3A_1733 = arith.constant 3 : i32
      %shift_left3A_1734 = arith.shli %shift_right_arithmetic3A_1732, %shift_left3A_1733 : i32
      %and3A_1735 = arith.constant 3 : i32
      %and3A_1736 = arith.andi %add3A_1730, %and3A_1735 : i32
      %or3A = arith.ori %shift_left3A_1734, %and3A_1736 : i32
      %mul3A_1737 = arith.constant 16 : i32
      %mul3A_1738 = arith.muli %or3A, %mul3A_1737 : i32
      %add3A_1739 = arith.constant 64 : i32
      %add3A_1740 = arith.addi %mul3A_1738, %add3A_1739 : i32
      %get3A_1741 = arith.index_cast %mul3A_1738 : i32 to index
      %get3A_1742 = tpu.vector_load %arg9[%get3A_1741] {strides = array<i32>} : memref<4096xf32, #tpu.memory_space<vmem>>, vector<16xf32>,
      %get3A_1743 = arith.index_cast %add3A_1740 : i32 to index
      %get3A_1744 = tpu.vector_load %arg9[%get3A_1743] {strides = array<i32>} : memref<4096xf32, #tpu.memory_space<vmem>>, vector<16xf32>,
      %add3A_1745 = arith.addf %get3A_1742, %get3A_1744 : vector<16xf32>
      %swap3A_1746 = arith.index_cast %mul3A_1738 : i32 to index
      %swap3A_1747 = tpu.vector_load %arg9[%swap3A_1746] {strides = array<i32>} : memref<4096xf32, #tpu.memory_space<vmem>>, vector<16xf32>,
      tpu.vector_store %arg9[%swap3A_1746], %add3A_1745 {strides = array<i32>} : memref<4096xf32, #tpu.memory_space<vmem>>, vector<16xf32>,
      %sub3A_1748 = arith.subf %get3A_1742, %get3A_1744 : vector<16xf32>
      %swap3A_1749 = arith.index_cast %add3A_1740 : i32 to index
      %swap3A_1750 = tpu.vector_load %arg9[%swap3A_1749] {strides = array<i32>} : memref<4096xf32, #tpu.memory_space<vmem>>, vector<16xf32>,
      tpu.vector_store %arg9[%swap3A_1749], %sub3A_1748 {strides = array<i32>} : memref<4096xf32, #tpu.memory_space<vmem>>, vector<16xf32>,
      %mul3A_1751 = arith.constant 8 : i32
      %mul3A_1752 = arith.muli %scan3A_1726, %mul3A_1751 : i32
      %add3A_1753 = arith.constant 1 : i32
      %add3A_1754 = arith.addi %mul3A_1752, %add3A_1753 : i32
      %shift_right_arithmetic3A_1755 = arith.constant 2 : i32
      %shift_right_arithmetic3A_1756 = arith.shrsi %add3A_1754, %shift_right_arithmetic3A_1755 : i32
      %shift_left3A_1757 = arith.constant 3 : i32
      %shift_left3A_1758 = arith.shli %shift_right_arithmetic3A_1756, %shift_left3A_1757 : i32
      %and3A_1759 = arith.constant 3 : i32
      %and3A_1760 = arith.andi %add3A_1754, %and3A_1759 : i32
      %or3A_1761 = arith.ori %shift_left3A_1758, %and3A_1760 : i32
      %mul3A_1762 = arith.constant 16 : i32
      %mul3A_1763 = arith.muli %or3A_1761, %mul3A_1762 : i32
      %add3A_1764 = arith.constant 64 : i32
      %add3A_1765 = arith.addi %mul3A_1763, %add3A_1764 : i32
      %get3A_1766 = arith.index_cast %mul3A_1763 : i32 to index
      %get3A_1767 = tpu.vector_load %arg9[%get3A_1766] {strides = array<i32>} : memref<4096xf32, #tpu.memory_space<vmem>>, vector<16xf32>,
      %get3A_1768 = arith.index_cast %add3A_1765 : i32 to index
      %get3A_1769 = tpu.vector_load %arg9[%get3A_1768] {strides = array<i32>} : memref<4096xf32, #tpu.memory_space<vmem>>, vector<16xf32>,
      %add3A_1770 = arith.addf %get3A_1767, %get3A_1769 : vector<16xf32>
      %swap3A_1771 = arith.index_cast %mul3A_1763 : i32 to index
      %swap3A_1772 = tpu.vector_load %arg9[%swap3A_1771] {strides = array<i32>} : memref<4096xf32, #tpu.memory_space<vmem>>, vector<16xf32>,
      tpu.vector_store %arg9[%swap3A_1771], %add3A_1770 {strides = array<i32>} : memref<4096xf32, #tpu.memory_space<vmem>>, vector<16xf32>,
      %sub3A_1773 = arith.subf %get3A_1767, %get3A_1769 : vector<16xf32>
      %swap3A_1774 = arith.index_cast %add3A_1765 : i32 to index
      %swap3A_1775 = tpu.vector_load %arg9[%swap3A_1774] {strides = array<i32>} : memref<4096xf32, #tpu.memory_space<vmem>>, vector<16xf32>,
      tpu.vector_store %arg9[%swap3A_1774], %sub3A_1773 {strides = array<i32>} : memref<4096xf32, #tpu.memory_space<vmem>>, vector<16xf32>,
      %mul3A_1776 = arith.constant 8 : i32
      %mul3A_1777 = arith.muli %scan3A_1726, %mul3A_1776 : i32
      %add3A_1778 = arith.constant 2 : i32
      %add3A_1779 = arith.addi %mul3A_1777, %add3A_1778 : i32
      %shift_right_arithmetic3A_1780 = arith.constant 2 : i32
      %shift_right_arithmetic3A_1781 = arith.shrsi %add3A_1779, %shift_right_arithmetic3A_1780 : i32
      %shift_left3A_1782 = arith.constant 3 : i32
      %shift_left3A_1783 = arith.shli %shift_right_arithmetic3A_1781, %shift_left3A_1782 : i32
      %and3A_1784 = arith.constant 3 : i32
      %and3A_1785 = arith.andi %add3A_1779, %and3A_1784 : i32
      %or3A_1786 = arith.ori %shift_left3A_1783, %and3A_1785 : i32
      %mul3A_1787 = arith.constant 16 : i32
      %mul3A_1788 = arith.muli %or3A_1786, %mul3A_1787 : i32
      %add3A_1789 = arith.constant 64 : i32
      %add3A_1790 = arith.addi %mul3A_1788, %add3A_1789 : i32
      %get3A_1791 = arith.index_cast %mul3A_1788 : i32 to index
      %get3A_1792 = tpu.vector_load %arg9[%get3A_1791] {strides = array<i32>} : memref<4096xf32, #tpu.memory_space<vmem>>, vector<16xf32>,
      %get3A_1793 = arith.index_cast %add3A_1790 : i32 to index
      %get3A_1794 = tpu.vector_load %arg9[%get3A_1793] {strides = array<i32>} : memref<4096xf32, #tpu.memory_space<vmem>>, vector<16xf32>,
      %add3A_1795 = arith.addf %get3A_1792, %get3A_1794 : vector<16xf32>
      %swap3A_1796 = arith.index_cast %mul3A_1788 : i32 to index
      %swap3A_1797 = tpu.vector_load %arg9[%swap3A_1796] {strides = array<i32>} : memref<4096xf32, #tpu.memory_space<vmem>>, vector<16xf32>,
      tpu.vector_store %arg9[%swap3A_1796], %add3A_1795 {strides = array<i32>} : memref<4096xf32, #tpu.memory_space<vmem>>, vector<16xf32>,
      %sub3A_1798 = arith.subf %get3A_1792, %get3A_1794 : vector<16xf32>
      %swap3A_1799 = arith.index_cast %add3A_1790 : i32 to index
      %swap3A_1800 = tpu.vector_load %arg9[%swap3A_1799] {strides = array<i32>} : memref<4096xf32, #tpu.memory_space<vmem>>, vector<16xf32>,
      tpu.vector_store %arg9[%swap3A_1799], %sub3A_1798 {strides = array<i32>} : memref<4096xf32, #tpu.memory_space<vmem>>, vector<16xf32>,
      %mul3A_1801 = arith.constant 8 : i32
      %mul3A_1802 = arith.muli %scan3A_1726, %mul3A_1801 : i32
      %add3A_1803 = arith.constant 3 : i32
      %add3A_1804 = arith.addi %mul3A_1802, %add3A_1803 : i32
      %shift_right_arithmetic3A_1805 = arith.constant 2 : i32
      %shift_right_arithmetic3A_1806 = arith.shrsi %add3A_1804, %shift_right_arithmetic3A_1805 : i32
      %shift_left3A_1807 = arith.constant 3 : i32
      %shift_left3A_1808 = arith.shli %shift_right_arithmetic3A_1806, %shift_left3A_1807 : i32
      %and3A_1809 = arith.constant 3 : i32
      %and3A_1810 = arith.andi %add3A_1804, %and3A_1809 : i32
      %or3A_1811 = arith.ori %shift_left3A_1808, %and3A_1810 : i32
      %mul3A_1812 = arith.constant 16 : i32
      %mul3A_1813 = arith.muli %or3A_1811, %mul3A_1812 : i32
      %add3A_1814 = arith.constant 64 : i32
      %add3A_1815 = arith.addi %mul3A_1813, %add3A_1814 : i32
      %get3A_1816 = arith.index_cast %mul3A_1813 : i32 to index
      %get3A_1817 = tpu.vector_load %arg9[%get3A_1816] {strides = array<i32>} : memref<4096xf32, #tpu.memory_space<vmem>>, vector<16xf32>,
      %get3A_1818 = arith.index_cast %add3A_1815 : i32 to index
      %get3A_1819 = tpu.vector_load %arg9[%get3A_1818] {strides = array<i32>} : memref<4096xf32, #tpu.memory_space<vmem>>, vector<16xf32>,
      %add3A_1820 = arith.addf %get3A_1817, %get3A_1819 : vector<16xf32>
      %swap3A_1821 = arith.index_cast %mul3A_1813 : i32 to index
      %swap3A_1822 = tpu.vector_load %arg9[%swap3A_1821] {strides = array<i32>} : memref<4096xf32, #tpu.memory_space<vmem>>, vector<16xf32>,
      tpu.vector_store %arg9[%swap3A_1821], %add3A_1820 {strides = array<i32>} : memref<4096xf32, #tpu.memory_space<vmem>>, vector<16xf32>,
      %sub3A_1823 = arith.subf %get3A_1817, %get3A_1819 : vector<16xf32>
      %swap3A_1824 = arith.index_cast %add3A_1815 : i32 to index
      %swap3A_1825 = tpu.vector_load %arg9[%swap3A_1824] {strides = array<i32>} : memref<4096xf32, #tpu.memory_space<vmem>>, vector<16xf32>,
      tpu.vector_store %arg9[%swap3A_1824], %sub3A_1823 {strides = array<i32>} : memref<4096xf32, #tpu.memory_space<vmem>>, vector<16xf32>,
      %mul3A_1826 = arith.constant 8 : i32
      %mul3A_1827 = arith.muli %scan3A_1726, %mul3A_1826 : i32
      %add3A_1828 = arith.constant 4 : i32
      %add3A_1829 = arith.addi %mul3A_1827, %add3A_1828 : i32
      %shift_right_arithmetic3A_1830 = arith.constant 2 : i32
      %shift_right_arithmetic3A_1831 = arith.shrsi %add3A_1829, %shift_right_arithmetic3A_1830 : i32
      %shift_left3A_1832 = arith.constant 3 : i32
      %shift_left3A_1833 = arith.shli %shift_right_arithmetic3A_1831, %shift_left3A_1832 : i32
      %and3A_1834 = arith.constant 3 : i32
      %and3A_1835 = arith.andi %add3A_1829, %and3A_1834 : i32
      %or3A_1836 = arith.ori %shift_left3A_1833, %and3A_1835 : i32
      %mul3A_1837 = arith.constant 16 : i32
      %mul3A_1838 = arith.muli %or3A_1836, %mul3A_1837 : i32
      %add3A_1839 = arith.constant 64 : i32
      %add3A_1840 = arith.addi %mul3A_1838, %add3A_1839 : i32
      %get3A_1841 = arith.index_cast %mul3A_1838 : i32 to index
      %get3A_1842 = tpu.vector_load %arg9[%get3A_1841] {strides = array<i32>} : memref<4096xf32, #tpu.memory_space<vmem>>, vector<16xf32>,
      %get3A_1843 = arith.index_cast %add3A_1840 : i32 to index
      %get3A_1844 = tpu.vector_load %arg9[%get3A_1843] {strides = array<i32>} : memref<4096xf32, #tpu.memory_space<vmem>>, vector<16xf32>,
      %add3A_1845 = arith.addf %get3A_1842, %get3A_1844 : vector<16xf32>
      %swap3A_1846 = arith.index_cast %mul3A_1838 : i32 to index
      %swap3A_1847 = tpu.vector_load %arg9[%swap3A_1846] {strides = array<i32>} : memref<4096xf32, #tpu.memory_space<vmem>>, vector<16xf32>,
      tpu.vector_store %arg9[%swap3A_1846], %add3A_1845 {strides = array<i32>} : memref<4096xf32, #tpu.memory_space<vmem>>, vector<16xf32>,
      %sub3A_1848 = arith.subf %get3A_1842, %get3A_1844 : vector<16xf32>
      %swap3A_1849 = arith.index_cast %add3A_1840 : i32 to index
      %swap3A_1850 = tpu.vector_load %arg9[%swap3A_1849] {strides = array<i32>} : memref<4096xf32, #tpu.memory_space<vmem>>, vector<16xf32>,
      tpu.vector_store %arg9[%swap3A_1849], %sub3A_1848 {strides = array<i32>} : memref<4096xf32, #tpu.memory_space<vmem>>, vector<16xf32>,
      %mul3A_1851 = arith.constant 8 : i32
      %mul3A_1852 = arith.muli %scan3A_1726, %mul3A_1851 : i32
      %add3A_1853 = arith.constant 5 : i32
      %add3A_1854 = arith.addi %mul3A_1852, %add3A_1853 : i32
      %shift_right_arithmetic3A_1855 = arith.constant 2 : i32
      %shift_right_arithmetic3A_1856 = arith.shrsi %add3A_1854, %shift_right_arithmetic3A_1855 : i32
      %shift_left3A_1857 = arith.constant 3 : i32
      %shift_left3A_1858 = arith.shli %shift_right_arithmetic3A_1856, %shift_left3A_1857 : i32
      %and3A_1859 = arith.constant 3 : i32
      %and3A_1860 = arith.andi %add3A_1854, %and3A_1859 : i32
      %or3A_1861 = arith.ori %shift_left3A_1858, %and3A_1860 : i32
      %mul3A_1862 = arith.constant 16 : i32
      %mul3A_1863 = arith.muli %or3A_1861, %mul3A_1862 : i32
      %add3A_1864 = arith.constant 64 : i32
      %add3A_1865 = arith.addi %mul3A_1863, %add3A_1864 : i32
      %get3A_1866 = arith.index_cast %mul3A_1863 : i32 to index
      %get3A_1867 = tpu.vector_load %arg9[%get3A_1866] {strides = array<i32>} : memref<4096xf32, #tpu.memory_space<vmem>>, vector<16xf32>,
      %get3A_1868 = arith.index_cast %add3A_1865 : i32 to index
      %get3A_1869 = tpu.vector_load %arg9[%get3A_1868] {strides = array<i32>} : memref<4096xf32, #tpu.memory_space<vmem>>, vector<16xf32>,
      %add3A_1870 = arith.addf %get3A_1867, %get3A_1869 : vector<16xf32>
      %swap3A_1871 = arith.index_cast %mul3A_1863 : i32 to index
      %swap3A_1872 = tpu.vector_load %arg9[%swap3A_1871] {strides = array<i32>} : memref<4096xf32, #tpu.memory_space<vmem>>, vector<16xf32>,
      tpu.vector_store %arg9[%swap3A_1871], %add3A_1870 {strides = array<i32>} : memref<4096xf32, #tpu.memory_space<vmem>>, vector<16xf32>,
      %sub3A_1873 = arith.subf %get3A_1867, %get3A_1869 : vector<16xf32>
      %swap3A_1874 = arith.index_cast %add3A_1865 : i32 to index
      %swap3A_1875 = tpu.vector_load %arg9[%swap3A_1874] {strides = array<i32>} : memref<4096xf32, #tpu.memory_space<vmem>>, vector<16xf32>,
      tpu.vector_store %arg9[%swap3A_1874], %sub3A_1873 {strides = array<i32>} : memref<4096xf32, #tpu.memory_space<vmem>>, vector<16xf32>,
      %mul3A_1876 = arith.constant 8 : i32
      %mul3A_1877 = arith.muli %scan3A_1726, %mul3A_1876 : i32
      %add3A_1878 = arith.constant 6 : i32
      %add3A_1879 = arith.addi %mul3A_1877, %add3A_1878 : i32
      %shift_right_arithmetic3A_1880 = arith.constant 2 : i32
      %shift_right_arithmetic3A_1881 = arith.shrsi %add3A_1879, %shift_right_arithmetic3A_1880 : i32
      %shift_left3A_1882 = arith.constant 3 : i32
      %shift_left3A_1883 = arith.shli %shift_right_arithmetic3A_1881, %shift_left3A_1882 : i32
      %and3A_1884 = arith.constant 3 : i32
      %and3A_1885 = arith.andi %add3A_1879, %and3A_1884 : i32
      %or3A_1886 = arith.ori %shift_left3A_1883, %and3A_1885 : i32
      %mul3A_1887 = arith.constant 16 : i32
      %mul3A_1888 = arith.muli %or3A_1886, %mul3A_1887 : i32
      %add3A_1889 = arith.constant 64 : i32
      %add3A_1890 = arith.addi %mul3A_1888, %add3A_1889 : i32
      %get3A_1891 = arith.index_cast %mul3A_1888 : i32 to index
      %get3A_1892 = tpu.vector_load %arg9[%get3A_1891] {strides = array<i32>} : memref<4096xf32, #tpu.memory_space<vmem>>, vector<16xf32>,
      %get3A_1893 = arith.index_cast %add3A_1890 : i32 to index
      %get3A_1894 = tpu.vector_load %arg9[%get3A_1893] {strides = array<i32>} : memref<4096xf32, #tpu.memory_space<vmem>>, vector<16xf32>,
      %add3A_1895 = arith.addf %get3A_1892, %get3A_1894 : vector<16xf32>
      %swap3A_1896 = arith.index_cast %mul3A_1888 : i32 to index
      %swap3A_1897 = tpu.vector_load %arg9[%swap3A_1896] {strides = array<i32>} : memref<4096xf32, #tpu.memory_space<vmem>>, vector<16xf32>,
      tpu.vector_store %arg9[%swap3A_1896], %add3A_1895 {strides = array<i32>} : memref<4096xf32, #tpu.memory_space<vmem>>, vector<16xf32>,
      %sub3A_1898 = arith.subf %get3A_1892, %get3A_1894 : vector<16xf32>
      %swap3A_1899 = arith.index_cast %add3A_1890 : i32 to index
      %swap3A_1900 = tpu.vector_load %arg9[%swap3A_1899] {strides = array<i32>} : memref<4096xf32, #tpu.memory_space<vmem>>, vector<16xf32>,
      tpu.vector_store %arg9[%swap3A_1899], %sub3A_1898 {strides = array<i32>} : memref<4096xf32, #tpu.memory_space<vmem>>, vector<16xf32>,
      %mul3A_1901 = arith.constant 8 : i32
      %mul3A_1902 = arith.muli %scan3A_1726, %mul3A_1901 : i32
      %add3A_1903 = arith.constant 7 : i32
      %add3A_1904 = arith.addi %mul3A_1902, %add3A_1903 : i32
      %shift_right_arithmetic3A_1905 = arith.constant 2 : i32
      %shift_right_arithmetic3A_1906 = arith.shrsi %add3A_1904, %shift_right_arithmetic3A_1905 : i32
      %shift_left3A_1907 = arith.constant 3 : i32
      %shift_left3A_1908 = arith.shli %shift_right_arithmetic3A_1906, %shift_left3A_1907 : i32
      %and3A_1909 = arith.constant 3 : i32
      %and3A_1910 = arith.andi %add3A_1904, %and3A_1909 : i32
      %or3A_1911 = arith.ori %shift_left3A_1908, %and3A_1910 : i32
      %mul3A_1912 = arith.constant 16 : i32
      %mul3A_1913 = arith.muli %or3A_1911, %mul3A_1912 : i32
      %add3A_1914 = arith.constant 64 : i32
      %add3A_1915 = arith.addi %mul3A_1913, %add3A_1914 : i32
      %get3A_1916 = arith.index_cast %mul3A_1913 : i32 to index
      %get3A_1917 = tpu.vector_load %arg9[%get3A_1916] {strides = array<i32>} : memref<4096xf32, #tpu.memory_space<vmem>>, vector<16xf32>,
      %get3A_1918 = arith.index_cast %add3A_1915 : i32 to index
      %get3A_1919 = tpu.vector_load %arg9[%get3A_1918] {strides = array<i32>} : memref<4096xf32, #tpu.memory_space<vmem>>, vector<16xf32>,
      %add3A_1920 = arith.addf %get3A_1917, %get3A_1919 : vector<16xf32>
      %swap3A_1921 = arith.index_cast %mul3A_1913 : i32 to index
      %swap3A_1922 = tpu.vector_load %arg9[%swap3A_1921] {strides = array<i32>} : memref<4096xf32, #tpu.memory_space<vmem>>, vector<16xf32>,
      tpu.vector_store %arg9[%swap3A_1921], %add3A_1920 {strides = array<i32>} : memref<4096xf32, #tpu.memory_space<vmem>>, vector<16xf32>,
      %sub3A_1923 = arith.subf %get3A_1917, %get3A_1919 : vector<16xf32>
      %swap3A_1924 = arith.index_cast %add3A_1915 : i32 to index
      %swap3A_1925 = tpu.vector_load %arg9[%swap3A_1924] {strides = array<i32>} : memref<4096xf32, #tpu.memory_space<vmem>>, vector<16xf32>,
      tpu.vector_store %arg9[%swap3A_1924], %sub3A_1923 {strides = array<i32>} : memref<4096xf32, #tpu.memory_space<vmem>>, vector<16xf32>,
    }
    %scan3A_1653 = arith.constant 16 : i32
    %scan3A_1654 = arith.constant 0 : i32
    %scan3A_1655 = arith.constant 0 : i32
    %scan3A_1656 = arith.constant 16 : i32
    %scan3A_1657 = arith.addi %scan3A_1655, %scan3A_1656 : i32
    %scan3A_1658 = arith.constant 1 : i32
    scf.for %scan3A_1726 = %scan3A_1655 to %scan3A_1657 step %scan3A_1658  : i32 {
      %mul3A_1727 = arith.constant 8 : i32
      %mul3A_1728 = arith.muli %scan3A_1726, %mul3A_1727 : i32
      %add3A_1729 = arith.constant 0 : i32
      %add3A_1730 = arith.addi %mul3A_1728, %add3A_1729 : i32
      %shift_right_arithmetic3A_1731 = arith.constant 3 : i32
      %shift_right_arithmetic3A_1732 = arith.shrsi %add3A_1730, %shift_right_arithmetic3A_1731 : i32
      %shift_left3A_1733 = arith.constant 4 : i32
      %shift_left3A_1734 = arith.shli %shift_right_arithmetic3A_1732, %shift_left3A_1733 : i32
      %and3A_1735 = arith.constant 7 : i32
      %and3A_1736 = arith.andi %add3A_1730, %and3A_1735 : i32
      %or3A = arith.ori %shift_left3A_1734, %and3A_1736 : i32
      %mul3A_1737 = arith.constant 16 : i32
      %mul3A_1738 = arith.muli %or3A, %mul3A_1737 : i32
      %add3A_1739 = arith.constant 128 : i32
      %add3A_1740 = arith.addi %mul3A_1738, %add3A_1739 : i32
      %get3A_1741 = arith.index_cast %mul3A_1738 : i32 to index
      %get3A_1742 = tpu.vector_load %arg9[%get3A_1741] {strides = array<i32>} : memref<4096xf32, #tpu.memory_space<vmem>>, vector<16xf32>,
      %get3A_1743 = arith.index_cast %add3A_1740 : i32 to index
      %get3A_1744 = tpu.vector_load %arg9[%get3A_1743] {strides = array<i32>} : memref<4096xf32, #tpu.memory_space<vmem>>, vector<16xf32>,
      %add3A_1745 = arith.addf %get3A_1742, %get3A_1744 : vector<16xf32>
      %swap3A_1746 = arith.index_cast %mul3A_1738 : i32 to index
      %swap3A_1747 = tpu.vector_load %arg9[%swap3A_1746] {strides = array<i32>} : memref<4096xf32, #tpu.memory_space<vmem>>, vector<16xf32>,
      tpu.vector_store %arg9[%swap3A_1746], %add3A_1745 {strides = array<i32>} : memref<4096xf32, #tpu.memory_space<vmem>>, vector<16xf32>,
      %sub3A_1748 = arith.subf %get3A_1742, %get3A_1744 : vector<16xf32>
      %swap3A_1749 = arith.index_cast %add3A_1740 : i32 to index
      %swap3A_1750 = tpu.vector_load %arg9[%swap3A_1749] {strides = array<i32>} : memref<4096xf32, #tpu.memory_space<vmem>>, vector<16xf32>,
      tpu.vector_store %arg9[%swap3A_1749], %sub3A_1748 {strides = array<i32>} : memref<4096xf32, #tpu.memory_space<vmem>>, vector<16xf32>,
      %mul3A_1751 = arith.constant 8 : i32
      %mul3A_1752 = arith.muli %scan3A_1726, %mul3A_1751 : i32
      %add3A_1753 = arith.constant 1 : i32
      %add3A_1754 = arith.addi %mul3A_1752, %add3A_1753 : i32
      %shift_right_arithmetic3A_1755 = arith.constant 3 : i32
      %shift_right_arithmetic3A_1756 = arith.shrsi %add3A_1754, %shift_right_arithmetic3A_1755 : i32
      %shift_left3A_1757 = arith.constant 4 : i32
      %shift_left3A_1758 = arith.shli %shift_right_arithmetic3A_1756, %shift_left3A_1757 : i32
      %and3A_1759 = arith.constant 7 : i32
      %and3A_1760 = arith.andi %add3A_1754, %and3A_1759 : i32
      %or3A_1761 = arith.ori %shift_left3A_1758, %and3A_1760 : i32
      %mul3A_1762 = arith.constant 16 : i32
      %mul3A_1763 = arith.muli %or3A_1761, %mul3A_1762 : i32
      %add3A_1764 = arith.constant 128 : i32
      %add3A_1765 = arith.addi %mul3A_1763, %add3A_1764 : i32
      %get3A_1766 = arith.index_cast %mul3A_1763 : i32 to index
      %get3A_1767 = tpu.vector_load %arg9[%get3A_1766] {strides = array<i32>} : memref<4096xf32, #tpu.memory_space<vmem>>, vector<16xf32>,
      %get3A_1768 = arith.index_cast %add3A_1765 : i32 to index
      %get3A_1769 = tpu.vector_load %arg9[%get3A_1768] {strides = array<i32>} : memref<4096xf32, #tpu.memory_space<vmem>>, vector<16xf32>,
      %add3A_1770 = arith.addf %get3A_1767, %get3A_1769 : vector<16xf32>
      %swap3A_1771 = arith.index_cast %mul3A_1763 : i32 to index
      %swap3A_1772 = tpu.vector_load %arg9[%swap3A_1771] {strides = array<i32>} : memref<4096xf32, #tpu.memory_space<vmem>>, vector<16xf32>,
      tpu.vector_store %arg9[%swap3A_1771], %add3A_1770 {strides = array<i32>} : memref<4096xf32, #tpu.memory_space<vmem>>, vector<16xf32>,
      %sub3A_1773 = arith.subf %get3A_1767, %get3A_1769 : vector<16xf32>
      %swap3A_1774 = arith.index_cast %add3A_1765 : i32 to index
      %swap3A_1775 = tpu.vector_load %arg9[%swap3A_1774] {strides = array<i32>} : memref<4096xf32, #tpu.memory_space<vmem>>, vector<16xf32>,
      tpu.vector_store %arg9[%swap3A_1774], %sub3A_1773 {strides = array<i32>} : memref<4096xf32, #tpu.memory_space<vmem>>, vector<16xf32>,
      %mul3A_1776 = arith.constant 8 : i32
      %mul3A_1777 = arith.muli %scan3A_1726, %mul3A_1776 : i32
      %add3A_1778 = arith.constant 2 : i32
      %add3A_1779 = arith.addi %mul3A_1777, %add3A_1778 : i32
      %shift_right_arithmetic3A_1780 = arith.constant 3 : i32
      %shift_right_arithmetic3A_1781 = arith.shrsi %add3A_1779, %shift_right_arithmetic3A_1780 : i32
      %shift_left3A_1782 = arith.constant 4 : i32
      %shift_left3A_1783 = arith.shli %shift_right_arithmetic3A_1781, %shift_left3A_1782 : i32
      %and3A_1784 = arith.constant 7 : i32
      %and3A_1785 = arith.andi %add3A_1779, %and3A_1784 : i32
      %or3A_1786 = arith.ori %shift_left3A_1783, %and3A_1785 : i32
      %mul3A_1787 = arith.constant 16 : i32
      %mul3A_1788 = arith.muli %or3A_1786, %mul3A_1787 : i32
      %add3A_1789 = arith.constant 128 : i32
      %add3A_1790 = arith.addi %mul3A_1788, %add3A_1789 : i32
      %get3A_1791 = arith.index_cast %mul3A_1788 : i32 to index
      %get3A_1792 = tpu.vector_load %arg9[%get3A_1791] {strides = array<i32>} : memref<4096xf32, #tpu.memory_space<vmem>>, vector<16xf32>,
      %get3A_1793 = arith.index_cast %add3A_1790 : i32 to index
      %get3A_1794 = tpu.vector_load %arg9[%get3A_1793] {strides = array<i32>} : memref<4096xf32, #tpu.memory_space<vmem>>, vector<16xf32>,
      %add3A_1795 = arith.addf %get3A_1792, %get3A_1794 : vector<16xf32>
      %swap3A_1796 = arith.index_cast %mul3A_1788 : i32 to index
      %swap3A_1797 = tpu.vector_load %arg9[%swap3A_1796] {strides = array<i32>} : memref<4096xf32, #tpu.memory_space<vmem>>, vector<16xf32>,
      tpu.vector_store %arg9[%swap3A_1796], %add3A_1795 {strides = array<i32>} : memref<4096xf32, #tpu.memory_space<vmem>>, vector<16xf32>,
      %sub3A_1798 = arith.subf %get3A_1792, %get3A_1794 : vector<16xf32>
      %swap3A_1799 = arith.index_cast %add3A_1790 : i32 to index
      %swap3A_1800 = tpu.vector_load %arg9[%swap3A_1799] {strides = array<i32>} : memref<4096xf32, #tpu.memory_space<vmem>>, vector<16xf32>,
      tpu.vector_store %arg9[%swap3A_1799], %sub3A_1798 {strides = array<i32>} : memref<4096xf32, #tpu.memory_space<vmem>>, vector<16xf32>,
      %mul3A_1801 = arith.constant 8 : i32
      %mul3A_1802 = arith.muli %scan3A_1726, %mul3A_1801 : i32
      %add3A_1803 = arith.constant 3 : i32
      %add3A_1804 = arith.addi %mul3A_1802, %add3A_1803 : i32
      %shift_right_arithmetic3A_1805 = arith.constant 3 : i32
      %shift_right_arithmetic3A_1806 = arith.shrsi %add3A_1804, %shift_right_arithmetic3A_1805 : i32
      %shift_left3A_1807 = arith.constant 4 : i32
      %shift_left3A_1808 = arith.shli %shift_right_arithmetic3A_1806, %shift_left3A_1807 : i32
      %and3A_1809 = arith.constant 7 : i32
      %and3A_1810 = arith.andi %add3A_1804, %and3A_1809 : i32
      %or3A_1811 = arith.ori %shift_left3A_1808, %and3A_1810 : i32
      %mul3A_1812 = arith.constant 16 : i32
      %mul3A_1813 = arith.muli %or3A_1811, %mul3A_1812 : i32
      %add3A_1814 = arith.constant 128 : i32
      %add3A_1815 = arith.addi %mul3A_1813, %add3A_1814 : i32
      %get3A_1816 = arith.index_cast %mul3A_1813 : i32 to index
      %get3A_1817 = tpu.vector_load %arg9[%get3A_1816] {strides = array<i32>} : memref<4096xf32, #tpu.memory_space<vmem>>, vector<16xf32>,
      %get3A_1818 = arith.index_cast %add3A_1815 : i32 to index
      %get3A_1819 = tpu.vector_load %arg9[%get3A_1818] {strides = array<i32>} : memref<4096xf32, #tpu.memory_space<vmem>>, vector<16xf32>,
      %add3A_1820 = arith.addf %get3A_1817, %get3A_1819 : vector<16xf32>
      %swap3A_1821 = arith.index_cast %mul3A_1813 : i32 to index
      %swap3A_1822 = tpu.vector_load %arg9[%swap3A_1821] {strides = array<i32>} : memref<4096xf32, #tpu.memory_space<vmem>>, vector<16xf32>,
      tpu.vector_store %arg9[%swap3A_1821], %add3A_1820 {strides = array<i32>} : memref<4096xf32, #tpu.memory_space<vmem>>, vector<16xf32>,
      %sub3A_1823 = arith.subf %get3A_1817, %get3A_1819 : vector<16xf32>
      %swap3A_1824 = arith.index_cast %add3A_1815 : i32 to index
      %swap3A_1825 = tpu.vector_load %arg9[%swap3A_1824] {strides = array<i32>} : memref<4096xf32, #tpu.memory_space<vmem>>, vector<16xf32>,
      tpu.vector_store %arg9[%swap3A_1824], %sub3A_1823 {strides = array<i32>} : memref<4096xf32, #tpu.memory_space<vmem>>, vector<16xf32>,
      %mul3A_1826 = arith.constant 8 : i32
      %mul3A_1827 = arith.muli %scan3A_1726, %mul3A_1826 : i32
      %add3A_1828 = arith.constant 4 : i32
      %add3A_1829 = arith.addi %mul3A_1827, %add3A_1828 : i32
      %shift_right_arithmetic3A_1830 = arith.constant 3 : i32
      %shift_right_arithmetic3A_1831 = arith.shrsi %add3A_1829, %shift_right_arithmetic3A_1830 : i32
      %shift_left3A_1832 = arith.constant 4 : i32
      %shift_left3A_1833 = arith.shli %shift_right_arithmetic3A_1831, %shift_left3A_1832 : i32
      %and3A_1834 = arith.constant 7 : i32
      %and3A_1835 = arith.andi %add3A_1829, %and3A_1834 : i32
      %or3A_1836 = arith.ori %shift_left3A_1833, %and3A_1835 : i32
      %mul3A_1837 = arith.constant 16 : i32
      %mul3A_1838 = arith.muli %or3A_1836, %mul3A_1837 : i32
      %add3A_1839 = arith.constant 128 : i32
      %add3A_1840 = arith.addi %mul3A_1838, %add3A_1839 : i32
      %get3A_1841 = arith.index_cast %mul3A_1838 : i32 to index
      %get3A_1842 = tpu.vector_load %arg9[%get3A_1841] {strides = array<i32>} : memref<4096xf32, #tpu.memory_space<vmem>>, vector<16xf32>,
      %get3A_1843 = arith.index_cast %add3A_1840 : i32 to index
      %get3A_1844 = tpu.vector_load %arg9[%get3A_1843] {strides = array<i32>} : memref<4096xf32, #tpu.memory_space<vmem>>, vector<16xf32>,
      %add3A_1845 = arith.addf %get3A_1842, %get3A_1844 : vector<16xf32>
      %swap3A_1846 = arith.index_cast %mul3A_1838 : i32 to index
      %swap3A_1847 = tpu.vector_load %arg9[%swap3A_1846] {strides = array<i32>} : memref<4096xf32, #tpu.memory_space<vmem>>, vector<16xf32>,
      tpu.vector_store %arg9[%swap3A_1846], %add3A_1845 {strides = array<i32>} : memref<4096xf32, #tpu.memory_space<vmem>>, vector<16xf32>,
      %sub3A_1848 = arith.subf %get3A_1842, %get3A_1844 : vector<16xf32>
      %swap3A_1849 = arith.index_cast %add3A_1840 : i32 to index
      %swap3A_1850 = tpu.vector_load %arg9[%swap3A_1849] {strides = array<i32>} : memref<4096xf32, #tpu.memory_space<vmem>>, vector<16xf32>,
      tpu.vector_store %arg9[%swap3A_1849], %sub3A_1848 {strides = array<i32>} : memref<4096xf32, #tpu.memory_space<vmem>>, vector<16xf32>,
      %mul3A_1851 = arith.constant 8 : i32
      %mul3A_1852 = arith.muli %scan3A_1726, %mul3A_1851 : i32
      %add3A_1853 = arith.constant 5 : i32
      %add3A_1854 = arith.addi %mul3A_1852, %add3A_1853 : i32
      %shift_right_arithmetic3A_1855 = arith.constant 3 : i32
      %shift_right_arithmetic3A_1856 = arith.shrsi %add3A_1854, %shift_right_arithmetic3A_1855 : i32
      %shift_left3A_1857 = arith.constant 4 : i32
      %shift_left3A_1858 = arith.shli %shift_right_arithmetic3A_1856, %shift_left3A_1857 : i32
      %and3A_1859 = arith.constant 7 : i32
      %and3A_1860 = arith.andi %add3A_1854, %and3A_1859 : i32
      %or3A_1861 = arith.ori %shift_left3A_1858, %and3A_1860 : i32
      %mul3A_1862 = arith.constant 16 : i32
      %mul3A_1863 = arith.muli %or3A_1861, %mul3A_1862 : i32
      %add3A_1864 = arith.constant 128 : i32
      %add3A_1865 = arith.addi %mul3A_1863, %add3A_1864 : i32
      %get3A_1866 = arith.index_cast %mul3A_1863 : i32 to index
      %get3A_1867 = tpu.vector_load %arg9[%get3A_1866] {strides = array<i32>} : memref<4096xf32, #tpu.memory_space<vmem>>, vector<16xf32>,
      %get3A_1868 = arith.index_cast %add3A_1865 : i32 to index
      %get3A_1869 = tpu.vector_load %arg9[%get3A_1868] {strides = array<i32>} : memref<4096xf32, #tpu.memory_space<vmem>>, vector<16xf32>,
      %add3A_1870 = arith.addf %get3A_1867, %get3A_1869 : vector<16xf32>
      %swap3A_1871 = arith.index_cast %mul3A_1863 : i32 to index
      %swap3A_1872 = tpu.vector_load %arg9[%swap3A_1871] {strides = array<i32>} : memref<4096xf32, #tpu.memory_space<vmem>>, vector<16xf32>,
      tpu.vector_store %arg9[%swap3A_1871], %add3A_1870 {strides = array<i32>} : memref<4096xf32, #tpu.memory_space<vmem>>, vector<16xf32>,
      %sub3A_1873 = arith.subf %get3A_1867, %get3A_1869 : vector<16xf32>
      %swap3A_1874 = arith.index_cast %add3A_1865 : i32 to index
      %swap3A_1875 = tpu.vector_load %arg9[%swap3A_1874] {strides = array<i32>} : memref<4096xf32, #tpu.memory_space<vmem>>, vector<16xf32>,
      tpu.vector_store %arg9[%swap3A_1874], %sub3A_1873 {strides = array<i32>} : memref<4096xf32, #tpu.memory_space<vmem>>, vector<16xf32>,
      %mul3A_1876 = arith.constant 8 : i32
      %mul3A_1877 = arith.muli %scan3A_1726, %mul3A_1876 : i32
      %add3A_1878 = arith.constant 6 : i32
      %add3A_1879 = arith.addi %mul3A_1877, %add3A_1878 : i32
      %shift_right_arithmetic3A_1880 = arith.constant 3 : i32
      %shift_right_arithmetic3A_1881 = arith.shrsi %add3A_1879, %shift_right_arithmetic3A_1880 : i32
      %shift_left3A_1882 = arith.constant 4 : i32
      %shift_left3A_1883 = arith.shli %shift_right_arithmetic3A_1881, %shift_left3A_1882 : i32
      %and3A_1884 = arith.constant 7 : i32
      %and3A_1885 = arith.andi %add3A_1879, %and3A_1884 : i32
      %or3A_1886 = arith.ori %shift_left3A_1883, %and3A_1885 : i32
      %mul3A_1887 = arith.constant 16 : i32
      %mul3A_1888 = arith.muli %or3A_1886, %mul3A_1887 : i32
      %add3A_1889 = arith.constant 128 : i32
      %add3A_1890 = arith.addi %mul3A_1888, %add3A_1889 : i32
      %get3A_1891 = arith.index_cast %mul3A_1888 : i32 to index
      %get3A_1892 = tpu.vector_load %arg9[%get3A_1891] {strides = array<i32>} : memref<4096xf32, #tpu.memory_space<vmem>>, vector<16xf32>,
      %get3A_1893 = arith.index_cast %add3A_1890 : i32 to index
      %get3A_1894 = tpu.vector_load %arg9[%get3A_1893] {strides = array<i32>} : memref<4096xf32, #tpu.memory_space<vmem>>, vector<16xf32>,
      %add3A_1895 = arith.addf %get3A_1892, %get3A_1894 : vector<16xf32>
      %swap3A_1896 = arith.index_cast %mul3A_1888 : i32 to index
      %swap3A_1897 = tpu.vector_load %arg9[%swap3A_1896] {strides = array<i32>} : memref<4096xf32, #tpu.memory_space<vmem>>, vector<16xf32>,
      tpu.vector_store %arg9[%swap3A_1896], %add3A_1895 {strides = array<i32>} : memref<4096xf32, #tpu.memory_space<vmem>>, vector<16xf32>,
      %sub3A_1898 = arith.subf %get3A_1892, %get3A_1894 : vector<16xf32>
      %swap3A_1899 = arith.index_cast %add3A_1890 : i32 to index
      %swap3A_1900 = tpu.vector_load %arg9[%swap3A_1899] {strides = array<i32>} : memref<4096xf32, #tpu.memory_space<vmem>>, vector<16xf32>,
      tpu.vector_store %arg9[%swap3A_1899], %sub3A_1898 {strides = array<i32>} : memref<4096xf32, #tpu.memory_space<vmem>>, vector<16xf32>,
      %mul3A_1901 = arith.constant 8 : i32
      %mul3A_1902 = arith.muli %scan3A_1726, %mul3A_1901 : i32
      %add3A_1903 = arith.constant 7 : i32
      %add3A_1904 = arith.addi %mul3A_1902, %add3A_1903 : i32
      %shift_right_arithmetic3A_1905 = arith.constant 3 : i32
      %shift_right_arithmetic3A_1906 = arith.shrsi %add3A_1904, %shift_right_arithmetic3A_1905 : i32
      %shift_left3A_1907 = arith.constant 4 : i32
      %shift_left3A_1908 = arith.shli %shift_right_arithmetic3A_1906, %shift_left3A_1907 : i32
      %and3A_1909 = arith.constant 7 : i32
      %and3A_1910 = arith.andi %add3A_1904, %and3A_1909 : i32
      %or3A_1911 = arith.ori %shift_left3A_1908, %and3A_1910 : i32
      %mul3A_1912 = arith.constant 16 : i32
      %mul3A_1913 = arith.muli %or3A_1911, %mul3A_1912 : i32
      %add3A_1914 = arith.constant 128 : i32
      %add3A_1915 = arith.addi %mul3A_1913, %add3A_1914 : i32
      %get3A_1916 = arith.index_cast %mul3A_1913 : i32 to index
      %get3A_1917 = tpu.vector_load %arg9[%get3A_1916] {strides = array<i32>} : memref<4096xf32, #tpu.memory_space<vmem>>, vector<16xf32>,
      %get3A_1918 = arith.index_cast %add3A_1915 : i32 to index
      %get3A_1919 = tpu.vector_load %arg9[%get3A_1918] {strides = array<i32>} : memref<4096xf32, #tpu.memory_space<vmem>>, vector<16xf32>,
      %add3A_1920 = arith.addf %get3A_1917, %get3A_1919 : vector<16xf32>
      %swap3A_1921 = arith.index_cast %mul3A_1913 : i32 to index
      %swap3A_1922 = tpu.vector_load %arg9[%swap3A_1921] {strides = array<i32>} : memref<4096xf32, #tpu.memory_space<vmem>>, vector<16xf32>,
      tpu.vector_store %arg9[%swap3A_1921], %add3A_1920 {strides = array<i32>} : memref<4096xf32, #tpu.memory_space<vmem>>, vector<16xf32>,
      %sub3A_1923 = arith.subf %get3A_1917, %get3A_1919 : vector<16xf32>
      %swap3A_1924 = arith.index_cast %add3A_1915 : i32 to index
      %swap3A_1925 = tpu.vector_load %arg9[%swap3A_1924] {strides = array<i32>} : memref<4096xf32, #tpu.memory_space<vmem>>, vector<16xf32>,
      tpu.vector_store %arg9[%swap3A_1924], %sub3A_1923 {strides = array<i32>} : memref<4096xf32, #tpu.memory_space<vmem>>, vector<16xf32>,
    }
    %scan3A_1659 = arith.constant 16 : i32
    %scan3A_1660 = arith.constant 0 : i32
    %scan3A_1661 = arith.constant 0 : i32
    %scan3A_1662 = arith.constant 16 : i32
    %scan3A_1663 = arith.addi %scan3A_1661, %scan3A_1662 : i32
    %scan3A_1664 = arith.constant 1 : i32
    scf.for %scan3A_1726 = %scan3A_1661 to %scan3A_1663 step %scan3A_1664  : i32 {
      %mul3A_1727 = arith.constant 8 : i32
      %mul3A_1728 = arith.muli %scan3A_1726, %mul3A_1727 : i32
      %add3A_1729 = arith.constant 0 : i32
      %add3A_1730 = arith.addi %mul3A_1728, %add3A_1729 : i32
      %shift_right_arithmetic3A_1731 = arith.constant 4 : i32
      %shift_right_arithmetic3A_1732 = arith.shrsi %add3A_1730, %shift_right_arithmetic3A_1731 : i32
      %shift_left3A_1733 = arith.constant 5 : i32
      %shift_left3A_1734 = arith.shli %shift_right_arithmetic3A_1732, %shift_left3A_1733 : i32
      %and3A_1735 = arith.constant 15 : i32
      %and3A_1736 = arith.andi %add3A_1730, %and3A_1735 : i32
      %or3A = arith.ori %shift_left3A_1734, %and3A_1736 : i32
      %mul3A_1737 = arith.constant 16 : i32
      %mul3A_1738 = arith.muli %or3A, %mul3A_1737 : i32
      %add3A_1739 = arith.constant 256 : i32
      %add3A_1740 = arith.addi %mul3A_1738, %add3A_1739 : i32
      %get3A_1741 = arith.index_cast %mul3A_1738 : i32 to index
      %get3A_1742 = tpu.vector_load %arg9[%get3A_1741] {strides = array<i32>} : memref<4096xf32, #tpu.memory_space<vmem>>, vector<16xf32>,
      %get3A_1743 = arith.index_cast %add3A_1740 : i32 to index
      %get3A_1744 = tpu.vector_load %arg9[%get3A_1743] {strides = array<i32>} : memref<4096xf32, #tpu.memory_space<vmem>>, vector<16xf32>,
      %add3A_1745 = arith.addf %get3A_1742, %get3A_1744 : vector<16xf32>
      %swap3A_1746 = arith.index_cast %mul3A_1738 : i32 to index
      %swap3A_1747 = tpu.vector_load %arg9[%swap3A_1746] {strides = array<i32>} : memref<4096xf32, #tpu.memory_space<vmem>>, vector<16xf32>,
      tpu.vector_store %arg9[%swap3A_1746], %add3A_1745 {strides = array<i32>} : memref<4096xf32, #tpu.memory_space<vmem>>, vector<16xf32>,
      %sub3A_1748 = arith.subf %get3A_1742, %get3A_1744 : vector<16xf32>
      %swap3A_1749 = arith.index_cast %add3A_1740 : i32 to index
      %swap3A_1750 = tpu.vector_load %arg9[%swap3A_1749] {strides = array<i32>} : memref<4096xf32, #tpu.memory_space<vmem>>, vector<16xf32>,
      tpu.vector_store %arg9[%swap3A_1749], %sub3A_1748 {strides = array<i32>} : memref<4096xf32, #tpu.memory_space<vmem>>, vector<16xf32>,
      %mul3A_1751 = arith.constant 8 : i32
      %mul3A_1752 = arith.muli %scan3A_1726, %mul3A_1751 : i32
      %add3A_1753 = arith.constant 1 : i32
      %add3A_1754 = arith.addi %mul3A_1752, %add3A_1753 : i32
      %shift_right_arithmetic3A_1755 = arith.constant 4 : i32
      %shift_right_arithmetic3A_1756 = arith.shrsi %add3A_1754, %shift_right_arithmetic3A_1755 : i32
      %shift_left3A_1757 = arith.constant 5 : i32
      %shift_left3A_1758 = arith.shli %shift_right_arithmetic3A_1756, %shift_left3A_1757 : i32
      %and3A_1759 = arith.constant 15 : i32
      %and3A_1760 = arith.andi %add3A_1754, %and3A_1759 : i32
      %or3A_1761 = arith.ori %shift_left3A_1758, %and3A_1760 : i32
      %mul3A_1762 = arith.constant 16 : i32
      %mul3A_1763 = arith.muli %or3A_1761, %mul3A_1762 : i32
      %add3A_1764 = arith.constant 256 : i32
      %add3A_1765 = arith.addi %mul3A_1763, %add3A_1764 : i32
      %get3A_1766 = arith.index_cast %mul3A_1763 : i32 to index
      %get3A_1767 = tpu.vector_load %arg9[%get3A_1766] {strides = array<i32>} : memref<4096xf32, #tpu.memory_space<vmem>>, vector<16xf32>,
      %get3A_1768 = arith.index_cast %add3A_1765 : i32 to index
      %get3A_1769 = tpu.vector_load %arg9[%get3A_1768] {strides = array<i32>} : memref<4096xf32, #tpu.memory_space<vmem>>, vector<16xf32>,
      %add3A_1770 = arith.addf %get3A_1767, %get3A_1769 : vector<16xf32>
      %swap3A_1771 = arith.index_cast %mul3A_1763 : i32 to index
      %swap3A_1772 = tpu.vector_load %arg9[%swap3A_1771] {strides = array<i32>} : memref<4096xf32, #tpu.memory_space<vmem>>, vector<16xf32>,
      tpu.vector_store %arg9[%swap3A_1771], %add3A_1770 {strides = array<i32>} : memref<4096xf32, #tpu.memory_space<vmem>>, vector<16xf32>,
      %sub3A_1773 = arith.subf %get3A_1767, %get3A_1769 : vector<16xf32>
      %swap3A_1774 = arith.index_cast %add3A_1765 : i32 to index
      %swap3A_1775 = tpu.vector_load %arg9[%swap3A_1774] {strides = array<i32>} : memref<4096xf32, #tpu.memory_space<vmem>>, vector<16xf32>,
      tpu.vector_store %arg9[%swap3A_1774], %sub3A_1773 {strides = array<i32>} : memref<4096xf32, #tpu.memory_space<vmem>>, vector<16xf32>,
      %mul3A_1776 = arith.constant 8 : i32
      %mul3A_1777 = arith.muli %scan3A_1726, %mul3A_1776 : i32
      %add3A_1778 = arith.constant 2 : i32
      %add3A_1779 = arith.addi %mul3A_1777, %add3A_1778 : i32
      %shift_right_arithmetic3A_1780 = arith.constant 4 : i32
      %shift_right_arithmetic3A_1781 = arith.shrsi %add3A_1779, %shift_right_arithmetic3A_1780 : i32
      %shift_left3A_1782 = arith.constant 5 : i32
      %shift_left3A_1783 = arith.shli %shift_right_arithmetic3A_1781, %shift_left3A_1782 : i32
      %and3A_1784 = arith.constant 15 : i32
      %and3A_1785 = arith.andi %add3A_1779, %and3A_1784 : i32
      %or3A_1786 = arith.ori %shift_left3A_1783, %and3A_1785 : i32
      %mul3A_1787 = arith.constant 16 : i32
      %mul3A_1788 = arith.muli %or3A_1786, %mul3A_1787 : i32
      %add3A_1789 = arith.constant 256 : i32
      %add3A_1790 = arith.addi %mul3A_1788, %add3A_1789 : i32
      %get3A_1791 = arith.index_cast %mul3A_1788 : i32 to index
      %get3A_1792 = tpu.vector_load %arg9[%get3A_1791] {strides = array<i32>} : memref<4096xf32, #tpu.memory_space<vmem>>, vector<16xf32>,
      %get3A_1793 = arith.index_cast %add3A_1790 : i32 to index
      %get3A_1794 = tpu.vector_load %arg9[%get3A_1793] {strides = array<i32>} : memref<4096xf32, #tpu.memory_space<vmem>>, vector<16xf32>,
      %add3A_1795 = arith.addf %get3A_1792, %get3A_1794 : vector<16xf32>
      %swap3A_1796 = arith.index_cast %mul3A_1788 : i32 to index
      %swap3A_1797 = tpu.vector_load %arg9[%swap3A_1796] {strides = array<i32>} : memref<4096xf32, #tpu.memory_space<vmem>>, vector<16xf32>,
      tpu.vector_store %arg9[%swap3A_1796], %add3A_1795 {strides = array<i32>} : memref<4096xf32, #tpu.memory_space<vmem>>, vector<16xf32>,
      %sub3A_1798 = arith.subf %get3A_1792, %get3A_1794 : vector<16xf32>
      %swap3A_1799 = arith.index_cast %add3A_1790 : i32 to index
      %swap3A_1800 = tpu.vector_load %arg9[%swap3A_1799] {strides = array<i32>} : memref<4096xf32, #tpu.memory_space<vmem>>, vector<16xf32>,
      tpu.vector_store %arg9[%swap3A_1799], %sub3A_1798 {strides = array<i32>} : memref<4096xf32, #tpu.memory_space<vmem>>, vector<16xf32>,
      %mul3A_1801 = arith.constant 8 : i32
      %mul3A_1802 = arith.muli %scan3A_1726, %mul3A_1801 : i32
      %add3A_1803 = arith.constant 3 : i32
      %add3A_1804 = arith.addi %mul3A_1802, %add3A_1803 : i32
      %shift_right_arithmetic3A_1805 = arith.constant 4 : i32
      %shift_right_arithmetic3A_1806 = arith.shrsi %add3A_1804, %shift_right_arithmetic3A_1805 : i32
      %shift_left3A_1807 = arith.constant 5 : i32
      %shift_left3A_1808 = arith.shli %shift_right_arithmetic3A_1806, %shift_left3A_1807 : i32
      %and3A_1809 = arith.constant 15 : i32
      %and3A_1810 = arith.andi %add3A_1804, %and3A_1809 : i32
      %or3A_1811 = arith.ori %shift_left3A_1808, %and3A_1810 : i32
      %mul3A_1812 = arith.constant 16 : i32
      %mul3A_1813 = arith.muli %or3A_1811, %mul3A_1812 : i32
      %add3A_1814 = arith.constant 256 : i32
      %add3A_1815 = arith.addi %mul3A_1813, %add3A_1814 : i32
      %get3A_1816 = arith.index_cast %mul3A_1813 : i32 to index
      %get3A_1817 = tpu.vector_load %arg9[%get3A_1816] {strides = array<i32>} : memref<4096xf32, #tpu.memory_space<vmem>>, vector<16xf32>,
      %get3A_1818 = arith.index_cast %add3A_1815 : i32 to index
      %get3A_1819 = tpu.vector_load %arg9[%get3A_1818] {strides = array<i32>} : memref<4096xf32, #tpu.memory_space<vmem>>, vector<16xf32>,
      %add3A_1820 = arith.addf %get3A_1817, %get3A_1819 : vector<16xf32>
      %swap3A_1821 = arith.index_cast %mul3A_1813 : i32 to index
      %swap3A_1822 = tpu.vector_load %arg9[%swap3A_1821] {strides = array<i32>} : memref<4096xf32, #tpu.memory_space<vmem>>, vector<16xf32>,
      tpu.vector_store %arg9[%swap3A_1821], %add3A_1820 {strides = array<i32>} : memref<4096xf32, #tpu.memory_space<vmem>>, vector<16xf32>,
      %sub3A_1823 = arith.subf %get3A_1817, %get3A_1819 : vector<16xf32>
      %swap3A_1824 = arith.index_cast %add3A_1815 : i32 to index
      %swap3A_1825 = tpu.vector_load %arg9[%swap3A_1824] {strides = array<i32>} : memref<4096xf32, #tpu.memory_space<vmem>>, vector<16xf32>,
      tpu.vector_store %arg9[%swap3A_1824], %sub3A_1823 {strides = array<i32>} : memref<4096xf32, #tpu.memory_space<vmem>>, vector<16xf32>,
      %mul3A_1826 = arith.constant 8 : i32
      %mul3A_1827 = arith.muli %scan3A_1726, %mul3A_1826 : i32
      %add3A_1828 = arith.constant 4 : i32
      %add3A_1829 = arith.addi %mul3A_1827, %add3A_1828 : i32
      %shift_right_arithmetic3A_1830 = arith.constant 4 : i32
      %shift_right_arithmetic3A_1831 = arith.shrsi %add3A_1829, %shift_right_arithmetic3A_1830 : i32
      %shift_left3A_1832 = arith.constant 5 : i32
      %shift_left3A_1833 = arith.shli %shift_right_arithmetic3A_1831, %shift_left3A_1832 : i32
      %and3A_1834 = arith.constant 15 : i32
      %and3A_1835 = arith.andi %add3A_1829, %and3A_1834 : i32
      %or3A_1836 = arith.ori %shift_left3A_1833, %and3A_1835 : i32
      %mul3A_1837 = arith.constant 16 : i32
      %mul3A_1838 = arith.muli %or3A_1836, %mul3A_1837 : i32
      %add3A_1839 = arith.constant 256 : i32
      %add3A_1840 = arith.addi %mul3A_1838, %add3A_1839 : i32
      %get3A_1841 = arith.index_cast %mul3A_1838 : i32 to index
      %get3A_1842 = tpu.vector_load %arg9[%get3A_1841] {strides = array<i32>} : memref<4096xf32, #tpu.memory_space<vmem>>, vector<16xf32>,
      %get3A_1843 = arith.index_cast %add3A_1840 : i32 to index
      %get3A_1844 = tpu.vector_load %arg9[%get3A_1843] {strides = array<i32>} : memref<4096xf32, #tpu.memory_space<vmem>>, vector<16xf32>,
      %add3A_1845 = arith.addf %get3A_1842, %get3A_1844 : vector<16xf32>
      %swap3A_1846 = arith.index_cast %mul3A_1838 : i32 to index
      %swap3A_1847 = tpu.vector_load %arg9[%swap3A_1846] {strides = array<i32>} : memref<4096xf32, #tpu.memory_space<vmem>>, vector<16xf32>,
      tpu.vector_store %arg9[%swap3A_1846], %add3A_1845 {strides = array<i32>} : memref<4096xf32, #tpu.memory_space<vmem>>, vector<16xf32>,
      %sub3A_1848 = arith.subf %get3A_1842, %get3A_1844 : vector<16xf32>
      %swap3A_1849 = arith.index_cast %add3A_1840 : i32 to index
      %swap3A_1850 = tpu.vector_load %arg9[%swap3A_1849] {strides = array<i32>} : memref<4096xf32, #tpu.memory_space<vmem>>, vector<16xf32>,
      tpu.vector_store %arg9[%swap3A_1849], %sub3A_1848 {strides = array<i32>} : memref<4096xf32, #tpu.memory_space<vmem>>, vector<16xf32>,
      %mul3A_1851 = arith.constant 8 : i32
      %mul3A_1852 = arith.muli %scan3A_1726, %mul3A_1851 : i32
      %add3A_1853 = arith.constant 5 : i32
      %add3A_1854 = arith.addi %mul3A_1852, %add3A_1853 : i32
      %shift_right_arithmetic3A_1855 = arith.constant 4 : i32
      %shift_right_arithmetic3A_1856 = arith.shrsi %add3A_1854, %shift_right_arithmetic3A_1855 : i32
      %shift_left3A_1857 = arith.constant 5 : i32
      %shift_left3A_1858 = arith.shli %shift_right_arithmetic3A_1856, %shift_left3A_1857 : i32
      %and3A_1859 = arith.constant 15 : i32
      %and3A_1860 = arith.andi %add3A_1854, %and3A_1859 : i32
      %or3A_1861 = arith.ori %shift_left3A_1858, %and3A_1860 : i32
      %mul3A_1862 = arith.constant 16 : i32
      %mul3A_1863 = arith.muli %or3A_1861, %mul3A_1862 : i32
      %add3A_1864 = arith.constant 256 : i32
      %add3A_1865 = arith.addi %mul3A_1863, %add3A_1864 : i32
      %get3A_1866 = arith.index_cast %mul3A_1863 : i32 to index
      %get3A_1867 = tpu.vector_load %arg9[%get3A_1866] {strides = array<i32>} : memref<4096xf32, #tpu.memory_space<vmem>>, vector<16xf32>,
      %get3A_1868 = arith.index_cast %add3A_1865 : i32 to index
      %get3A_1869 = tpu.vector_load %arg9[%get3A_1868] {strides = array<i32>} : memref<4096xf32, #tpu.memory_space<vmem>>, vector<16xf32>,
      %add3A_1870 = arith.addf %get3A_1867, %get3A_1869 : vector<16xf32>
      %swap3A_1871 = arith.index_cast %mul3A_1863 : i32 to index
      %swap3A_1872 = tpu.vector_load %arg9[%swap3A_1871] {strides = array<i32>} : memref<4096xf32, #tpu.memory_space<vmem>>, vector<16xf32>,
      tpu.vector_store %arg9[%swap3A_1871], %add3A_1870 {strides = array<i32>} : memref<4096xf32, #tpu.memory_space<vmem>>, vector<16xf32>,
      %sub3A_1873 = arith.subf %get3A_1867, %get3A_1869 : vector<16xf32>
      %swap3A_1874 = arith.index_cast %add3A_1865 : i32 to index
      %swap3A_1875 = tpu.vector_load %arg9[%swap3A_1874] {strides = array<i32>} : memref<4096xf32, #tpu.memory_space<vmem>>, vector<16xf32>,
      tpu.vector_store %arg9[%swap3A_1874], %sub3A_1873 {strides = array<i32>} : memref<4096xf32, #tpu.memory_space<vmem>>, vector<16xf32>,
      %mul3A_1876 = arith.constant 8 : i32
      %mul3A_1877 = arith.muli %scan3A_1726, %mul3A_1876 : i32
      %add3A_1878 = arith.constant 6 : i32
      %add3A_1879 = arith.addi %mul3A_1877, %add3A_1878 : i32
      %shift_right_arithmetic3A_1880 = arith.constant 4 : i32
      %shift_right_arithmetic3A_1881 = arith.shrsi %add3A_1879, %shift_right_arithmetic3A_1880 : i32
      %shift_left3A_1882 = arith.constant 5 : i32
      %shift_left3A_1883 = arith.shli %shift_right_arithmetic3A_1881, %shift_left3A_1882 : i32
      %and3A_1884 = arith.constant 15 : i32
      %and3A_1885 = arith.andi %add3A_1879, %and3A_1884 : i32
      %or3A_1886 = arith.ori %shift_left3A_1883, %and3A_1885 : i32
      %mul3A_1887 = arith.constant 16 : i32
      %mul3A_1888 = arith.muli %or3A_1886, %mul3A_1887 : i32
      %add3A_1889 = arith.constant 256 : i32
      %add3A_1890 = arith.addi %mul3A_1888, %add3A_1889 : i32
      %get3A_1891 = arith.index_cast %mul3A_1888 : i32 to index
      %get3A_1892 = tpu.vector_load %arg9[%get3A_1891] {strides = array<i32>} : memref<4096xf32, #tpu.memory_space<vmem>>, vector<16xf32>,
      %get3A_1893 = arith.index_cast %add3A_1890 : i32 to index
      %get3A_1894 = tpu.vector_load %arg9[%get3A_1893] {strides = array<i32>} : memref<4096xf32, #tpu.memory_space<vmem>>, vector<16xf32>,
      %add3A_1895 = arith.addf %get3A_1892, %get3A_1894 : vector<16xf32>
      %swap3A_1896 = arith.index_cast %mul3A_1888 : i32 to index
      %swap3A_1897 = tpu.vector_load %arg9[%swap3A_1896] {strides = array<i32>} : memref<4096xf32, #tpu.memory_space<vmem>>, vector<16xf32>,
      tpu.vector_store %arg9[%swap3A_1896], %add3A_1895 {strides = array<i32>} : memref<4096xf32, #tpu.memory_space<vmem>>, vector<16xf32>,
      %sub3A_1898 = arith.subf %get3A_1892, %get3A_1894 : vector<16xf32>
      %swap3A_1899 = arith.index_cast %add3A_1890 : i32 to index
      %swap3A_1900 = tpu.vector_load %arg9[%swap3A_1899] {strides = array<i32>} : memref<4096xf32, #tpu.memory_space<vmem>>, vector<16xf32>,
      tpu.vector_store %arg9[%swap3A_1899], %sub3A_1898 {strides = array<i32>} : memref<4096xf32, #tpu.memory_space<vmem>>, vector<16xf32>,
      %mul3A_1901 = arith.constant 8 : i32
      %mul3A_1902 = arith.muli %scan3A_1726, %mul3A_1901 : i32
      %add3A_1903 = arith.constant 7 : i32
      %add3A_1904 = arith.addi %mul3A_1902, %add3A_1903 : i32
      %shift_right_arithmetic3A_1905 = arith.constant 4 : i32
      %shift_right_arithmetic3A_1906 = arith.shrsi %add3A_1904, %shift_right_arithmetic3A_1905 : i32
      %shift_left3A_1907 = arith.constant 5 : i32
      %shift_left3A_1908 = arith.shli %shift_right_arithmetic3A_1906, %shift_left3A_1907 : i32
      %and3A_1909 = arith.constant 15 : i32
      %and3A_1910 = arith.andi %add3A_1904, %and3A_1909 : i32
      %or3A_1911 = arith.ori %shift_left3A_1908, %and3A_1910 : i32
      %mul3A_1912 = arith.constant 16 : i32
      %mul3A_1913 = arith.muli %or3A_1911, %mul3A_1912 : i32
      %add3A_1914 = arith.constant 256 : i32
      %add3A_1915 = arith.addi %mul3A_1913, %add3A_1914 : i32
      %get3A_1916 = arith.index_cast %mul3A_1913 : i32 to index
      %get3A_1917 = tpu.vector_load %arg9[%get3A_1916] {strides = array<i32>} : memref<4096xf32, #tpu.memory_space<vmem>>, vector<16xf32>,
      %get3A_1918 = arith.index_cast %add3A_1915 : i32 to index
      %get3A_1919 = tpu.vector_load %arg9[%get3A_1918] {strides = array<i32>} : memref<4096xf32, #tpu.memory_space<vmem>>, vector<16xf32>,
      %add3A_1920 = arith.addf %get3A_1917, %get3A_1919 : vector<16xf32>
      %swap3A_1921 = arith.index_cast %mul3A_1913 : i32 to index
      %swap3A_1922 = tpu.vector_load %arg9[%swap3A_1921] {strides = array<i32>} : memref<4096xf32, #tpu.memory_space<vmem>>, vector<16xf32>,
      tpu.vector_store %arg9[%swap3A_1921], %add3A_1920 {strides = array<i32>} : memref<4096xf32, #tpu.memory_space<vmem>>, vector<16xf32>,
      %sub3A_1923 = arith.subf %get3A_1917, %get3A_1919 : vector<16xf32>
      %swap3A_1924 = arith.index_cast %add3A_1915 : i32 to index
      %swap3A_1925 = tpu.vector_load %arg9[%swap3A_1924] {strides = array<i32>} : memref<4096xf32, #tpu.memory_space<vmem>>, vector<16xf32>,
      tpu.vector_store %arg9[%swap3A_1924], %sub3A_1923 {strides = array<i32>} : memref<4096xf32, #tpu.memory_space<vmem>>, vector<16xf32>,
    }
    %scan3A_1665 = arith.constant 16 : i32
    %scan3A_1666 = arith.constant 0 : i32
    %scan3A_1667 = arith.constant 0 : i32
    %scan3A_1668 = arith.constant 16 : i32
    %scan3A_1669 = arith.addi %scan3A_1667, %scan3A_1668 : i32
    %scan3A_1670 = arith.constant 1 : i32
    scf.for %scan3A_1726 = %scan3A_1667 to %scan3A_1669 step %scan3A_1670  : i32 {
      %mul3A_1727 = arith.constant 8 : i32
      %mul3A_1728 = arith.muli %scan3A_1726, %mul3A_1727 : i32
      %add3A_1729 = arith.constant 0 : i32
      %add3A_1730 = arith.addi %mul3A_1728, %add3A_1729 : i32
      %shift_right_arithmetic3A_1731 = arith.constant 5 : i32
      %shift_right_arithmetic3A_1732 = arith.shrsi %add3A_1730, %shift_right_arithmetic3A_1731 : i32
      %shift_left3A_1733 = arith.constant 6 : i32
      %shift_left3A_1734 = arith.shli %shift_right_arithmetic3A_1732, %shift_left3A_1733 : i32
      %and3A_1735 = arith.constant 31 : i32
      %and3A_1736 = arith.andi %add3A_1730, %and3A_1735 : i32
      %or3A = arith.ori %shift_left3A_1734, %and3A_1736 : i32
      %mul3A_1737 = arith.constant 16 : i32
      %mul3A_1738 = arith.muli %or3A, %mul3A_1737 : i32
      %add3A_1739 = arith.constant 512 : i32
      %add3A_1740 = arith.addi %mul3A_1738, %add3A_1739 : i32
      %get3A_1741 = arith.index_cast %mul3A_1738 : i32 to index
      %get3A_1742 = tpu.vector_load %arg9[%get3A_1741] {strides = array<i32>} : memref<4096xf32, #tpu.memory_space<vmem>>, vector<16xf32>,
      %get3A_1743 = arith.index_cast %add3A_1740 : i32 to index
      %get3A_1744 = tpu.vector_load %arg9[%get3A_1743] {strides = array<i32>} : memref<4096xf32, #tpu.memory_space<vmem>>, vector<16xf32>,
      %add3A_1745 = arith.addf %get3A_1742, %get3A_1744 : vector<16xf32>
      %swap3A_1746 = arith.index_cast %mul3A_1738 : i32 to index
      %swap3A_1747 = tpu.vector_load %arg9[%swap3A_1746] {strides = array<i32>} : memref<4096xf32, #tpu.memory_space<vmem>>, vector<16xf32>,
      tpu.vector_store %arg9[%swap3A_1746], %add3A_1745 {strides = array<i32>} : memref<4096xf32, #tpu.memory_space<vmem>>, vector<16xf32>,
      %sub3A_1748 = arith.subf %get3A_1742, %get3A_1744 : vector<16xf32>
      %swap3A_1749 = arith.index_cast %add3A_1740 : i32 to index
      %swap3A_1750 = tpu.vector_load %arg9[%swap3A_1749] {strides = array<i32>} : memref<4096xf32, #tpu.memory_space<vmem>>, vector<16xf32>,
      tpu.vector_store %arg9[%swap3A_1749], %sub3A_1748 {strides = array<i32>} : memref<4096xf32, #tpu.memory_space<vmem>>, vector<16xf32>,
      %mul3A_1751 = arith.constant 8 : i32
      %mul3A_1752 = arith.muli %scan3A_1726, %mul3A_1751 : i32
      %add3A_1753 = arith.constant 1 : i32
      %add3A_1754 = arith.addi %mul3A_1752, %add3A_1753 : i32
      %shift_right_arithmetic3A_1755 = arith.constant 5 : i32
      %shift_right_arithmetic3A_1756 = arith.shrsi %add3A_1754, %shift_right_arithmetic3A_1755 : i32
      %shift_left3A_1757 = arith.constant 6 : i32
      %shift_left3A_1758 = arith.shli %shift_right_arithmetic3A_1756, %shift_left3A_1757 : i32
      %and3A_1759 = arith.constant 31 : i32
      %and3A_1760 = arith.andi %add3A_1754, %and3A_1759 : i32
      %or3A_1761 = arith.ori %shift_left3A_1758, %and3A_1760 : i32
      %mul3A_1762 = arith.constant 16 : i32
      %mul3A_1763 = arith.muli %or3A_1761, %mul3A_1762 : i32
      %add3A_1764 = arith.constant 512 : i32
      %add3A_1765 = arith.addi %mul3A_1763, %add3A_1764 : i32
      %get3A_1766 = arith.index_cast %mul3A_1763 : i32 to index
      %get3A_1767 = tpu.vector_load %arg9[%get3A_1766] {strides = array<i32>} : memref<4096xf32, #tpu.memory_space<vmem>>, vector<16xf32>,
      %get3A_1768 = arith.index_cast %add3A_1765 : i32 to index
      %get3A_1769 = tpu.vector_load %arg9[%get3A_1768] {strides = array<i32>} : memref<4096xf32, #tpu.memory_space<vmem>>, vector<16xf32>,
      %add3A_1770 = arith.addf %get3A_1767, %get3A_1769 : vector<16xf32>
      %swap3A_1771 = arith.index_cast %mul3A_1763 : i32 to index
      %swap3A_1772 = tpu.vector_load %arg9[%swap3A_1771] {strides = array<i32>} : memref<4096xf32, #tpu.memory_space<vmem>>, vector<16xf32>,
      tpu.vector_store %arg9[%swap3A_1771], %add3A_1770 {strides = array<i32>} : memref<4096xf32, #tpu.memory_space<vmem>>, vector<16xf32>,
      %sub3A_1773 = arith.subf %get3A_1767, %get3A_1769 : vector<16xf32>
      %swap3A_1774 = arith.index_cast %add3A_1765 : i32 to index
      %swap3A_1775 = tpu.vector_load %arg9[%swap3A_1774] {strides = array<i32>} : memref<4096xf32, #tpu.memory_space<vmem>>, vector<16xf32>,
      tpu.vector_store %arg9[%swap3A_1774], %sub3A_1773 {strides = array<i32>} : memref<4096xf32, #tpu.memory_space<vmem>>, vector<16xf32>,
      %mul3A_1776 = arith.constant 8 : i32
      %mul3A_1777 = arith.muli %scan3A_1726, %mul3A_1776 : i32
      %add3A_1778 = arith.constant 2 : i32
      %add3A_1779 = arith.addi %mul3A_1777, %add3A_1778 : i32
      %shift_right_arithmetic3A_1780 = arith.constant 5 : i32
      %shift_right_arithmetic3A_1781 = arith.shrsi %add3A_1779, %shift_right_arithmetic3A_1780 : i32
      %shift_left3A_1782 = arith.constant 6 : i32
      %shift_left3A_1783 = arith.shli %shift_right_arithmetic3A_1781, %shift_left3A_1782 : i32
      %and3A_1784 = arith.constant 31 : i32
      %and3A_1785 = arith.andi %add3A_1779, %and3A_1784 : i32
      %or3A_1786 = arith.ori %shift_left3A_1783, %and3A_1785 : i32
      %mul3A_1787 = arith.constant 16 : i32
      %mul3A_1788 = arith.muli %or3A_1786, %mul3A_1787 : i32
      %add3A_1789 = arith.constant 512 : i32
      %add3A_1790 = arith.addi %mul3A_1788, %add3A_1789 : i32
      %get3A_1791 = arith.index_cast %mul3A_1788 : i32 to index
      %get3A_1792 = tpu.vector_load %arg9[%get3A_1791] {strides = array<i32>} : memref<4096xf32, #tpu.memory_space<vmem>>, vector<16xf32>,
      %get3A_1793 = arith.index_cast %add3A_1790 : i32 to index
      %get3A_1794 = tpu.vector_load %arg9[%get3A_1793] {strides = array<i32>} : memref<4096xf32, #tpu.memory_space<vmem>>, vector<16xf32>,
      %add3A_1795 = arith.addf %get3A_1792, %get3A_1794 : vector<16xf32>
      %swap3A_1796 = arith.index_cast %mul3A_1788 : i32 to index
      %swap3A_1797 = tpu.vector_load %arg9[%swap3A_1796] {strides = array<i32>} : memref<4096xf32, #tpu.memory_space<vmem>>, vector<16xf32>,
      tpu.vector_store %arg9[%swap3A_1796], %add3A_1795 {strides = array<i32>} : memref<4096xf32, #tpu.memory_space<vmem>>, vector<16xf32>,
      %sub3A_1798 = arith.subf %get3A_1792, %get3A_1794 : vector<16xf32>
      %swap3A_1799 = arith.index_cast %add3A_1790 : i32 to index
      %swap3A_1800 = tpu.vector_load %arg9[%swap3A_1799] {strides = array<i32>} : memref<4096xf32, #tpu.memory_space<vmem>>, vector<16xf32>,
      tpu.vector_store %arg9[%swap3A_1799], %sub3A_1798 {strides = array<i32>} : memref<4096xf32, #tpu.memory_space<vmem>>, vector<16xf32>,
      %mul3A_1801 = arith.constant 8 : i32
      %mul3A_1802 = arith.muli %scan3A_1726, %mul3A_1801 : i32
      %add3A_1803 = arith.constant 3 : i32
      %add3A_1804 = arith.addi %mul3A_1802, %add3A_1803 : i32
      %shift_right_arithmetic3A_1805 = arith.constant 5 : i32
      %shift_right_arithmetic3A_1806 = arith.shrsi %add3A_1804, %shift_right_arithmetic3A_1805 : i32
      %shift_left3A_1807 = arith.constant 6 : i32
      %shift_left3A_1808 = arith.shli %shift_right_arithmetic3A_1806, %shift_left3A_1807 : i32
      %and3A_1809 = arith.constant 31 : i32
      %and3A_1810 = arith.andi %add3A_1804, %and3A_1809 : i32
      %or3A_1811 = arith.ori %shift_left3A_1808, %and3A_1810 : i32
      %mul3A_1812 = arith.constant 16 : i32
      %mul3A_1813 = arith.muli %or3A_1811, %mul3A_1812 : i32
      %add3A_1814 = arith.constant 512 : i32
      %add3A_1815 = arith.addi %mul3A_1813, %add3A_1814 : i32
      %get3A_1816 = arith.index_cast %mul3A_1813 : i32 to index
      %get3A_1817 = tpu.vector_load %arg9[%get3A_1816] {strides = array<i32>} : memref<4096xf32, #tpu.memory_space<vmem>>, vector<16xf32>,
      %get3A_1818 = arith.index_cast %add3A_1815 : i32 to index
      %get3A_1819 = tpu.vector_load %arg9[%get3A_1818] {strides = array<i32>} : memref<4096xf32, #tpu.memory_space<vmem>>, vector<16xf32>,
      %add3A_1820 = arith.addf %get3A_1817, %get3A_1819 : vector<16xf32>
      %swap3A_1821 = arith.index_cast %mul3A_1813 : i32 to index
      %swap3A_1822 = tpu.vector_load %arg9[%swap3A_1821] {strides = array<i32>} : memref<4096xf32, #tpu.memory_space<vmem>>, vector<16xf32>,
      tpu.vector_store %arg9[%swap3A_1821], %add3A_1820 {strides = array<i32>} : memref<4096xf32, #tpu.memory_space<vmem>>, vector<16xf32>,
      %sub3A_1823 = arith.subf %get3A_1817, %get3A_1819 : vector<16xf32>
      %swap3A_1824 = arith.index_cast %add3A_1815 : i32 to index
      %swap3A_1825 = tpu.vector_load %arg9[%swap3A_1824] {strides = array<i32>} : memref<4096xf32, #tpu.memory_space<vmem>>, vector<16xf32>,
      tpu.vector_store %arg9[%swap3A_1824], %sub3A_1823 {strides = array<i32>} : memref<4096xf32, #tpu.memory_space<vmem>>, vector<16xf32>,
      %mul3A_1826 = arith.constant 8 : i32
      %mul3A_1827 = arith.muli %scan3A_1726, %mul3A_1826 : i32
      %add3A_1828 = arith.constant 4 : i32
      %add3A_1829 = arith.addi %mul3A_1827, %add3A_1828 : i32
      %shift_right_arithmetic3A_1830 = arith.constant 5 : i32
      %shift_right_arithmetic3A_1831 = arith.shrsi %add3A_1829, %shift_right_arithmetic3A_1830 : i32
      %shift_left3A_1832 = arith.constant 6 : i32
      %shift_left3A_1833 = arith.shli %shift_right_arithmetic3A_1831, %shift_left3A_1832 : i32
      %and3A_1834 = arith.constant 31 : i32
      %and3A_1835 = arith.andi %add3A_1829, %and3A_1834 : i32
      %or3A_1836 = arith.ori %shift_left3A_1833, %and3A_1835 : i32
      %mul3A_1837 = arith.constant 16 : i32
      %mul3A_1838 = arith.muli %or3A_1836, %mul3A_1837 : i32
      %add3A_1839 = arith.constant 512 : i32
      %add3A_1840 = arith.addi %mul3A_1838, %add3A_1839 : i32
      %get3A_1841 = arith.index_cast %mul3A_1838 : i32 to index
      %get3A_1842 = tpu.vector_load %arg9[%get3A_1841] {strides = array<i32>} : memref<4096xf32, #tpu.memory_space<vmem>>, vector<16xf32>,
      %get3A_1843 = arith.index_cast %add3A_1840 : i32 to index
      %get3A_1844 = tpu.vector_load %arg9[%get3A_1843] {strides = array<i32>} : memref<4096xf32, #tpu.memory_space<vmem>>, vector<16xf32>,
      %add3A_1845 = arith.addf %get3A_1842, %get3A_1844 : vector<16xf32>
      %swap3A_1846 = arith.index_cast %mul3A_1838 : i32 to index
      %swap3A_1847 = tpu.vector_load %arg9[%swap3A_1846] {strides = array<i32>} : memref<4096xf32, #tpu.memory_space<vmem>>, vector<16xf32>,
      tpu.vector_store %arg9[%swap3A_1846], %add3A_1845 {strides = array<i32>} : memref<4096xf32, #tpu.memory_space<vmem>>, vector<16xf32>,
      %sub3A_1848 = arith.subf %get3A_1842, %get3A_1844 : vector<16xf32>
      %swap3A_1849 = arith.index_cast %add3A_1840 : i32 to index
      %swap3A_1850 = tpu.vector_load %arg9[%swap3A_1849] {strides = array<i32>} : memref<4096xf32, #tpu.memory_space<vmem>>, vector<16xf32>,
      tpu.vector_store %arg9[%swap3A_1849], %sub3A_1848 {strides = array<i32>} : memref<4096xf32, #tpu.memory_space<vmem>>, vector<16xf32>,
      %mul3A_1851 = arith.constant 8 : i32
      %mul3A_1852 = arith.muli %scan3A_1726, %mul3A_1851 : i32
      %add3A_1853 = arith.constant 5 : i32
      %add3A_1854 = arith.addi %mul3A_1852, %add3A_1853 : i32
      %shift_right_arithmetic3A_1855 = arith.constant 5 : i32
      %shift_right_arithmetic3A_1856 = arith.shrsi %add3A_1854, %shift_right_arithmetic3A_1855 : i32
      %shift_left3A_1857 = arith.constant 6 : i32
      %shift_left3A_1858 = arith.shli %shift_right_arithmetic3A_1856, %shift_left3A_1857 : i32
      %and3A_1859 = arith.constant 31 : i32
      %and3A_1860 = arith.andi %add3A_1854, %and3A_1859 : i32
      %or3A_1861 = arith.ori %shift_left3A_1858, %and3A_1860 : i32
      %mul3A_1862 = arith.constant 16 : i32
      %mul3A_1863 = arith.muli %or3A_1861, %mul3A_1862 : i32
      %add3A_1864 = arith.constant 512 : i32
      %add3A_1865 = arith.addi %mul3A_1863, %add3A_1864 : i32
      %get3A_1866 = arith.index_cast %mul3A_1863 : i32 to index
      %get3A_1867 = tpu.vector_load %arg9[%get3A_1866] {strides = array<i32>} : memref<4096xf32, #tpu.memory_space<vmem>>, vector<16xf32>,
      %get3A_1868 = arith.index_cast %add3A_1865 : i32 to index
      %get3A_1869 = tpu.vector_load %arg9[%get3A_1868] {strides = array<i32>} : memref<4096xf32, #tpu.memory_space<vmem>>, vector<16xf32>,
      %add3A_1870 = arith.addf %get3A_1867, %get3A_1869 : vector<16xf32>
      %swap3A_1871 = arith.index_cast %mul3A_1863 : i32 to index
      %swap3A_1872 = tpu.vector_load %arg9[%swap3A_1871] {strides = array<i32>} : memref<4096xf32, #tpu.memory_space<vmem>>, vector<16xf32>,
      tpu.vector_store %arg9[%swap3A_1871], %add3A_1870 {strides = array<i32>} : memref<4096xf32, #tpu.memory_space<vmem>>, vector<16xf32>,
      %sub3A_1873 = arith.subf %get3A_1867, %get3A_1869 : vector<16xf32>
      %swap3A_1874 = arith.index_cast %add3A_1865 : i32 to index
      %swap3A_1875 = tpu.vector_load %arg9[%swap3A_1874] {strides = array<i32>} : memref<4096xf32, #tpu.memory_space<vmem>>, vector<16xf32>,
      tpu.vector_store %arg9[%swap3A_1874], %sub3A_1873 {strides = array<i32>} : memref<4096xf32, #tpu.memory_space<vmem>>, vector<16xf32>,
      %mul3A_1876 = arith.constant 8 : i32
      %mul3A_1877 = arith.muli %scan3A_1726, %mul3A_1876 : i32
      %add3A_1878 = arith.constant 6 : i32
      %add3A_1879 = arith.addi %mul3A_1877, %add3A_1878 : i32
      %shift_right_arithmetic3A_1880 = arith.constant 5 : i32
      %shift_right_arithmetic3A_1881 = arith.shrsi %add3A_1879, %shift_right_arithmetic3A_1880 : i32
      %shift_left3A_1882 = arith.constant 6 : i32
      %shift_left3A_1883 = arith.shli %shift_right_arithmetic3A_1881, %shift_left3A_1882 : i32
      %and3A_1884 = arith.constant 31 : i32
      %and3A_1885 = arith.andi %add3A_1879, %and3A_1884 : i32
      %or3A_1886 = arith.ori %shift_left3A_1883, %and3A_1885 : i32
      %mul3A_1887 = arith.constant 16 : i32
      %mul3A_1888 = arith.muli %or3A_1886, %mul3A_1887 : i32
      %add3A_1889 = arith.constant 512 : i32
      %add3A_1890 = arith.addi %mul3A_1888, %add3A_1889 : i32
      %get3A_1891 = arith.index_cast %mul3A_1888 : i32 to index
      %get3A_1892 = tpu.vector_load %arg9[%get3A_1891] {strides = array<i32>} : memref<4096xf32, #tpu.memory_space<vmem>>, vector<16xf32>,
      %get3A_1893 = arith.index_cast %add3A_1890 : i32 to index
      %get3A_1894 = tpu.vector_load %arg9[%get3A_1893] {strides = array<i32>} : memref<4096xf32, #tpu.memory_space<vmem>>, vector<16xf32>,
      %add3A_1895 = arith.addf %get3A_1892, %get3A_1894 : vector<16xf32>
      %swap3A_1896 = arith.index_cast %mul3A_1888 : i32 to index
      %swap3A_1897 = tpu.vector_load %arg9[%swap3A_1896] {strides = array<i32>} : memref<4096xf32, #tpu.memory_space<vmem>>, vector<16xf32>,
      tpu.vector_store %arg9[%swap3A_1896], %add3A_1895 {strides = array<i32>} : memref<4096xf32, #tpu.memory_space<vmem>>, vector<16xf32>,
      %sub3A_1898 = arith.subf %get3A_1892, %get3A_1894 : vector<16xf32>
      %swap3A_1899 = arith.index_cast %add3A_1890 : i32 to index
      %swap3A_1900 = tpu.vector_load %arg9[%swap3A_1899] {strides = array<i32>} : memref<4096xf32, #tpu.memory_space<vmem>>, vector<16xf32>,
      tpu.vector_store %arg9[%swap3A_1899], %sub3A_1898 {strides = array<i32>} : memref<4096xf32, #tpu.memory_space<vmem>>, vector<16xf32>,
      %mul3A_1901 = arith.constant 8 : i32
      %mul3A_1902 = arith.muli %scan3A_1726, %mul3A_1901 : i32
      %add3A_1903 = arith.constant 7 : i32
      %add3A_1904 = arith.addi %mul3A_1902, %add3A_1903 : i32
      %shift_right_arithmetic3A_1905 = arith.constant 5 : i32
      %shift_right_arithmetic3A_1906 = arith.shrsi %add3A_1904, %shift_right_arithmetic3A_1905 : i32
      %shift_left3A_1907 = arith.constant 6 : i32
      %shift_left3A_1908 = arith.shli %shift_right_arithmetic3A_1906, %shift_left3A_1907 : i32
      %and3A_1909 = arith.constant 31 : i32
      %and3A_1910 = arith.andi %add3A_1904, %and3A_1909 : i32
      %or3A_1911 = arith.ori %shift_left3A_1908, %and3A_1910 : i32
      %mul3A_1912 = arith.constant 16 : i32
      %mul3A_1913 = arith.muli %or3A_1911, %mul3A_1912 : i32
      %add3A_1914 = arith.constant 512 : i32
      %add3A_1915 = arith.addi %mul3A_1913, %add3A_1914 : i32
      %get3A_1916 = arith.index_cast %mul3A_1913 : i32 to index
      %get3A_1917 = tpu.vector_load %arg9[%get3A_1916] {strides = array<i32>} : memref<4096xf32, #tpu.memory_space<vmem>>, vector<16xf32>,
      %get3A_1918 = arith.index_cast %add3A_1915 : i32 to index
      %get3A_1919 = tpu.vector_load %arg9[%get3A_1918] {strides = array<i32>} : memref<4096xf32, #tpu.memory_space<vmem>>, vector<16xf32>,
      %add3A_1920 = arith.addf %get3A_1917, %get3A_1919 : vector<16xf32>
      %swap3A_1921 = arith.index_cast %mul3A_1913 : i32 to index
      %swap3A_1922 = tpu.vector_load %arg9[%swap3A_1921] {strides = array<i32>} : memref<4096xf32, #tpu.memory_space<vmem>>, vector<16xf32>,
      tpu.vector_store %arg9[%swap3A_1921], %add3A_1920 {strides = array<i32>} : memref<4096xf32, #tpu.memory_space<vmem>>, vector<16xf32>,
      %sub3A_1923 = arith.subf %get3A_1917, %get3A_1919 : vector<16xf32>
      %swap3A_1924 = arith.index_cast %add3A_1915 : i32 to index
      %swap3A_1925 = tpu.vector_load %arg9[%swap3A_1924] {strides = array<i32>} : memref<4096xf32, #tpu.memory_space<vmem>>, vector<16xf32>,
      tpu.vector_store %arg9[%swap3A_1924], %sub3A_1923 {strides = array<i32>} : memref<4096xf32, #tpu.memory_space<vmem>>, vector<16xf32>,
    }
    %scan3A_1671 = arith.constant 16 : i32
    %scan3A_1672 = arith.constant 0 : i32
    %scan3A_1673 = arith.constant 0 : i32
    %scan3A_1674 = arith.constant 16 : i32
    %scan3A_1675 = arith.addi %scan3A_1673, %scan3A_1674 : i32
    %scan3A_1676 = arith.constant 1 : i32
    scf.for %scan3A_1726 = %scan3A_1673 to %scan3A_1675 step %scan3A_1676  : i32 {
      %mul3A_1727 = arith.constant 8 : i32
      %mul3A_1728 = arith.muli %scan3A_1726, %mul3A_1727 : i32
      %add3A_1729 = arith.constant 0 : i32
      %add3A_1730 = arith.addi %mul3A_1728, %add3A_1729 : i32
      %shift_right_arithmetic3A_1731 = arith.constant 6 : i32
      %shift_right_arithmetic3A_1732 = arith.shrsi %add3A_1730, %shift_right_arithmetic3A_1731 : i32
      %shift_left3A_1733 = arith.constant 7 : i32
      %shift_left3A_1734 = arith.shli %shift_right_arithmetic3A_1732, %shift_left3A_1733 : i32
      %and3A_1735 = arith.constant 63 : i32
      %and3A_1736 = arith.andi %add3A_1730, %and3A_1735 : i32
      %or3A = arith.ori %shift_left3A_1734, %and3A_1736 : i32
      %mul3A_1737 = arith.constant 16 : i32
      %mul3A_1738 = arith.muli %or3A, %mul3A_1737 : i32
      %add3A_1739 = arith.constant 1024 : i32
      %add3A_1740 = arith.addi %mul3A_1738, %add3A_1739 : i32
      %get3A_1741 = arith.index_cast %mul3A_1738 : i32 to index
      %get3A_1742 = tpu.vector_load %arg9[%get3A_1741] {strides = array<i32>} : memref<4096xf32, #tpu.memory_space<vmem>>, vector<16xf32>,
      %get3A_1743 = arith.index_cast %add3A_1740 : i32 to index
      %get3A_1744 = tpu.vector_load %arg9[%get3A_1743] {strides = array<i32>} : memref<4096xf32, #tpu.memory_space<vmem>>, vector<16xf32>,
      %add3A_1745 = arith.addf %get3A_1742, %get3A_1744 : vector<16xf32>
      %swap3A_1746 = arith.index_cast %mul3A_1738 : i32 to index
      %swap3A_1747 = tpu.vector_load %arg9[%swap3A_1746] {strides = array<i32>} : memref<4096xf32, #tpu.memory_space<vmem>>, vector<16xf32>,
      tpu.vector_store %arg9[%swap3A_1746], %add3A_1745 {strides = array<i32>} : memref<4096xf32, #tpu.memory_space<vmem>>, vector<16xf32>,
      %sub3A_1748 = arith.subf %get3A_1742, %get3A_1744 : vector<16xf32>
      %swap3A_1749 = arith.index_cast %add3A_1740 : i32 to index
      %swap3A_1750 = tpu.vector_load %arg9[%swap3A_1749] {strides = array<i32>} : memref<4096xf32, #tpu.memory_space<vmem>>, vector<16xf32>,
      tpu.vector_store %arg9[%swap3A_1749], %sub3A_1748 {strides = array<i32>} : memref<4096xf32, #tpu.memory_space<vmem>>, vector<16xf32>,
      %mul3A_1751 = arith.constant 8 : i32
      %mul3A_1752 = arith.muli %scan3A_1726, %mul3A_1751 : i32
      %add3A_1753 = arith.constant 1 : i32
      %add3A_1754 = arith.addi %mul3A_1752, %add3A_1753 : i32
      %shift_right_arithmetic3A_1755 = arith.constant 6 : i32
      %shift_right_arithmetic3A_1756 = arith.shrsi %add3A_1754, %shift_right_arithmetic3A_1755 : i32
      %shift_left3A_1757 = arith.constant 7 : i32
      %shift_left3A_1758 = arith.shli %shift_right_arithmetic3A_1756, %shift_left3A_1757 : i32
      %and3A_1759 = arith.constant 63 : i32
      %and3A_1760 = arith.andi %add3A_1754, %and3A_1759 : i32
      %or3A_1761 = arith.ori %shift_left3A_1758, %and3A_1760 : i32
      %mul3A_1762 = arith.constant 16 : i32
      %mul3A_1763 = arith.muli %or3A_1761, %mul3A_1762 : i32
      %add3A_1764 = arith.constant 1024 : i32
      %add3A_1765 = arith.addi %mul3A_1763, %add3A_1764 : i32
      %get3A_1766 = arith.index_cast %mul3A_1763 : i32 to index
      %get3A_1767 = tpu.vector_load %arg9[%get3A_1766] {strides = array<i32>} : memref<4096xf32, #tpu.memory_space<vmem>>, vector<16xf32>,
      %get3A_1768 = arith.index_cast %add3A_1765 : i32 to index
      %get3A_1769 = tpu.vector_load %arg9[%get3A_1768] {strides = array<i32>} : memref<4096xf32, #tpu.memory_space<vmem>>, vector<16xf32>,
      %add3A_1770 = arith.addf %get3A_1767, %get3A_1769 : vector<16xf32>
      %swap3A_1771 = arith.index_cast %mul3A_1763 : i32 to index
      %swap3A_1772 = tpu.vector_load %arg9[%swap3A_1771] {strides = array<i32>} : memref<4096xf32, #tpu.memory_space<vmem>>, vector<16xf32>,
      tpu.vector_store %arg9[%swap3A_1771], %add3A_1770 {strides = array<i32>} : memref<4096xf32, #tpu.memory_space<vmem>>, vector<16xf32>,
      %sub3A_1773 = arith.subf %get3A_1767, %get3A_1769 : vector<16xf32>
      %swap3A_1774 = arith.index_cast %add3A_1765 : i32 to index
      %swap3A_1775 = tpu.vector_load %arg9[%swap3A_1774] {strides = array<i32>} : memref<4096xf32, #tpu.memory_space<vmem>>, vector<16xf32>,
      tpu.vector_store %arg9[%swap3A_1774], %sub3A_1773 {strides = array<i32>} : memref<4096xf32, #tpu.memory_space<vmem>>, vector<16xf32>,
      %mul3A_1776 = arith.constant 8 : i32
      %mul3A_1777 = arith.muli %scan3A_1726, %mul3A_1776 : i32
      %add3A_1778 = arith.constant 2 : i32
      %add3A_1779 = arith.addi %mul3A_1777, %add3A_1778 : i32
      %shift_right_arithmetic3A_1780 = arith.constant 6 : i32
      %shift_right_arithmetic3A_1781 = arith.shrsi %add3A_1779, %shift_right_arithmetic3A_1780 : i32
      %shift_left3A_1782 = arith.constant 7 : i32
      %shift_left3A_1783 = arith.shli %shift_right_arithmetic3A_1781, %shift_left3A_1782 : i32
      %and3A_1784 = arith.constant 63 : i32
      %and3A_1785 = arith.andi %add3A_1779, %and3A_1784 : i32
      %or3A_1786 = arith.ori %shift_left3A_1783, %and3A_1785 : i32
      %mul3A_1787 = arith.constant 16 : i32
      %mul3A_1788 = arith.muli %or3A_1786, %mul3A_1787 : i32
      %add3A_1789 = arith.constant 1024 : i32
      %add3A_1790 = arith.addi %mul3A_1788, %add3A_1789 : i32
      %get3A_1791 = arith.index_cast %mul3A_1788 : i32 to index
      %get3A_1792 = tpu.vector_load %arg9[%get3A_1791] {strides = array<i32>} : memref<4096xf32, #tpu.memory_space<vmem>>, vector<16xf32>,
      %get3A_1793 = arith.index_cast %add3A_1790 : i32 to index
      %get3A_1794 = tpu.vector_load %arg9[%get3A_1793] {strides = array<i32>} : memref<4096xf32, #tpu.memory_space<vmem>>, vector<16xf32>,
      %add3A_1795 = arith.addf %get3A_1792, %get3A_1794 : vector<16xf32>
      %swap3A_1796 = arith.index_cast %mul3A_1788 : i32 to index
      %swap3A_1797 = tpu.vector_load %arg9[%swap3A_1796] {strides = array<i32>} : memref<4096xf32, #tpu.memory_space<vmem>>, vector<16xf32>,
      tpu.vector_store %arg9[%swap3A_1796], %add3A_1795 {strides = array<i32>} : memref<4096xf32, #tpu.memory_space<vmem>>, vector<16xf32>,
      %sub3A_1798 = arith.subf %get3A_1792, %get3A_1794 : vector<16xf32>
      %swap3A_1799 = arith.index_cast %add3A_1790 : i32 to index
      %swap3A_1800 = tpu.vector_load %arg9[%swap3A_1799] {strides = array<i32>} : memref<4096xf32, #tpu.memory_space<vmem>>, vector<16xf32>,
      tpu.vector_store %arg9[%swap3A_1799], %sub3A_1798 {strides = array<i32>} : memref<4096xf32, #tpu.memory_space<vmem>>, vector<16xf32>,
      %mul3A_1801 = arith.constant 8 : i32
      %mul3A_1802 = arith.muli %scan3A_1726, %mul3A_1801 : i32
      %add3A_1803 = arith.constant 3 : i32
      %add3A_1804 = arith.addi %mul3A_1802, %add3A_1803 : i32
      %shift_right_arithmetic3A_1805 = arith.constant 6 : i32
      %shift_right_arithmetic3A_1806 = arith.shrsi %add3A_1804, %shift_right_arithmetic3A_1805 : i32
      %shift_left3A_1807 = arith.constant 7 : i32
      %shift_left3A_1808 = arith.shli %shift_right_arithmetic3A_1806, %shift_left3A_1807 : i32
      %and3A_1809 = arith.constant 63 : i32
      %and3A_1810 = arith.andi %add3A_1804, %and3A_1809 : i32
      %or3A_1811 = arith.ori %shift_left3A_1808, %and3A_1810 : i32
      %mul3A_1812 = arith.constant 16 : i32
      %mul3A_1813 = arith.muli %or3A_1811, %mul3A_1812 : i32
      %add3A_1814 = arith.constant 1024 : i32
      %add3A_1815 = arith.addi %mul3A_1813, %add3A_1814 : i32
      %get3A_1816 = arith.index_cast %mul3A_1813 : i32 to index
      %get3A_1817 = tpu.vector_load %arg9[%get3A_1816] {strides = array<i32>} : memref<4096xf32, #tpu.memory_space<vmem>>, vector<16xf32>,
      %get3A_1818 = arith.index_cast %add3A_1815 : i32 to index
      %get3A_1819 = tpu.vector_load %arg9[%get3A_1818] {strides = array<i32>} : memref<4096xf32, #tpu.memory_space<vmem>>, vector<16xf32>,
      %add3A_1820 = arith.addf %get3A_1817, %get3A_1819 : vector<16xf32>
      %swap3A_1821 = arith.index_cast %mul3A_1813 : i32 to index
      %swap3A_1822 = tpu.vector_load %arg9[%swap3A_1821] {strides = array<i32>} : memref<4096xf32, #tpu.memory_space<vmem>>, vector<16xf32>,
      tpu.vector_store %arg9[%swap3A_1821], %add3A_1820 {strides = array<i32>} : memref<4096xf32, #tpu.memory_space<vmem>>, vector<16xf32>,
      %sub3A_1823 = arith.subf %get3A_1817, %get3A_1819 : vector<16xf32>
      %swap3A_1824 = arith.index_cast %add3A_1815 : i32 to index
      %swap3A_1825 = tpu.vector_load %arg9[%swap3A_1824] {strides = array<i32>} : memref<4096xf32, #tpu.memory_space<vmem>>, vector<16xf32>,
      tpu.vector_store %arg9[%swap3A_1824], %sub3A_1823 {strides = array<i32>} : memref<4096xf32, #tpu.memory_space<vmem>>, vector<16xf32>,
      %mul3A_1826 = arith.constant 8 : i32
      %mul3A_1827 = arith.muli %scan3A_1726, %mul3A_1826 : i32
      %add3A_1828 = arith.constant 4 : i32
      %add3A_1829 = arith.addi %mul3A_1827, %add3A_1828 : i32
      %shift_right_arithmetic3A_1830 = arith.constant 6 : i32
      %shift_right_arithmetic3A_1831 = arith.shrsi %add3A_1829, %shift_right_arithmetic3A_1830 : i32
      %shift_left3A_1832 = arith.constant 7 : i32
      %shift_left3A_1833 = arith.shli %shift_right_arithmetic3A_1831, %shift_left3A_1832 : i32
      %and3A_1834 = arith.constant 63 : i32
      %and3A_1835 = arith.andi %add3A_1829, %and3A_1834 : i32
      %or3A_1836 = arith.ori %shift_left3A_1833, %and3A_1835 : i32
      %mul3A_1837 = arith.constant 16 : i32
      %mul3A_1838 = arith.muli %or3A_1836, %mul3A_1837 : i32
      %add3A_1839 = arith.constant 1024 : i32
      %add3A_1840 = arith.addi %mul3A_1838, %add3A_1839 : i32
      %get3A_1841 = arith.index_cast %mul3A_1838 : i32 to index
      %get3A_1842 = tpu.vector_load %arg9[%get3A_1841] {strides = array<i32>} : memref<4096xf32, #tpu.memory_space<vmem>>, vector<16xf32>,
      %get3A_1843 = arith.index_cast %add3A_1840 : i32 to index
      %get3A_1844 = tpu.vector_load %arg9[%get3A_1843] {strides = array<i32>} : memref<4096xf32, #tpu.memory_space<vmem>>, vector<16xf32>,
      %add3A_1845 = arith.addf %get3A_1842, %get3A_1844 : vector<16xf32>
      %swap3A_1846 = arith.index_cast %mul3A_1838 : i32 to index
      %swap3A_1847 = tpu.vector_load %arg9[%swap3A_1846] {strides = array<i32>} : memref<4096xf32, #tpu.memory_space<vmem>>, vector<16xf32>,
      tpu.vector_store %arg9[%swap3A_1846], %add3A_1845 {strides = array<i32>} : memref<4096xf32, #tpu.memory_space<vmem>>, vector<16xf32>,
      %sub3A_1848 = arith.subf %get3A_1842, %get3A_1844 : vector<16xf32>
      %swap3A_1849 = arith.index_cast %add3A_1840 : i32 to index
      %swap3A_1850 = tpu.vector_load %arg9[%swap3A_1849] {strides = array<i32>} : memref<4096xf32, #tpu.memory_space<vmem>>, vector<16xf32>,
      tpu.vector_store %arg9[%swap3A_1849], %sub3A_1848 {strides = array<i32>} : memref<4096xf32, #tpu.memory_space<vmem>>, vector<16xf32>,
      %mul3A_1851 = arith.constant 8 : i32
      %mul3A_1852 = arith.muli %scan3A_1726, %mul3A_1851 : i32
      %add3A_1853 = arith.constant 5 : i32
      %add3A_1854 = arith.addi %mul3A_1852, %add3A_1853 : i32
      %shift_right_arithmetic3A_1855 = arith.constant 6 : i32
      %shift_right_arithmetic3A_1856 = arith.shrsi %add3A_1854, %shift_right_arithmetic3A_1855 : i32
      %shift_left3A_1857 = arith.constant 7 : i32
      %shift_left3A_1858 = arith.shli %shift_right_arithmetic3A_1856, %shift_left3A_1857 : i32
      %and3A_1859 = arith.constant 63 : i32
      %and3A_1860 = arith.andi %add3A_1854, %and3A_1859 : i32
      %or3A_1861 = arith.ori %shift_left3A_1858, %and3A_1860 : i32
      %mul3A_1862 = arith.constant 16 : i32
      %mul3A_1863 = arith.muli %or3A_1861, %mul3A_1862 : i32
      %add3A_1864 = arith.constant 1024 : i32
      %add3A_1865 = arith.addi %mul3A_1863, %add3A_1864 : i32
      %get3A_1866 = arith.index_cast %mul3A_1863 : i32 to index
      %get3A_1867 = tpu.vector_load %arg9[%get3A_1866] {strides = array<i32>} : memref<4096xf32, #tpu.memory_space<vmem>>, vector<16xf32>,
      %get3A_1868 = arith.index_cast %add3A_1865 : i32 to index
      %get3A_1869 = tpu.vector_load %arg9[%get3A_1868] {strides = array<i32>} : memref<4096xf32, #tpu.memory_space<vmem>>, vector<16xf32>,
      %add3A_1870 = arith.addf %get3A_1867, %get3A_1869 : vector<16xf32>
      %swap3A_1871 = arith.index_cast %mul3A_1863 : i32 to index
      %swap3A_1872 = tpu.vector_load %arg9[%swap3A_1871] {strides = array<i32>} : memref<4096xf32, #tpu.memory_space<vmem>>, vector<16xf32>,
      tpu.vector_store %arg9[%swap3A_1871], %add3A_1870 {strides = array<i32>} : memref<4096xf32, #tpu.memory_space<vmem>>, vector<16xf32>,
      %sub3A_1873 = arith.subf %get3A_1867, %get3A_1869 : vector<16xf32>
      %swap3A_1874 = arith.index_cast %add3A_1865 : i32 to index
      %swap3A_1875 = tpu.vector_load %arg9[%swap3A_1874] {strides = array<i32>} : memref<4096xf32, #tpu.memory_space<vmem>>, vector<16xf32>,
      tpu.vector_store %arg9[%swap3A_1874], %sub3A_1873 {strides = array<i32>} : memref<4096xf32, #tpu.memory_space<vmem>>, vector<16xf32>,
      %mul3A_1876 = arith.constant 8 : i32
      %mul3A_1877 = arith.muli %scan3A_1726, %mul3A_1876 : i32
      %add3A_1878 = arith.constant 6 : i32
      %add3A_1879 = arith.addi %mul3A_1877, %add3A_1878 : i32
      %shift_right_arithmetic3A_1880 = arith.constant 6 : i32
      %shift_right_arithmetic3A_1881 = arith.shrsi %add3A_1879, %shift_right_arithmetic3A_1880 : i32
      %shift_left3A_1882 = arith.constant 7 : i32
      %shift_left3A_1883 = arith.shli %shift_right_arithmetic3A_1881, %shift_left3A_1882 : i32
      %and3A_1884 = arith.constant 63 : i32
      %and3A_1885 = arith.andi %add3A_1879, %and3A_1884 : i32
      %or3A_1886 = arith.ori %shift_left3A_1883, %and3A_1885 : i32
      %mul3A_1887 = arith.constant 16 : i32
      %mul3A_1888 = arith.muli %or3A_1886, %mul3A_1887 : i32
      %add3A_1889 = arith.constant 1024 : i32
      %add3A_1890 = arith.addi %mul3A_1888, %add3A_1889 : i32
      %get3A_1891 = arith.index_cast %mul3A_1888 : i32 to index
      %get3A_1892 = tpu.vector_load %arg9[%get3A_1891] {strides = array<i32>} : memref<4096xf32, #tpu.memory_space<vmem>>, vector<16xf32>,
      %get3A_1893 = arith.index_cast %add3A_1890 : i32 to index
      %get3A_1894 = tpu.vector_load %arg9[%get3A_1893] {strides = array<i32>} : memref<4096xf32, #tpu.memory_space<vmem>>, vector<16xf32>,
      %add3A_1895 = arith.addf %get3A_1892, %get3A_1894 : vector<16xf32>
      %swap3A_1896 = arith.index_cast %mul3A_1888 : i32 to index
      %swap3A_1897 = tpu.vector_load %arg9[%swap3A_1896] {strides = array<i32>} : memref<4096xf32, #tpu.memory_space<vmem>>, vector<16xf32>,
      tpu.vector_store %arg9[%swap3A_1896], %add3A_1895 {strides = array<i32>} : memref<4096xf32, #tpu.memory_space<vmem>>, vector<16xf32>,
      %sub3A_1898 = arith.subf %get3A_1892, %get3A_1894 : vector<16xf32>
      %swap3A_1899 = arith.index_cast %add3A_1890 : i32 to index
      %swap3A_1900 = tpu.vector_load %arg9[%swap3A_1899] {strides = array<i32>} : memref<4096xf32, #tpu.memory_space<vmem>>, vector<16xf32>,
      tpu.vector_store %arg9[%swap3A_1899], %sub3A_1898 {strides = array<i32>} : memref<4096xf32, #tpu.memory_space<vmem>>, vector<16xf32>,
      %mul3A_1901 = arith.constant 8 : i32
      %mul3A_1902 = arith.muli %scan3A_1726, %mul3A_1901 : i32
      %add3A_1903 = arith.constant 7 : i32
      %add3A_1904 = arith.addi %mul3A_1902, %add3A_1903 : i32
      %shift_right_arithmetic3A_1905 = arith.constant 6 : i32
      %shift_right_arithmetic3A_1906 = arith.shrsi %add3A_1904, %shift_right_arithmetic3A_1905 : i32
      %shift_left3A_1907 = arith.constant 7 : i32
      %shift_left3A_1908 = arith.shli %shift_right_arithmetic3A_1906, %shift_left3A_1907 : i32
      %and3A_1909 = arith.constant 63 : i32
      %and3A_1910 = arith.andi %add3A_1904, %and3A_1909 : i32
      %or3A_1911 = arith.ori %shift_left3A_1908, %and3A_1910 : i32
      %mul3A_1912 = arith.constant 16 : i32
      %mul3A_1913 = arith.muli %or3A_1911, %mul3A_1912 : i32
      %add3A_1914 = arith.constant 1024 : i32
      %add3A_1915 = arith.addi %mul3A_1913, %add3A_1914 : i32
      %get3A_1916 = arith.index_cast %mul3A_1913 : i32 to index
      %get3A_1917 = tpu.vector_load %arg9[%get3A_1916] {strides = array<i32>} : memref<4096xf32, #tpu.memory_space<vmem>>, vector<16xf32>,
      %get3A_1918 = arith.index_cast %add3A_1915 : i32 to index
      %get3A_1919 = tpu.vector_load %arg9[%get3A_1918] {strides = array<i32>} : memref<4096xf32, #tpu.memory_space<vmem>>, vector<16xf32>,
      %add3A_1920 = arith.addf %get3A_1917, %get3A_1919 : vector<16xf32>
      %swap3A_1921 = arith.index_cast %mul3A_1913 : i32 to index
      %swap3A_1922 = tpu.vector_load %arg9[%swap3A_1921] {strides = array<i32>} : memref<4096xf32, #tpu.memory_space<vmem>>, vector<16xf32>,
      tpu.vector_store %arg9[%swap3A_1921], %add3A_1920 {strides = array<i32>} : memref<4096xf32, #tpu.memory_space<vmem>>, vector<16xf32>,
      %sub3A_1923 = arith.subf %get3A_1917, %get3A_1919 : vector<16xf32>
      %swap3A_1924 = arith.index_cast %add3A_1915 : i32 to index
      %swap3A_1925 = tpu.vector_load %arg9[%swap3A_1924] {strides = array<i32>} : memref<4096xf32, #tpu.memory_space<vmem>>, vector<16xf32>,
      tpu.vector_store %arg9[%swap3A_1924], %sub3A_1923 {strides = array<i32>} : memref<4096xf32, #tpu.memory_space<vmem>>, vector<16xf32>,
    }
    %scan3A_1677 = arith.constant 16 : i32
    %scan3A_1678 = arith.constant 0 : i32
    %scan3A_1679 = arith.constant 0 : i32
    %scan3A_1680 = arith.constant 16 : i32
    %scan3A_1681 = arith.addi %scan3A_1679, %scan3A_1680 : i32
    %scan3A_1682 = arith.constant 1 : i32
    scf.for %scan3A_1726 = %scan3A_1679 to %scan3A_1681 step %scan3A_1682  : i32 {
      %mul3A_1727 = arith.constant 8 : i32
      %mul3A_1728 = arith.muli %scan3A_1726, %mul3A_1727 : i32
      %add3A_1729 = arith.constant 0 : i32
      %add3A_1730 = arith.addi %mul3A_1728, %add3A_1729 : i32
      %shift_right_arithmetic3A_1731 = arith.constant 7 : i32
      %shift_right_arithmetic3A_1732 = arith.shrsi %add3A_1730, %shift_right_arithmetic3A_1731 : i32
      %shift_left3A_1733 = arith.constant 8 : i32
      %shift_left3A_1734 = arith.shli %shift_right_arithmetic3A_1732, %shift_left3A_1733 : i32
      %and3A_1735 = arith.constant 127 : i32
      %and3A_1736 = arith.andi %add3A_1730, %and3A_1735 : i32
      %or3A = arith.ori %shift_left3A_1734, %and3A_1736 : i32
      %mul3A_1737 = arith.constant 16 : i32
      %mul3A_1738 = arith.muli %or3A, %mul3A_1737 : i32
      %add3A_1739 = arith.constant 2048 : i32
      %add3A_1740 = arith.addi %mul3A_1738, %add3A_1739 : i32
      %get3A_1741 = arith.index_cast %mul3A_1738 : i32 to index
      %get3A_1742 = tpu.vector_load %arg9[%get3A_1741] {strides = array<i32>} : memref<4096xf32, #tpu.memory_space<vmem>>, vector<16xf32>,
      %get3A_1743 = arith.index_cast %add3A_1740 : i32 to index
      %get3A_1744 = tpu.vector_load %arg9[%get3A_1743] {strides = array<i32>} : memref<4096xf32, #tpu.memory_space<vmem>>, vector<16xf32>,
      %add3A_1745 = arith.addf %get3A_1742, %get3A_1744 : vector<16xf32>
      %swap3A_1746 = arith.index_cast %mul3A_1738 : i32 to index
      %swap3A_1747 = tpu.vector_load %arg9[%swap3A_1746] {strides = array<i32>} : memref<4096xf32, #tpu.memory_space<vmem>>, vector<16xf32>,
      tpu.vector_store %arg9[%swap3A_1746], %add3A_1745 {strides = array<i32>} : memref<4096xf32, #tpu.memory_space<vmem>>, vector<16xf32>,
      %sub3A_1748 = arith.subf %get3A_1742, %get3A_1744 : vector<16xf32>
      %swap3A_1749 = arith.index_cast %add3A_1740 : i32 to index
      %swap3A_1750 = tpu.vector_load %arg9[%swap3A_1749] {strides = array<i32>} : memref<4096xf32, #tpu.memory_space<vmem>>, vector<16xf32>,
      tpu.vector_store %arg9[%swap3A_1749], %sub3A_1748 {strides = array<i32>} : memref<4096xf32, #tpu.memory_space<vmem>>, vector<16xf32>,
      %mul3A_1751 = arith.constant 8 : i32
      %mul3A_1752 = arith.muli %scan3A_1726, %mul3A_1751 : i32
      %add3A_1753 = arith.constant 1 : i32
      %add3A_1754 = arith.addi %mul3A_1752, %add3A_1753 : i32
      %shift_right_arithmetic3A_1755 = arith.constant 7 : i32
      %shift_right_arithmetic3A_1756 = arith.shrsi %add3A_1754, %shift_right_arithmetic3A_1755 : i32
      %shift_left3A_1757 = arith.constant 8 : i32
      %shift_left3A_1758 = arith.shli %shift_right_arithmetic3A_1756, %shift_left3A_1757 : i32
      %and3A_1759 = arith.constant 127 : i32
      %and3A_1760 = arith.andi %add3A_1754, %and3A_1759 : i32
      %or3A_1761 = arith.ori %shift_left3A_1758, %and3A_1760 : i32
      %mul3A_1762 = arith.constant 16 : i32
      %mul3A_1763 = arith.muli %or3A_1761, %mul3A_1762 : i32
      %add3A_1764 = arith.constant 2048 : i32
      %add3A_1765 = arith.addi %mul3A_1763, %add3A_1764 : i32
      %get3A_1766 = arith.index_cast %mul3A_1763 : i32 to index
      %get3A_1767 = tpu.vector_load %arg9[%get3A_1766] {strides = array<i32>} : memref<4096xf32, #tpu.memory_space<vmem>>, vector<16xf32>,
      %get3A_1768 = arith.index_cast %add3A_1765 : i32 to index
      %get3A_1769 = tpu.vector_load %arg9[%get3A_1768] {strides = array<i32>} : memref<4096xf32, #tpu.memory_space<vmem>>, vector<16xf32>,
      %add3A_1770 = arith.addf %get3A_1767, %get3A_1769 : vector<16xf32>
      %swap3A_1771 = arith.index_cast %mul3A_1763 : i32 to index
      %swap3A_1772 = tpu.vector_load %arg9[%swap3A_1771] {strides = array<i32>} : memref<4096xf32, #tpu.memory_space<vmem>>, vector<16xf32>,
      tpu.vector_store %arg9[%swap3A_1771], %add3A_1770 {strides = array<i32>} : memref<4096xf32, #tpu.memory_space<vmem>>, vector<16xf32>,
      %sub3A_1773 = arith.subf %get3A_1767, %get3A_1769 : vector<16xf32>
      %swap3A_1774 = arith.index_cast %add3A_1765 : i32 to index
      %swap3A_1775 = tpu.vector_load %arg9[%swap3A_1774] {strides = array<i32>} : memref<4096xf32, #tpu.memory_space<vmem>>, vector<16xf32>,
      tpu.vector_store %arg9[%swap3A_1774], %sub3A_1773 {strides = array<i32>} : memref<4096xf32, #tpu.memory_space<vmem>>, vector<16xf32>,
      %mul3A_1776 = arith.constant 8 : i32
      %mul3A_1777 = arith.muli %scan3A_1726, %mul3A_1776 : i32
      %add3A_1778 = arith.constant 2 : i32
      %add3A_1779 = arith.addi %mul3A_1777, %add3A_1778 : i32
      %shift_right_arithmetic3A_1780 = arith.constant 7 : i32
      %shift_right_arithmetic3A_1781 = arith.shrsi %add3A_1779, %shift_right_arithmetic3A_1780 : i32
      %shift_left3A_1782 = arith.constant 8 : i32
      %shift_left3A_1783 = arith.shli %shift_right_arithmetic3A_1781, %shift_left3A_1782 : i32
      %and3A_1784 = arith.constant 127 : i32
      %and3A_1785 = arith.andi %add3A_1779, %and3A_1784 : i32
      %or3A_1786 = arith.ori %shift_left3A_1783, %and3A_1785 : i32
      %mul3A_1787 = arith.constant 16 : i32
      %mul3A_1788 = arith.muli %or3A_1786, %mul3A_1787 : i32
      %add3A_1789 = arith.constant 2048 : i32
      %add3A_1790 = arith.addi %mul3A_1788, %add3A_1789 : i32
      %get3A_1791 = arith.index_cast %mul3A_1788 : i32 to index
      %get3A_1792 = tpu.vector_load %arg9[%get3A_1791] {strides = array<i32>} : memref<4096xf32, #tpu.memory_space<vmem>>, vector<16xf32>,
      %get3A_1793 = arith.index_cast %add3A_1790 : i32 to index
      %get3A_1794 = tpu.vector_load %arg9[%get3A_1793] {strides = array<i32>} : memref<4096xf32, #tpu.memory_space<vmem>>, vector<16xf32>,
      %add3A_1795 = arith.addf %get3A_1792, %get3A_1794 : vector<16xf32>
      %swap3A_1796 = arith.index_cast %mul3A_1788 : i32 to index
      %swap3A_1797 = tpu.vector_load %arg9[%swap3A_1796] {strides = array<i32>} : memref<4096xf32, #tpu.memory_space<vmem>>, vector<16xf32>,
      tpu.vector_store %arg9[%swap3A_1796], %add3A_1795 {strides = array<i32>} : memref<4096xf32, #tpu.memory_space<vmem>>, vector<16xf32>,
      %sub3A_1798 = arith.subf %get3A_1792, %get3A_1794 : vector<16xf32>
      %swap3A_1799 = arith.index_cast %add3A_1790 : i32 to index
      %swap3A_1800 = tpu.vector_load %arg9[%swap3A_1799] {strides = array<i32>} : memref<4096xf32, #tpu.memory_space<vmem>>, vector<16xf32>,
      tpu.vector_store %arg9[%swap3A_1799], %sub3A_1798 {strides = array<i32>} : memref<4096xf32, #tpu.memory_space<vmem>>, vector<16xf32>,
      %mul3A_1801 = arith.constant 8 : i32
      %mul3A_1802 = arith.muli %scan3A_1726, %mul3A_1801 : i32
      %add3A_1803 = arith.constant 3 : i32
      %add3A_1804 = arith.addi %mul3A_1802, %add3A_1803 : i32
      %shift_right_arithmetic3A_1805 = arith.constant 7 : i32
      %shift_right_arithmetic3A_1806 = arith.shrsi %add3A_1804, %shift_right_arithmetic3A_1805 : i32
      %shift_left3A_1807 = arith.constant 8 : i32
      %shift_left3A_1808 = arith.shli %shift_right_arithmetic3A_1806, %shift_left3A_1807 : i32
      %and3A_1809 = arith.constant 127 : i32
      %and3A_1810 = arith.andi %add3A_1804, %and3A_1809 : i32
      %or3A_1811 = arith.ori %shift_left3A_1808, %and3A_1810 : i32
      %mul3A_1812 = arith.constant 16 : i32
      %mul3A_1813 = arith.muli %or3A_1811, %mul3A_1812 : i32
      %add3A_1814 = arith.constant 2048 : i32
      %add3A_1815 = arith.addi %mul3A_1813, %add3A_1814 : i32
      %get3A_1816 = arith.index_cast %mul3A_1813 : i32 to index
      %get3A_1817 = tpu.vector_load %arg9[%get3A_1816] {strides = array<i32>} : memref<4096xf32, #tpu.memory_space<vmem>>, vector<16xf32>,
      %get3A_1818 = arith.index_cast %add3A_1815 : i32 to index
      %get3A_1819 = tpu.vector_load %arg9[%get3A_1818] {strides = array<i32>} : memref<4096xf32, #tpu.memory_space<vmem>>, vector<16xf32>,
      %add3A_1820 = arith.addf %get3A_1817, %get3A_1819 : vector<16xf32>
      %swap3A_1821 = arith.index_cast %mul3A_1813 : i32 to index
      %swap3A_1822 = tpu.vector_load %arg9[%swap3A_1821] {strides = array<i32>} : memref<4096xf32, #tpu.memory_space<vmem>>, vector<16xf32>,
      tpu.vector_store %arg9[%swap3A_1821], %add3A_1820 {strides = array<i32>} : memref<4096xf32, #tpu.memory_space<vmem>>, vector<16xf32>,
      %sub3A_1823 = arith.subf %get3A_1817, %get3A_1819 : vector<16xf32>
      %swap3A_1824 = arith.index_cast %add3A_1815 : i32 to index
      %swap3A_1825 = tpu.vector_load %arg9[%swap3A_1824] {strides = array<i32>} : memref<4096xf32, #tpu.memory_space<vmem>>, vector<16xf32>,
      tpu.vector_store %arg9[%swap3A_1824], %sub3A_1823 {strides = array<i32>} : memref<4096xf32, #tpu.memory_space<vmem>>, vector<16xf32>,
      %mul3A_1826 = arith.constant 8 : i32
      %mul3A_1827 = arith.muli %scan3A_1726, %mul3A_1826 : i32
      %add3A_1828 = arith.constant 4 : i32
      %add3A_1829 = arith.addi %mul3A_1827, %add3A_1828 : i32
      %shift_right_arithmetic3A_1830 = arith.constant 7 : i32
      %shift_right_arithmetic3A_1831 = arith.shrsi %add3A_1829, %shift_right_arithmetic3A_1830 : i32
      %shift_left3A_1832 = arith.constant 8 : i32
      %shift_left3A_1833 = arith.shli %shift_right_arithmetic3A_1831, %shift_left3A_1832 : i32
      %and3A_1834 = arith.constant 127 : i32
      %and3A_1835 = arith.andi %add3A_1829, %and3A_1834 : i32
      %or3A_1836 = arith.ori %shift_left3A_1833, %and3A_1835 : i32
      %mul3A_1837 = arith.constant 16 : i32
      %mul3A_1838 = arith.muli %or3A_1836, %mul3A_1837 : i32
      %add3A_1839 = arith.constant 2048 : i32
      %add3A_1840 = arith.addi %mul3A_1838, %add3A_1839 : i32
      %get3A_1841 = arith.index_cast %mul3A_1838 : i32 to index
      %get3A_1842 = tpu.vector_load %arg9[%get3A_1841] {strides = array<i32>} : memref<4096xf32, #tpu.memory_space<vmem>>, vector<16xf32>,
      %get3A_1843 = arith.index_cast %add3A_1840 : i32 to index
      %get3A_1844 = tpu.vector_load %arg9[%get3A_1843] {strides = array<i32>} : memref<4096xf32, #tpu.memory_space<vmem>>, vector<16xf32>,
      %add3A_1845 = arith.addf %get3A_1842, %get3A_1844 : vector<16xf32>
      %swap3A_1846 = arith.index_cast %mul3A_1838 : i32 to index
      %swap3A_1847 = tpu.vector_load %arg9[%swap3A_1846] {strides = array<i32>} : memref<4096xf32, #tpu.memory_space<vmem>>, vector<16xf32>,
      tpu.vector_store %arg9[%swap3A_1846], %add3A_1845 {strides = array<i32>} : memref<4096xf32, #tpu.memory_space<vmem>>, vector<16xf32>,
      %sub3A_1848 = arith.subf %get3A_1842, %get3A_1844 : vector<16xf32>
      %swap3A_1849 = arith.index_cast %add3A_1840 : i32 to index
      %swap3A_1850 = tpu.vector_load %arg9[%swap3A_1849] {strides = array<i32>} : memref<4096xf32, #tpu.memory_space<vmem>>, vector<16xf32>,
      tpu.vector_store %arg9[%swap3A_1849], %sub3A_1848 {strides = array<i32>} : memref<4096xf32, #tpu.memory_space<vmem>>, vector<16xf32>,
      %mul3A_1851 = arith.constant 8 : i32
      %mul3A_1852 = arith.muli %scan3A_1726, %mul3A_1851 : i32
      %add3A_1853 = arith.constant 5 : i32
      %add3A_1854 = arith.addi %mul3A_1852, %add3A_1853 : i32
      %shift_right_arithmetic3A_1855 = arith.constant 7 : i32
      %shift_right_arithmetic3A_1856 = arith.shrsi %add3A_1854, %shift_right_arithmetic3A_1855 : i32
      %shift_left3A_1857 = arith.constant 8 : i32
      %shift_left3A_1858 = arith.shli %shift_right_arithmetic3A_1856, %shift_left3A_1857 : i32
      %and3A_1859 = arith.constant 127 : i32
      %and3A_1860 = arith.andi %add3A_1854, %and3A_1859 : i32
      %or3A_1861 = arith.ori %shift_left3A_1858, %and3A_1860 : i32
      %mul3A_1862 = arith.constant 16 : i32
      %mul3A_1863 = arith.muli %or3A_1861, %mul3A_1862 : i32
      %add3A_1864 = arith.constant 2048 : i32
      %add3A_1865 = arith.addi %mul3A_1863, %add3A_1864 : i32
      %get3A_1866 = arith.index_cast %mul3A_1863 : i32 to index
      %get3A_1867 = tpu.vector_load %arg9[%get3A_1866] {strides = array<i32>} : memref<4096xf32, #tpu.memory_space<vmem>>, vector<16xf32>,
      %get3A_1868 = arith.index_cast %add3A_1865 : i32 to index
      %get3A_1869 = tpu.vector_load %arg9[%get3A_1868] {strides = array<i32>} : memref<4096xf32, #tpu.memory_space<vmem>>, vector<16xf32>,
      %add3A_1870 = arith.addf %get3A_1867, %get3A_1869 : vector<16xf32>
      %swap3A_1871 = arith.index_cast %mul3A_1863 : i32 to index
      %swap3A_1872 = tpu.vector_load %arg9[%swap3A_1871] {strides = array<i32>} : memref<4096xf32, #tpu.memory_space<vmem>>, vector<16xf32>,
      tpu.vector_store %arg9[%swap3A_1871], %add3A_1870 {strides = array<i32>} : memref<4096xf32, #tpu.memory_space<vmem>>, vector<16xf32>,
      %sub3A_1873 = arith.subf %get3A_1867, %get3A_1869 : vector<16xf32>
      %swap3A_1874 = arith.index_cast %add3A_1865 : i32 to index
      %swap3A_1875 = tpu.vector_load %arg9[%swap3A_1874] {strides = array<i32>} : memref<4096xf32, #tpu.memory_space<vmem>>, vector<16xf32>,
      tpu.vector_store %arg9[%swap3A_1874], %sub3A_1873 {strides = array<i32>} : memref<4096xf32, #tpu.memory_space<vmem>>, vector<16xf32>,
      %mul3A_1876 = arith.constant 8 : i32
      %mul3A_1877 = arith.muli %scan3A_1726, %mul3A_1876 : i32
      %add3A_1878 = arith.constant 6 : i32
      %add3A_1879 = arith.addi %mul3A_1877, %add3A_1878 : i32
      %shift_right_arithmetic3A_1880 = arith.constant 7 : i32
      %shift_right_arithmetic3A_1881 = arith.shrsi %add3A_1879, %shift_right_arithmetic3A_1880 : i32
      %shift_left3A_1882 = arith.constant 8 : i32
      %shift_left3A_1883 = arith.shli %shift_right_arithmetic3A_1881, %shift_left3A_1882 : i32
      %and3A_1884 = arith.constant 127 : i32
      %and3A_1885 = arith.andi %add3A_1879, %and3A_1884 : i32
      %or3A_1886 = arith.ori %shift_left3A_1883, %and3A_1885 : i32
      %mul3A_1887 = arith.constant 16 : i32
      %mul3A_1888 = arith.muli %or3A_1886, %mul3A_1887 : i32
      %add3A_1889 = arith.constant 2048 : i32
      %add3A_1890 = arith.addi %mul3A_1888, %add3A_1889 : i32
      %get3A_1891 = arith.index_cast %mul3A_1888 : i32 to index
      %get3A_1892 = tpu.vector_load %arg9[%get3A_1891] {strides = array<i32>} : memref<4096xf32, #tpu.memory_space<vmem>>, vector<16xf32>,
      %get3A_1893 = arith.index_cast %add3A_1890 : i32 to index
      %get3A_1894 = tpu.vector_load %arg9[%get3A_1893] {strides = array<i32>} : memref<4096xf32, #tpu.memory_space<vmem>>, vector<16xf32>,
      %add3A_1895 = arith.addf %get3A_1892, %get3A_1894 : vector<16xf32>
      %swap3A_1896 = arith.index_cast %mul3A_1888 : i32 to index
      %swap3A_1897 = tpu.vector_load %arg9[%swap3A_1896] {strides = array<i32>} : memref<4096xf32, #tpu.memory_space<vmem>>, vector<16xf32>,
      tpu.vector_store %arg9[%swap3A_1896], %add3A_1895 {strides = array<i32>} : memref<4096xf32, #tpu.memory_space<vmem>>, vector<16xf32>,
      %sub3A_1898 = arith.subf %get3A_1892, %get3A_1894 : vector<16xf32>
      %swap3A_1899 = arith.index_cast %add3A_1890 : i32 to index
      %swap3A_1900 = tpu.vector_load %arg9[%swap3A_1899] {strides = array<i32>} : memref<4096xf32, #tpu.memory_space<vmem>>, vector<16xf32>,
      tpu.vector_store %arg9[%swap3A_1899], %sub3A_1898 {strides = array<i32>} : memref<4096xf32, #tpu.memory_space<vmem>>, vector<16xf32>,
      %mul3A_1901 = arith.constant 8 : i32
      %mul3A_1902 = arith.muli %scan3A_1726, %mul3A_1901 : i32
      %add3A_1903 = arith.constant 7 : i32
      %add3A_1904 = arith.addi %mul3A_1902, %add3A_1903 : i32
      %shift_right_arithmetic3A_1905 = arith.constant 7 : i32
      %shift_right_arithmetic3A_1906 = arith.shrsi %add3A_1904, %shift_right_arithmetic3A_1905 : i32
      %shift_left3A_1907 = arith.constant 8 : i32
      %shift_left3A_1908 = arith.shli %shift_right_arithmetic3A_1906, %shift_left3A_1907 : i32
      %and3A_1909 = arith.constant 127 : i32
      %and3A_1910 = arith.andi %add3A_1904, %and3A_1909 : i32
      %or3A_1911 = arith.ori %shift_left3A_1908, %and3A_1910 : i32
      %mul3A_1912 = arith.constant 16 : i32
      %mul3A_1913 = arith.muli %or3A_1911, %mul3A_1912 : i32
      %add3A_1914 = arith.constant 2048 : i32
      %add3A_1915 = arith.addi %mul3A_1913, %add3A_1914 : i32
      %get3A_1916 = arith.index_cast %mul3A_1913 : i32 to index
      %get3A_1917 = tpu.vector_load %arg9[%get3A_1916] {strides = array<i32>} : memref<4096xf32, #tpu.memory_space<vmem>>, vector<16xf32>,
      %get3A_1918 = arith.index_cast %add3A_1915 : i32 to index
      %get3A_1919 = tpu.vector_load %arg9[%get3A_1918] {strides = array<i32>} : memref<4096xf32, #tpu.memory_space<vmem>>, vector<16xf32>,
      %add3A_1920 = arith.addf %get3A_1917, %get3A_1919 : vector<16xf32>
      %swap3A_1921 = arith.index_cast %mul3A_1913 : i32 to index
      %swap3A_1922 = tpu.vector_load %arg9[%swap3A_1921] {strides = array<i32>} : memref<4096xf32, #tpu.memory_space<vmem>>, vector<16xf32>,
      tpu.vector_store %arg9[%swap3A_1921], %add3A_1920 {strides = array<i32>} : memref<4096xf32, #tpu.memory_space<vmem>>, vector<16xf32>,
      %sub3A_1923 = arith.subf %get3A_1917, %get3A_1919 : vector<16xf32>
      %swap3A_1924 = arith.index_cast %add3A_1915 : i32 to index
      %swap3A_1925 = tpu.vector_load %arg9[%swap3A_1924] {strides = array<i32>} : memref<4096xf32, #tpu.memory_space<vmem>>, vector<16xf32>,
      tpu.vector_store %arg9[%swap3A_1924], %sub3A_1923 {strides = array<i32>} : memref<4096xf32, #tpu.memory_space<vmem>>, vector<16xf32>,
    }
    %scan3A_1683 = arith.constant 16 : i32
    %broadcast_in_dim3A_1684 = arith.constant -3.000000e+38 : f32
    %broadcast_in_dim3A_1685 = vector.broadcast %broadcast_in_dim3A_1684 : f32 to vector<16xf32>
    %broadcast_in_dim3A_1686 = arith.constant 0 : i32
    %broadcast_in_dim3A_1687 = vector.broadcast %broadcast_in_dim3A_1686 : i32 to vector<16xi32>
    %scan3A_1688 = arith.constant 0 : i32
    %scan3A_1689 = arith.constant 32 : i32
    %scan3A_1690 = arith.addi %scan3A_1688, %scan3A_1689 : i32
    %scan3A_1691 = arith.constant 1 : i32
    %scan3A_1692:2 = scf.for %scan3A_1726 = %scan3A_1688 to %scan3A_1690 step %scan3A_1691 iter_args(%scan3A_1727 = %broadcast_in_dim3A_1685, %scan3A_1728 = %broadcast_in_dim3A_1687) -> (vector<16xf32>, vector<16xi32>)  : i32 {
      %mul3A_1729 = arith.constant 8 : i32
      %mul3A_1730 = arith.muli %scan3A_1726, %mul3A_1729 : i32
      %add3A_1731 = arith.constant 0 : i32
      %add3A_1732 = arith.addi %mul3A_1730, %add3A_1731 : i32
      %mul3A_1733 = arith.constant 16 : i32
      %mul3A_1734 = arith.muli %add3A_1732, %mul3A_1733 : i32
      %get3A_1735 = arith.index_cast %mul3A_1734 : i32 to index
      %get3A_1736 = tpu.vector_load %arg9[%get3A_1735] {strides = array<i32>} : memref<4096xf32, #tpu.memory_space<vmem>>, vector<16xf32>,
      %gt3A = arith.cmpf ogt, %get3A_1736, %scan3A_1727 : vector<16xf32>
      %select_n3A_1737 = arith.select %gt3A, %get3A_1736, %scan3A_1727 : vector<16xi1>, vector<16xf32>
      %broadcast_in_dim3A_1738 = arith.constant 1 : i32
      %broadcast_in_dim3A_1739 = vector.broadcast %broadcast_in_dim3A_1738 : i32 to vector<16xi32>
      %mul3A_1740 = vector.broadcast %add3A_1732 : i32 to vector<16xi32>
      %mul3A_1741 = arith.muli %broadcast_in_dim3A_1739, %mul3A_1740 : vector<16xi32>
      %select_n3A_1742 = arith.select %gt3A, %mul3A_1741, %scan3A_1728 : vector<16xi1>, vector<16xi32>
      %mul3A_1743 = arith.constant 8 : i32
      %mul3A_1744 = arith.muli %scan3A_1726, %mul3A_1743 : i32
      %add3A_1745 = arith.constant 1 : i32
      %add3A_1746 = arith.addi %mul3A_1744, %add3A_1745 : i32
      %mul3A_1747 = arith.constant 16 : i32
      %mul3A_1748 = arith.muli %add3A_1746, %mul3A_1747 : i32
      %get3A_1749 = arith.index_cast %mul3A_1748 : i32 to index
      %get3A_1750 = tpu.vector_load %arg9[%get3A_1749] {strides = array<i32>} : memref<4096xf32, #tpu.memory_space<vmem>>, vector<16xf32>,
      %gt3A_1751 = arith.cmpf ogt, %get3A_1750, %select_n3A_1737 : vector<16xf32>
      %select_n3A_1752 = arith.select %gt3A_1751, %get3A_1750, %select_n3A_1737 : vector<16xi1>, vector<16xf32>
      %broadcast_in_dim3A_1753 = arith.constant 1 : i32
      %broadcast_in_dim3A_1754 = vector.broadcast %broadcast_in_dim3A_1753 : i32 to vector<16xi32>
      %mul3A_1755 = vector.broadcast %add3A_1746 : i32 to vector<16xi32>
      %mul3A_1756 = arith.muli %broadcast_in_dim3A_1754, %mul3A_1755 : vector<16xi32>
      %select_n3A_1757 = arith.select %gt3A_1751, %mul3A_1756, %select_n3A_1742 : vector<16xi1>, vector<16xi32>
      %mul3A_1758 = arith.constant 8 : i32
      %mul3A_1759 = arith.muli %scan3A_1726, %mul3A_1758 : i32
      %add3A_1760 = arith.constant 2 : i32
      %add3A_1761 = arith.addi %mul3A_1759, %add3A_1760 : i32
      %mul3A_1762 = arith.constant 16 : i32
      %mul3A_1763 = arith.muli %add3A_1761, %mul3A_1762 : i32
      %get3A_1764 = arith.index_cast %mul3A_1763 : i32 to index
      %get3A_1765 = tpu.vector_load %arg9[%get3A_1764] {strides = array<i32>} : memref<4096xf32, #tpu.memory_space<vmem>>, vector<16xf32>,
      %gt3A_1766 = arith.cmpf ogt, %get3A_1765, %select_n3A_1752 : vector<16xf32>
      %select_n3A_1767 = arith.select %gt3A_1766, %get3A_1765, %select_n3A_1752 : vector<16xi1>, vector<16xf32>
      %broadcast_in_dim3A_1768 = arith.constant 1 : i32
      %broadcast_in_dim3A_1769 = vector.broadcast %broadcast_in_dim3A_1768 : i32 to vector<16xi32>
      %mul3A_1770 = vector.broadcast %add3A_1761 : i32 to vector<16xi32>
      %mul3A_1771 = arith.muli %broadcast_in_dim3A_1769, %mul3A_1770 : vector<16xi32>
      %select_n3A_1772 = arith.select %gt3A_1766, %mul3A_1771, %select_n3A_1757 : vector<16xi1>, vector<16xi32>
      %mul3A_1773 = arith.constant 8 : i32
      %mul3A_1774 = arith.muli %scan3A_1726, %mul3A_1773 : i32
      %add3A_1775 = arith.constant 3 : i32
      %add3A_1776 = arith.addi %mul3A_1774, %add3A_1775 : i32
      %mul3A_1777 = arith.constant 16 : i32
      %mul3A_1778 = arith.muli %add3A_1776, %mul3A_1777 : i32
      %get3A_1779 = arith.index_cast %mul3A_1778 : i32 to index
      %get3A_1780 = tpu.vector_load %arg9[%get3A_1779] {strides = array<i32>} : memref<4096xf32, #tpu.memory_space<vmem>>, vector<16xf32>,
      %gt3A_1781 = arith.cmpf ogt, %get3A_1780, %select_n3A_1767 : vector<16xf32>
      %select_n3A_1782 = arith.select %gt3A_1781, %get3A_1780, %select_n3A_1767 : vector<16xi1>, vector<16xf32>
      %broadcast_in_dim3A_1783 = arith.constant 1 : i32
      %broadcast_in_dim3A_1784 = vector.broadcast %broadcast_in_dim3A_1783 : i32 to vector<16xi32>
      %mul3A_1785 = vector.broadcast %add3A_1776 : i32 to vector<16xi32>
      %mul3A_1786 = arith.muli %broadcast_in_dim3A_1784, %mul3A_1785 : vector<16xi32>
      %select_n3A_1787 = arith.select %gt3A_1781, %mul3A_1786, %select_n3A_1772 : vector<16xi1>, vector<16xi32>
      %mul3A_1788 = arith.constant 8 : i32
      %mul3A_1789 = arith.muli %scan3A_1726, %mul3A_1788 : i32
      %add3A_1790 = arith.constant 4 : i32
      %add3A_1791 = arith.addi %mul3A_1789, %add3A_1790 : i32
      %mul3A_1792 = arith.constant 16 : i32
      %mul3A_1793 = arith.muli %add3A_1791, %mul3A_1792 : i32
      %get3A_1794 = arith.index_cast %mul3A_1793 : i32 to index
      %get3A_1795 = tpu.vector_load %arg9[%get3A_1794] {strides = array<i32>} : memref<4096xf32, #tpu.memory_space<vmem>>, vector<16xf32>,
      %gt3A_1796 = arith.cmpf ogt, %get3A_1795, %select_n3A_1782 : vector<16xf32>
      %select_n3A_1797 = arith.select %gt3A_1796, %get3A_1795, %select_n3A_1782 : vector<16xi1>, vector<16xf32>
      %broadcast_in_dim3A_1798 = arith.constant 1 : i32
      %broadcast_in_dim3A_1799 = vector.broadcast %broadcast_in_dim3A_1798 : i32 to vector<16xi32>
      %mul3A_1800 = vector.broadcast %add3A_1791 : i32 to vector<16xi32>
      %mul3A_1801 = arith.muli %broadcast_in_dim3A_1799, %mul3A_1800 : vector<16xi32>
      %select_n3A_1802 = arith.select %gt3A_1796, %mul3A_1801, %select_n3A_1787 : vector<16xi1>, vector<16xi32>
      %mul3A_1803 = arith.constant 8 : i32
      %mul3A_1804 = arith.muli %scan3A_1726, %mul3A_1803 : i32
      %add3A_1805 = arith.constant 5 : i32
      %add3A_1806 = arith.addi %mul3A_1804, %add3A_1805 : i32
      %mul3A_1807 = arith.constant 16 : i32
      %mul3A_1808 = arith.muli %add3A_1806, %mul3A_1807 : i32
      %get3A_1809 = arith.index_cast %mul3A_1808 : i32 to index
      %get3A_1810 = tpu.vector_load %arg9[%get3A_1809] {strides = array<i32>} : memref<4096xf32, #tpu.memory_space<vmem>>, vector<16xf32>,
      %gt3A_1811 = arith.cmpf ogt, %get3A_1810, %select_n3A_1797 : vector<16xf32>
      %select_n3A_1812 = arith.select %gt3A_1811, %get3A_1810, %select_n3A_1797 : vector<16xi1>, vector<16xf32>
      %broadcast_in_dim3A_1813 = arith.constant 1 : i32
      %broadcast_in_dim3A_1814 = vector.broadcast %broadcast_in_dim3A_1813 : i32 to vector<16xi32>
      %mul3A_1815 = vector.broadcast %add3A_1806 : i32 to vector<16xi32>
      %mul3A_1816 = arith.muli %broadcast_in_dim3A_1814, %mul3A_1815 : vector<16xi32>
      %select_n3A_1817 = arith.select %gt3A_1811, %mul3A_1816, %select_n3A_1802 : vector<16xi1>, vector<16xi32>
      %mul3A_1818 = arith.constant 8 : i32
      %mul3A_1819 = arith.muli %scan3A_1726, %mul3A_1818 : i32
      %add3A_1820 = arith.constant 6 : i32
      %add3A_1821 = arith.addi %mul3A_1819, %add3A_1820 : i32
      %mul3A_1822 = arith.constant 16 : i32
      %mul3A_1823 = arith.muli %add3A_1821, %mul3A_1822 : i32
      %get3A_1824 = arith.index_cast %mul3A_1823 : i32 to index
      %get3A_1825 = tpu.vector_load %arg9[%get3A_1824] {strides = array<i32>} : memref<4096xf32, #tpu.memory_space<vmem>>, vector<16xf32>,
      %gt3A_1826 = arith.cmpf ogt, %get3A_1825, %select_n3A_1812 : vector<16xf32>
      %select_n3A_1827 = arith.select %gt3A_1826, %get3A_1825, %select_n3A_1812 : vector<16xi1>, vector<16xf32>
      %broadcast_in_dim3A_1828 = arith.constant 1 : i32
      %broadcast_in_dim3A_1829 = vector.broadcast %broadcast_in_dim3A_1828 : i32 to vector<16xi32>
      %mul3A_1830 = vector.broadcast %add3A_1821 : i32 to vector<16xi32>
      %mul3A_1831 = arith.muli %broadcast_in_dim3A_1829, %mul3A_1830 : vector<16xi32>
      %select_n3A_1832 = arith.select %gt3A_1826, %mul3A_1831, %select_n3A_1817 : vector<16xi1>, vector<16xi32>
      %mul3A_1833 = arith.constant 8 : i32
      %mul3A_1834 = arith.muli %scan3A_1726, %mul3A_1833 : i32
      %add3A_1835 = arith.constant 7 : i32
      %add3A_1836 = arith.addi %mul3A_1834, %add3A_1835 : i32
      %mul3A_1837 = arith.constant 16 : i32
      %mul3A_1838 = arith.muli %add3A_1836, %mul3A_1837 : i32
      %get3A_1839 = arith.index_cast %mul3A_1838 : i32 to index
      %get3A_1840 = tpu.vector_load %arg9[%get3A_1839] {strides = array<i32>} : memref<4096xf32, #tpu.memory_space<vmem>>, vector<16xf32>,
      %gt3A_1841 = arith.cmpf ogt, %get3A_1840, %select_n3A_1827 : vector<16xf32>
      %select_n3A_1842 = arith.select %gt3A_1841, %get3A_1840, %select_n3A_1827 : vector<16xi1>, vector<16xf32>
      %broadcast_in_dim3A_1843 = arith.constant 1 : i32
      %broadcast_in_dim3A_1844 = vector.broadcast %broadcast_in_dim3A_1843 : i32 to vector<16xi32>
      %mul3A_1845 = vector.broadcast %add3A_1836 : i32 to vector<16xi32>
      %mul3A_1846 = arith.muli %broadcast_in_dim3A_1844, %mul3A_1845 : vector<16xi32>
      %select_n3A_1847 = arith.select %gt3A_1841, %mul3A_1846, %select_n3A_1832 : vector<16xi1>, vector<16xi32>
      scf.yield %select_n3A_1842, %select_n3A_1847 : vector<16xf32>, vector<16xi32>
    }
    %scan3A_1693 = arith.constant 32 : i32
    %reduce_max3A = arith.constant true
    %reduce_max3A_1694 = vector.broadcast %reduce_max3A : i1 to vector<16xi1>
    %reduce_max3A_1695 = tpu.scan <max>, %scan3A_1692#0 masked %reduce_max3A_1694 : vector<16xf32>, vector<16xi1> -> vector<16xf32>
    %reduce_max3A_1696 = vector.extract %reduce_max3A_1695[15] : f32 from vector<16xf32>
    %mul3A_1697 = arith.constant 16 : i32
    %mul3A_1698 = vector.broadcast %mul3A_1697 : i32 to vector<16xi32>
    %mul3A_1699 = arith.muli %scan3A_1692#1, %mul3A_1698 : vector<16xi32>
    %add3A_1700 = arith.addi %mul3A_1699, %iota3A : vector<16xi32>
    %eq3A = vector.broadcast %reduce_max3A_1696 : f32 to vector<16xf32>
    %eq3A_1701 = arith.cmpf oeq, %scan3A_1692#0, %eq3A : vector<16xf32>
    %broadcast_in_dim3A_1702 = arith.constant 4096 : i32
    %broadcast_in_dim3A_1703 = vector.broadcast %broadcast_in_dim3A_1702 : i32 to vector<16xi32>
    %select_n3A = arith.select %eq3A_1701, %add3A_1700, %broadcast_in_dim3A_1703 : vector<16xi1>, vector<16xi32>
    %reduce_min3A = arith.constant true
    %reduce_min3A_1704 = vector.broadcast %reduce_min3A : i1 to vector<16xi1>
    %reduce_min3A_1705 = arith.constant -2147483648 : i32
    %reduce_min3A_1706 = vector.broadcast %reduce_min3A_1705 : i32 to vector<16xi32>
    %reduce_min3A_1707 = arith.xori %select_n3A, %reduce_min3A_1706 : vector<16xi32>
    %reduce_min3A_1708 = tpu.scan <min>, %reduce_min3A_1707 masked %reduce_min3A_1704 : vector<16xi32>, vector<16xi1> -> vector<16xi32>
    %reduce_min3A_1709 = arith.xori %reduce_min3A_1708, %reduce_min3A_1706 : vector<16xi32>
    %reduce_min3A_1710 = vector.extract %reduce_min3A_1709[15] : i32 from vector<16xi32>
    %get3A_1711 = arith.constant 0 : index
    %get3A_1712 = tpu.vector_load %arg10[%get3A_1711] {strides = array<i32>} : memref<16xi32, #tpu.memory_space<vmem>>, vector<16xi32>,
    %eq3A_1713 = vector.broadcast %scan3A_1329 : i32 to vector<16xi32>
    %eq3A_1714 = arith.cmpi eq, %iota3A, %eq3A_1713 : vector<16xi32>
    %broadcast_in_dim3A_1715 = arith.constant 1 : i32
    %broadcast_in_dim3A_1716 = vector.broadcast %broadcast_in_dim3A_1715 : i32 to vector<16xi32>
    %mul3A_1717 = vector.broadcast %reduce_min3A_1710 : i32 to vector<16xi32>
    %mul3A_1718 = arith.muli %broadcast_in_dim3A_1716, %mul3A_1717 : vector<16xi32>
    %select_n3A_1719 = arith.select %eq3A_1714, %mul3A_1718, %get3A_1712 : vector<16xi1>, vector<16xi32>
    %swap3A_1720 = arith.constant 0 : index
    %swap3A_1721 = tpu.vector_load %arg10[%swap3A_1720] {strides = array<i32>} : memref<16xi32, #tpu.memory_space<vmem>>, vector<16xi32>,
    tpu.vector_store %arg10[%swap3A_1720], %select_n3A_1719 {strides = array<i32>} : memref<16xi32, #tpu.memory_space<vmem>>, vector<16xi32>,
    %scan3A_1722 = arith.constant 0 : i32
    %scan3A_1723 = arith.constant 1 : i32
    %mul3A_1724 = arith.constant 16 : i32
    %mul3A_1725 = arith.muli %add3A, %mul3A_1724 : i32
    "tpu.region"() ({
      %run_scoped3A = tpu.sem_alloc : memref<!tpu.dma_semaphore, #tpu.memory_space<semaphore_mem>>
      %dma_start3A = tpu.memref_slice %arg4[%mul3A_1725] : memref<512xi32, #tpu.memory_space<hbm>> -> memref<16xi32, #tpu.memory_space<hbm>>
      %dma_start3A_1726 = tpu.memref_slice %arg4[%mul3A_1725] : memref<512xi32, #tpu.memory_space<hbm>> -> memref<16xi32, #tpu.memory_space<hbm>>
      tpu.enqueue_dma source(%arg10 : memref<16xi32, #tpu.memory_space<vmem>>) target(%dma_start3A_1726 : memref<16xi32, #tpu.memory_space<hbm>>) target_semaphore(%run_scoped3A : memref<!tpu.dma_semaphore, #tpu.memory_space<semaphore_mem>>)
      %dma_wait3A = tpu.memref_slice %arg4[%mul3A_1725] : memref<512xi32, #tpu.memory_space<hbm>> -> memref<16xi32, #tpu.memory_space<hbm>>
      %dma_wait3A_1727 = tpu.memref_slice %arg4[%mul3A_1725] : memref<512xi32, #tpu.memory_space<hbm>> -> memref<16xi32, #tpu.memory_space<hbm>>
      tpu.wait_dma2 semaphore(%run_scoped3A : memref<!tpu.dma_semaphore, #tpu.memory_space<semaphore_mem>>) src(%arg10 : memref<16xi32, #tpu.memory_space<vmem>>) dst(%dma_wait3A_1727 : memref<16xi32, #tpu.memory_space<hbm>>)
      tpu.yield
    }) : () -> ()
    return
  }
}

module attributes {stable_mosaic.version = 14 : i64} {
  func.func @_tc_body(%arg0: memref<480x32xf32, #tpu.memory_space<vmem>>, %arg1: memref<12x32xi32, #tpu.memory_space<vmem>>, %arg2: memref<480x1xi32, #tpu.memory_space<vmem>>) attributes {dimension_semantics = [], scalar_prefetch = 0 : i64, scratch_operands = 0 : i64, tpu.core_type = #tpu.core_type<tc>} {
    %get3A = arith.constant 0 : index
    %get3A_0 = arith.constant 0 : index
    %get3A_1 = vector.load %arg1[%get3A, %get3A_0] : memref<12x32xi32, #tpu.memory_space<vmem>>, vector<12x32xi32>
    %convert_element_type3A = arith.sitofp %get3A_1 : vector<12x32xi32> to vector<12x32xf32>
    %iota3A = tpu.iota {dimensions = array<i32: 1>} : vector<12x4096xi32>
    %iota3A_2 = tpu.iota {dimensions = array<i32: 0>} : vector<12x4096xi32>
    %shift_right_arithmetic3A = arith.shrsi %iota3A, %iota3A_2 : vector<12x4096xi32>
    %and3A = arith.constant 1 : i32
    %and3A_3 = vector.broadcast %and3A : i32 to vector<12x4096xi32>
    %and3A_4 = arith.andi %shift_right_arithmetic3A, %and3A_3 : vector<12x4096xi32>
    %convert_element_type3A_5 = arith.sitofp %and3A_4 : vector<12x4096xi32> to vector<12x4096xf32>
    %dot_general3A = arith.constant dense<0.000000e+00> : vector<32x4096xf32>
    %dot_general3A_6 = tpu.matmul %convert_element_type3A, %convert_element_type3A_5, %dot_general3A {dimension_numbers = #tpu.dot_dimension_numbers<[0], [0], [1], [1], [0, 1, 1, 1], [], []>, transpose_lhs_hint = false} : vector<12x32xf32>, vector<12x4096xf32>, vector<32x4096xf32> -> vector<32x4096xf32>
    %mul3A = arith.constant 5.000000e-01 : f32
    %mul3A_7 = vector.broadcast %mul3A : f32 to vector<32x4096xf32>
    %mul3A_8 = arith.mulf %dot_general3A_6, %mul3A_7 : vector<32x4096xf32>
    %floor3A = math.floor %mul3A_8 : vector<32x4096xf32>
    %mul3A_9 = arith.constant 2.000000e+00 : f32
    %mul3A_10 = vector.broadcast %mul3A_9 : f32 to vector<32x4096xf32>
    %mul3A_11 = arith.mulf %mul3A_10, %floor3A : vector<32x4096xf32>
    %sub3A = arith.subf %dot_general3A_6, %mul3A_11 : vector<32x4096xf32>
    %mul3A_12 = arith.constant 2.000000e+00 : f32
    %mul3A_13 = vector.broadcast %mul3A_12 : f32 to vector<32x4096xf32>
    %mul3A_14 = arith.mulf %mul3A_13, %sub3A : vector<32x4096xf32>
    %sub3A_15 = arith.constant 1.000000e+00 : f32
    %sub3A_16 = vector.broadcast %sub3A_15 : f32 to vector<32x4096xf32>
    %sub3A_17 = arith.subf %sub3A_16, %mul3A_14 : vector<32x4096xf32>
    %convert_element_type3A_18 = arith.truncf %sub3A_17 : vector<32x4096xf32> to vector<32x4096xbf16>
    %concatenate3A = tpu.concatenate %convert_element_type3A_18, %convert_element_type3A_18, %convert_element_type3A_18 in 0 : vector<32x4096xbf16>, vector<32x4096xbf16>, vector<32x4096xbf16> -> vector<96x4096xbf16>
    %get3A_19 = arith.constant 0 : index
    %get3A_20 = arith.constant 0 : index
    %get3A_21 = vector.load %arg0[%get3A_19, %get3A_20] : memref<480x32xf32, #tpu.memory_space<vmem>>, vector<480x32xf32>
    %convert_element_type3A_22 = arith.truncf %get3A_21 : vector<480x32xf32> to vector<480x32xbf16>
    %convert_element_type3A_23 = arith.extf %convert_element_type3A_22 : vector<480x32xbf16> to vector<480x32xf32>
    %sub3A_24 = arith.subf %get3A_21, %convert_element_type3A_23 : vector<480x32xf32>
    %convert_element_type3A_25 = arith.truncf %sub3A_24 : vector<480x32xf32> to vector<480x32xbf16>
    %convert_element_type3A_26 = arith.extf %convert_element_type3A_25 : vector<480x32xbf16> to vector<480x32xf32>
    %sub3A_27 = arith.subf %sub3A_24, %convert_element_type3A_26 : vector<480x32xf32>
    %convert_element_type3A_28 = arith.truncf %sub3A_27 : vector<480x32xf32> to vector<480x32xbf16>
    %concatenate3A_29 = tpu.concatenate %convert_element_type3A_22, %convert_element_type3A_25, %convert_element_type3A_28 in 1 : vector<480x32xbf16>, vector<480x32xbf16>, vector<480x32xbf16> -> vector<480x96xbf16>
    %dot_general3A_30 = arith.constant dense<0.000000e+00> : vector<480x4096xf32>
    %dot_general3A_31 = tpu.matmul %concatenate3A_29, %concatenate3A, %dot_general3A_30 {dimension_numbers = #tpu.dot_dimension_numbers<[1], [0], [0], [1], [0, 0, 1, 1], [], []>, transpose_lhs_hint = false} : vector<480x96xbf16>, vector<96x4096xbf16>, vector<480x4096xf32> -> vector<480x4096xf32>
    %argmax3A = tpu.reduce_index %dot_general3A_31 {axis = 1 : i32, kind = #tpu.reduction_kind<arg_max>} : vector<480x4096xf32> -> vector<480xi32>
    %broadcast_in_dim3A = vector.shape_cast %argmax3A : vector<480xi32> to vector<480x1xi32>
    %swap3A = arith.constant 0 : index
    %swap3A_32 = arith.constant 0 : index
    %swap3A_33 = vector.load %arg2[%swap3A, %swap3A_32] : memref<480x1xi32, #tpu.memory_space<vmem>>, vector<480x1xi32>
    tpu.vector_store %arg2[%swap3A, %swap3A_32], %broadcast_in_dim3A {strides = array<i32>} : memref<480x1xi32, #tpu.memory_space<vmem>>, vector<480x1xi32>,
    return
  }
}

</mosaic_0001>

<sc_bundles>
// kernel: kernel.4.cloned.1.call-start
scs
__scs_entry_jumppad:
0x0: {  	(pc) =	sbr.rel $0x88, $3  }
0x1: {  	(tag) =	ssettag $0x0;
	lr =	simm.s32 $0x1  }
0x2: {  	[smem:$0x3F9E] =	sst lr;
	_ =	strace $0xD0000000  }
0x3: {  	_ = 	snop  }
0x4: {  	_ = 	snop  }
0x5: {  	_ = 	snop  }
0x6: {  	_ = 	snop  }
0x7: {  	_ = 	snop  }
__scs_overlays_trampoline_lowered:
0x8: {  	[smem:$0x3FAD] =	sst s0  }
0x9: {  	[smem:$0x3FAE] =	sst s1  }
0xa: {  	[smem:$0x3FAF] =	sst s2  }
0xb: {  	[smem:$0x3FB0] =	sst s3  }
0xc: {  	[smem:$0x3FB1] =	sst s4  }
0xd: {  	[smem:$0x3FB2] =	sst s5  }
0xe: {  	[smem:$0x3FB3] =	sst s6  }
0xf: {  	[smem:$0x3FB4] =	sst s7  }
0x10: {  	[smem:$0x3FB5] =	sst s8  }
0x11: {  	[smem:$0x3FB6] =	sst s9;
	s0 =	simm.s32 @!p0 $0x0  }
0x12: {  	s1 =	sld [smem:$0x3F9C];
	s0 =	simm.s32 @p0 $0x1  }
0x13: {  	[smem:$0x3FB7] =	sst s0;
	s0 =	simm.s32 @!p1 $0x0  }
0x14: {  	s2 =	sld [smem:$0x3F9B];
	s0 =	simm.s32 @p1 $0x1  }
0x15: {  	[smem:$0x3FB8] =	sst s0;
	s0 =	simm.s32 @!p2 $0x0  }
0x16: {  	s3 =	sld [smem:$0x3FDB];
	s0 =	simm.s32 @p2 $0x1  }
0x17: {  	s4 =	simm.s32 $0x1BF5;
	[smem:$0x3FBA] =	sst s0  }
0x18: {  	s0 =	sld [smem:$0x3F9D];
	_ =	swait.ge [sflag:s4], $0x0  }
0x19: {  	s7 =	sld [smem:$0x3F9E]  }
0x1a: {  	s8 =	sadd.s32 $0xFFFFE003, lr  }
0x1b: {  	s9 =	sadd.s32 $0xFFFFFEF7, lr;
	s5 =	simm.s32 $0xFFFFFFFF;
	p2 =	slt.u32 s8, $0xFFFFF086  }
0x1c: {  	p1 =	slt.u32 s9, $0xF7A;
	s5 =	simm.s32 @!p2 $0x0  }
0x1d: {  	s5 =	simm.s32 @p1 $0x1;
	p0 =	seq.s32 s7, s2  }
0x1e: {  	s7 =	smul.u32 @!p0 $0xF7A, s2;
	p2 =	seq.s32 @!p0 s5, $0x0  }
0x1f: {  	s9 =	smul.u32 $0xF7A, s1;
	s8 =	simm.s32 @!p0 $0x1BF5;
	p2 =	por !p2, p0  }
0x20: {  	[sflag:s8] =	ssyncset.s32 @!p0 $0xFFFFF086;
	s6 =	sadd.s32 @!p0 s3, s7;
	s7 =	simm.s32 @!p0 $0x108  }
0x21: {  	s3 =	sadd.s32 s3, s9;
	s6 =	sadd.s32 @!p0 $0x88, s6;
	s7 =	simm.s32 @p2 $0x1082  }
0x22: {  	[simem:s7], [sflag:s8] =	dma.local @!p0 [hbm:s6], $0xF7A  }
0x23: {  	s9 =	sor.u32 $0xD0000000, s2;
	s6 =	simm.s32 $0x108;
	_ =	swait.ge @!p0 [sflag:s8], $0x0  }
0x24: {  	s3 =	sadd.s32 $0x88, s3;
	s6 =	simm.s32 @!p1 $0x1082;
	[sflag:s4] =	ssyncset.s32 $0xFFFFF086  }
0x25: {  	[simem:s6], [sflag:s4] =	dma.local [hbm:s3], $0xF7A  }
0x26: {  	[smem:$0x3F9E] =	sst s1;
	(tag) =	ssettag s2;
	_ =	strace s9  }
0x27: {  	s1 =	sld [smem:$0x3FAE]  }
0x28: {  	s2 =	sld [smem:$0x3FAF]  }
0x29: {  	s4 =	sld [smem:$0x3FB1]  }
0x2a: {  	p0 =	seq.s32 s5, $0x0;
	s5 =	sld [smem:$0x3FB2]  }
0x2b: {  	s6 =	sld [smem:$0x3FB3]  }
0x2c: {  	s7 =	sld [smem:$0x3FB4]  }
0x2d: {  	s3 =	simm.s32 $0x108;
	s8 =	sld [smem:$0x3FB5]  }
0x2e: {  	s3 =	simm.s32 @!p0 $0x1082;
	s9 =	sld [smem:$0x3FB6]  }
0x2f: {  	lr =	sadd.s32 s0, s3;
	s0 =	sld [smem:$0x3FAD]  }
0x30: {  	s3 =	sld [smem:$0x3FB0]  }
0x31: {  	[smem:$0x3FB9] =	sst s10  }
0x32: {  	s10 =	sld [smem:$0x3FB7];
	_ =	sdelay $0x3  }
0x33: {  	p0 =	seq.s32 s10, $0x1;
	s10 =	sld [smem:$0x3FB9];
	_ =	sdelay $0x3  }
0x34: {  	[smem:$0x3FB9] =	sst s10  }
0x35: {  	s10 =	sld [smem:$0x3FB8];
	_ =	sdelay $0x3  }
0x36: {  	p1 =	seq.s32 s10, $0x1;
	s10 =	sld [smem:$0x3FB9];
	_ =	sdelay $0x3  }
0x37: {  	[smem:$0x3FB9] =	sst s10  }
0x38: {  	s10 =	sld [smem:$0x3FBA]  }
0x39: {  	_ = 	snop;
	(pc) =	sbr.ind lr, $3  }
0x3a: {  	_ = 	snop  }
0x3b: {  	_ = 	snop  }
0x3c: {  	p2 =	seq.s32 s10, $0x1;
	s10 =	sld [smem:$0x3FB9]  }
0x3d: {  	_ =	shalt  }
0x3e: {  	_ =	shalt  }
0x3f: {  	_ =	shalt  }
0x40: {  	_ =	shalt  }
0x41: {  	_ =	shalt  }
0x42: {  	_ =	shalt  }
0x43: {  	_ =	shalt  }
0x44: {  	_ =	shalt  }
0x45: {  	_ =	shalt  }
0x46: {  	_ =	shalt  }
0x47: {  	_ =	shalt  }
0x48: {  	_ =	shalt  }
0x49: {  	_ =	shalt  }
0x4a: {  	_ =	shalt  }
0x4b: {  	_ =	shalt  }
0x4c: {  	_ =	shalt  }
0x4d: {  	_ =	shalt  }
0x4e: {  	_ =	shalt  }
0x4f: {  	_ =	shalt  }
0x50: {  	_ =	shalt  }
0x51: {  	_ =	shalt  }
0x52: {  	_ =	shalt  }
0x53: {  	_ =	shalt  }
0x54: {  	_ =	shalt  }
0x55: {  	_ =	shalt  }
0x56: {  	_ =	shalt  }
0x57: {  	_ =	shalt  }
0x58: {  	_ =	shalt  }
0x59: {  	_ =	shalt  }
0x5a: {  	_ =	shalt  }
0x5b: {  	_ =	shalt  }
0x5c: {  	_ =	shalt  }
0x5d: {  	_ =	shalt  }
0x5e: {  	_ =	shalt  }
0x5f: {  	_ =	shalt  }
0x60: {  	_ =	shalt  }
0x61: {  	_ =	shalt  }
0x62: {  	_ =	shalt  }
0x63: {  	_ =	shalt  }
0x64: {  	_ =	shalt  }
0x65: {  	_ =	shalt  }
0x66: {  	_ =	shalt  }
0x67: {  	_ =	shalt  }
0x68: {  	_ =	shalt  }
0x69: {  	_ =	shalt  }
0x6a: {  	_ =	shalt  }
0x6b: {  	_ =	shalt  }
0x6c: {  	_ =	shalt  }
0x6d: {  	_ =	shalt  }
0x6e: {  	_ =	shalt  }
0x6f: {  	_ =	shalt  }
0x70: {  	_ =	shalt  }
0x71: {  	_ =	shalt  }
0x72: {  	_ =	shalt  }
0x73: {  	_ =	shalt  }
0x74: {  	_ =	shalt  }
0x75: {  	_ =	shalt  }
0x76: {  	_ =	shalt  }
0x77: {  	_ =	shalt  }
0x78: {  	_ =	shalt  }
0x79: {  	_ =	shalt  }
0x7a: {  	_ =	shalt  }
0x7b: {  	_ =	shalt  }
0x7c: {  	_ =	shalt  }
0x7d: {  	_ =	shalt  }
0x7e: {  	_ =	shalt  }
0x7f: {  	_ =	shalt  }
0x80: {  	_ =	shalt  }
0x81: {  	_ =	shalt  }
0x82: {  	_ =	shalt  }
0x83: {  	_ =	shalt  }
0x84: {  	_ =	shalt  }
0x85: {  	_ =	shalt  }
0x86: {  	_ =	shalt  }
0x87: {  	_ =	shalt  }
.Lfunc_end0:
.L_simem_size_0:
called_computation_lowered:
.L_overlay_start_0:
0x88: {  	s2 =	sld [smem:$0x3FD9]  }
0x89: {  	s3 =	sld [smem:$0x3FFE];
	_ =	sdelay $0x1  }
0x8a: {  	s1 =	srdreg.scid  }
0x8b: {  	s0 =	sand.u32 $0x1, s1  }
0x8c: {  	s17 =	sshll.u32 s0, $0xA;
	s2 =	sadd.s32 s3, s2  }
0x8d: {  	s2 =	sadd.s32 s2, s17  }
0x8e: {  	[smem:$0x3FC5] =	sst s2  }
0x8f: {  	_ = 	snop  }
0x90: {  	s2 =	sld [smem:$0x3FD0];
	(tm) =	ssettm $0x1  }
0x91: {  	s18 =	sld [smem:$0x3FFB];
	_ =	sdelay $0x3  }
0x92: {  	_ =	strace s18  }
0x93: {  	s3 =	sld [smem:$0x3FFC];
	_ =	sdelay $0x3  }
0x94: {  	_ =	strace s3  }
0x95: {  	s3 =	sld [smem:$0x3FFD];
	_ =	sdelay $0x3  }
0x96: {  	_ =	strace s3  }
0x97: {  	_ =	strace $0x8FFFFFFF  }
0x98: {  	s19 =	sld [smem:$0x3FDB];
	_ =	sdelay $0x1  }
0x99: {  	s4 =	simm.s32 $_scs_section_size  }
0x9a: {  	s5 =	simm.s32 $_size__tile_overlayer_lowered;
	s6 =	simm.s32 $_tile_overlayer_lowered  }
0x9b: {  	s22 =	simm.s32 $0x1BFF;
	s21 =	sshll.u32 s6, $0x1;
	s3 =	sadd.s32 s4, s19  }
0x9c: {  	s7 =	simm.s32 $0x0;
	s20 =	sshll.u32 s5, $0x1;
	s5 =	sadd.s32 s21, s3  }
0x9d: {  	[timem:s7], [sflag:s22] =	dma.local [hbm:s5], s20  }
0x9e: {  	_ =	swait.ge [sflag:s22], s20  }
0x9f: {  	s4 =	ssub.s32 $0x0, s20;
	[sflag:s22] =	ssyncset.done $0x0  }
0xa0: {  	[sflag:s22] =	ssyncadd.s32 s4;
	_ =	sdelay $0x1  }
0xa1: {  	s23 =	simm.s32 $0x1B8B  }
0xa2: {  	_ =	swait.ge [sflag:s23], $0x1  }
0xa3: {  	[sflag:s23] =	ssyncset.done $0x0  }
0xa4: {  	s25 =	simm.s32 $0x1B8E;
	s24 =	sld [smem:$0x3FFE];
	[sflag:s23] =	ssyncadd.s32 $0xFFFFFFFF  }
0xa5: {  	s26 =	simm.s32 $execute0_lowered;
	[smem:$0x3FD2] =	sst s25  }
0xa6: {  	s5 =	sshll.u32 s26, $0x1;
	_ =	strace $0x80000046;
	[dreg:$0x1] =	wrdreg $0xFFFFFFFF  }
0xa7: {  	s28 =	simm.s32 $_size_execute0_lowered;
	s3 =	sadd.s32 s3, s5;
	[dreg:$0x0] =	wrdreg $0x0  }
0xa8: {  	s5 =	sshll.u32 s28, $0x1;
	[dreg:$0x2] =	wrdreg s3  }
0xa9: {  	[dreg:$0x3] =	wrdreg s5  }
0xaa: {  	[dreg:$0x4] =	wrdreg $0xC0  }
0xab: {  	_ =	task [dreg:s7], $0x5FFFF  }
0xac: {  	[dreg:$0x1] =	wrdreg $0xFFFFFFFF  }
0xad: {  	[dreg:$0x0] =	wrdreg $0x60  }
0xae: {  	[dreg:$0x2] =	wrdreg s2  }
0xaf: {  	[dreg:$0x3] =	wrdreg s24  }
0xb0: {  	[dreg:$0x4] =	wrdreg $0x9  }
0xb1: {  	_ =	task.clear_ibuf [dreg:s7], $0x5FFFF;
	_ =	strace $0x90000046  }
0xb2: {  	s29 =	simm.s32 $0x9;
	_ =	strace $0x80000048  }
0xb3: {  	_ =	swait.ge [sflag:s29], $0x1  }
0xb4: {  	[sflag:s29] =	ssyncadd.s32 $0xFFFFFFFF  }
0xb5: {  	_ =	strace $0x90000048  }
0xb6: {  	_ =	sfence  }
0xb7: {  	s30 =	sld [smem:$0x0];
	_ =	sdelay $0x2  }
0xb8: {  	s31 =	sshll.u32 s1, $0xD;
	s1 =	sshrl.u32 s1, $0x2  }
0xb9: {  	s3 =	sand.u32 $0x4000, s31;
	s1 =	sadd.s32 s1, s30  }
0xba: {  	s0 =	sor.u32 s3, s0;
	s1 =	sshll.u32 s1, $0x11  }
0xbb: {  	s0 =	sor.u32 s1, s0  }
0xbc: {  	s0 =	sadd.s32 $0x8F2B, s0  }
0xbd: {  	[sflag:s0] =	ssyncadd.remote.s32 $0x1  }
0xbe: {  	_ =	sfence.sel $0xFFFF  }
0xbf: {  	[dreg:$0x0] =	wrdreg $0xFFFFFFFF;
	(pc) =	sbr.abs _section_cstart, $3  }
0xc0: {  	[dreg:$0x1] =	wrdreg $0xFFFFFFFF  }
0xc1: {  	_ =	task.clear_ibuf [dreg:s7], $0x2FFFF;
	_ =	strace $0x9FFFFFFF  }
0xc2: {  	(tm) =	ssettm $0x7FFFFFFF  }
0xc3: {  	_ =	shalt  }
tec
execute0_lowered:
.L_overlay_start_1:
0x0: {  	(tag) =	ssettag $0x1  }
0x1: {  	s4 =	rddreg [dreg:$0x0]  }
0x2: {  	s2 =	rddreg [dreg:$0x1]  }
0x3: {  	s0 =	rddreg [dreg:$0x2];
	s5 =	srdreg.scid  }
0x4: {  	s1 =	stileid.u32;
	s3 =	simm.s32 $0x0;
	s9 =	simm.s32 $0x600  }
0x5: {  	v0 =	vimm.s32 $0x1;
	v1 =	vimm.s32 $0x2;
	v2 =	vimm.s32 $0x3;
	s10 =	simm.s32 $0x1600;
	s5 =	sand.u32 $0x1, s5;
	s6 =	sshll.u32 s1, $0x1  }
0x6: {  	v3 =	vimm.s32 $0x4;
	v4 =	vimm.s32 $0x5;
	v5 =	vimm.s32 $0x6;
	s11 =	simm.s32 $0x0;
	[smem:$0x7FF] =	sst s3;
	s6 =	sor.u32 s5, s6  }
0x7: {  	v6 =	vimm.s32 $0x7;
	v7 =	vimm.s32 $0x8;
	v8 =	vimm.s32 $0x9;
	_ =	strace $0x80000047;
	s5 =	ssub.s32 $0x2, s5;
	s7 =	sshll.u32 s6, $0x1  }
0x8: {  	v9 =	vimm.s32 $0xA;
	v10 =	vimm.s32 $0xB;
	v11 =	vimm.s32 $0x0;
	s8 =	sshrl.u32 s5, $0x1;
	s6 =	sshll.u32 s6, $0x2;
	s7 =	sadd.s32 s7, s2  }
0x9: {  	v12 =	vlaneseq.u32;
	v13 =	vimm.s32 $0xC;
	v14 =	vimm.s32 $0xD;
	s8 =	ssub.s32 s5, s8;
	s4 =	sadd.s32 s4, s6;
	s5 =	sadd.s32 $0x200, s7  }
0xa: {  	v15 =	vimm.s32 $0xE;
	v16 =	vimm.s32 $0xF;
	v17 =	vimm.f32 $0.0e+00;
	s6 =	smax.u32 s8, $0x1;
	s7 =	simm.s32 $0x1;
	s8 =	simm.s32 $0x80  }
.LBB2_1:
0xb: {  	[tilespmem:s3], [sflag:$0x1] =	stream.linear.gather [hbm4b:s4+s3], $0x20, $0x38;
	[tilespmem:$0x1680] =	vst v63  }
0xc: {  	_ =	swait.ge [sflag:s7], $0x20  }
0xd: {  	[sflag:s7] =	ssyncset.done $0x0  }
0xe: {  	[sflag:s7] =	ssyncadd.s32 $0xFFFFFFE0  }
0xf: {  	[tilespmem:s8], [sflag:$0x1] =	stream.linear.gather [hbm4b:s2+s3], $0x180, $0x38;
	[tilespmem:$0x1680] =	vst v63  }
0x10: {  	_ =	swait.ge [sflag:s7], $0x180  }
0x11: {  	[sflag:s7] =	ssyncset.done $0x0  }
0x12: {  	[sflag:s7] =	ssyncadd.s32 $0xFFFFFE80  }
0x13: {  	v18 =	vld [tilespmem:$0x80]  }
0x14: {  	v19 =	vld [tilespmem:$0xA0]  }
0x15: {  	v20 =	vld [tilespmem:$0xC0]  }
0x16: {  	v21 =	vld [tilespmem:$0xE0]  }
0x17: {  	v22 =	vld [tilespmem:$0x100]  }
0x18: {  	v23 =	vld [tilespmem:$0x120]  }
0x19: {  	v24 =	vld [tilespmem:$0x140];
	v19 =	vshll.u32 v19, $0x1  }
0x1a: {  	v28 =	vld [tilespmem:$0x160];
	v18 =	vadd.s32 v18, v19;
	v19 =	vshll.u32 v20, $0x2  }
0x1b: {  	v29 =	vld [tilespmem:$0x180];
	v18 =	vadd.s32 v19, v18;
	v19 =	vshll.u32 v21, $0x3  }
0x1c: {  	v30 =	vld [tilespmem:$0x1A0];
	v18 =	vadd.s32 v19, v18;
	v19 =	vshll.u32 v22, $0x4  }
0x1d: {  	v31 =	vld [tilespmem:$0x1C0];
	v18 =	vadd.s32 v19, v18;
	v19 =	vshll.u32 v23, $0x5  }
0x1e: {  	v32 =	vld [tilespmem:$0x1E0];
	v18 =	vadd.s32 v19, v18;
	v19 =	vshll.u32 v24, $0x6  }
0x1f: {  	v18 =	vadd.s32 v19, v18;
	v19 =	vshll.u32 v28, $0x7  }
0x20: {  	v18 =	vadd.s32 v19, v18;
	v19 =	vshll.u32 v29, $0x8  }
0x21: {  	v18 =	vadd.s32 v19, v18;
	v19 =	vshll.u32 v30, $0x9  }
0x22: {  	v18 =	vadd.s32 v19, v18;
	v19 =	vshll.u32 v31, $0xA  }
0x23: {  	v18 =	vadd.s32 v19, v18;
	v19 =	vshll.u32 v32, $0xB  }
0x24: {  	v18 =	vadd.s32 v19, v18  }
0x25: {  	v33 =	vperm.xlane v18, v11;
	v35 =	vperm.xlane v18, v0  }
0x26: {  	v25 =	vperm.xlane v18, v1;
	v26 =	vperm.xlane v18, v2  }
0x27: {  	v29 =	vperm.xlane v18, v3;
	v30 =	vperm.xlane v18, v4  }
0x28: {  	v19 =	vand.u32 v12, v33;
	v36 =	vand.u32 v12, v35;
	v20 =	vand.u32 $0xFFFFFFF0, v33  }
0x29: {  	v38 =	vand.u32 v12, v25;
	v27 =	vand.u32 v12, v26;
	v22 =	vand.u32 $0xFFFFFFF0, v35  }
0x2a: {  	v25 =	vand.u32 $0xFFFFFFF0, v25;
	v42 =	vand.u32 v12, v29;
	v26 =	vand.u32 $0xFFFFFFF0, v26  }
0x2b: {  	v31 =	vand.u32 v12, v30;
	v29 =	vand.u32 $0xFFFFFFF0, v29;
	v35 =	vperm.xlane v18, v6  }
0x2c: {  	v30 =	vand.u32 $0xFFFFFFF0, v30;
	v34 =	vshrl.u32 v19, $0x2;
	v37 =	vshrl.u32 v36, $0x2  }
0x2d: {  	v39 =	vshrl.u32 v38, $0x2;
	v20 =	vor.u32 v12, v20;
	v40 =	vshrl.u32 v27, $0x2  }
0x2e: {  	v43 =	vshrl.u32 v42, $0x2;
	v25 =	vor.u32 v12, v25;
	v44 =	vshrl.u32 v31, $0x2  }
0x2f: {  	v26 =	vor.u32 v12, v26;
	v19 =	vxor.u32 v19, v34;
	v27 =	vxor.u32 v27, v40  }
0x30: {  	v34 =	vperm.xlane v18, v5;
	v47 =	vand.u32 v12, v35;
	v55 =	vand.u32 $0xFFFFFFF0, v35  }
0x31: {  	v35 =	vperm.xlane v18, v9;
	v21 =	vshll.u32 v19, $0x1;
	v28 =	vshll.u32 v27, $0x1  }
0x32: {  	v40 =	vor.u32 v12, v55;
	v19 =	vxor.u32 v19, v21;
	v21 =	vxor.u32 v36, v37  }
0x33: {  	v41 =	vxor.u32 v27, v28;
	v27 =	vxor.u32 v42, v43;
	v32 =	vand.u32 v12, v34  }
0x34: {  	v36 =	vshrl.u32 v47, $0x2;
	v49 =	vand.u32 $0xFFFFFFF0, v34;
	v42 =	vand.u32 v12, v35  }
0x35: {  	v35 =	vand.u32 $0xFFFFFFF0, v35;
	v19 =	vand.u32 $0x2, v19;
	v23 =	vshll.u32 v21, $0x1  }
0x36: {  	v28 =	vshll.u32 v27, $0x1;
	v45 =	vshrl.u32 v32, $0x2;
	v48 =	vxor.u32 v47, v36  }
0x37: {  	v34 =	vor.u32 v12, v49;
	v58 =	vshrl.u32 v42, $0x2;
	v35 =	vor.u32 v12, v35  }
0x38: {  	v19 =	vsub.s32 $0x1, v19;
	v21 =	vxor.u32 v21, v23;
	v23 =	vxor.u32 v38, v39  }
0x39: {  	v27 =	vxor.u32 v27, v28;
	v28 =	vxor.u32 v31, v44;
	v38 =	vperm.xlane v18, v7  }
0x3a: {  	v50 =	vshll.u32 v48, $0x1;
	v42 =	vxor.u32 v42, v58;
	v19 =	vcvt.s32.f32 v19  }
0x3b: {  	v21 =	vand.u32 $0x2, v21;
	v24 =	vshll.u32 v23, $0x1;
	v27 =	vand.u32 $0x2, v27  }
0x3c: {  	v31 =	vshll.u32 v28, $0x1;
	v43 =	vshll.u32 v42, $0x1;
	v21 =	vsub.s32 $0x1, v21  }
0x3d: {  	v23 =	vxor.u32 v23, v24;
	v24 =	vor.u32 v12, v22;
	v27 =	vsub.s32 $0x1, v27  }
0x3e: {  	v28 =	vxor.u32 v28, v31;
	v31 =	vxor.u32 v32, v45;
	v32 =	vor.u32 v12, v29  }
0x3f: {  	v49 =	vld [tilespmem:$0xF0];
	v51 =	vand.u32 v12, v38;
	v57 =	vand.u32 $0xFFFFFFF0, v38;
	v42 =	vxor.u32 v42, v43  }
0x40: {  	v21 =	vcvt.s32.f32 v21;
	v23 =	vand.u32 $0x2, v23;
	v27 =	vcvt.s32.f32 v27  }
0x41: {  	v28 =	vand.u32 $0x2, v28;
	v33 =	vshll.u32 v31, $0x1;
	v37 =	vshrl.u32 v51, $0x2  }
0x42: {  	v42 =	vand.u32 $0x2, v42;
	v23 =	vsub.s32 $0x1, v23;
	v28 =	vsub.s32 $0x1, v28  }
0x43: {  	v46 =	vxor.u32 v31, v33;
	v33 =	vor.u32 v12, v30;
	v52 =	vxor.u32 v51, v37  }
0x44: {  	v42 =	vsub.s32 $0x1, v42;
	v62 =	vshll.u32 v49, $0x3;
	v22 =	vcvt.s32.f32 v23  }
0x45: {  	v45 =	vld [tilespmem:$0xB0];
	v23 =	vand.u32 $0x2, v41;
	v28 =	vcvt.s32.f32 v28;
	v29 =	vand.u32 $0x2, v46  }
0x46: {  	v41 =	vperm.xlane v18, v8;
	v37 =	vshll.u32 v52, $0x1;
	v43 =	vcvt.s32.f32 v42  }
0x47: {  	v44 =	vld [tilespmem:$0x90];
	v42 =	vperm.xlane v18, v14;
	v23 =	vsub.s32 $0x1, v23;
	v29 =	vsub.s32 $0x1, v29  }
0x48: {  	v53 =	vxor.u32 v52, v37;
	v23 =	vcvt.s32.f32 v23;
	v30 =	vcvt.s32.f32 v29  }
0x49: {  	v46 =	vld [tilespmem:$0xD0];
	v29 =	vxor.u32 v48, v50;
	v39 =	vand.u32 v12, v41;
	v41 =	vand.u32 $0xFFFFFFF0, v41  }
0x4a: {  	v45 =	vshll.u32 v45, $0x1;
	v63 =	vand.u32 v12, v42;
	v42 =	vand.u32 $0xFFFFFFF0, v42  }
0x4b: {  	v29 =	vand.u32 $0x2, v29;
	v54 =	vshrl.u32 v39, $0x2;
	v41 =	vor.u32 v12, v41  }
0x4c: {  	v51 =	vld [tilespmem:$0x110];
	v45 =	vadd.s32 v44, v45;
	v58 =	vshrl.u32 v63, $0x2;
	v29 =	vsub.s32 $0x1, v29  }
0x4d: {  	v31 =	vxor.u32 v39, v54;
	v36 =	vcvt.s32.f32 v29;
	v29 =	vand.u32 $0x2, v53  }
0x4e: {  	v39 =	vshll.u32 v31, $0x1;
	v46 =	vshll.u32 v46, $0x2;
	v29 =	vsub.s32 $0x1, v29  }
0x4f: {  	v56 =	vxor.u32 v31, v39;
	v39 =	vor.u32 v12, v57;
	v31 =	vperm.xlane v18, v10  }
0x50: {  	v52 =	vld [tilespmem:$0x130];
	v45 =	vadd.s32 v46, v45;
	v37 =	vcvt.s32.f32 v29;
	v29 =	vand.u32 $0x2, v56  }
0x51: {  	v45 =	vadd.s32 v62, v45;
	v56 =	vshll.u32 v51, $0x4;
	v29 =	vsub.s32 $0x1, v29  }
0x52: {  	v57 =	vld [tilespmem:$0x1B0];
	v59 =	vand.u32 v12, v31;
	v38 =	vcvt.s32.f32 v29;
	v29 =	vperm.xlane v18, v13  }
0x53: {  	v53 =	vld [tilespmem:$0x150];
	v45 =	vadd.s32 v56, v45;
	v31 =	vand.u32 $0xFFFFFFF0, v31;
	v47 =	vshrl.u32 v59, $0x2  }
0x54: {  	v54 =	vld [tilespmem:$0x170];
	v31 =	vor.u32 v12, v31;
	v47 =	vxor.u32 v59, v47;
	v48 =	vand.u32 v12, v29  }
0x55: {  	v62 =	vld [tilespmem:$0x1F0];
	v59 =	vshll.u32 v52, $0x5;
	v60 =	vshll.u32 v47, $0x1;
	v50 =	vshrl.u32 v48, $0x2  }
0x56: {  	v45 =	vadd.s32 v59, v45;
	v48 =	vxor.u32 v48, v50;
	v50 =	vxor.u32 v47, v60;
	v47 =	vld [tilespmem:$0x190]  }
0x57: {  	v56 =	vshll.u32 v57, $0x9;
	v29 =	vand.u32 $0xFFFFFFF0, v29;
	v60 =	vld [tilespmem:$0x1D0];
	v61 =	vshll.u32 v48, $0x1  }
0x58: {  	v44 =	vxor.u32 v48, v61;
	v48 =	vxor.u32 v63, v58;
	v61 =	vshll.u32 v53, $0x6  }
0x59: {  	v63 =	vshll.u32 v54, $0x7;
	v51 =	vshll.u32 v48, $0x1;
	v45 =	vadd.s32 v61, v45  }
0x5a: {  	v59 =	vshll.u32 v62, $0xB;
	v54 =	vxor.u32 v48, v51;
	v45 =	vadd.s32 v63, v45  }
0x5b: {  	v51 =	vperm.xlane v18, v15;
	v48 =	vperm.xlane v18, v16;
	v55 =	vshll.u32 v47, $0x8  }
0x5c: {  	v29 =	vor.u32 v12, v29;
	v57 =	vshll.u32 v60, $0xA;
	v45 =	vadd.s32 v55, v45  }
0x5d: {  	v58 =	vand.u32 v12, v51;
	v61 =	vand.u32 v12, v48;
	v18 =	vadd.s32 v56, v45  }
0x5e: {  	v60 =	vshrl.u32 v58, $0x2;
	v62 =	vshrl.u32 v61, $0x2;
	v18 =	vadd.s32 v57, v18  }
0x5f: {  	v46 =	vxor.u32 v58, v60;
	v49 =	vxor.u32 v61, v62;
	v18 =	vadd.s32 v59, v18  }
0x60: {  	[tilespmem:$0x420] =	vst v25;
	v47 =	vshll.u32 v46, $0x1;
	v63 =	vshll.u32 v49, $0x1;
	v53 =	vperm.xlane v18, v11  }
0x61: {  	[tilespmem:$0x410] =	vst v24;
	v45 =	vperm.xlane v18, v0;
	v55 =	vxor.u32 v46, v47;
	v46 =	vperm.xlane v18, v2  }
0x62: {  	[tilespmem:$0x230] =	vst v23;
	v56 =	vxor.u32 v49, v63;
	v24 =	vperm.xlane v18, v5;
	v23 =	vperm.xlane v18, v7  }
0x63: {  	[tilespmem:$0x2A0] =	vst v43;
	v43 =	vand.u32 $0x2, v55;
	v55 =	vand.u32 $0xFFFFFFF0, v51;
	v52 =	vand.u32 v12, v53  }
0x64: {  	[tilespmem:$0x440] =	vst v32;
	v61 =	vand.u32 v12, v45;
	v25 =	vand.u32 v12, v24;
	v32 =	vand.u32 v12, v23  }
0x65: {  	v51 =	vand.u32 $0xFFFFFFF0, v53;
	v24 =	vand.u32 $0xFFFFFFF0, v24;
	v60 =	vshrl.u32 v52, $0x2  }
0x66: {  	v62 =	vshrl.u32 v61, $0x2;
	v47 =	vxor.u32 v52, v60;
	v52 =	vperm.xlane v18, v1  }
0x67: {  	v23 =	vand.u32 $0xFFFFFFF0, v23;
	v49 =	vxor.u32 v61, v62;
	v60 =	vand.u32 v12, v46  }
0x68: {  	v57 =	vshll.u32 v47, $0x1;
	v63 =	vshll.u32 v49, $0x1;
	v58 =	vand.u32 v12, v52  }
0x69: {  	v57 =	vxor.u32 v47, v57;
	v59 =	vxor.u32 v49, v63;
	v49 =	vshrl.u32 v58, $0x2  }
0x6a: {  	[tilespmem:$0x1600] =	vst v11;
	v63 =	vshrl.u32 v60, $0x2;
	v58 =	vxor.u32 v58, v49;
	v49 =	vperm.xlane v18, v3  }
0x6b: {  	[tilespmem:$0x200] =	vst v19;
	v47 =	vperm.xlane v18, v4;
	v60 =	vxor.u32 v60, v63;
	v19 =	vshll.u32 v58, $0x1  }
0x6c: {  	[tilespmem:$0x400] =	vst v20;
	v58 =	vxor.u32 v58, v19;
	v19 =	vshll.u32 v60, $0x1;
	v20 =	vand.u32 v12, v49  }
0x6d: {  	[tilespmem:$0x430] =	vst v26;
	v61 =	vand.u32 v12, v47;
	v60 =	vxor.u32 v60, v19;
	v19 =	vshrl.u32 v20, $0x2  }
0x6e: {  	[tilespmem:$0x470] =	vst v40;
	v24 =	vor.u32 v12, v24;
	v62 =	vshrl.u32 v61, $0x2;
	v19 =	vxor.u32 v20, v19  }
0x6f: {  	[tilespmem:$0x210] =	vst v21;
	v23 =	vor.u32 v12, v23;
	v21 =	vxor.u32 v61, v62;
	v63 =	vshll.u32 v19, $0x1  }
0x70: {  	[tilespmem:$0x460] =	vst v34;
	v20 =	vperm.xlane v18, v6;
	v61 =	vxor.u32 v19, v63;
	v19 =	vshll.u32 v21, $0x1  }
0x71: {  	[tilespmem:$0x4A0] =	vst v35;
	v53 =	vand.u32 $0x2, v59;
	v59 =	vand.u32 $0x2, v58;
	v62 =	vxor.u32 v21, v19  }
0x72: {  	[tilespmem:$0x240] =	vst v27;
	v19 =	vshrl.u32 v25, $0x2;
	v21 =	vand.u32 v12, v20;
	v20 =	vand.u32 $0xFFFFFFF0, v20  }
0x73: {  	[tilespmem:$0x220] =	vst v22;
	v19 =	vxor.u32 v25, v19;
	v22 =	vshrl.u32 v21, $0x2;
	v25 =	vperm.xlane v18, v9  }
0x74: {  	[tilespmem:$0x450] =	vst v33;
	v63 =	vshll.u32 v19, $0x1;
	v21 =	vxor.u32 v21, v22;
	v22 =	vperm.xlane v18, v8  }
0x75: {  	[tilespmem:$0x250] =	vst v28;
	v20 =	vor.u32 v12, v20;
	v26 =	vxor.u32 v19, v63;
	v19 =	vshll.u32 v21, $0x1  }
0x76: {  	[tilespmem:$0x260] =	vst v30;
	v27 =	vxor.u32 v21, v19;
	v19 =	vshrl.u32 v32, $0x2;
	v21 =	vand.u32 v12, v22  }
0x77: {  	[tilespmem:$0x490] =	vst v41;
	v26 =	vand.u32 $0x2, v26;
	v22 =	vand.u32 $0xFFFFFFF0, v22;
	v19 =	vxor.u32 v32, v19  }
0x78: {  	[tilespmem:$0x270] =	vst v36;
	v63 =	vshrl.u32 v21, $0x2;
	v32 =	vand.u32 v12, v25;
	v26 =	vsub.s32 $0x1, v26  }
0x79: {  	[tilespmem:$0x480] =	vst v39;
	v27 =	vand.u32 $0x2, v27;
	v22 =	vor.u32 v12, v22;
	v25 =	vand.u32 $0xFFFFFFF0, v25  }
0x7a: {  	[tilespmem:$0x280] =	vst v37;
	v33 =	vshll.u32 v19, $0x1;
	v28 =	vxor.u32 v21, v63;
	v21 =	vperm.xlane v18, v10  }
0x7b: {  	[tilespmem:$0x4B0] =	vst v31;
	v26 =	vcvt.s32.f32 v26;
	v27 =	vsub.s32 $0x1, v27;
	v25 =	vor.u32 v12, v25  }
0x7c: {  	[tilespmem:$0x290] =	vst v38;
	v30 =	vxor.u32 v19, v33;
	v19 =	vshll.u32 v28, $0x1;
	v27 =	vcvt.s32.f32 v27  }
0x7d: {  	[tilespmem:$0x4C0] =	vst v29;
	v28 =	vxor.u32 v28, v19;
	v19 =	vshrl.u32 v32, $0x2;
	v63 =	vand.u32 v12, v21  }
0x7e: {  	[tilespmem:$0x560] =	vst v24;
	v30 =	vand.u32 $0x2, v30;
	v21 =	vand.u32 $0xFFFFFFF0, v21;
	v32 =	vxor.u32 v32, v19  }
0x7f: {  	[tilespmem:$0x580] =	vst v23;
	v36 =	vshrl.u32 v63, $0x2;
	v19 =	vperm.xlane v18, v13;
	v28 =	vand.u32 $0x2, v28  }
0x80: {  	[tilespmem:$0x570] =	vst v20;
	v21 =	vor.u32 v12, v21;
	v33 =	vxor.u32 v63, v36;
	v37 =	vshll.u32 v32, $0x1  }
0x81: {  	[tilespmem:$0x590] =	vst v22;
	v63 =	vand.u32 $0x2, v50;
	v28 =	vsub.s32 $0x1, v28;
	v32 =	vxor.u32 v32, v37  }
0x82: {  	[tilespmem:$0x5A0] =	vst v25;
	v40 =	vshll.u32 v33, $0x1;
	v36 =	vand.u32 v12, v19;
	v50 =	vsub.s32 $0x1, v63  }
0x83: {  	[tilespmem:$0x360] =	vst v26;
	v63 =	vand.u32 $0x2, v44;
	v44 =	vor.u32 v12, v42;
	v42 =	vand.u32 $0xFFFFFFF0, v48  }
0x84: {  	[tilespmem:$0x370] =	vst v27;
	v48 =	vand.u32 $0x2, v57;
	v57 =	vand.u32 $0xFFFFFFF0, v45;
	v45 =	vand.u32 $0x2, v60  }
0x85: {  	[tilespmem:$0x5B0] =	vst v21;
	v19 =	vand.u32 $0xFFFFFFF0, v19;
	v33 =	vxor.u32 v33, v40;
	v40 =	vshrl.u32 v36, $0x2  }
0x86: {  	v39 =	vsub.s32 $0x1, v63;
	v63 =	vand.u32 $0x2, v56;
	[tilespmem:$0x4D0] =	vst v44;
	v44 =	vor.u32 v12, v42  }
0x87: {  	v42 =	vand.u32 $0xFFFFFFF0, v52;
	v19 =	vor.u32 v12, v19;
	v34 =	vxor.u32 v36, v40;
	[tilespmem:$0x4F0] =	vst v44  }
0x88: {  	v36 =	vcvt.s32.f32 v50;
	v35 =	vcvt.s32.f32 v39;
	v44 =	vor.u32 v12, v42;
	[tilespmem:$0x5C0] =	vst v19  }
0x89: {  	v40 =	vand.u32 $0x2, v54;
	v50 =	vsub.s32 $0x1, v43;
	v38 =	vand.u32 $0x2, v33;
	[tilespmem:$0x520] =	vst v44  }
0x8a: {  	v41 =	vsub.s32 $0x1, v40;
	v54 =	vcvt.s32.f32 v50;
	v40 =	vor.u32 v12, v55;
	[tilespmem:$0x2B0] =	vst v36  }
0x8b: {  	v50 =	vsub.s32 $0x1, v48;
	v55 =	vsub.s32 $0x1, v53;
	v48 =	vsub.s32 $0x1, v45;
	[tilespmem:$0x2C0] =	vst v35  }
0x8c: {  	v39 =	vsub.s32 $0x1, v38;
	v44 =	vperm.xlane v18, v15;
	v31 =	vcvt.s32.f32 v41;
	[tilespmem:$0x4E0] =	vst v40  }
0x8d: {  	v41 =	vsub.s32 $0x1, v63;
	v29 =	vcvt.s32.f32 v50;
	v63 =	vor.u32 v12, v57;
	[tilespmem:$0x2E0] =	vst v54  }
0x8e: {  	v56 =	vcvt.s32.f32 v55;
	v50 =	vand.u32 $0xFFFFFFF0, v46;
	v55 =	vand.u32 $0xFFFFFFF0, v49;
	[tilespmem:$0x510] =	vst v63  }
0x8f: {  	v35 =	vcvt.s32.f32 v28;
	v40 =	vshll.u32 v34, $0x1;
	v43 =	vcvt.s32.f32 v41;
	[tilespmem:$0x2D0] =	vst v31  }
0x90: {  	v54 =	vor.u32 v12, v51;
	v41 =	vsub.s32 $0x1, v59;
	v51 =	vand.u32 $0x2, v61;
	[tilespmem:$0x300] =	vst v29  }
0x91: {  	v52 =	vor.u32 v12, v50;
	v57 =	vor.u32 v12, v55;
	v59 =	vand.u32 $0xFFFFFFF0, v47;
	[tilespmem:$0x500] =	vst v54  }
0x92: {  	v63 =	vand.u32 $0x2, v32;
	v42 =	vxor.u32 v34, v40;
	[tilespmem:$0x310] =	vst v56;
	v31 =	vcvt.s32.f32 v48  }
0x93: {  	v53 =	vsub.s32 $0x1, v51;
	v56 =	vand.u32 $0x2, v62;
	v61 =	vor.u32 v12, v59;
	[tilespmem:$0x530] =	vst v52  }
0x94: {  	[tilespmem:$0x540] =	vst v57;
	v62 =	vsub.s32 $0x1, v30;
	v36 =	vsub.s32 $0x1, v63;
	v27 =	vand.u32 $0x2, v42  }
0x95: {  	v48 =	vand.u32 v12, v44;
	[tilespmem:$0x2F0] =	vst v43;
	v43 =	vcvt.s32.f32 v41;
	v54 =	vcvt.s32.f32 v53  }
0x96: {  	[tilespmem:$0x390] =	vst v35;
	v58 =	vsub.s32 $0x1, v56;
	v29 =	vcvt.s32.f32 v62;
	v37 =	vcvt.s32.f32 v36  }
0x97: {  	v41 =	vcvt.s32.f32 v39;
	v50 =	vshrl.u32 v48, $0x2;
	[tilespmem:$0x320] =	vst v43;
	v43 =	vperm.xlane v18, v14  }
0x98: {  	[tilespmem:$0x550] =	vst v61;
	v45 =	vsub.s32 $0x1, v27;
	v60 =	vcvt.s32.f32 v58;
	v51 =	vxor.u32 v48, v50  }
0x99: {  	[tilespmem:$0x330] =	vst v31;
	v18 =	vperm.xlane v18, v16;
	v53 =	vshll.u32 v51, $0x1;
	v46 =	vand.u32 v12, v43  }
0x9a: {  	v23 =	vcvt.s32.f32 v45;
	[tilespmem:$0x340] =	vst v54;
	v56 =	vxor.u32 v51, v53;
	v47 =	vshrl.u32 v46, $0x2  }
0x9b: {  	[tilespmem:$0x350] =	vst v60;
	v54 =	vand.u32 v12, v18;
	v60 =	vand.u32 $0xFFFFFFF0, v43;
	v49 =	vxor.u32 v46, v47  }
0x9c: {  	[tilespmem:$0x380] =	vst v29;
	v18 =	vand.u32 $0xFFFFFFF0, v18;
	v57 =	vshrl.u32 v54, $0x2;
	v52 =	vshll.u32 v49, $0x1  }
0x9d: {  	[tilespmem:$0x3A0] =	vst v37;
	v61 =	vor.u32 v12, v60;
	v58 =	vxor.u32 v54, v57;
	v22 =	vxor.u32 v49, v52  }
0x9e: {  	[tilespmem:$0x3B0] =	vst v41;
	v18 =	vor.u32 v12, v18;
	v59 =	vshll.u32 v58, $0x1;
	v55 =	vand.u32 $0x2, v22  }
0x9f: {  	[tilespmem:$0x3C0] =	vst v23;
	v19 =	vxor.u32 v58, v59;
	v22 =	vand.u32 $0x2, v56;
	v20 =	vsub.s32 $0x1, v55  }
0xa0: {  	[tilespmem:$0x5D0] =	vst v61;
	v19 =	vand.u32 $0x2, v19;
	v22 =	vsub.s32 $0x1, v22;
	v20 =	vcvt.s32.f32 v20  }
0xa1: {  	[tilespmem:$0x5F0] =	vst v18;
	v19 =	vsub.s32 $0x1, v19;
	v62 =	vcvt.s32.f32 v22  }
0xa2: {  	v19 =	vcvt.s32.f32 v19;
	[tilespmem:$0x3D0] =	vst v20  }
0xa3: {  	v63 =	vand.u32 $0xFFFFFFF0, v44;
	[tilespmem:$0x3E0] =	vst v62  }
0xa4: {  	v20 =	vor.u32 v12, v63;
	[tilespmem:$0x3F0] =	vst v19  }
0xa5: {  	s12 =	simm.s32 $0x0;
	s13 =	simm.s32 $0x200;
	[tilespmem:$0x5E0] =	vst v20  }
.LBB2_2:
0xa6: {  	p0 =	sne.s32 s13, $0x3E00;
	[tilespmem:s12+$0x670] =	vst v17  }
0xa7: {  	[tilespmem:s12+$0x600] =	vst v17  }
0xa8: {  	[tilespmem:s12+$0x610] =	vst v17  }
.Ltmp0:
0xa9: {  	[tilespmem:s12+$0x620] =	vst v17;
	(pc) =	sbr.rel @p0 .LBB2_2-.Ltmp0, $4  }
0xaa: {  	[tilespmem:s12+$0x630] =	vst v17  }
0xab: {  	[tilespmem:s12+$0x640] =	vst v17  }
0xac: {  	[tilespmem:s12+$0x650] =	vst v17  }
0xad: {  	[tilespmem:s12+$0x660] =	vst v17;
	s12 =	sshra.s32 s13, $0x2;
	s13 =	sadd.s32 $0x200, s13  }
0xae: {  	[tilespmem:s12+$0x670] =	vst v17  }
0xaf: {  	[tilespmem:s12+$0x600] =	vst v17  }
0xb0: {  	[tilespmem:s12+$0x610] =	vst v17  }
0xb1: {  	[tilespmem:s12+$0x620] =	vst v17  }
0xb2: {  	[tilespmem:s12+$0x630] =	vst v17  }
0xb3: {  	[tilespmem:s12+$0x640] =	vst v17  }
0xb4: {  	[tilespmem:s12+$0x650] =	vst v17  }
0xb5: {  	[tilespmem:s12+$0x660] =	vst v17  }
0xb6: {  	v18 =	vld [tilespmem:$0x0]  }
0xb7: {  	v19 =	vld [tilespmem:$0x400]  }
0xb8: {  	v20 =	vld [tilespmem:$0x200];
	_ =	sdelay $0x2  }
0xb9: {  	v21 =	vperm.xlane v18, v11;
	_ =	sdelay $0x1  }
0xba: {  	v20 =	vmul.f32 v20, v21;
	_ =	sdelay $0x1  }
0xbb: {  	[tilespmem:v19+s9+$0x0] =	vst.idx.add.f32.msk $0xffff, v20  }
0xbc: {  	v19 =	vld [tilespmem:$0x410]  }
0xbd: {  	v20 =	vld [tilespmem:$0x210];
	_ =	sdelay $0x2  }
0xbe: {  	v21 =	vperm.xlane v18, v0;
	_ =	sdelay $0x1  }
0xbf: {  	v20 =	vmul.f32 v20, v21;
	_ =	sdelay $0x1  }
0xc0: {  	[tilespmem:v19+s9+$0x0] =	vst.idx.add.f32.msk $0xffff, v20  }
0xc1: {  	v19 =	vld [tilespmem:$0x420]  }
0xc2: {  	v20 =	vld [tilespmem:$0x220];
	_ =	sdelay $0x2  }
0xc3: {  	v21 =	vperm.xlane v18, v1;
	_ =	sdelay $0x1  }
0xc4: {  	v20 =	vmul.f32 v20, v21;
	_ =	sdelay $0x1  }
0xc5: {  	[tilespmem:v19+s9+$0x0] =	vst.idx.add.f32.msk $0xffff, v20  }
0xc6: {  	v19 =	vld [tilespmem:$0x430]  }
0xc7: {  	v20 =	vld [tilespmem:$0x230];
	_ =	sdelay $0x2  }
0xc8: {  	v21 =	vperm.xlane v18, v2;
	_ =	sdelay $0x1  }
0xc9: {  	v20 =	vmul.f32 v20, v21;
	_ =	sdelay $0x1  }
0xca: {  	[tilespmem:v19+s9+$0x0] =	vst.idx.add.f32.msk $0xffff, v20  }
0xcb: {  	v19 =	vld [tilespmem:$0x440]  }
0xcc: {  	v20 =	vld [tilespmem:$0x240];
	_ =	sdelay $0x2  }
0xcd: {  	v21 =	vperm.xlane v18, v3;
	_ =	sdelay $0x1  }
0xce: {  	v20 =	vmul.f32 v20, v21;
	_ =	sdelay $0x1  }
0xcf: {  	[tilespmem:v19+s9+$0x0] =	vst.idx.add.f32.msk $0xffff, v20  }
0xd0: {  	v19 =	vld [tilespmem:$0x450]  }
0xd1: {  	v20 =	vld [tilespmem:$0x250];
	_ =	sdelay $0x2  }
0xd2: {  	v21 =	vperm.xlane v18, v4;
	_ =	sdelay $0x1  }
0xd3: {  	v20 =	vmul.f32 v20, v21;
	_ =	sdelay $0x1  }
0xd4: {  	[tilespmem:v19+s9+$0x0] =	vst.idx.add.f32.msk $0xffff, v20  }
0xd5: {  	v19 =	vld [tilespmem:$0x460]  }
0xd6: {  	v20 =	vld [tilespmem:$0x260];
	_ =	sdelay $0x2  }
0xd7: {  	v21 =	vperm.xlane v18, v5;
	_ =	sdelay $0x1  }
0xd8: {  	v20 =	vmul.f32 v20, v21;
	_ =	sdelay $0x1  }
0xd9: {  	[tilespmem:v19+s9+$0x0] =	vst.idx.add.f32.msk $0xffff, v20  }
0xda: {  	v19 =	vld [tilespmem:$0x470]  }
0xdb: {  	v20 =	vld [tilespmem:$0x270];
	_ =	sdelay $0x2  }
0xdc: {  	v21 =	vperm.xlane v18, v6;
	_ =	sdelay $0x1  }
0xdd: {  	v20 =	vmul.f32 v20, v21;
	_ =	sdelay $0x1  }
0xde: {  	[tilespmem:v19+s9+$0x0] =	vst.idx.add.f32.msk $0xffff, v20  }
0xdf: {  	v19 =	vld [tilespmem:$0x480]  }
0xe0: {  	v20 =	vld [tilespmem:$0x280];
	_ =	sdelay $0x2  }
0xe1: {  	v21 =	vperm.xlane v18, v7;
	_ =	sdelay $0x1  }
0xe2: {  	v20 =	vmul.f32 v20, v21;
	_ =	sdelay $0x1  }
0xe3: {  	[tilespmem:v19+s9+$0x0] =	vst.idx.add.f32.msk $0xffff, v20  }
0xe4: {  	v19 =	vld [tilespmem:$0x490]  }
0xe5: {  	v20 =	vld [tilespmem:$0x290];
	_ =	sdelay $0x2  }
0xe6: {  	v21 =	vperm.xlane v18, v8;
	_ =	sdelay $0x1  }
0xe7: {  	v20 =	vmul.f32 v20, v21;
	_ =	sdelay $0x1  }
0xe8: {  	[tilespmem:v19+s9+$0x0] =	vst.idx.add.f32.msk $0xffff, v20  }
0xe9: {  	v19 =	vld [tilespmem:$0x4A0]  }
0xea: {  	v20 =	vld [tilespmem:$0x2A0];
	_ =	sdelay $0x2  }
0xeb: {  	v21 =	vperm.xlane v18, v9;
	_ =	sdelay $0x1  }
0xec: {  	v20 =	vmul.f32 v20, v21;
	_ =	sdelay $0x1  }
0xed: {  	[tilespmem:v19+s9+$0x0] =	vst.idx.add.f32.msk $0xffff, v20  }
0xee: {  	v19 =	vld [tilespmem:$0x4B0]  }
0xef: {  	v20 =	vld [tilespmem:$0x2B0];
	_ =	sdelay $0x2  }
0xf0: {  	v21 =	vperm.xlane v18, v10;
	_ =	sdelay $0x1  }
0xf1: {  	v20 =	vmul.f32 v20, v21;
	_ =	sdelay $0x1  }
0xf2: {  	[tilespmem:v19+s9+$0x0] =	vst.idx.add.f32.msk $0xffff, v20  }
0xf3: {  	v19 =	vld [tilespmem:$0x4C0]  }
0xf4: {  	v20 =	vld [tilespmem:$0x2C0];
	_ =	sdelay $0x2  }
0xf5: {  	v21 =	vperm.xlane v18, v13;
	_ =	sdelay $0x1  }
0xf6: {  	v20 =	vmul.f32 v20, v21;
	_ =	sdelay $0x1  }
0xf7: {  	[tilespmem:v19+s9+$0x0] =	vst.idx.add.f32.msk $0xffff, v20  }
0xf8: {  	v19 =	vld [tilespmem:$0x4D0]  }
0xf9: {  	v20 =	vld [tilespmem:$0x2D0];
	_ =	sdelay $0x2  }
0xfa: {  	v21 =	vperm.xlane v18, v14;
	_ =	sdelay $0x1  }
0xfb: {  	v20 =	vmul.f32 v20, v21;
	_ =	sdelay $0x1  }
0xfc: {  	[tilespmem:v19+s9+$0x0] =	vst.idx.add.f32.msk $0xffff, v20  }
0xfd: {  	v19 =	vld [tilespmem:$0x4E0]  }
0xfe: {  	v20 =	vld [tilespmem:$0x2E0];
	_ =	sdelay $0x2  }
0xff: {  	v21 =	vperm.xlane v18, v15;
	_ =	sdelay $0x1  }
0x100: {  	v20 =	vmul.f32 v20, v21;
	_ =	sdelay $0x1  }
0x101: {  	[tilespmem:v19+s9+$0x0] =	vst.idx.add.f32.msk $0xffff, v20  }
0x102: {  	v19 =	vld [tilespmem:$0x4F0]  }
0x103: {  	v20 =	vld [tilespmem:$0x2F0];
	_ =	sdelay $0x2  }
0x104: {  	v18 =	vperm.xlane v18, v16;
	_ =	sdelay $0x1  }
0x105: {  	v18 =	vmul.f32 v20, v18;
	_ =	sdelay $0x1  }
0x106: {  	[tilespmem:v19+s9+$0x0] =	vst.idx.add.f32.msk $0xffff, v18  }
0x107: {  	v18 =	vld [tilespmem:$0x10]  }
0x108: {  	v19 =	vld [tilespmem:$0x500]  }
0x109: {  	v20 =	vld [tilespmem:$0x300];
	_ =	sdelay $0x2  }
0x10a: {  	v21 =	vperm.xlane v18, v11;
	_ =	sdelay $0x1  }
0x10b: {  	v20 =	vmul.f32 v20, v21;
	_ =	sdelay $0x1  }
0x10c: {  	[tilespmem:v19+s9+$0x0] =	vst.idx.add.f32.msk $0xffff, v20  }
0x10d: {  	v19 =	vld [tilespmem:$0x510]  }
0x10e: {  	v20 =	vld [tilespmem:$0x310];
	_ =	sdelay $0x2  }
0x10f: {  	v21 =	vperm.xlane v18, v0;
	_ =	sdelay $0x1  }
0x110: {  	v20 =	vmul.f32 v20, v21;
	_ =	sdelay $0x1  }
0x111: {  	[tilespmem:v19+s9+$0x0] =	vst.idx.add.f32.msk $0xffff, v20  }
0x112: {  	v19 =	vld [tilespmem:$0x520]  }
0x113: {  	v20 =	vld [tilespmem:$0x320];
	_ =	sdelay $0x2  }
0x114: {  	v21 =	vperm.xlane v18, v1;
	_ =	sdelay $0x1  }
0x115: {  	v20 =	vmul.f32 v20, v21;
	_ =	sdelay $0x1  }
0x116: {  	[tilespmem:v19+s9+$0x0] =	vst.idx.add.f32.msk $0xffff, v20  }
0x117: {  	v19 =	vld [tilespmem:$0x530]  }
0x118: {  	v20 =	vld [tilespmem:$0x330];
	_ =	sdelay $0x2  }
0x119: {  	v21 =	vperm.xlane v18, v2;
	_ =	sdelay $0x1  }
0x11a: {  	v20 =	vmul.f32 v20, v21;
	_ =	sdelay $0x1  }
0x11b: {  	[tilespmem:v19+s9+$0x0] =	vst.idx.add.f32.msk $0xffff, v20  }
0x11c: {  	v19 =	vld [tilespmem:$0x540]  }
0x11d: {  	v20 =	vld [tilespmem:$0x340];
	_ =	sdelay $0x2  }
0x11e: {  	v21 =	vperm.xlane v18, v3;
	_ =	sdelay $0x1  }
0x11f: {  	v20 =	vmul.f32 v20, v21;
	_ =	sdelay $0x1  }
0x120: {  	[tilespmem:v19+s9+$0x0] =	vst.idx.add.f32.msk $0xffff, v20  }
0x121: {  	v19 =	vld [tilespmem:$0x550]  }
0x122: {  	v20 =	vld [tilespmem:$0x350];
	_ =	sdelay $0x2  }
0x123: {  	v21 =	vperm.xlane v18, v4;
	_ =	sdelay $0x1  }
0x124: {  	v20 =	vmul.f32 v20, v21;
	_ =	sdelay $0x1  }
0x125: {  	[tilespmem:v19+s9+$0x0] =	vst.idx.add.f32.msk $0xffff, v20  }
0x126: {  	v19 =	vld [tilespmem:$0x560]  }
0x127: {  	v20 =	vld [tilespmem:$0x360];
	_ =	sdelay $0x2  }
0x128: {  	v21 =	vperm.xlane v18, v5;
	_ =	sdelay $0x1  }
0x129: {  	v20 =	vmul.f32 v20, v21;
	_ =	sdelay $0x1  }
0x12a: {  	[tilespmem:v19+s9+$0x0] =	vst.idx.add.f32.msk $0xffff, v20  }
0x12b: {  	v19 =	vld [tilespmem:$0x570]  }
0x12c: {  	v20 =	vld [tilespmem:$0x370];
	_ =	sdelay $0x2  }
0x12d: {  	v21 =	vperm.xlane v18, v6;
	_ =	sdelay $0x1  }
0x12e: {  	v20 =	vmul.f32 v20, v21;
	_ =	sdelay $0x1  }
0x12f: {  	[tilespmem:v19+s9+$0x0] =	vst.idx.add.f32.msk $0xffff, v20  }
0x130: {  	v19 =	vld [tilespmem:$0x580]  }
0x131: {  	v20 =	vld [tilespmem:$0x380];
	_ =	sdelay $0x2  }
0x132: {  	v21 =	vperm.xlane v18, v7;
	_ =	sdelay $0x1  }
0x133: {  	v20 =	vmul.f32 v20, v21;
	_ =	sdelay $0x1  }
0x134: {  	[tilespmem:v19+s9+$0x0] =	vst.idx.add.f32.msk $0xffff, v20  }
0x135: {  	v19 =	vld [tilespmem:$0x590]  }
0x136: {  	v20 =	vld [tilespmem:$0x390];
	_ =	sdelay $0x2  }
0x137: {  	v21 =	vperm.xlane v18, v8;
	_ =	sdelay $0x1  }
0x138: {  	v20 =	vmul.f32 v20, v21;
	_ =	sdelay $0x1  }
0x139: {  	[tilespmem:v19+s9+$0x0] =	vst.idx.add.f32.msk $0xffff, v20  }
0x13a: {  	v19 =	vld [tilespmem:$0x5A0]  }
0x13b: {  	v20 =	vld [tilespmem:$0x3A0];
	_ =	sdelay $0x2  }
0x13c: {  	v21 =	vperm.xlane v18, v9;
	_ =	sdelay $0x1  }
0x13d: {  	v20 =	vmul.f32 v20, v21;
	_ =	sdelay $0x1  }
0x13e: {  	[tilespmem:v19+s9+$0x0] =	vst.idx.add.f32.msk $0xffff, v20  }
0x13f: {  	v19 =	vld [tilespmem:$0x5B0]  }
0x140: {  	v20 =	vld [tilespmem:$0x3B0];
	_ =	sdelay $0x2  }
0x141: {  	v21 =	vperm.xlane v18, v10;
	_ =	sdelay $0x1  }
0x142: {  	v20 =	vmul.f32 v20, v21;
	_ =	sdelay $0x1  }
0x143: {  	[tilespmem:v19+s9+$0x0] =	vst.idx.add.f32.msk $0xffff, v20  }
0x144: {  	v19 =	vld [tilespmem:$0x5C0]  }
0x145: {  	v20 =	vld [tilespmem:$0x3C0];
	_ =	sdelay $0x2  }
0x146: {  	v21 =	vperm.xlane v18, v13;
	_ =	sdelay $0x1  }
0x147: {  	v20 =	vmul.f32 v20, v21;
	_ =	sdelay $0x1  }
0x148: {  	[tilespmem:v19+s9+$0x0] =	vst.idx.add.f32.msk $0xffff, v20  }
0x149: {  	v19 =	vld [tilespmem:$0x5D0]  }
0x14a: {  	v20 =	vld [tilespmem:$0x3D0];
	_ =	sdelay $0x2  }
0x14b: {  	v21 =	vperm.xlane v18, v14;
	_ =	sdelay $0x1  }
0x14c: {  	v20 =	vmul.f32 v20, v21;
	_ =	sdelay $0x1  }
0x14d: {  	[tilespmem:v19+s9+$0x0] =	vst.idx.add.f32.msk $0xffff, v20  }
0x14e: {  	v19 =	vld [tilespmem:$0x5E0]  }
0x14f: {  	v20 =	vld [tilespmem:$0x3E0];
	_ =	sdelay $0x2  }
0x150: {  	v21 =	vperm.xlane v18, v15;
	_ =	sdelay $0x1  }
0x151: {  	v20 =	vmul.f32 v20, v21;
	_ =	sdelay $0x1  }
0x152: {  	[tilespmem:v19+s9+$0x0] =	vst.idx.add.f32.msk $0xffff, v20  }
0x153: {  	v19 =	vld [tilespmem:$0x5F0]  }
0x154: {  	v20 =	vld [tilespmem:$0x3F0];
	_ =	sdelay $0x2  }
0x155: {  	v18 =	vperm.xlane v18, v16;
	_ =	sdelay $0x1  }
0x156: {  	v18 =	vmul.f32 v20, v18;
	_ =	sdelay $0x1  }
0x157: {  	s12 =	simm.s32 $0x0;
	[tilespmem:v19+s9+$0x0] =	vst.idx.add.f32.msk $0xffff, v18  }
0x158: {  	v18 =	vld [tilespmem:s12+$0x600]  }
0x159: {  	v19 =	vld [tilespmem:s12+$0x610]  }
0x15a: {  	v20 =	vld [tilespmem:s12+$0x620]  }
0x15b: {  	v22 =	vld [tilespmem:s12+$0x630]  }
0x15c: {  	v23 =	vld [tilespmem:s12+$0x640]  }
0x15d: {  	v24 =	vld [tilespmem:s12+$0x650]  }
0x15e: {  	v25 =	vld [tilespmem:s12+$0x660];
	v21 =	vadd.f32 v19, v18  }
0x15f: {  	v26 =	vld [tilespmem:s12+$0x670];
	v19 =	vsub.f32 v18, v19  }
0x160: {  	v18 =	vld [tilespmem:s12+$0x680];
	v27 =	vadd.f32 v22, v20;
	[tilespmem:s12+$0x600] =	vst v21  }
0x161: {  	v20 =	vsub.f32 v20, v22;
	[tilespmem:s12+$0x610] =	vst v19;
	v21 =	vld [tilespmem:s12+$0x690]  }
0x162: {  	v22 =	vld [tilespmem:s12+$0x6B0];
	[tilespmem:s12+$0x620] =	vst v27;
	v27 =	vadd.f32 v24, v23  }
0x163: {  	v19 =	vld [tilespmem:s12+$0x6A0];
	[tilespmem:s12+$0x630] =	vst v20;
	v23 =	vsub.f32 v23, v24  }
0x164: {  	v20 =	vld [tilespmem:s12+$0x6C0];
	v24 =	vadd.f32 v26, v25;
	[tilespmem:s12+$0x640] =	vst v27  }
0x165: {  	v26 =	vsub.f32 v25, v26;
	[tilespmem:s12+$0x650] =	vst v23;
	v23 =	vld [tilespmem:s12+$0x6D0]  }
0x166: {  	s14 =	simm.s32 $0x400;
	s13 =	simm.s32 $0x0;
	[tilespmem:s12+$0x660] =	vst v24;
	v24 =	vld [tilespmem:s12+$0x6E0];
	v25 =	vadd.f32 v21, v18  }
.LBB2_4:
0x167: {  	s15 =	sshra.s32 s14, $0x2;
	p0 =	sne.s32 s14, $0x3C00;
	[tilespmem:s13+$0x670] =	vst v26;
	v18 =	vsub.f32 v18, v21;
	v21 =	vld [tilespmem:s13+$0x6F0]  }
0x168: {  	v26 =	vld [tilespmem:s15+$0x600];
	[tilespmem:s13+$0x680] =	vst v25;
	v25 =	vadd.f32 v22, v19  }
0x169: {  	v27 =	vld [tilespmem:s15+$0x610];
	[tilespmem:s13+$0x690] =	vst v18;
	v18 =	vsub.f32 v19, v22  }
0x16a: {  	v19 =	vld [tilespmem:s15+$0x620];
	[tilespmem:s13+$0x6A0] =	vst v25;
	v22 =	vadd.f32 v23, v20  }
0x16b: {  	v25 =	vld [tilespmem:s15+$0x630];
	[tilespmem:s13+$0x6B0] =	vst v18;
	v18 =	vsub.f32 v20, v23  }
0x16c: {  	v20 =	vld [tilespmem:s15+$0x640];
	[tilespmem:s13+$0x6C0] =	vst v22;
	v22 =	vadd.f32 v21, v24;
	v21 =	vsub.f32 v24, v21  }
0x16d: {  	v23 =	vld [tilespmem:s15+$0x650];
	[tilespmem:s13+$0x6D0] =	vst v18  }
0x16e: {  	v18 =	vadd.f32 v27, v26;
	v24 =	vld [tilespmem:s15+$0x660];
	[tilespmem:s13+$0x6F0] =	vst v21  }
0x16f: {  	v21 =	vsub.f32 v26, v27;
	v26 =	vld [tilespmem:s15+$0x670];
	[tilespmem:s13+$0x6E0] =	vst v22;
	s13 =	smov.u32 s15  }
0x170: {  	[tilespmem:s13+$0x600] =	vst v18;
	v22 =	vadd.f32 v25, v19;
	v18 =	vld [tilespmem:s13+$0x680]  }
0x171: {  	v25 =	vsub.f32 v19, v25;
	[tilespmem:s13+$0x610] =	vst v21;
	v21 =	vld [tilespmem:s13+$0x690]  }
.Ltmp1:
0x172: {  	[tilespmem:s13+$0x620] =	vst v22;
	v27 =	vadd.f32 v23, v20;
	v19 =	vld [tilespmem:s13+$0x6A0];
	(pc) =	sbr.rel @p0 .LBB2_4-.Ltmp1, $4  }
0x173: {  	v23 =	vsub.f32 v20, v23;
	[tilespmem:s13+$0x630] =	vst v25;
	v22 =	vld [tilespmem:s13+$0x6B0]  }
0x174: {  	[tilespmem:s13+$0x640] =	vst v27;
	v25 =	vadd.f32 v26, v24;
	v20 =	vld [tilespmem:s13+$0x6C0]  }
0x175: {  	v26 =	vsub.f32 v24, v26;
	[tilespmem:s13+$0x650] =	vst v23;
	v23 =	vld [tilespmem:s13+$0x6D0]  }
0x176: {  	s14 =	sadd.s32 $0x400, s14;
	[tilespmem:s13+$0x660] =	vst v25;
	v25 =	vadd.f32 v21, v18;
	v24 =	vld [tilespmem:s13+$0x6E0]  }
0x177: {  	[tilespmem:s13+$0x670] =	vst v26;
	v18 =	vsub.f32 v18, v21;
	v21 =	vld [tilespmem:s13+$0x6F0]  }
0x178: {  	[tilespmem:s13+$0x680] =	vst v25;
	v25 =	vadd.f32 v22, v19  }
0x179: {  	[tilespmem:s13+$0x690] =	vst v18;
	v18 =	vsub.f32 v19, v22  }
0x17a: {  	[tilespmem:s13+$0x6A0] =	vst v25;
	v19 =	vadd.f32 v23, v20  }
0x17b: {  	[tilespmem:s13+$0x6B0] =	vst v18;
	v18 =	vsub.f32 v20, v23  }
0x17c: {  	[tilespmem:s13+$0x6C0] =	vst v19;
	v19 =	vsub.f32 v24, v21  }
0x17d: {  	v20 =	vadd.f32 v21, v24;
	[tilespmem:s13+$0x6D0] =	vst v18  }
0x17e: {  	[tilespmem:s13+$0x6F0] =	vst v19  }
0x17f: {  	[tilespmem:s13+$0x6E0] =	vst v20  }
0x180: {  	v18 =	vld [tilespmem:s12+$0x600]  }
0x181: {  	v19 =	vld [tilespmem:s12+$0x620]  }
0x182: {  	v20 =	vld [tilespmem:s12+$0x610]  }
0x183: {  	v22 =	vld [tilespmem:s12+$0x630]  }
0x184: {  	v23 =	vld [tilespmem:s12+$0x640]  }
0x185: {  	v24 =	vld [tilespmem:s12+$0x660]  }
0x186: {  	v25 =	vld [tilespmem:s12+$0x650];
	v21 =	vadd.f32 v19, v18  }
0x187: {  	v26 =	vld [tilespmem:s12+$0x670];
	v19 =	vsub.f32 v18, v19  }
0x188: {  	v18 =	vld [tilespmem:s12+$0x680];
	v27 =	vadd.f32 v22, v20;
	[tilespmem:s12+$0x600] =	vst v21  }
0x189: {  	v20 =	vsub.f32 v20, v22;
	[tilespmem:s12+$0x620] =	vst v19;
	v21 =	vld [tilespmem:s12+$0x6A0]  }
0x18a: {  	v22 =	vld [tilespmem:s12+$0x6B0];
	[tilespmem:s12+$0x610] =	vst v27;
	v27 =	vadd.f32 v24, v23  }
0x18b: {  	v19 =	vld [tilespmem:s12+$0x690];
	[tilespmem:s12+$0x630] =	vst v20;
	v23 =	vsub.f32 v23, v24  }
0x18c: {  	v20 =	vld [tilespmem:s12+$0x6C0];
	v24 =	vadd.f32 v26, v25;
	[tilespmem:s12+$0x640] =	vst v27  }
0x18d: {  	v26 =	vsub.f32 v25, v26;
	[tilespmem:s12+$0x660] =	vst v23;
	v23 =	vld [tilespmem:s12+$0x6E0]  }
0x18e: {  	s13 =	simm.s32 $0x400;
	[tilespmem:s12+$0x650] =	vst v24;
	v24 =	vld [tilespmem:s12+$0x6D0];
	v25 =	vadd.f32 v21, v18  }
.LBB2_6:
0x18f: {  	s14 =	sshra.s32 s13, $0x2;
	p0 =	sne.s32 s13, $0x3C00;
	[tilespmem:s12+$0x670] =	vst v26;
	v18 =	vsub.f32 v18, v21;
	v21 =	vld [tilespmem:s12+$0x6F0]  }
0x190: {  	v26 =	vld [tilespmem:s14+$0x600];
	[tilespmem:s12+$0x680] =	vst v25;
	v25 =	vadd.f32 v22, v19  }
0x191: {  	v27 =	vld [tilespmem:s14+$0x620];
	[tilespmem:s12+$0x6A0] =	vst v18;
	v18 =	vsub.f32 v19, v22  }
0x192: {  	v19 =	vld [tilespmem:s14+$0x610];
	[tilespmem:s12+$0x690] =	vst v25;
	v22 =	vadd.f32 v23, v20  }
0x193: {  	v25 =	vld [tilespmem:s14+$0x630];
	[tilespmem:s12+$0x6B0] =	vst v18;
	v18 =	vsub.f32 v20, v23  }
0x194: {  	v20 =	vld [tilespmem:s14+$0x640];
	[tilespmem:s12+$0x6C0] =	vst v22;
	v22 =	vadd.f32 v21, v24;
	v21 =	vsub.f32 v24, v21  }
0x195: {  	v23 =	vld [tilespmem:s14+$0x660];
	[tilespmem:s12+$0x6E0] =	vst v18  }
0x196: {  	v18 =	vadd.f32 v27, v26;
	v24 =	vld [tilespmem:s14+$0x650];
	[tilespmem:s12+$0x6F0] =	vst v21  }
0x197: {  	v21 =	vsub.f32 v26, v27;
	v26 =	vld [tilespmem:s14+$0x670];
	[tilespmem:s12+$0x6D0] =	vst v22;
	s12 =	smov.u32 s14  }
0x198: {  	[tilespmem:s12+$0x600] =	vst v18;
	v22 =	vadd.f32 v25, v19;
	v18 =	vld [tilespmem:s12+$0x680]  }
0x199: {  	v25 =	vsub.f32 v19, v25;
	[tilespmem:s12+$0x620] =	vst v21;
	v21 =	vld [tilespmem:s12+$0x6A0]  }
.Ltmp2:
0x19a: {  	[tilespmem:s12+$0x610] =	vst v22;
	v27 =	vadd.f32 v23, v20;
	v19 =	vld [tilespmem:s12+$0x690];
	(pc) =	sbr.rel @p0 .LBB2_6-.Ltmp2, $4  }
0x19b: {  	v23 =	vsub.f32 v20, v23;
	[tilespmem:s12+$0x630] =	vst v25;
	v22 =	vld [tilespmem:s12+$0x6B0]  }
0x19c: {  	[tilespmem:s12+$0x640] =	vst v27;
	v25 =	vadd.f32 v26, v24;
	v20 =	vld [tilespmem:s12+$0x6C0]  }
0x19d: {  	v26 =	vsub.f32 v24, v26;
	[tilespmem:s12+$0x660] =	vst v23;
	v23 =	vld [tilespmem:s12+$0x6E0]  }
0x19e: {  	s13 =	sadd.s32 $0x400, s13;
	[tilespmem:s12+$0x650] =	vst v25;
	v25 =	vadd.f32 v21, v18;
	v24 =	vld [tilespmem:s12+$0x6D0]  }
0x19f: {  	[tilespmem:s12+$0x670] =	vst v26;
	v18 =	vsub.f32 v18, v21;
	v21 =	vld [tilespmem:s12+$0x6F0]  }
0x1a0: {  	[tilespmem:s12+$0x680] =	vst v25;
	v25 =	vadd.f32 v22, v19  }
0x1a1: {  	[tilespmem:s12+$0x6A0] =	vst v18;
	v18 =	vsub.f32 v19, v22  }
0x1a2: {  	[tilespmem:s12+$0x690] =	vst v25;
	v19 =	vadd.f32 v23, v20  }
0x1a3: {  	[tilespmem:s12+$0x6B0] =	vst v18;
	v18 =	vsub.f32 v20, v23  }
0x1a4: {  	[tilespmem:s12+$0x6C0] =	vst v19;
	v19 =	vsub.f32 v24, v21  }
0x1a5: {  	v20 =	vadd.f32 v21, v24;
	[tilespmem:s12+$0x6E0] =	vst v18  }
0x1a6: {  	[tilespmem:s12+$0x6F0] =	vst v19  }
0x1a7: {  	[tilespmem:s12+$0x6D0] =	vst v20;
	s12 =	simm.s32 $0x0  }
0x1a8: {  	v18 =	vld [tilespmem:s12+$0x600]  }
0x1a9: {  	v19 =	vld [tilespmem:s12+$0x640]  }
0x1aa: {  	v20 =	vld [tilespmem:s12+$0x610]  }
0x1ab: {  	v22 =	vld [tilespmem:s12+$0x650]  }
0x1ac: {  	v23 =	vld [tilespmem:s12+$0x620]  }
0x1ad: {  	v24 =	vld [tilespmem:s12+$0x660]  }
0x1ae: {  	v25 =	vld [tilespmem:s12+$0x630];
	v21 =	vadd.f32 v19, v18  }
0x1af: {  	v26 =	vld [tilespmem:s12+$0x670];
	v19 =	vsub.f32 v18, v19  }
0x1b0: {  	v18 =	vld [tilespmem:s12+$0x680];
	v27 =	vadd.f32 v22, v20;
	[tilespmem:s12+$0x600] =	vst v21  }
0x1b1: {  	v20 =	vsub.f32 v20, v22;
	[tilespmem:s12+$0x640] =	vst v19;
	v21 =	vld [tilespmem:s12+$0x6C0]  }
0x1b2: {  	v22 =	vld [tilespmem:s12+$0x6D0];
	[tilespmem:s12+$0x610] =	vst v27;
	v27 =	vadd.f32 v24, v23  }
0x1b3: {  	v19 =	vld [tilespmem:s12+$0x690];
	[tilespmem:s12+$0x650] =	vst v20;
	v23 =	vsub.f32 v23, v24  }
0x1b4: {  	v20 =	vld [tilespmem:s12+$0x6A0];
	v24 =	vadd.f32 v26, v25;
	[tilespmem:s12+$0x620] =	vst v27  }
0x1b5: {  	v26 =	vsub.f32 v25, v26;
	[tilespmem:s12+$0x660] =	vst v23;
	v23 =	vld [tilespmem:s12+$0x6E0]  }
0x1b6: {  	s14 =	simm.s32 $0x400;
	s13 =	simm.s32 $0x0;
	[tilespmem:s12+$0x630] =	vst v24;
	v24 =	vld [tilespmem:s12+$0x6B0];
	v25 =	vadd.f32 v21, v18  }
.LBB2_8:
0x1b7: {  	s15 =	sshra.s32 s14, $0x2;
	p0 =	sne.s32 s14, $0x3C00;
	[tilespmem:s13+$0x670] =	vst v26;
	v18 =	vsub.f32 v18, v21;
	v21 =	vld [tilespmem:s13+$0x6F0]  }
0x1b8: {  	v26 =	vld [tilespmem:s15+$0x600];
	[tilespmem:s13+$0x680] =	vst v25;
	v25 =	vadd.f32 v22, v19  }
0x1b9: {  	v27 =	vld [tilespmem:s15+$0x640];
	[tilespmem:s13+$0x6C0] =	vst v18;
	v18 =	vsub.f32 v19, v22  }
0x1ba: {  	v19 =	vld [tilespmem:s15+$0x610];
	[tilespmem:s13+$0x690] =	vst v25;
	v22 =	vadd.f32 v23, v20  }
0x1bb: {  	v25 =	vld [tilespmem:s15+$0x650];
	[tilespmem:s13+$0x6D0] =	vst v18;
	v18 =	vsub.f32 v20, v23  }
0x1bc: {  	v20 =	vld [tilespmem:s15+$0x620];
	[tilespmem:s13+$0x6A0] =	vst v22;
	v22 =	vadd.f32 v21, v24;
	v21 =	vsub.f32 v24, v21  }
0x1bd: {  	v23 =	vld [tilespmem:s15+$0x660];
	[tilespmem:s13+$0x6E0] =	vst v18  }
0x1be: {  	v18 =	vadd.f32 v27, v26;
	v24 =	vld [tilespmem:s15+$0x630];
	[tilespmem:s13+$0x6F0] =	vst v21  }
0x1bf: {  	v21 =	vsub.f32 v26, v27;
	v26 =	vld [tilespmem:s15+$0x670];
	[tilespmem:s13+$0x6B0] =	vst v22;
	s13 =	smov.u32 s15  }
0x1c0: {  	[tilespmem:s13+$0x600] =	vst v18;
	v22 =	vadd.f32 v25, v19;
	v18 =	vld [tilespmem:s13+$0x680]  }
0x1c1: {  	v25 =	vsub.f32 v19, v25;
	[tilespmem:s13+$0x640] =	vst v21;
	v21 =	vld [tilespmem:s13+$0x6C0]  }
.Ltmp3:
0x1c2: {  	[tilespmem:s13+$0x610] =	vst v22;
	v27 =	vadd.f32 v23, v20;
	v19 =	vld [tilespmem:s13+$0x690];
	(pc) =	sbr.rel @p0 .LBB2_8-.Ltmp3, $4  }
0x1c3: {  	v23 =	vsub.f32 v20, v23;
	[tilespmem:s13+$0x650] =	vst v25;
	v22 =	vld [tilespmem:s13+$0x6D0]  }
0x1c4: {  	[tilespmem:s13+$0x620] =	vst v27;
	v25 =	vadd.f32 v26, v24;
	v20 =	vld [tilespmem:s13+$0x6A0]  }
0x1c5: {  	v26 =	vsub.f32 v24, v26;
	[tilespmem:s13+$0x660] =	vst v23;
	v23 =	vld [tilespmem:s13+$0x6E0]  }
0x1c6: {  	s14 =	sadd.s32 $0x400, s14;
	[tilespmem:s13+$0x630] =	vst v25;
	v25 =	vadd.f32 v21, v18;
	v24 =	vld [tilespmem:s13+$0x6B0]  }
0x1c7: {  	[tilespmem:s13+$0x670] =	vst v26;
	v18 =	vsub.f32 v18, v21;
	v21 =	vld [tilespmem:s13+$0x6F0]  }
0x1c8: {  	[tilespmem:s13+$0x680] =	vst v25;
	v25 =	vadd.f32 v22, v19  }
0x1c9: {  	[tilespmem:s13+$0x6C0] =	vst v18;
	v18 =	vsub.f32 v19, v22  }
0x1ca: {  	[tilespmem:s13+$0x690] =	vst v25;
	v19 =	vadd.f32 v23, v20  }
0x1cb: {  	[tilespmem:s13+$0x6D0] =	vst v18;
	v18 =	vsub.f32 v20, v23  }
0x1cc: {  	[tilespmem:s13+$0x6A0] =	vst v19;
	v19 =	vsub.f32 v24, v21  }
0x1cd: {  	v20 =	vadd.f32 v21, v24;
	[tilespmem:s13+$0x6E0] =	vst v18  }
0x1ce: {  	[tilespmem:s13+$0x6F0] =	vst v19  }
0x1cf: {  	[tilespmem:s13+$0x6B0] =	vst v20  }
0x1d0: {  	v18 =	vld [tilespmem:s12+$0x600]  }
0x1d1: {  	v19 =	vld [tilespmem:s12+$0x680]  }
0x1d2: {  	v20 =	vld [tilespmem:s12+$0x610]  }
0x1d3: {  	v22 =	vld [tilespmem:s12+$0x690]  }
0x1d4: {  	v23 =	vld [tilespmem:s12+$0x620]  }
0x1d5: {  	v24 =	vld [tilespmem:s12+$0x6A0]  }
0x1d6: {  	v25 =	vld [tilespmem:s12+$0x630];
	v21 =	vadd.f32 v19, v18  }
0x1d7: {  	v26 =	vld [tilespmem:s12+$0x6B0];
	v19 =	vsub.f32 v18, v19  }
0x1d8: {  	v18 =	vld [tilespmem:s12+$0x640];
	v27 =	vadd.f32 v22, v20;
	[tilespmem:s12+$0x600] =	vst v21  }
0x1d9: {  	v20 =	vsub.f32 v20, v22;
	[tilespmem:s12+$0x680] =	vst v19;
	v21 =	vld [tilespmem:s12+$0x6C0]  }
0x1da: {  	v22 =	vld [tilespmem:s12+$0x6D0];
	[tilespmem:s12+$0x610] =	vst v27;
	v27 =	vadd.f32 v24, v23  }
0x1db: {  	v19 =	vld [tilespmem:s12+$0x650];
	[tilespmem:s12+$0x690] =	vst v20;
	v23 =	vsub.f32 v23, v24  }
0x1dc: {  	v20 =	vld [tilespmem:s12+$0x660];
	[tilespmem:s12+$0x620] =	vst v27;
	v27 =	vadd.f32 v26, v25  }
0x1dd: {  	v24 =	vld [tilespmem:s12+$0x6E0];
	[tilespmem:s12+$0x6A0] =	vst v23;
	v26 =	vsub.f32 v25, v26  }
0x1de: {  	s13 =	simm.s32 $0x400;
	v23 =	vld [tilespmem:s12+$0x670];
	[tilespmem:s12+$0x630] =	vst v27;
	v25 =	vadd.f32 v21, v18  }
.LBB2_10:
0x1df: {  	s14 =	sshra.s32 s13, $0x2;
	p0 =	sne.s32 s13, $0x3C00;
	[tilespmem:s12+$0x6B0] =	vst v26;
	v18 =	vsub.f32 v18, v21;
	v21 =	vld [tilespmem:s12+$0x6F0]  }
0x1e0: {  	v26 =	vld [tilespmem:s14+$0x600];
	[tilespmem:s12+$0x640] =	vst v25;
	v25 =	vadd.f32 v22, v19  }
0x1e1: {  	v27 =	vld [tilespmem:s14+$0x680];
	[tilespmem:s12+$0x6C0] =	vst v18;
	v18 =	vsub.f32 v19, v22  }
0x1e2: {  	v19 =	vld [tilespmem:s14+$0x610];
	[tilespmem:s12+$0x650] =	vst v25;
	v22 =	vadd.f32 v24, v20  }
0x1e3: {  	v25 =	vld [tilespmem:s14+$0x690];
	[tilespmem:s12+$0x6D0] =	vst v18;
	v18 =	vsub.f32 v20, v24  }
0x1e4: {  	v20 =	vld [tilespmem:s14+$0x620];
	[tilespmem:s12+$0x660] =	vst v22;
	v22 =	vadd.f32 v21, v23;
	v21 =	vsub.f32 v23, v21  }
0x1e5: {  	v23 =	vld [tilespmem:s14+$0x6A0];
	[tilespmem:s12+$0x6E0] =	vst v18  }
0x1e6: {  	v18 =	vadd.f32 v27, v26;
	v24 =	vld [tilespmem:s14+$0x630];
	[tilespmem:s12+$0x6F0] =	vst v21  }
0x1e7: {  	v21 =	vsub.f32 v26, v27;
	v26 =	vld [tilespmem:s14+$0x6B0];
	[tilespmem:s12+$0x670] =	vst v22;
	s12 =	smov.u32 s14  }
0x1e8: {  	[tilespmem:s12+$0x600] =	vst v18;
	v22 =	vadd.f32 v25, v19;
	v18 =	vld [tilespmem:s12+$0x640]  }
0x1e9: {  	v25 =	vsub.f32 v19, v25;
	[tilespmem:s12+$0x680] =	vst v21;
	v21 =	vld [tilespmem:s12+$0x6C0]  }
.Ltmp4:
0x1ea: {  	[tilespmem:s12+$0x610] =	vst v22;
	v27 =	vadd.f32 v23, v20;
	v19 =	vld [tilespmem:s12+$0x650];
	(pc) =	sbr.rel @p0 .LBB2_10-.Ltmp4, $4  }
0x1eb: {  	v23 =	vsub.f32 v20, v23;
	[tilespmem:s12+$0x690] =	vst v25;
	v22 =	vld [tilespmem:s12+$0x6D0]  }
0x1ec: {  	[tilespmem:s12+$0x620] =	vst v27;
	v25 =	vadd.f32 v26, v24;
	v20 =	vld [tilespmem:s12+$0x660]  }
0x1ed: {  	v26 =	vsub.f32 v24, v26;
	[tilespmem:s12+$0x6A0] =	vst v23;
	v24 =	vld [tilespmem:s12+$0x6E0]  }
0x1ee: {  	s13 =	sadd.s32 $0x400, s13;
	[tilespmem:s12+$0x630] =	vst v25;
	v25 =	vadd.f32 v21, v18;
	v23 =	vld [tilespmem:s12+$0x670]  }
0x1ef: {  	[tilespmem:s12+$0x6B0] =	vst v26;
	v18 =	vsub.f32 v18, v21;
	v21 =	vld [tilespmem:s12+$0x6F0]  }
0x1f0: {  	[tilespmem:s12+$0x640] =	vst v25;
	v25 =	vadd.f32 v22, v19  }
0x1f1: {  	[tilespmem:s12+$0x6C0] =	vst v18;
	v18 =	vsub.f32 v19, v22  }
0x1f2: {  	[tilespmem:s12+$0x650] =	vst v25;
	v19 =	vadd.f32 v24, v20  }
0x1f3: {  	[tilespmem:s12+$0x6D0] =	vst v18;
	v18 =	vsub.f32 v20, v24  }
0x1f4: {  	s13 =	simm.s32 $0x0;
	[tilespmem:s12+$0x660] =	vst v19;
	v19 =	vsub.f32 v23, v21  }
0x1f5: {  	s14 =	sand.u32 $0x3800, s13;
	s15 =	sand.u32 $0x200, s13;
	v20 =	vadd.f32 v21, v23;
	[tilespmem:s12+$0x6E0] =	vst v18  }
0x1f6: {  	s14 =	sor.u32 s15, s14;
	[tilespmem:s12+$0x6F0] =	vst v19  }
0x1f7: {  	[tilespmem:s12+$0x670] =	vst v20;
	s12 =	sshrl.u32 s14, $0x2  }
0x1f8: {  	v18 =	vld [tilespmem:s12+$0x600]  }
0x1f9: {  	v19 =	vld [tilespmem:s12+$0x700]  }
0x1fa: {  	v21 =	vld [tilespmem:s12+$0x610]  }
0x1fb: {  	v22 =	vld [tilespmem:s12+$0x710]  }
0x1fc: {  	v25 =	vld [tilespmem:s12+$0x620]  }
0x1fd: {  	v26 =	vld [tilespmem:s12+$0x720]  }
0x1fe: {  	v20 =	vld [tilespmem:s12+$0x630];
	v24 =	vadd.f32 v19, v18  }
0x1ff: {  	v23 =	vld [tilespmem:s12+$0x730];
	v19 =	vsub.f32 v18, v19  }
0x200: {  	v27 =	vadd.f32 v22, v21;
	v18 =	vld [tilespmem:s12+$0x640];
	[tilespmem:s12+$0x600] =	vst v24  }
0x201: {  	v21 =	vsub.f32 v21, v22;
	[tilespmem:s12+$0x700] =	vst v19;
	v24 =	vld [tilespmem:s12+$0x740]  }
0x202: {  	v22 =	vld [tilespmem:s12+$0x750];
	[tilespmem:s12+$0x610] =	vst v27;
	v27 =	vadd.f32 v26, v25  }
0x203: {  	v19 =	vld [tilespmem:s12+$0x650];
	[tilespmem:s12+$0x710] =	vst v21;
	v26 =	vsub.f32 v25, v26  }
0x204: {  	s15 =	simm.s32 $0x200;
	s14 =	simm.s32 $0x400;
	v25 =	vadd.f32 v23, v20;
	v21 =	vld [tilespmem:s12+$0x660];
	[tilespmem:s12+$0x620] =	vst v27  }
.LBB2_12:
0x205: {  	s16 =	sand.u32 $0x3800, s14;
	s17 =	sand.u32 $0x200, s15;
	p0 =	sne.s32 s15, $0x1E00;
	[tilespmem:s12+$0x720] =	vst v26;
	v20 =	vsub.f32 v20, v23;
	v23 =	vld [tilespmem:s12+$0x760]  }
0x206: {  	s16 =	sor.u32 s17, s16;
	[tilespmem:s12+$0x630] =	vst v25;
	v25 =	vadd.f32 v24, v18;
	v26 =	vld [tilespmem:s12+$0x670]  }
0x207: {  	v18 =	vsub.f32 v18, v24;
	s16 =	sshrl.u32 s16, $0x2;
	[tilespmem:s12+$0x730] =	vst v20;
	v20 =	vld [tilespmem:s12+$0x770]  }
0x208: {  	v24 =	vld [tilespmem:s16+$0x600];
	[tilespmem:s12+$0x640] =	vst v25;
	v25 =	vadd.f32 v22, v19  }
0x209: {  	v27 =	vld [tilespmem:s16+$0x700];
	[tilespmem:s12+$0x740] =	vst v18;
	v18 =	vsub.f32 v19, v22  }
0x20a: {  	v19 =	vld [tilespmem:s16+$0x610];
	[tilespmem:s12+$0x650] =	vst v25;
	v22 =	vadd.f32 v23, v21  }
0x20b: {  	v25 =	vld [tilespmem:s16+$0x710];
	[tilespmem:s12+$0x750] =	vst v18;
	v18 =	vsub.f32 v21, v23  }
0x20c: {  	v21 =	vld [tilespmem:s16+$0x620];
	[tilespmem:s12+$0x660] =	vst v22;
	v22 =	vadd.f32 v20, v26;
	v23 =	vsub.f32 v26, v20  }
0x20d: {  	v26 =	vld [tilespmem:s16+$0x720];
	[tilespmem:s12+$0x760] =	vst v18  }
0x20e: {  	v18 =	vadd.f32 v27, v24;
	v20 =	vld [tilespmem:s16+$0x630];
	[tilespmem:s12+$0x770] =	vst v23  }
0x20f: {  	v24 =	vsub.f32 v24, v27;
	v23 =	vld [tilespmem:s16+$0x730];
	[tilespmem:s12+$0x670] =	vst v22;
	s12 =	smov.u32 s16  }
.Ltmp5:
0x210: {  	[tilespmem:s12+$0x600] =	vst v18;
	v22 =	vadd.f32 v25, v19;
	v18 =	vld [tilespmem:s12+$0x640];
	(pc) =	sbr.rel @p0 .LBB2_12-.Ltmp5, $4  }
0x211: {  	v25 =	vsub.f32 v19, v25;
	[tilespmem:s12+$0x700] =	vst v24;
	v24 =	vld [tilespmem:s12+$0x740]  }
0x212: {  	[tilespmem:s12+$0x610] =	vst v22;
	v27 =	vadd.f32 v26, v21;
	v19 =	vld [tilespmem:s12+$0x650]  }
0x213: {  	v26 =	vsub.f32 v21, v26;
	[tilespmem:s12+$0x710] =	vst v25;
	v22 =	vld [tilespmem:s12+$0x750]  }
0x214: {  	s14 =	sadd.s32 $0x400, s14;
	s15 =	sadd.s32 $0x200, s15;
	[tilespmem:s12+$0x620] =	vst v27;
	v25 =	vadd.f32 v23, v20;
	v21 =	vld [tilespmem:s12+$0x660]  }
0x215: {  	[tilespmem:s12+$0x720] =	vst v26;
	v20 =	vsub.f32 v20, v23;
	v23 =	vld [tilespmem:s12+$0x760]  }
0x216: {  	v26 =	vld [tilespmem:s12+$0x670];
	[tilespmem:s12+$0x630] =	vst v25;
	v25 =	vadd.f32 v24, v18  }
0x217: {  	v18 =	vsub.f32 v18, v24;
	[tilespmem:s12+$0x730] =	vst v20;
	v20 =	vld [tilespmem:s12+$0x770]  }
0x218: {  	[tilespmem:s12+$0x640] =	vst v25;
	v24 =	vadd.f32 v22, v19  }
0x219: {  	[tilespmem:s12+$0x740] =	vst v18;
	v18 =	vsub.f32 v19, v22  }
0x21a: {  	[tilespmem:s12+$0x650] =	vst v24;
	v19 =	vadd.f32 v23, v21  }
0x21b: {  	[tilespmem:s12+$0x750] =	vst v18;
	v18 =	vsub.f32 v21, v23  }
0x21c: {  	[tilespmem:s12+$0x660] =	vst v19;
	v19 =	vsub.f32 v26, v20  }
0x21d: {  	s14 =	sand.u32 $0x3000, s13;
	s31 =	sand.u32 $0x600, s13;
	v20 =	vadd.f32 v20, v26;
	[tilespmem:s12+$0x760] =	vst v18  }
0x21e: {  	s13 =	sor.u32 s31, s14;
	[tilespmem:s12+$0x770] =	vst v19  }
0x21f: {  	[tilespmem:s12+$0x670] =	vst v20;
	s12 =	sshrl.u32 s13, $0x2  }
0x220: {  	v18 =	vld [tilespmem:s12+$0x600]  }
0x221: {  	v19 =	vld [tilespmem:s12+$0x800]  }
0x222: {  	v21 =	vld [tilespmem:s12+$0x610]  }
0x223: {  	v22 =	vld [tilespmem:s12+$0x810]  }
0x224: {  	v25 =	vld [tilespmem:s12+$0x620]  }
0x225: {  	v26 =	vld [tilespmem:s12+$0x820]  }
0x226: {  	v20 =	vld [tilespmem:s12+$0x630];
	v24 =	vadd.f32 v19, v18  }
0x227: {  	v23 =	vld [tilespmem:s12+$0x830];
	v19 =	vsub.f32 v18, v19  }
0x228: {  	v27 =	vadd.f32 v22, v21;
	v18 =	vld [tilespmem:s12+$0x640];
	[tilespmem:s12+$0x600] =	vst v24  }
0x229: {  	v21 =	vsub.f32 v21, v22;
	[tilespmem:s12+$0x800] =	vst v19;
	v24 =	vld [tilespmem:s12+$0x840]  }
0x22a: {  	v22 =	vld [tilespmem:s12+$0x850];
	[tilespmem:s12+$0x610] =	vst v27;
	v27 =	vadd.f32 v26, v25  }
0x22b: {  	v19 =	vld [tilespmem:s12+$0x650];
	[tilespmem:s12+$0x810] =	vst v21;
	v26 =	vsub.f32 v25, v26  }
0x22c: {  	s14 =	simm.s32 $0x200;
	s13 =	simm.s32 $0x400;
	v25 =	vadd.f32 v23, v20;
	v21 =	vld [tilespmem:s12+$0x660];
	[tilespmem:s12+$0x620] =	vst v27  }
.LBB2_14:
0x22d: {  	s15 =	sand.u32 $0x3000, s13;
	s16 =	sand.u32 $0x600, s14;
	p0 =	sne.s32 s14, $0x1E00;
	[tilespmem:s12+$0x820] =	vst v26;
	v20 =	vsub.f32 v20, v23;
	v23 =	vld [tilespmem:s12+$0x860]  }
0x22e: {  	s15 =	sor.u32 s16, s15;
	[tilespmem:s12+$0x630] =	vst v25;
	v25 =	vadd.f32 v24, v18;
	v26 =	vld [tilespmem:s12+$0x670]  }
0x22f: {  	v18 =	vsub.f32 v18, v24;
	s15 =	sshrl.u32 s15, $0x2;
	[tilespmem:s12+$0x830] =	vst v20;
	v20 =	vld [tilespmem:s12+$0x870]  }
0x230: {  	v24 =	vld [tilespmem:s15+$0x600];
	[tilespmem:s12+$0x640] =	vst v25;
	v25 =	vadd.f32 v22, v19  }
0x231: {  	v27 =	vld [tilespmem:s15+$0x800];
	[tilespmem:s12+$0x840] =	vst v18;
	v18 =	vsub.f32 v19, v22  }
0x232: {  	v19 =	vld [tilespmem:s15+$0x610];
	[tilespmem:s12+$0x650] =	vst v25;
	v22 =	vadd.f32 v23, v21  }
0x233: {  	v25 =	vld [tilespmem:s15+$0x810];
	[tilespmem:s12+$0x850] =	vst v18;
	v18 =	vsub.f32 v21, v23  }
0x234: {  	v21 =	vld [tilespmem:s15+$0x620];
	[tilespmem:s12+$0x660] =	vst v22;
	v22 =	vadd.f32 v20, v26;
	v23 =	vsub.f32 v26, v20  }
0x235: {  	v26 =	vld [tilespmem:s15+$0x820];
	[tilespmem:s12+$0x860] =	vst v18  }
0x236: {  	v18 =	vadd.f32 v27, v24;
	v20 =	vld [tilespmem:s15+$0x630];
	[tilespmem:s12+$0x870] =	vst v23  }
0x237: {  	v24 =	vsub.f32 v24, v27;
	v23 =	vld [tilespmem:s15+$0x830];
	[tilespmem:s12+$0x670] =	vst v22;
	s12 =	smov.u32 s15  }
.Ltmp6:
0x238: {  	[tilespmem:s12+$0x600] =	vst v18;
	v22 =	vadd.f32 v25, v19;
	v18 =	vld [tilespmem:s12+$0x640];
	(pc) =	sbr.rel @p0 .LBB2_14-.Ltmp6, $4  }
0x239: {  	v25 =	vsub.f32 v19, v25;
	[tilespmem:s12+$0x800] =	vst v24;
	v24 =	vld [tilespmem:s12+$0x840]  }
0x23a: {  	[tilespmem:s12+$0x610] =	vst v22;
	v27 =	vadd.f32 v26, v21;
	v19 =	vld [tilespmem:s12+$0x650]  }
0x23b: {  	v26 =	vsub.f32 v21, v26;
	[tilespmem:s12+$0x810] =	vst v25;
	v22 =	vld [tilespmem:s12+$0x850]  }
0x23c: {  	s13 =	sadd.s32 $0x400, s13;
	s14 =	sadd.s32 $0x200, s14;
	[tilespmem:s12+$0x620] =	vst v27;
	v25 =	vadd.f32 v23, v20;
	v21 =	vld [tilespmem:s12+$0x660]  }
0x23d: {  	[tilespmem:s12+$0x820] =	vst v26;
	v20 =	vsub.f32 v20, v23;
	v23 =	vld [tilespmem:s12+$0x860]  }
0x23e: {  	v26 =	vld [tilespmem:s12+$0x670];
	[tilespmem:s12+$0x630] =	vst v25;
	v25 =	vadd.f32 v24, v18  }
0x23f: {  	v18 =	vsub.f32 v18, v24;
	[tilespmem:s12+$0x830] =	vst v20;
	v20 =	vld [tilespmem:s12+$0x870]  }
0x240: {  	[tilespmem:s12+$0x640] =	vst v25;
	v24 =	vadd.f32 v22, v19  }
0x241: {  	[tilespmem:s12+$0x840] =	vst v18;
	v18 =	vsub.f32 v19, v22  }
0x242: {  	[tilespmem:s12+$0x650] =	vst v24;
	v19 =	vadd.f32 v23, v21  }
0x243: {  	[tilespmem:s12+$0x850] =	vst v18;
	v18 =	vsub.f32 v21, v23  }
0x244: {  	s13 =	simm.s32 $0x0;
	[tilespmem:s12+$0x660] =	vst v19;
	v19 =	vsub.f32 v26, v20  }
0x245: {  	s14 =	sand.u32 $0x2000, s13;
	s13 =	sand.u32 $0xE00, s13;
	v20 =	vadd.f32 v20, v26;
	[tilespmem:s12+$0x860] =	vst v18  }
0x246: {  	s13 =	sor.u32 s13, s14;
	[tilespmem:s12+$0x870] =	vst v19  }
0x247: {  	[tilespmem:s12+$0x670] =	vst v20;
	s12 =	sshrl.u32 s13, $0x2  }
0x248: {  	v18 =	vld [tilespmem:s12+$0x600]  }
0x249: {  	v19 =	vld [tilespmem:s12+$0xA00]  }
0x24a: {  	v21 =	vld [tilespmem:s12+$0x610]  }
0x24b: {  	v22 =	vld [tilespmem:s12+$0xA10]  }
0x24c: {  	v25 =	vld [tilespmem:s12+$0x620]  }
0x24d: {  	v26 =	vld [tilespmem:s12+$0xA20]  }
0x24e: {  	v20 =	vld [tilespmem:s12+$0x630];
	v24 =	vadd.f32 v19, v18  }
0x24f: {  	v23 =	vld [tilespmem:s12+$0xA30];
	v19 =	vsub.f32 v18, v19  }
0x250: {  	v27 =	vadd.f32 v22, v21;
	v18 =	vld [tilespmem:s12+$0x640];
	[tilespmem:s12+$0x600] =	vst v24  }
0x251: {  	v21 =	vsub.f32 v21, v22;
	[tilespmem:s12+$0xA00] =	vst v19;
	v24 =	vld [tilespmem:s12+$0xA40]  }
0x252: {  	v22 =	vld [tilespmem:s12+$0xA50];
	[tilespmem:s12+$0x610] =	vst v27;
	v27 =	vadd.f32 v26, v25  }
0x253: {  	v19 =	vld [tilespmem:s12+$0x650];
	[tilespmem:s12+$0xA10] =	vst v21;
	v26 =	vsub.f32 v25, v26  }
0x254: {  	s14 =	simm.s32 $0x200;
	s13 =	simm.s32 $0x400;
	v25 =	vadd.f32 v23, v20;
	v21 =	vld [tilespmem:s12+$0x660];
	[tilespmem:s12+$0x620] =	vst v27  }
.LBB2_16:
0x255: {  	s15 =	sand.u32 $0x2000, s13;
	s16 =	sand.u32 $0xE00, s14;
	p0 =	sne.s32 s14, $0x1E00;
	[tilespmem:s12+$0xA20] =	vst v26;
	v20 =	vsub.f32 v20, v23;
	v23 =	vld [tilespmem:s12+$0xA60]  }
0x256: {  	s15 =	sor.u32 s16, s15;
	[tilespmem:s12+$0x630] =	vst v25;
	v25 =	vadd.f32 v24, v18;
	v26 =	vld [tilespmem:s12+$0x670]  }
0x257: {  	v18 =	vsub.f32 v18, v24;
	s15 =	sshrl.u32 s15, $0x2;
	[tilespmem:s12+$0xA30] =	vst v20;
	v20 =	vld [tilespmem:s12+$0xA70]  }
0x258: {  	v24 =	vld [tilespmem:s15+$0x600];
	[tilespmem:s12+$0x640] =	vst v25;
	v25 =	vadd.f32 v22, v19  }
0x259: {  	v27 =	vld [tilespmem:s15+$0xA00];
	[tilespmem:s12+$0xA40] =	vst v18;
	v18 =	vsub.f32 v19, v22  }
0x25a: {  	v19 =	vld [tilespmem:s15+$0x610];
	[tilespmem:s12+$0x650] =	vst v25;
	v22 =	vadd.f32 v23, v21  }
0x25b: {  	v25 =	vld [tilespmem:s15+$0xA10];
	[tilespmem:s12+$0xA50] =	vst v18;
	v18 =	vsub.f32 v21, v23  }
0x25c: {  	v21 =	vld [tilespmem:s15+$0x620];
	[tilespmem:s12+$0x660] =	vst v22;
	v22 =	vadd.f32 v20, v26;
	v23 =	vsub.f32 v26, v20  }
0x25d: {  	v26 =	vld [tilespmem:s15+$0xA20];
	[tilespmem:s12+$0xA60] =	vst v18  }
0x25e: {  	v18 =	vadd.f32 v27, v24;
	v20 =	vld [tilespmem:s15+$0x630];
	[tilespmem:s12+$0xA70] =	vst v23  }
0x25f: {  	v24 =	vsub.f32 v24, v27;
	v23 =	vld [tilespmem:s15+$0xA30];
	[tilespmem:s12+$0x670] =	vst v22;
	s12 =	smov.u32 s15  }
.Ltmp7:
0x260: {  	[tilespmem:s12+$0x600] =	vst v18;
	v22 =	vadd.f32 v25, v19;
	v18 =	vld [tilespmem:s12+$0x640];
	(pc) =	sbr.rel @p0 .LBB2_16-.Ltmp7, $4  }
0x261: {  	v25 =	vsub.f32 v19, v25;
	[tilespmem:s12+$0xA00] =	vst v24;
	v24 =	vld [tilespmem:s12+$0xA40]  }
0x262: {  	[tilespmem:s12+$0x610] =	vst v22;
	v27 =	vadd.f32 v26, v21;
	v19 =	vld [tilespmem:s12+$0x650]  }
0x263: {  	v26 =	vsub.f32 v21, v26;
	[tilespmem:s12+$0xA10] =	vst v25;
	v22 =	vld [tilespmem:s12+$0xA50]  }
0x264: {  	s13 =	sadd.s32 $0x400, s13;
	s14 =	sadd.s32 $0x200, s14;
	[tilespmem:s12+$0x620] =	vst v27;
	v25 =	vadd.f32 v23, v20;
	v21 =	vld [tilespmem:s12+$0x660]  }
0x265: {  	[tilespmem:s12+$0xA20] =	vst v26;
	v20 =	vsub.f32 v20, v23;
	v23 =	vld [tilespmem:s12+$0xA60]  }
0x266: {  	v26 =	vld [tilespmem:s12+$0x670];
	[tilespmem:s12+$0x630] =	vst v25;
	v25 =	vadd.f32 v24, v18  }
0x267: {  	v18 =	vsub.f32 v18, v24;
	[tilespmem:s12+$0xA30] =	vst v20;
	v20 =	vld [tilespmem:s12+$0xA70]  }
0x268: {  	[tilespmem:s12+$0x640] =	vst v25;
	v24 =	vadd.f32 v22, v19  }
0x269: {  	[tilespmem:s12+$0xA40] =	vst v18;
	v18 =	vsub.f32 v19, v22  }
0x26a: {  	[tilespmem:s12+$0x650] =	vst v24;
	v19 =	vadd.f32 v23, v21  }
0x26b: {  	[tilespmem:s12+$0xA50] =	vst v18;
	v18 =	vsub.f32 v21, v23  }
0x26c: {  	[tilespmem:s12+$0x660] =	vst v19;
	v19 =	vsub.f32 v26, v20  }
0x26d: {  	v20 =	vadd.f32 v20, v26;
	[tilespmem:s12+$0xA60] =	vst v18  }
0x26e: {  	[tilespmem:s12+$0xA70] =	vst v19  }
0x26f: {  	[tilespmem:s12+$0x670] =	vst v20;
	s12 =	simm.s32 $0x40  }
0x270: {  	v18 =	vld [tilespmem:s12+$0x5C0]  }
0x271: {  	v19 =	vld [tilespmem:s12+$0xDC0]  }
0x272: {  	v20 =	vld [tilespmem:s12+$0x5D0]  }
0x273: {  	v22 =	vld [tilespmem:s12+$0xDD0]  }
0x274: {  	v23 =	vld [tilespmem:s12+$0x5E0]  }
0x275: {  	v24 =	vld [tilespmem:s12+$0xDE0]  }
0x276: {  	v25 =	vld [tilespmem:s12+$0x5F0];
	v21 =	vadd.f32 v19, v18  }
0x277: {  	v26 =	vld [tilespmem:s12+$0xDF0];
	v19 =	vsub.f32 v18, v19  }
0x278: {  	v18 =	vld [tilespmem:s12+$0x600];
	v27 =	vadd.f32 v22, v20;
	[tilespmem:s12+$0x5C0] =	vst v21  }
0x279: {  	v20 =	vsub.f32 v20, v22;
	[tilespmem:s12+$0xDC0] =	vst v19;
	v21 =	vld [tilespmem:s12+$0xE00]  }
0x27a: {  	v22 =	vld [tilespmem:s12+$0xE10];
	[tilespmem:s12+$0x5D0] =	vst v27;
	v27 =	vadd.f32 v24, v23  }
0x27b: {  	v19 =	vld [tilespmem:s12+$0x610];
	[tilespmem:s12+$0xDD0] =	vst v20;
	v23 =	vsub.f32 v23, v24  }
0x27c: {  	v20 =	vld [tilespmem:s12+$0x620];
	v24 =	vadd.f32 v26, v25;
	[tilespmem:s12+$0x5E0] =	vst v27  }
0x27d: {  	v26 =	vsub.f32 v25, v26;
	[tilespmem:s12+$0xDE0] =	vst v23;
	v23 =	vld [tilespmem:s12+$0xE20]  }
0x27e: {  	s13 =	simm.s32 $0x300;
	[tilespmem:s12+$0x5F0] =	vst v24;
	v24 =	vld [tilespmem:s12+$0x630];
	v25 =	vadd.f32 v21, v18  }
.LBB2_18:
0x27f: {  	s14 =	sshra.s32 s13, $0x2;
	p0 =	sne.s32 s13, $0x1F00;
	[tilespmem:s12+$0xDF0] =	vst v26;
	v18 =	vsub.f32 v18, v21;
	v21 =	vld [tilespmem:s12+$0xE30]  }
0x280: {  	v26 =	vld [tilespmem:s14+$0x5C0];
	[tilespmem:s12+$0x600] =	vst v25;
	v25 =	vadd.f32 v22, v19  }
0x281: {  	v27 =	vld [tilespmem:s14+$0xDC0];
	[tilespmem:s12+$0xE00] =	vst v18;
	v18 =	vsub.f32 v19, v22  }
0x282: {  	v19 =	vld [tilespmem:s14+$0x5D0];
	[tilespmem:s12+$0x610] =	vst v25;
	v22 =	vadd.f32 v23, v20  }
0x283: {  	v25 =	vld [tilespmem:s14+$0xDD0];
	[tilespmem:s12+$0xE10] =	vst v18;
	v18 =	vsub.f32 v20, v23  }
0x284: {  	v20 =	vld [tilespmem:s14+$0x5E0];
	[tilespmem:s12+$0x620] =	vst v22;
	v22 =	vadd.f32 v21, v24;
	v21 =	vsub.f32 v24, v21  }
0x285: {  	v23 =	vld [tilespmem:s14+$0xDE0];
	[tilespmem:s12+$0xE20] =	vst v18  }
0x286: {  	v18 =	vadd.f32 v27, v26;
	v24 =	vld [tilespmem:s14+$0x5F0];
	[tilespmem:s12+$0xE30] =	vst v21  }
0x287: {  	v21 =	vsub.f32 v26, v27;
	v26 =	vld [tilespmem:s14+$0xDF0];
	[tilespmem:s12+$0x630] =	vst v22;
	s12 =	smov.u32 s14  }
0x288: {  	[tilespmem:s12+$0x5C0] =	vst v18;
	v22 =	vadd.f32 v25, v19;
	v18 =	vld [tilespmem:s12+$0x600]  }
0x289: {  	v25 =	vsub.f32 v19, v25;
	[tilespmem:s12+$0xDC0] =	vst v21;
	v21 =	vld [tilespmem:s12+$0xE00]  }
.Ltmp8:
0x28a: {  	[tilespmem:s12+$0x5D0] =	vst v22;
	v27 =	vadd.f32 v23, v20;
	v19 =	vld [tilespmem:s12+$0x610];
	(pc) =	sbr.rel @p0 .LBB2_18-.Ltmp8, $4  }
0x28b: {  	v23 =	vsub.f32 v20, v23;
	[tilespmem:s12+$0xDD0] =	vst v25;
	v22 =	vld [tilespmem:s12+$0xE10]  }
0x28c: {  	[tilespmem:s12+$0x5E0] =	vst v27;
	v25 =	vadd.f32 v26, v24;
	v20 =	vld [tilespmem:s12+$0x620]  }
0x28d: {  	v26 =	vsub.f32 v24, v26;
	[tilespmem:s12+$0xDE0] =	vst v23;
	v23 =	vld [tilespmem:s12+$0xE20]  }
0x28e: {  	s13 =	sadd.s32 $0x200, s13;
	[tilespmem:s12+$0x5F0] =	vst v25;
	v25 =	vadd.f32 v21, v18;
	v24 =	vld [tilespmem:s12+$0x630]  }
0x28f: {  	[tilespmem:s12+$0xDF0] =	vst v26;
	v18 =	vsub.f32 v18, v21;
	v21 =	vld [tilespmem:s12+$0xE30]  }
0x290: {  	[tilespmem:s12+$0x600] =	vst v25;
	v62 =	vadd.f32 v22, v19  }
0x291: {  	[tilespmem:s12+$0xE00] =	vst v18;
	v18 =	vsub.f32 v19, v22  }
0x292: {  	[tilespmem:s12+$0x610] =	vst v62;
	v19 =	vadd.f32 v23, v20  }
0x293: {  	[tilespmem:s12+$0xE10] =	vst v18;
	v18 =	vsub.f32 v20, v23  }
0x294: {  	[tilespmem:s12+$0x620] =	vst v19;
	v19 =	vsub.f32 v24, v21  }
0x295: {  	v20 =	vadd.f32 v21, v24;
	[tilespmem:s12+$0xE20] =	vst v18  }
0x296: {  	[tilespmem:s12+$0xE30] =	vst v19  }
0x297: {  	s26 =	simm.s32 $0x640;
	[tilespmem:s12+$0x630] =	vst v20  }
0x298: {  	v18 =	vld [tilespmem:s26+$0xFFFFFFC0];
	_ =	sdelay $0x1  }
0x299: {  	v19 =	vld [tilespmem:s26+$0xFFFFFFD0];
	_ =	sdelay $0x1  }
0x29a: {  	v20 =	vimm.f32 $-3.000000010e+38;
	v21 =	vld [tilespmem:s26+$0xFFFFFFE0]  }
0x29b: {  	vm0 =	vgt.f32 v18, v20  }
0x29c: {  	v18 =	vsel vm0, v18, v20;
	v20 =	vld [tilespmem:s26+$0xFFFFFFF0]  }
0x29d: {  	vm1 =	vgt.f32 v19, v18  }
0x29e: {  	v18 =	vsel vm1, v19, v18  }
0x29f: {  	s13 =	simm.s32 $0x0;
	v22 =	vimm.s32 $0x0;
	v19 =	vld [tilespmem:s26+$0x0];
	vm2 =	vgt.f32 v21, v18  }
0x2a0: {  	s28 =	simm.s32 $0x1;
	v18 =	vsel vm2, v21, v18;
	v21 =	vsel vm0, s13, v22  }
0x2a1: {  	s29 =	simm.s32 $0x2;
	v23 =	vld [tilespmem:s26+$0x10];
	vm13 =	vgt.f32 v20, v18;
	v21 =	vsel vm1, s28, v21  }
0x2a2: {  	s30 =	simm.s32 $0x3;
	v20 =	vsel vm13, v20, v18;
	v18 =	vsel vm2, s29, v21  }
0x2a3: {  	v21 =	vsel vm13, s30, v18;
	v18 =	vld [tilespmem:s26+$0x20]  }
0x2a4: {  	vm14 =	vgt.f32 v19, v20  }
0x2a5: {  	s31 =	simm.s32 $0x4;
	v20 =	vsel vm14, v19, v20;
	v19 =	vld [tilespmem:s26+$0x30]  }
0x2a6: {  	s16 =	simm.s32 $0x5;
	s14 =	simm.s32 $0x6C0;
	v63 =	vsel vm14, s31, v21;
	vm15 =	vgt.f32 v23, v20  }
0x2a7: {  	s15 =	simm.s32 $0x17;
	s12 =	simm.s32 $0xF;
	s13 =	simm.s32 $0x7;
	v21 =	vld [tilespmem:s14+$0xFFFFFFC0];
	v22 =	vsel vm15, v23, v20;
	v20 =	vsel vm15, s16, v63  }
.LBB2_20:
0x2a8: {  	p0 =	sne.s32 s15, $0xFF;
	s16 =	sadd.s32 $0xFFFFFFFF, s13;
	vm0 =	vgt.f32 v18, v22  }
0x2a9: {  	v23 =	vld [tilespmem:s14+$0xFFFFFFD0];
	v18 =	vsel vm0, v18, v22;
	v20 =	vsel vm0, s16, v20  }
0x2aa: {  	vm0 =	vgt.f32 v19, v18  }
0x2ab: {  	v22 =	vld [tilespmem:s14+$0xFFFFFFE0];
	v18 =	vsel vm0, v19, v18;
	v19 =	vsel vm0, s13, v20;
	s13 =	smov.u32 s12;
	s12 =	smov.u32 s15  }
0x2ac: {  	s16 =	sadd.s32 $0xFFFFFFF9, s13;
	vm0 =	vgt.f32 v21, v18  }
0x2ad: {  	v18 =	vsel vm0, v21, v18;
	v19 =	vsel vm0, s16, v19;
	v20 =	vld [tilespmem:s14+$0xFFFFFFF0]  }
0x2ae: {  	s16 =	sadd.s32 $0xFFFFFFFA, s13;
	vm0 =	vgt.f32 v23, v18  }
0x2af: {  	v18 =	vsel vm0, v23, v18;
	v19 =	vsel vm0, s16, v19;
	v21 =	vld [tilespmem:s14+$0x0]  }
0x2b0: {  	s16 =	sadd.s32 $0xFFFFFFFB, s13;
	vm0 =	vgt.f32 v22, v18  }
0x2b1: {  	v18 =	vsel vm0, v22, v18;
	v19 =	vsel vm0, s16, v19;
	v22 =	vld [tilespmem:s14+$0x10]  }
0x2b2: {  	s16 =	sadd.s32 $0xFFFFFFFC, s13;
	vm0 =	vgt.f32 v20, v18  }
.Ltmp9:
0x2b3: {  	v20 =	vsel vm0, v20, v18;
	v19 =	vsel vm0, s16, v19;
	v18 =	vld [tilespmem:s14+$0x20];
	(pc) =	sbr.rel @p0 .LBB2_20-.Ltmp9, $4  }
0x2b4: {  	s16 =	sadd.s32 $0xFFFFFFFD, s13;
	vm0 =	vgt.f32 v21, v20  }
0x2b5: {  	v20 =	vsel vm0, v21, v20;
	v23 =	vsel vm0, s16, v19;
	v19 =	vld [tilespmem:s14+$0x30]  }
0x2b6: {  	s16 =	sadd.s32 $0xFFFFFFFE, s13;
	s14 =	sadd.s32 $0x80, s14;
	vm0 =	vgt.f32 v22, v20  }
0x2b7: {  	s15 =	sadd.s32 $0x8, s15;
	v21 =	vld [tilespmem:s14+$0xFFFFFFC0];
	v22 =	vsel vm0, v22, v20;
	v20 =	vsel vm0, s16, v23  }
0x2b8: {  	vm0 =	vgt.f32 v18, v22  }
0x2b9: {  	v23 =	vld [tilespmem:s14+$0xFFFFFFD0];
	v18 =	vsel vm0, v18, v22  }
0x2ba: {  	vm1 =	vgt.f32 v19, v18  }
0x2bb: {  	v58 =	vld [tilespmem:s14+$0xFFFFFFE0];
	v18 =	vsel vm1, v19, v18  }
0x2bc: {  	vm2 =	vgt.f32 v21, v18  }
0x2bd: {  	v19 =	vld [tilespmem:s14+$0xFFFFFFF0];
	v18 =	vsel vm2, v21, v18  }
0x2be: {  	vm3 =	vgt.f32 v23, v18  }
0x2bf: {  	v59 =	vld [tilespmem:s14+$0x0];
	v18 =	vsel vm3, v23, v18  }
0x2c0: {  	vm4 =	vgt.f32 v58, v18  }
0x2c1: {  	v60 =	vld [tilespmem:s14+$0x10];
	v18 =	vsel vm4, v58, v18  }
0x2c2: {  	vm5 =	vgt.f32 v19, v18  }
0x2c3: {  	v18 =	vsel vm5, v19, v18;
	v19 =	vld [tilespmem:s14+$0x20]  }
0x2c4: {  	vm6 =	vgt.f32 v59, v18  }
0x2c5: {  	v61 =	vld [tilespmem:s14+$0x30];
	v18 =	vsel vm6, v59, v18  }
0x2c6: {  	vm7 =	vgt.f32 v60, v18  }
0x2c7: {  	v18 =	vsel vm7, v60, v18  }
0x2c8: {  	vm8 =	vgt.f32 v19, v18  }
0x2c9: {  	s22 =	sadd.s32 $0xFFFFFFFF, s13;
	v18 =	vsel vm8, v19, v18  }
0x2ca: {  	v19 =	vsel vm0, s22, v20;
	vm13 =	vgt.f32 v61, v18  }
0x2cb: {  	s23 =	sadd.s32 $0xFFFFFFF9, s12;
	v19 =	vsel vm1, s13, v19;
	v18 =	vsel vm13, v61, v18  }
0x2cc: {  	s24 =	sadd.s32 $0xFFFFFFFA, s12;
	v19 =	vsel vm2, s23, v19;
	(xrf0) =	vmax.scan.msk.f32 $0xffff, v18  }
0x2cd: {  	s25 =	sadd.s32 $0xFFFFFFFB, s12;
	v19 =	vsel vm3, s24, v19  }
0x2ce: {  	s26 =	sadd.s32 $0xFFFFFFFC, s12;
	v19 =	vsel vm4, s25, v19  }
0x2cf: {  	s28 =	sadd.s32 $0xFFFFFFFD, s12;
	v19 =	vsel vm5, s26, v19  }
0x2d0: {  	s29 =	sadd.s32 $0xFFFFFFFE, s12;
	v19 =	vsel vm6, s28, v19  }
0x2d1: {  	s30 =	sadd.s32 $0xFFFFFFFF, s12;
	v19 =	vsel vm7, s29, v19  }
0x2d2: {  	v19 =	vsel vm8, s30, v19;
	v62, _, _ =	vpop (xrf0)  }
0x2d3: {  	v19 =	vsel vm13, s12, v19;
	v20 =	vbroadcast v62, $0xF  }
0x2d4: {  	v63 =	vor.u32 $0x80000000, v12;
	v19 =	vshll.u32 v19, $0x4  }
0x2d5: {  	vm14 =	veq.f32 v18, v20;
	v18 =	vxor.u32 v63, v19  }
0x2d6: {  	v18 =	vnsel vm14, $0x80001000, v18  }
0x2d7: {  	(xrf0) =	vmin.scan.msk.u32 $0xffff, v18;
	_ =	sdelay $0x5  }
0x2d8: {  	v18, _, _ =	vpop (xrf0)  }
0x2d9: {  	(v2sf) =	vpush v18, $0xF;
	_ =	sdelay $0xb  }
0x2da: {  	v18 =	vld [tilespmem:$0x1600];
	_ =	sdelay $0x2  }
0x2db: {  	s31 =	spop (v2sf)  }
0x2dc: {  	vm15 =	veq.s32 v12, $0x0;
	s11 =	sadd.s32 $0x1, s11;
	s12 =	sxor.u32 $0x80000000, s31  }
0x2dd: {  	p0 =	sne.s32 s11, s6;
	v18 =	vsel vm15, s12, v18  }
.Ltmp10:
0x2de: {  	[tilespmem:$0x1600] =	vst v18;
	(pc) =	sbr.rel @p0 .LBB2_1-.Ltmp10, $4  }
0x2df: {  	[hbm4b:s5+s3] =	stream.linear.scatter [tilespmem:s10], [sflag:$0x1], $0x10, $0x38;
	[tilespmem:$0x1680] =	vst v63  }
0x2e0: {  	_ =	swait.ge [sflag:s7], $0x10  }
0x2e1: {  	[sflag:s7] =	ssyncset.done $0x0  }
0x2e2: {  	[sflag:s7] =	ssyncadd.s32 $0xFFFFFFF0  }
0x2e3: {  	_ =	sfence.sel $0x180000  }
0x2e4: {  	[bflag:$0x0] =	sbarrier.arrive $0xFFFF  }
0x2e5: {  	p0 =	sne.s32 s1, $0x0;
	_ =	strace $0x90000047  }
0x2e6: {  	s0 =	sadd.s32 @!p0 $0x100000, s0;
	[bflag:$0x2] =	sbarrier.arrive $0xFFFF  }
0x2e7: {  	[sflag:s0] =	ssyncadd.tile.s32 @!p0 $0x1;
	_ =	shalt  }
.Lfunc_end2:
_tile_overlayer_lowered:
.L_overlay_start_2:
0x2e8: {  	(tag) =	ssettag $0x2  }
0x2e9: {  	s0 =	rddreg [dreg:$0x0];
	s2 =	stileid.u32  }
0x2ea: {  	s1 =	rddreg [dreg:$0x1];
	p0 =	sne.s32 s2, $0x0  }
0x2eb: {  	s3 =	rddreg [dreg:$0x2];
	[bflag:$0x3] =	sbarrier.arrive $0xFFFF;
	s2 =	simm.s32 @!p0 $0x1C01  }
0x2ec: {  	[timem:s3], [sflag:s2] =	dma.local @!p0 [hbm:s0], s1  }
0x2ed: {  	s0 =	simm.s32 @!p0 $0x1  }
0x2ee: {  	_ =	swait.ge @!p0 [sflag:s0], s1  }
0x2ef: {  	s1 =	ssub.s32 @!p0 $0x0, s1;
	[sflag:s0] =	ssyncset.done @!p0 $0x0  }
0x2f0: {  	[sflag:s0] =	ssyncadd.s32 @!p0 s1  }
0x2f1: {  	[bflag:$0x3] =	sbarrier.arrive $0xFFFF  }
0x2f2: {  	_ =	shalt  }

</sc_bundles>
